<compile_context>
chip_gen: v7x
topology: tpu7x:2x2x1
jax: 0.10.2.dev20260603
libtpu: 0.0.44.dev20260713+nightly
codegen_flags: <defaults>
</compile_context>

<pallas_src>
import functools

import jax
import jax.numpy as jnp
from jax import lax
from jax.experimental import pallas as pl
from jax.experimental.pallas import tpu as pltpu
from jax.experimental.pallas import tpu_sc as plsc

N = 10000
D = 128
E = 320000
EPS = 1e-5

NC = 2
NS = 16
NW = NC * NS
C = 128
A_CHUNK = 144
B_CHUNK = 16
DA_CHUNK = 88
DB_CHUNK = 72
E_PAD = NS * (A_CHUNK + B_CHUNK) * C
ACC_ROWS = 10240
RPT = ACC_ROWS // NS
NBUF = 2
IW_A = 24
IW_B = 16
NWIN_A = A_CHUNK // IW_A
NWIN_B = B_CHUNK // IW_B
NBUF_D = 8

_mesh = plsc.VectorSubcoreMesh(core_axis_name="c", subcore_axis_name="s")


@functools.partial(
    pl.kernel,
    mesh=_mesh,
    out_type=jax.ShapeDtypeStruct((NC, ACC_ROWS, D), jnp.float32),
    scratch_types=[
        pltpu.VMEM((DA_CHUNK, C), jnp.int32),
        pltpu.VMEM((C, D), jnp.float32),
        pltpu.VMEM_SHARED((ACC_ROWS, D), jnp.float32),
    ]
    + [pltpu.SemaphoreType.DMA] * NBUF_D,
)
def _deg_kernel(*refs):
    dsts_da_hbm, dsts_db_hbm, out_hbm, didx, buf, acc = refs[:6]
    sems = refs[6:6 + NBUF_D]
    cid = lax.axis_index("c")
    sid = lax.axis_index("s")

    def _fill(val):
        def body(i, _):
            for k in range(D // 16):
                buf[i, pl.ds(k * 16, 16)] = jnp.full((16,), val, jnp.float32)
            return 0
        lax.fori_loop(0, C, body, 0)

    @pl.when(cid == 0)
    def _ld_a():
        pltpu.async_copy(dsts_da_hbm.at[sid], didx, sems[0])

    if DB_CHUNK:
        @pl.when(cid == 1)
        def _ld_b():
            pltpu.async_copy(dsts_db_hbm.at[sid], didx.at[pl.ds(0, DB_CHUNK)],
                             sems[0])

    _fill(0.0)
    for t in range(RPT // C):
        pltpu.sync_copy(buf, acc.at[pl.ds(sid * RPT + t * C, C)])
    _fill(1.0)

    @pl.when(cid == 0)
    def _wt_a():
        pltpu.make_async_copy(dsts_da_hbm.at[sid], didx, sems[0]).wait()

    if DB_CHUNK:
        @pl.when(cid == 1)
        def _wt_b():
            pltpu.make_async_copy(dsts_db_hbm.at[sid],
                                  didx.at[pl.ds(0, DB_CHUNK)], sems[0]).wait()

    plsc.subcore_barrier()

    def _scan(nchunk):
        ngrp = nchunk // NBUF_D
        for k in range(NBUF_D):
            pltpu.async_copy(buf, acc.at[didx.at[k]], sems[k], add=True)

        def group(p, _):
            for k in range(NBUF_D):
                pltpu.make_async_copy(buf, acc.at[didx.at[p * NBUF_D + k]],
                                      sems[k]).wait()

                @pl.when(p + 1 < ngrp)
                def _issue(k=k):
                    pltpu.async_copy(buf,
                                     acc.at[didx.at[(p + 1) * NBUF_D + k]],
                                     sems[k], add=True)
            return 0

        lax.fori_loop(0, ngrp, group, 0)

    @pl.when(cid == 0)
    def _run_a():
        _scan(DA_CHUNK)

    if DB_CHUNK:
        @pl.when(cid == 1)
        def _run_b():
            _scan(DB_CHUNK)

    plsc.subcore_barrier()
    pltpu.sync_copy(acc.at[pl.ds(sid * RPT, RPT)],
                    out_hbm.at[cid].at[pl.ds(sid * RPT, RPT)])


@functools.partial(
    pl.kernel,
    mesh=_mesh,
    out_type=jax.ShapeDtypeStruct((NC, ACC_ROWS, D), jnp.float32),
    scratch_types=[
        pltpu.VMEM((2, IW_A, C), jnp.int32),
        pltpu.VMEM((2, IW_A, C), jnp.int32),
    ]
    + [pltpu.VMEM((C, D), jnp.float32)] * NBUF
    + [pltpu.SemaphoreType.DMA] * (2 + 2 * NBUF)
    + [pltpu.VMEM_SHARED((ACC_ROWS, D), jnp.float32)],
)
def _scatter_kernel(*refs):
    g_hbm, srcs_a, dsts_a, srcs_b, dsts_b, out_hbm, swin, dwin = refs[:8]
    bufs = refs[8:8 + NBUF]
    sem_i = refs[8 + NBUF]
    sem_i2 = refs[9 + NBUF]
    sem_g = refs[10 + NBUF:10 + 2 * NBUF]
    sem_s = refs[10 + 2 * NBUF:10 + 3 * NBUF]
    acc = refs[-1]
    cid = lax.axis_index("c")
    sid = lax.axis_index("s")
    buf0 = bufs[0]

    def zero(i, _):
        for k in range(D // 16):
            buf0[i, pl.ds(k * 16, 16)] = jnp.zeros((16,), jnp.float32)
        return 0

    def _win_load(iw, srcs_hbm, dsts_hbm, w, par):
        pltpu.async_copy(srcs_hbm.at[sid].at[pl.ds(w * iw, iw)],
                         swin.at[par].at[pl.ds(0, iw)], sem_i)
        pltpu.async_copy(dsts_hbm.at[sid].at[pl.ds(w * iw, iw)],
                         dwin.at[par].at[pl.ds(0, iw)], sem_i2)

    def _win_wait(iw, srcs_hbm, dsts_hbm, w, par):
        pltpu.make_async_copy(srcs_hbm.at[sid].at[pl.ds(w * iw, iw)],
                              swin.at[par].at[pl.ds(0, iw)], sem_i).wait()
        pltpu.make_async_copy(dsts_hbm.at[sid].at[pl.ds(w * iw, iw)],
                              dwin.at[par].at[pl.ds(0, iw)], sem_i2).wait()

    @pl.when(cid == 0)
    def _ld0_a():
        _win_load(IW_A, srcs_a, dsts_a, 0, 0)

    if B_CHUNK:
        @pl.when(cid == 1)
        def _ld0_b():
            _win_load(IW_B, srcs_b, dsts_b, 0, 0)

    lax.fori_loop(0, C, zero, 0)
    for t in range(RPT // C):
        pltpu.sync_copy(buf0, acc.at[pl.ds(sid * RPT + t * C, C)])
    plsc.subcore_barrier()

    def _run(nchunk, iw, nwin, srcs_hbm, dsts_hbm):
        ngroup = nchunk // NBUF

        _win_wait(iw, srcs_hbm, dsts_hbm, 0, 0)
        for k in range(NBUF):
            pltpu.async_copy(g_hbm.at[swin.at[0, k]], bufs[k], sem_g[k])

        def group(gi, _):
            j0 = gi * NBUF
            w = j0 // iw
            l = lax.rem(j0, iw)
            par = lax.rem(w, 2)

            @pl.when(jnp.logical_and(l == 0, w + 1 < nwin))
            def _ld_next():
                _win_load(iw, srcs_hbm, dsts_hbm, w + 1, lax.rem(w + 1, 2))

            @pl.when(jnp.logical_and(l == iw - NBUF, w + 1 < nwin))
            def _wt_next():
                _win_wait(iw, srcs_hbm, dsts_hbm, w + 1, lax.rem(w + 1, 2))

            descs = []
            for k in range(NBUF):
                pltpu.make_async_copy(g_hbm.at[swin.at[par, l + k]], bufs[k],
                                      sem_g[k]).wait()
                descs.append(
                    pltpu.async_copy(bufs[k], acc.at[dwin.at[par, l + k]],
                                     sem_s[k], add=True))
            for k in range(NBUF):
                descs[k].wait()
                jn = j0 + k + NBUF

                @pl.when(jn < nchunk)
                def _issue(k=k, jn=jn):
                    wn = jn // iw
                    pltpu.async_copy(
                        g_hbm.at[swin.at[lax.rem(wn, 2), lax.rem(jn, iw)]],
                        bufs[k], sem_g[k])
            return 0

        lax.fori_loop(0, ngroup, group, 0)

    @pl.when(cid == 0)
    def _run_a():
        _run(A_CHUNK, IW_A, NWIN_A, srcs_a, dsts_a)

    if B_CHUNK:
        @pl.when(cid == 1)
        def _run_b():
            _run(B_CHUNK, IW_B, NWIN_B, srcs_b, dsts_b)

    plsc.subcore_barrier()
    pltpu.sync_copy(acc.at[pl.ds(sid * RPT, RPT)],
                    out_hbm.at[cid].at[pl.ds(sid * RPT, RPT)])


BR = 400


def _dinv_from(deg_ref):
    deg = deg_ref[0] + deg_ref[1] + 1.0
    return deg, lax.rsqrt(deg)


def _pre_body(x_ref, w_ref, deg_ref, h_ref, g_ref):
    h = jnp.dot(x_ref[...], w_ref[...], preferred_element_type=jnp.float32)
    _, dinv = _dinv_from(deg_ref)
    h_ref[...] = h
    g_ref[...] = h * dinv


def _ln_relu(t, lnw, lnb):
    mu = jnp.mean(t, axis=1, keepdims=True)
    var = jnp.mean((t - mu) ** 2, axis=1, keepdims=True)
    return jnp.maximum((t - mu) * lax.rsqrt(var + EPS) * lnw + lnb, 0.0)


def _mid_body(acc_ref, h_ref, deg_ref, b_ref, lnw_ref, lnb_ref, w2_ref,
              h2_ref, g2_ref):
    deg, dinv = _dinv_from(deg_ref)
    t = (acc_ref[0] + acc_ref[1]) * dinv + h_ref[...] / deg + b_ref[...]
    y = _ln_relu(t, lnw_ref[...], lnb_ref[...])
    h2 = jnp.dot(y, w2_ref[...], preferred_element_type=jnp.float32)
    h2_ref[...] = h2
    g2_ref[...] = h2 * dinv


def _post_body(acc_ref, h_ref, deg_ref, b_ref, lnw_ref, lnb_ref, y_ref):
    deg, dinv = _dinv_from(deg_ref)
    t = (acc_ref[0] + acc_ref[1]) * dinv + h_ref[...] / deg + b_ref[...]
    y_ref[...] = _ln_relu(t, lnw_ref[...], lnb_ref[...])


_row_spec = pl.BlockSpec((BR, D), lambda i: (i, 0))
_mat_spec = pl.BlockSpec((D, D), lambda i: (0, 0))
_vec_spec = pl.BlockSpec((1, D), lambda i: (0, 0))
_deg_spec = pl.BlockSpec((NC, BR, D), lambda i: (0, i, 0))
_acc_spec = pl.BlockSpec((NC, BR, D), lambda i: (0, i, 0))
_f32 = jnp.float32


def _pre(x, W, deg2):
    return pl.pallas_call(
        _pre_body,
        grid=(N // BR,),
        in_specs=[_row_spec, _mat_spec, _deg_spec],
        out_specs=[_row_spec, _row_spec],
        out_shape=[jax.ShapeDtypeStruct((N, D), _f32)] * 2,
    )(x, W, deg2)


def _mid(acc2, h, deg2, b, lnw, lnb, W2):
    return pl.pallas_call(
        _mid_body,
        grid=(N // BR,),
        in_specs=[_acc_spec, _row_spec, _deg_spec, _vec_spec, _vec_spec,
                  _vec_spec, _mat_spec],
        out_specs=[_row_spec, _row_spec],
        out_shape=[jax.ShapeDtypeStruct((N, D), _f32)] * 2,
    )(acc2, h, deg2, b, lnw, lnb, W2)


def _post(acc2, h, deg2, b, lnw, lnb):
    return pl.pallas_call(
        _post_body,
        grid=(N // BR,),
        in_specs=[_acc_spec, _row_spec, _deg_spec, _vec_spec, _vec_spec,
                  _vec_spec],
        out_specs=_row_spec,
        out_shape=jax.ShapeDtypeStruct((N, D), _f32),
    )(acc2, h, deg2, b, lnw, lnb)


def kernel(x, edge_index, W1, b1, ln1_w, ln1_b, W2, b2, ln2_w, ln2_b):
    src = edge_index[0].astype(jnp.int32)
    dst = edge_index[1].astype(jnp.int32)
    pad = E_PAD - E
    src_p = jnp.concatenate([src, jnp.zeros((pad,), jnp.int32)])
    dst_p = jnp.concatenate([dst, jnp.full((pad,), N, jnp.int32)])
    n_a = NS * A_CHUNK * C
    srcs_a = src_p[:n_a].reshape(NS, A_CHUNK, C)
    dsts_a = dst_p[:n_a].reshape(NS, A_CHUNK, C)
    srcs_b = src_p[n_a:].reshape(NS, B_CHUNK, C)
    dsts_b = dst_p[n_a:].reshape(NS, B_CHUNK, C)
    n_da = NS * DA_CHUNK * C
    dsts_da = dst_p[:n_da].reshape(NS, DA_CHUNK, C)
    dsts_db = dst_p[n_da:].reshape(NS, DB_CHUNK, C)

    b1r = b1.reshape(1, D)
    b2r = b2.reshape(1, D)
    ln1w = ln1_w.reshape(1, D)
    ln1b = ln1_b.reshape(1, D)
    ln2w = ln2_w.reshape(1, D)
    ln2b = ln2_b.reshape(1, D)

    deg2 = _deg_kernel(dsts_da, dsts_db)
    h1, g1 = _pre(x, W1, deg2)
    acc1 = _scatter_kernel(g1, srcs_a, dsts_a, srcs_b, dsts_b)
    h2, g2 = _mid(acc1, h1, deg2, b1r, ln1w, ln1b, W2)
    acc2 = _scatter_kernel(g2, srcs_a, dsts_a, srcs_b, dsts_b)
    return _post(acc2, h2, deg2, b2r, ln2w, ln2b)

# --- scband reference (transcript-rebuilt; emitter-appended) ---
"""Pipeline reference for scband-gcn-76854144795131 (READ-ONLY COPY).

The authoritative reference and input builder live on the scoring server;
editing this copy changes nothing except your own understanding.
"""

import jax, jax.numpy as jnp
import numpy as np

N_NODES = 10000
D = 128
N_EDGES = 320000
EPS = 1e-5


def setup_inputs(seed: int = 0) -> dict:
    key = jax.random.key(seed)
    ks = jax.random.split(key, 10)
    x = jax.random.normal(ks[0], (N_NODES, D), dtype=jnp.float32)
    edge_index = jax.random.randint(ks[1], (2, N_EDGES), 0, N_NODES, dtype=jnp.int64)
    # GCNConv weights (glorot-style scale) and biases
    s = 1.0 / np.sqrt(D)
    W1 = jax.random.uniform(ks[2], (D, D), dtype=jnp.float32, minval=-s, maxval=s)
    b1 = jnp.zeros((D,), dtype=jnp.float32)
    W2 = jax.random.uniform(ks[3], (D, D), dtype=jnp.float32, minval=-s, maxval=s)
    b2 = jnp.zeros((D,), dtype=jnp.float32)
    # LayerNorm params
    ln1_w = jnp.ones((D,), dtype=jnp.float32)
    ln1_b = jnp.zeros((D,), dtype=jnp.float32)
    ln2_w = jnp.ones((D,), dtype=jnp.float32)
    ln2_b = jnp.zeros((D,), dtype=jnp.float32)
    return {"x": x, "edge_index": edge_index, "W1": W1, "b1": b1,
            "ln1_w": ln1_w, "ln1_b": ln1_b, "W2": W2, "b2": b2,
            "ln2_w": ln2_w, "ln2_b": ln2_b}


def _gcn_conv(x, src, dst, W, b, n_nodes):
    # linear transform first (PyG GCNConv order)
    h = x @ W
    # add self-loops
    loop = jnp.arange(n_nodes, dtype=src.dtype)
    src_full = jnp.concatenate([src, loop])
    dst_full = jnp.concatenate([dst, loop])
    ew = jnp.ones(src_full.shape[0], dtype=x.dtype)
    # symmetric normalization deg^{-1/2} A deg^{-1/2}
    deg = jax.ops.segment_sum(ew, dst_full, num_segments=n_nodes)
    dinv = jnp.where(deg > 0, jax.lax.rsqrt(deg), 0.0)
    norm = dinv[src_full] * dinv[dst_full] * ew
    # gather messages and scatter-add to destination nodes
    msgs = h[src_full] * norm[:, None]
    out = jax.ops.segment_sum(msgs, dst_full, num_segments=n_nodes)
    return out + b


def _layer_norm(x, w, b):
    mu = jnp.mean(x, axis=-1, keepdims=True)
    var = jnp.mean((x - mu) ** 2, axis=-1, keepdims=True)
    return (x - mu) * jax.lax.rsqrt(var + EPS) * w + b


def reference(x, edge_index, W1, b1, ln1_w, ln1_b, W2, b2, ln2_w, ln2_b):
    src = edge_index[0]
    dst = edge_index[1]
    n = x.shape[0]
    # layer 1: conv -> layernorm -> (dropout p=0, eval) -> relu
    h = _gcn_conv(x, src, dst, W1, b1, n)
    h = _layer_norm(h, ln1_w, ln1_b)
    h = jax.nn.relu(h)
    # layer 2
    h = _gcn_conv(h, src, dst, W2, b2, n)
    h = _layer_norm(h, ln2_w, ln2_b)
    h = jax.nn.relu(h)
    return h

if __name__ == "__main__":
    import jax
    _d = setup_inputs()
    print(jax.jit(kernel)(*tuple(_d.values())))

</pallas_src>

<mosaic_0001>
#map = affine_map<(d0, d1) -> (0, 0)>
#map1 = affine_map<(d0, d1) -> (0, 0, 0)>
module attributes {stable_mosaic.version = 14 : i64} {
  func.func @_scatter_kernel(%arg0: i32, %arg1: i32, %arg2: memref<10000x128xf32, #tpu.memory_space<hbm>>, %arg3: memref<16x144x128xi32, #tpu.memory_space<hbm>>, %arg4: memref<16x144x128xi32, #tpu.memory_space<hbm>>, %arg5: memref<16x16x128xi32, #tpu.memory_space<hbm>>, %arg6: memref<16x16x128xi32, #tpu.memory_space<hbm>>, %arg7: memref<2x10240x128xf32, #tpu.memory_space<hbm>>, %arg8: memref<2x24x128xi32, #tpu.memory_space<vmem>>, %arg9: memref<2x24x128xi32, #tpu.memory_space<vmem>>, %arg10: memref<128x128xf32, #tpu.memory_space<vmem>>, %arg11: memref<128x128xf32, #tpu.memory_space<vmem>>, %arg12: memref<!tpu.dma_semaphore, #tpu.memory_space<semaphore_mem>>, %arg13: memref<!tpu.dma_semaphore, #tpu.memory_space<semaphore_mem>>, %arg14: memref<!tpu.dma_semaphore, #tpu.memory_space<semaphore_mem>>, %arg15: memref<!tpu.dma_semaphore, #tpu.memory_space<semaphore_mem>>, %arg16: memref<!tpu.dma_semaphore, #tpu.memory_space<semaphore_mem>>, %arg17: memref<!tpu.dma_semaphore, #tpu.memory_space<semaphore_mem>>, %arg18: memref<10240x128xf32, #tpu.memory_space<vmem_shared>>) attributes {dimension_semantics = [#tpu.dimension_semantics<core_parallel>, #tpu.dimension_semantics<subcore_parallel>], iteration_bounds = array<i64: 2, 16>, scalar_prefetch = 0 : i64, scratch_operands = 11 : i64, tpu.core_type = #tpu.core_type<sc_vector_subcore>, window_params = [{transform_indices = #map}, {transform_indices = #map1}, {transform_indices = #map1}, {transform_indices = #map1}, {transform_indices = #map1}, {transform_indices = #map1}]} {
    %eq3A = arith.constant 0 : i32
    %eq3A_0 = arith.cmpi eq, %arg0, %eq3A : i32
    %convert_element_type3A = arith.extui %eq3A_0 : i1 to i32
    %cond3A = arith.constant 0 : i32
    %cond3A_1 = arith.cmpi ne, %convert_element_type3A, %cond3A : i32
    scf.if %cond3A_1 {
      %dma_start3A = arith.constant 0 : i32
      %dma_start3A_46 = arith.constant 0 : i32
      %dma_start3A_47 = arith.constant 0 : i32
      %dma_start3A_48 = tpu.memref_slice %arg8[%dma_start3A, %dma_start3A_46, %dma_start3A_47] : memref<2x24x128xi32, #tpu.memory_space<vmem>> -> memref<1x24x128xi32, #tpu.memory_space<vmem>>
      %dma_start3A_49 = tpu.memref_squeeze %dma_start3A_48 : memref<1x24x128xi32, #tpu.memory_space<vmem>> -> memref<24x128xi32, #tpu.memory_space<vmem>>
      %dma_start3A_50 = arith.constant 0 : i32
      %dma_start3A_51 = arith.constant 0 : i32
      %dma_start3A_52 = tpu.memref_slice %dma_start3A_49[%dma_start3A_50, %dma_start3A_51] : memref<24x128xi32, #tpu.memory_space<vmem>> -> memref<24x128xi32, #tpu.memory_space<vmem>>
      %dma_start3A_53 = arith.constant 0 : i32
      %dma_start3A_54 = arith.constant 0 : i32
      %dma_start3A_55 = tpu.memref_slice %arg3[%arg1, %dma_start3A_53, %dma_start3A_54] : memref<16x144x128xi32, #tpu.memory_space<hbm>> -> memref<1x144x128xi32, #tpu.memory_space<hbm>>
      %dma_start3A_56 = tpu.memref_squeeze %dma_start3A_55 : memref<1x144x128xi32, #tpu.memory_space<hbm>> -> memref<144x128xi32, #tpu.memory_space<hbm>>
      %dma_start3A_57 = arith.constant 0 : i32
      %dma_start3A_58 = arith.constant 0 : i32
      %dma_start3A_59 = tpu.memref_slice %dma_start3A_56[%dma_start3A_57, %dma_start3A_58] : memref<144x128xi32, #tpu.memory_space<hbm>> -> memref<24x128xi32, #tpu.memory_space<hbm>>
      %dma_start3A_60 = arith.constant 0 : i32
      %dma_start3A_61 = arith.constant 0 : i32
      %dma_start3A_62 = tpu.memref_slice %arg8[%dma_start3A, %dma_start3A_60, %dma_start3A_61] : memref<2x24x128xi32, #tpu.memory_space<vmem>> -> memref<1x24x128xi32, #tpu.memory_space<vmem>>
      %dma_start3A_63 = tpu.memref_squeeze %dma_start3A_62 : memref<1x24x128xi32, #tpu.memory_space<vmem>> -> memref<24x128xi32, #tpu.memory_space<vmem>>
      %dma_start3A_64 = arith.constant 0 : i32
      %dma_start3A_65 = arith.constant 0 : i32
      %dma_start3A_66 = tpu.memref_slice %dma_start3A_63[%dma_start3A_64, %dma_start3A_65] : memref<24x128xi32, #tpu.memory_space<vmem>> -> memref<24x128xi32, #tpu.memory_space<vmem>>
      %dma_start3A_67 = arith.constant 0 : i32
      %dma_start3A_68 = arith.constant 0 : i32
      %dma_start3A_69 = tpu.memref_slice %arg3[%arg1, %dma_start3A_67, %dma_start3A_68] : memref<16x144x128xi32, #tpu.memory_space<hbm>> -> memref<1x144x128xi32, #tpu.memory_space<hbm>>
      %dma_start3A_70 = tpu.memref_squeeze %dma_start3A_69 : memref<1x144x128xi32, #tpu.memory_space<hbm>> -> memref<144x128xi32, #tpu.memory_space<hbm>>
      %dma_start3A_71 = arith.constant 0 : i32
      %dma_start3A_72 = arith.constant 0 : i32
      %dma_start3A_73 = tpu.memref_slice %dma_start3A_70[%dma_start3A_71, %dma_start3A_72] : memref<144x128xi32, #tpu.memory_space<hbm>> -> memref<24x128xi32, #tpu.memory_space<hbm>>
      tpu.enqueue_dma source(%dma_start3A_73 : memref<24x128xi32, #tpu.memory_space<hbm>>) target(%dma_start3A_66 : memref<24x128xi32, #tpu.memory_space<vmem>>) target_semaphore(%arg12 : memref<!tpu.dma_semaphore, #tpu.memory_space<semaphore_mem>>)
      %dma_start3A_74 = arith.constant 0 : i32
      %dma_start3A_75 = arith.constant 0 : i32
      %dma_start3A_76 = arith.constant 0 : i32
      %dma_start3A_77 = tpu.memref_slice %arg9[%dma_start3A_74, %dma_start3A_75, %dma_start3A_76] : memref<2x24x128xi32, #tpu.memory_space<vmem>> -> memref<1x24x128xi32, #tpu.memory_space<vmem>>
      %dma_start3A_78 = tpu.memref_squeeze %dma_start3A_77 : memref<1x24x128xi32, #tpu.memory_space<vmem>> -> memref<24x128xi32, #tpu.memory_space<vmem>>
      %dma_start3A_79 = arith.constant 0 : i32
      %dma_start3A_80 = arith.constant 0 : i32
      %dma_start3A_81 = tpu.memref_slice %dma_start3A_78[%dma_start3A_79, %dma_start3A_80] : memref<24x128xi32, #tpu.memory_space<vmem>> -> memref<24x128xi32, #tpu.memory_space<vmem>>
      %dma_start3A_82 = arith.constant 0 : i32
      %dma_start3A_83 = arith.constant 0 : i32
      %dma_start3A_84 = tpu.memref_slice %arg4[%arg1, %dma_start3A_82, %dma_start3A_83] : memref<16x144x128xi32, #tpu.memory_space<hbm>> -> memref<1x144x128xi32, #tpu.memory_space<hbm>>
      %dma_start3A_85 = tpu.memref_squeeze %dma_start3A_84 : memref<1x144x128xi32, #tpu.memory_space<hbm>> -> memref<144x128xi32, #tpu.memory_space<hbm>>
      %dma_start3A_86 = arith.constant 0 : i32
      %dma_start3A_87 = arith.constant 0 : i32
      %dma_start3A_88 = tpu.memref_slice %dma_start3A_85[%dma_start3A_86, %dma_start3A_87] : memref<144x128xi32, #tpu.memory_space<hbm>> -> memref<24x128xi32, #tpu.memory_space<hbm>>
      %dma_start3A_89 = arith.constant 0 : i32
      %dma_start3A_90 = arith.constant 0 : i32
      %dma_start3A_91 = tpu.memref_slice %arg9[%dma_start3A_74, %dma_start3A_89, %dma_start3A_90] : memref<2x24x128xi32, #tpu.memory_space<vmem>> -> memref<1x24x128xi32, #tpu.memory_space<vmem>>
      %dma_start3A_92 = tpu.memref_squeeze %dma_start3A_91 : memref<1x24x128xi32, #tpu.memory_space<vmem>> -> memref<24x128xi32, #tpu.memory_space<vmem>>
      %dma_start3A_93 = arith.constant 0 : i32
      %dma_start3A_94 = arith.constant 0 : i32
      %dma_start3A_95 = tpu.memref_slice %dma_start3A_92[%dma_start3A_93, %dma_start3A_94] : memref<24x128xi32, #tpu.memory_space<vmem>> -> memref<24x128xi32, #tpu.memory_space<vmem>>
      %dma_start3A_96 = arith.constant 0 : i32
      %dma_start3A_97 = arith.constant 0 : i32
      %dma_start3A_98 = tpu.memref_slice %arg4[%arg1, %dma_start3A_96, %dma_start3A_97] : memref<16x144x128xi32, #tpu.memory_space<hbm>> -> memref<1x144x128xi32, #tpu.memory_space<hbm>>
      %dma_start3A_99 = tpu.memref_squeeze %dma_start3A_98 : memref<1x144x128xi32, #tpu.memory_space<hbm>> -> memref<144x128xi32, #tpu.memory_space<hbm>>
      %dma_start3A_100 = arith.constant 0 : i32
      %dma_start3A_101 = arith.constant 0 : i32
      %dma_start3A_102 = tpu.memref_slice %dma_start3A_99[%dma_start3A_100, %dma_start3A_101] : memref<144x128xi32, #tpu.memory_space<hbm>> -> memref<24x128xi32, #tpu.memory_space<hbm>>
      tpu.enqueue_dma source(%dma_start3A_102 : memref<24x128xi32, #tpu.memory_space<hbm>>) target(%dma_start3A_95 : memref<24x128xi32, #tpu.memory_space<vmem>>) target_semaphore(%arg13 : memref<!tpu.dma_semaphore, #tpu.memory_space<semaphore_mem>>)
    } else {
    }
    %eq3A_2 = arith.constant 1 : i32
    %eq3A_3 = arith.cmpi eq, %arg0, %eq3A_2 : i32
    %convert_element_type3A_4 = arith.extui %eq3A_3 : i1 to i32
    %cond3A_5 = arith.constant 0 : i32
    %cond3A_6 = arith.cmpi ne, %convert_element_type3A_4, %cond3A_5 : i32
    scf.if %cond3A_6 {
      %dma_start3A = arith.constant 0 : i32
      %dma_start3A_46 = arith.constant 0 : i32
      %dma_start3A_47 = arith.constant 0 : i32
      %dma_start3A_48 = tpu.memref_slice %arg8[%dma_start3A, %dma_start3A_46, %dma_start3A_47] : memref<2x24x128xi32, #tpu.memory_space<vmem>> -> memref<1x24x128xi32, #tpu.memory_space<vmem>>
      %dma_start3A_49 = tpu.memref_squeeze %dma_start3A_48 : memref<1x24x128xi32, #tpu.memory_space<vmem>> -> memref<24x128xi32, #tpu.memory_space<vmem>>
      %dma_start3A_50 = arith.constant 0 : i32
      %dma_start3A_51 = arith.constant 0 : i32
      %dma_start3A_52 = tpu.memref_slice %dma_start3A_49[%dma_start3A_50, %dma_start3A_51] : memref<24x128xi32, #tpu.memory_space<vmem>> -> memref<16x128xi32, #tpu.memory_space<vmem>>
      %dma_start3A_53 = arith.constant 0 : i32
      %dma_start3A_54 = arith.constant 0 : i32
      %dma_start3A_55 = tpu.memref_slice %arg5[%arg1, %dma_start3A_53, %dma_start3A_54] : memref<16x16x128xi32, #tpu.memory_space<hbm>> -> memref<1x16x128xi32, #tpu.memory_space<hbm>>
      %dma_start3A_56 = tpu.memref_squeeze %dma_start3A_55 : memref<1x16x128xi32, #tpu.memory_space<hbm>> -> memref<16x128xi32, #tpu.memory_space<hbm>>
      %dma_start3A_57 = arith.constant 0 : i32
      %dma_start3A_58 = arith.constant 0 : i32
      %dma_start3A_59 = tpu.memref_slice %dma_start3A_56[%dma_start3A_57, %dma_start3A_58] : memref<16x128xi32, #tpu.memory_space<hbm>> -> memref<16x128xi32, #tpu.memory_space<hbm>>
      %dma_start3A_60 = arith.constant 0 : i32
      %dma_start3A_61 = arith.constant 0 : i32
      %dma_start3A_62 = tpu.memref_slice %arg8[%dma_start3A, %dma_start3A_60, %dma_start3A_61] : memref<2x24x128xi32, #tpu.memory_space<vmem>> -> memref<1x24x128xi32, #tpu.memory_space<vmem>>
      %dma_start3A_63 = tpu.memref_squeeze %dma_start3A_62 : memref<1x24x128xi32, #tpu.memory_space<vmem>> -> memref<24x128xi32, #tpu.memory_space<vmem>>
      %dma_start3A_64 = arith.constant 0 : i32
      %dma_start3A_65 = arith.constant 0 : i32
      %dma_start3A_66 = tpu.memref_slice %dma_start3A_63[%dma_start3A_64, %dma_start3A_65] : memref<24x128xi32, #tpu.memory_space<vmem>> -> memref<16x128xi32, #tpu.memory_space<vmem>>
      %dma_start3A_67 = arith.constant 0 : i32
      %dma_start3A_68 = arith.constant 0 : i32
      %dma_start3A_69 = tpu.memref_slice %arg5[%arg1, %dma_start3A_67, %dma_start3A_68] : memref<16x16x128xi32, #tpu.memory_space<hbm>> -> memref<1x16x128xi32, #tpu.memory_space<hbm>>
      %dma_start3A_70 = tpu.memref_squeeze %dma_start3A_69 : memref<1x16x128xi32, #tpu.memory_space<hbm>> -> memref<16x128xi32, #tpu.memory_space<hbm>>
      %dma_start3A_71 = arith.constant 0 : i32
      %dma_start3A_72 = arith.constant 0 : i32
      %dma_start3A_73 = tpu.memref_slice %dma_start3A_70[%dma_start3A_71, %dma_start3A_72] : memref<16x128xi32, #tpu.memory_space<hbm>> -> memref<16x128xi32, #tpu.memory_space<hbm>>
      tpu.enqueue_dma source(%dma_start3A_73 : memref<16x128xi32, #tpu.memory_space<hbm>>) target(%dma_start3A_66 : memref<16x128xi32, #tpu.memory_space<vmem>>) target_semaphore(%arg12 : memref<!tpu.dma_semaphore, #tpu.memory_space<semaphore_mem>>)
      %dma_start3A_74 = arith.constant 0 : i32
      %dma_start3A_75 = arith.constant 0 : i32
      %dma_start3A_76 = arith.constant 0 : i32
      %dma_start3A_77 = tpu.memref_slice %arg9[%dma_start3A_74, %dma_start3A_75, %dma_start3A_76] : memref<2x24x128xi32, #tpu.memory_space<vmem>> -> memref<1x24x128xi32, #tpu.memory_space<vmem>>
      %dma_start3A_78 = tpu.memref_squeeze %dma_start3A_77 : memref<1x24x128xi32, #tpu.memory_space<vmem>> -> memref<24x128xi32, #tpu.memory_space<vmem>>
      %dma_start3A_79 = arith.constant 0 : i32
      %dma_start3A_80 = arith.constant 0 : i32
      %dma_start3A_81 = tpu.memref_slice %dma_start3A_78[%dma_start3A_79, %dma_start3A_80] : memref<24x128xi32, #tpu.memory_space<vmem>> -> memref<16x128xi32, #tpu.memory_space<vmem>>
      %dma_start3A_82 = arith.constant 0 : i32
      %dma_start3A_83 = arith.constant 0 : i32
      %dma_start3A_84 = tpu.memref_slice %arg6[%arg1, %dma_start3A_82, %dma_start3A_83] : memref<16x16x128xi32, #tpu.memory_space<hbm>> -> memref<1x16x128xi32, #tpu.memory_space<hbm>>
      %dma_start3A_85 = tpu.memref_squeeze %dma_start3A_84 : memref<1x16x128xi32, #tpu.memory_space<hbm>> -> memref<16x128xi32, #tpu.memory_space<hbm>>
      %dma_start3A_86 = arith.constant 0 : i32
      %dma_start3A_87 = arith.constant 0 : i32
      %dma_start3A_88 = tpu.memref_slice %dma_start3A_85[%dma_start3A_86, %dma_start3A_87] : memref<16x128xi32, #tpu.memory_space<hbm>> -> memref<16x128xi32, #tpu.memory_space<hbm>>
      %dma_start3A_89 = arith.constant 0 : i32
      %dma_start3A_90 = arith.constant 0 : i32
      %dma_start3A_91 = tpu.memref_slice %arg9[%dma_start3A_74, %dma_start3A_89, %dma_start3A_90] : memref<2x24x128xi32, #tpu.memory_space<vmem>> -> memref<1x24x128xi32, #tpu.memory_space<vmem>>
      %dma_start3A_92 = tpu.memref_squeeze %dma_start3A_91 : memref<1x24x128xi32, #tpu.memory_space<vmem>> -> memref<24x128xi32, #tpu.memory_space<vmem>>
      %dma_start3A_93 = arith.constant 0 : i32
      %dma_start3A_94 = arith.constant 0 : i32
      %dma_start3A_95 = tpu.memref_slice %dma_start3A_92[%dma_start3A_93, %dma_start3A_94] : memref<24x128xi32, #tpu.memory_space<vmem>> -> memref<16x128xi32, #tpu.memory_space<vmem>>
      %dma_start3A_96 = arith.constant 0 : i32
      %dma_start3A_97 = arith.constant 0 : i32
      %dma_start3A_98 = tpu.memref_slice %arg6[%arg1, %dma_start3A_96, %dma_start3A_97] : memref<16x16x128xi32, #tpu.memory_space<hbm>> -> memref<1x16x128xi32, #tpu.memory_space<hbm>>
      %dma_start3A_99 = tpu.memref_squeeze %dma_start3A_98 : memref<1x16x128xi32, #tpu.memory_space<hbm>> -> memref<16x128xi32, #tpu.memory_space<hbm>>
      %dma_start3A_100 = arith.constant 0 : i32
      %dma_start3A_101 = arith.constant 0 : i32
      %dma_start3A_102 = tpu.memref_slice %dma_start3A_99[%dma_start3A_100, %dma_start3A_101] : memref<16x128xi32, #tpu.memory_space<hbm>> -> memref<16x128xi32, #tpu.memory_space<hbm>>
      tpu.enqueue_dma source(%dma_start3A_102 : memref<16x128xi32, #tpu.memory_space<hbm>>) target(%dma_start3A_95 : memref<16x128xi32, #tpu.memory_space<vmem>>) target_semaphore(%arg13 : memref<!tpu.dma_semaphore, #tpu.memory_space<semaphore_mem>>)
    } else {
    }
    %scan3A = arith.constant 0 : i32
    %scan3A_7 = arith.constant 0 : i32
    %scan3A_8 = arith.constant 128 : i32
    %scan3A_9 = arith.addi %scan3A_7, %scan3A_8 : i32
    %scan3A_10 = arith.constant 1 : i32
    %scan3A_11 = scf.for %scan3A_46 = %scan3A_7 to %scan3A_9 step %scan3A_10 iter_args(%scan3A_47 = %scan3A) -> (i32)  : i32 {
      %broadcast_in_dim3A = arith.constant 0.000000e+00 : f32
      %broadcast_in_dim3A_48 = vector.broadcast %broadcast_in_dim3A : f32 to vector<16xf32>
      %swap3A = arith.index_cast %scan3A_46 : i32 to index
      %swap3A_49 = arith.constant 0 : index
      %swap3A_50 = tpu.vector_load %arg10[%swap3A, %swap3A_49] {strides = array<i32>} : memref<128x128xf32, #tpu.memory_space<vmem>>, vector<1x16xf32>,
      %swap3A_51 = vector.shape_cast %swap3A_50 : vector<1x16xf32> to vector<16xf32>
      %swap3A_52 = vector.shape_cast %broadcast_in_dim3A_48 : vector<16xf32> to vector<1x16xf32>
      tpu.vector_store %arg10[%swap3A, %swap3A_49], %swap3A_52 {strides = array<i32>} : memref<128x128xf32, #tpu.memory_space<vmem>>, vector<1x16xf32>,
      %broadcast_in_dim3A_53 = arith.constant 0.000000e+00 : f32
      %broadcast_in_dim3A_54 = vector.broadcast %broadcast_in_dim3A_53 : f32 to vector<16xf32>
      %swap3A_55 = arith.index_cast %scan3A_46 : i32 to index
      %swap3A_56 = arith.constant 16 : index
      %swap3A_57 = tpu.vector_load %arg10[%swap3A_55, %swap3A_56] {strides = array<i32>} : memref<128x128xf32, #tpu.memory_space<vmem>>, vector<1x16xf32>,
      %swap3A_58 = vector.shape_cast %swap3A_57 : vector<1x16xf32> to vector<16xf32>
      %swap3A_59 = vector.shape_cast %broadcast_in_dim3A_54 : vector<16xf32> to vector<1x16xf32>
      tpu.vector_store %arg10[%swap3A_55, %swap3A_56], %swap3A_59 {strides = array<i32>} : memref<128x128xf32, #tpu.memory_space<vmem>>, vector<1x16xf32>,
      %broadcast_in_dim3A_60 = arith.constant 0.000000e+00 : f32
      %broadcast_in_dim3A_61 = vector.broadcast %broadcast_in_dim3A_60 : f32 to vector<16xf32>
      %swap3A_62 = arith.index_cast %scan3A_46 : i32 to index
      %swap3A_63 = arith.constant 32 : index
      %swap3A_64 = tpu.vector_load %arg10[%swap3A_62, %swap3A_63] {strides = array<i32>} : memref<128x128xf32, #tpu.memory_space<vmem>>, vector<1x16xf32>,
      %swap3A_65 = vector.shape_cast %swap3A_64 : vector<1x16xf32> to vector<16xf32>
      %swap3A_66 = vector.shape_cast %broadcast_in_dim3A_61 : vector<16xf32> to vector<1x16xf32>
      tpu.vector_store %arg10[%swap3A_62, %swap3A_63], %swap3A_66 {strides = array<i32>} : memref<128x128xf32, #tpu.memory_space<vmem>>, vector<1x16xf32>,
      %broadcast_in_dim3A_67 = arith.constant 0.000000e+00 : f32
      %broadcast_in_dim3A_68 = vector.broadcast %broadcast_in_dim3A_67 : f32 to vector<16xf32>
      %swap3A_69 = arith.index_cast %scan3A_46 : i32 to index
      %swap3A_70 = arith.constant 48 : index
      %swap3A_71 = tpu.vector_load %arg10[%swap3A_69, %swap3A_70] {strides = array<i32>} : memref<128x128xf32, #tpu.memory_space<vmem>>, vector<1x16xf32>,
      %swap3A_72 = vector.shape_cast %swap3A_71 : vector<1x16xf32> to vector<16xf32>
      %swap3A_73 = vector.shape_cast %broadcast_in_dim3A_68 : vector<16xf32> to vector<1x16xf32>
      tpu.vector_store %arg10[%swap3A_69, %swap3A_70], %swap3A_73 {strides = array<i32>} : memref<128x128xf32, #tpu.memory_space<vmem>>, vector<1x16xf32>,
      %broadcast_in_dim3A_74 = arith.constant 0.000000e+00 : f32
      %broadcast_in_dim3A_75 = vector.broadcast %broadcast_in_dim3A_74 : f32 to vector<16xf32>
      %swap3A_76 = arith.index_cast %scan3A_46 : i32 to index
      %swap3A_77 = arith.constant 64 : index
      %swap3A_78 = tpu.vector_load %arg10[%swap3A_76, %swap3A_77] {strides = array<i32>} : memref<128x128xf32, #tpu.memory_space<vmem>>, vector<1x16xf32>,
      %swap3A_79 = vector.shape_cast %swap3A_78 : vector<1x16xf32> to vector<16xf32>
      %swap3A_80 = vector.shape_cast %broadcast_in_dim3A_75 : vector<16xf32> to vector<1x16xf32>
      tpu.vector_store %arg10[%swap3A_76, %swap3A_77], %swap3A_80 {strides = array<i32>} : memref<128x128xf32, #tpu.memory_space<vmem>>, vector<1x16xf32>,
      %broadcast_in_dim3A_81 = arith.constant 0.000000e+00 : f32
      %broadcast_in_dim3A_82 = vector.broadcast %broadcast_in_dim3A_81 : f32 to vector<16xf32>
      %swap3A_83 = arith.index_cast %scan3A_46 : i32 to index
      %swap3A_84 = arith.constant 80 : index
      %swap3A_85 = tpu.vector_load %arg10[%swap3A_83, %swap3A_84] {strides = array<i32>} : memref<128x128xf32, #tpu.memory_space<vmem>>, vector<1x16xf32>,
      %swap3A_86 = vector.shape_cast %swap3A_85 : vector<1x16xf32> to vector<16xf32>
      %swap3A_87 = vector.shape_cast %broadcast_in_dim3A_82 : vector<16xf32> to vector<1x16xf32>
      tpu.vector_store %arg10[%swap3A_83, %swap3A_84], %swap3A_87 {strides = array<i32>} : memref<128x128xf32, #tpu.memory_space<vmem>>, vector<1x16xf32>,
      %broadcast_in_dim3A_88 = arith.constant 0.000000e+00 : f32
      %broadcast_in_dim3A_89 = vector.broadcast %broadcast_in_dim3A_88 : f32 to vector<16xf32>
      %swap3A_90 = arith.index_cast %scan3A_46 : i32 to index
      %swap3A_91 = arith.constant 96 : index
      %swap3A_92 = tpu.vector_load %arg10[%swap3A_90, %swap3A_91] {strides = array<i32>} : memref<128x128xf32, #tpu.memory_space<vmem>>, vector<1x16xf32>,
      %swap3A_93 = vector.shape_cast %swap3A_92 : vector<1x16xf32> to vector<16xf32>
      %swap3A_94 = vector.shape_cast %broadcast_in_dim3A_89 : vector<16xf32> to vector<1x16xf32>
      tpu.vector_store %arg10[%swap3A_90, %swap3A_91], %swap3A_94 {strides = array<i32>} : memref<128x128xf32, #tpu.memory_space<vmem>>, vector<1x16xf32>,
      %broadcast_in_dim3A_95 = arith.constant 0.000000e+00 : f32
      %broadcast_in_dim3A_96 = vector.broadcast %broadcast_in_dim3A_95 : f32 to vector<16xf32>
      %swap3A_97 = arith.index_cast %scan3A_46 : i32 to index
      %swap3A_98 = arith.constant 112 : index
      %swap3A_99 = tpu.vector_load %arg10[%swap3A_97, %swap3A_98] {strides = array<i32>} : memref<128x128xf32, #tpu.memory_space<vmem>>, vector<1x16xf32>,
      %swap3A_100 = vector.shape_cast %swap3A_99 : vector<1x16xf32> to vector<16xf32>
      %swap3A_101 = vector.shape_cast %broadcast_in_dim3A_96 : vector<16xf32> to vector<1x16xf32>
      tpu.vector_store %arg10[%swap3A_97, %swap3A_98], %swap3A_101 {strides = array<i32>} : memref<128x128xf32, #tpu.memory_space<vmem>>, vector<1x16xf32>,
      %scan3A_102 = arith.constant 0 : i32
      scf.yield %scan3A_102 : i32
    }
    %scan3A_12 = arith.constant 128 : i32
    %mul3A = arith.constant 640 : i32
    %mul3A_13 = arith.muli %arg1, %mul3A : i32
    %add3A = arith.constant 0 : i32
    %add3A_14 = arith.addi %mul3A_13, %add3A : i32
    "tpu.region"() ({
      %run_scoped3A = tpu.sem_alloc : memref<!tpu.dma_semaphore, #tpu.memory_space<semaphore_mem>>
      %dma_start3A = arith.constant 0 : i32
      %dma_start3A_46 = tpu.memref_slice %arg18[%add3A_14, %dma_start3A] : memref<10240x128xf32, #tpu.memory_space<vmem_shared>> -> memref<128x128xf32, #tpu.memory_space<vmem_shared>>
      %dma_start3A_47 = arith.constant 0 : i32
      %dma_start3A_48 = tpu.memref_slice %arg18[%add3A_14, %dma_start3A_47] : memref<10240x128xf32, #tpu.memory_space<vmem_shared>> -> memref<128x128xf32, #tpu.memory_space<vmem_shared>>
      tpu.enqueue_dma source(%arg10 : memref<128x128xf32, #tpu.memory_space<vmem>>) target(%dma_start3A_48 : memref<128x128xf32, #tpu.memory_space<vmem_shared>>) target_semaphore(%run_scoped3A : memref<!tpu.dma_semaphore, #tpu.memory_space<semaphore_mem>>)
      %dma_wait3A = arith.constant 0 : i32
      %dma_wait3A_49 = tpu.memref_slice %arg18[%add3A_14, %dma_wait3A] : memref<10240x128xf32, #tpu.memory_space<vmem_shared>> -> memref<128x128xf32, #tpu.memory_space<vmem_shared>>
      %dma_wait3A_50 = arith.constant 0 : i32
      %dma_wait3A_51 = tpu.memref_slice %arg18[%add3A_14, %dma_wait3A_50] : memref<10240x128xf32, #tpu.memory_space<vmem_shared>> -> memref<128x128xf32, #tpu.memory_space<vmem_shared>>
      tpu.wait_dma2 semaphore(%run_scoped3A : memref<!tpu.dma_semaphore, #tpu.memory_space<semaphore_mem>>) src(%arg10 : memref<128x128xf32, #tpu.memory_space<vmem>>) dst(%dma_wait3A_51 : memref<128x128xf32, #tpu.memory_space<vmem_shared>>)
      tpu.yield
    }) : () -> ()
    %mul3A_15 = arith.constant 640 : i32
    %mul3A_16 = arith.muli %arg1, %mul3A_15 : i32
    %add3A_17 = arith.constant 128 : i32
    %add3A_18 = arith.addi %mul3A_16, %add3A_17 : i32
    "tpu.region"() ({
      %run_scoped3A = tpu.sem_alloc : memref<!tpu.dma_semaphore, #tpu.memory_space<semaphore_mem>>
      %dma_start3A = arith.constant 0 : i32
      %dma_start3A_46 = tpu.memref_slice %arg18[%add3A_18, %dma_start3A] : memref<10240x128xf32, #tpu.memory_space<vmem_shared>> -> memref<128x128xf32, #tpu.memory_space<vmem_shared>>
      %dma_start3A_47 = arith.constant 0 : i32
      %dma_start3A_48 = tpu.memref_slice %arg18[%add3A_18, %dma_start3A_47] : memref<10240x128xf32, #tpu.memory_space<vmem_shared>> -> memref<128x128xf32, #tpu.memory_space<vmem_shared>>
      tpu.enqueue_dma source(%arg10 : memref<128x128xf32, #tpu.memory_space<vmem>>) target(%dma_start3A_48 : memref<128x128xf32, #tpu.memory_space<vmem_shared>>) target_semaphore(%run_scoped3A : memref<!tpu.dma_semaphore, #tpu.memory_space<semaphore_mem>>)
      %dma_wait3A = arith.constant 0 : i32
      %dma_wait3A_49 = tpu.memref_slice %arg18[%add3A_18, %dma_wait3A] : memref<10240x128xf32, #tpu.memory_space<vmem_shared>> -> memref<128x128xf32, #tpu.memory_space<vmem_shared>>
      %dma_wait3A_50 = arith.constant 0 : i32
      %dma_wait3A_51 = tpu.memref_slice %arg18[%add3A_18, %dma_wait3A_50] : memref<10240x128xf32, #tpu.memory_space<vmem_shared>> -> memref<128x128xf32, #tpu.memory_space<vmem_shared>>
      tpu.wait_dma2 semaphore(%run_scoped3A : memref<!tpu.dma_semaphore, #tpu.memory_space<semaphore_mem>>) src(%arg10 : memref<128x128xf32, #tpu.memory_space<vmem>>) dst(%dma_wait3A_51 : memref<128x128xf32, #tpu.memory_space<vmem_shared>>)
      tpu.yield
    }) : () -> ()
    %mul3A_19 = arith.constant 640 : i32
    %mul3A_20 = arith.muli %arg1, %mul3A_19 : i32
    %add3A_21 = arith.constant 256 : i32
    %add3A_22 = arith.addi %mul3A_20, %add3A_21 : i32
    "tpu.region"() ({
      %run_scoped3A = tpu.sem_alloc : memref<!tpu.dma_semaphore, #tpu.memory_space<semaphore_mem>>
      %dma_start3A = arith.constant 0 : i32
      %dma_start3A_46 = tpu.memref_slice %arg18[%add3A_22, %dma_start3A] : memref<10240x128xf32, #tpu.memory_space<vmem_shared>> -> memref<128x128xf32, #tpu.memory_space<vmem_shared>>
      %dma_start3A_47 = arith.constant 0 : i32
      %dma_start3A_48 = tpu.memref_slice %arg18[%add3A_22, %dma_start3A_47] : memref<10240x128xf32, #tpu.memory_space<vmem_shared>> -> memref<128x128xf32, #tpu.memory_space<vmem_shared>>
      tpu.enqueue_dma source(%arg10 : memref<128x128xf32, #tpu.memory_space<vmem>>) target(%dma_start3A_48 : memref<128x128xf32, #tpu.memory_space<vmem_shared>>) target_semaphore(%run_scoped3A : memref<!tpu.dma_semaphore, #tpu.memory_space<semaphore_mem>>)
      %dma_wait3A = arith.constant 0 : i32
      %dma_wait3A_49 = tpu.memref_slice %arg18[%add3A_22, %dma_wait3A] : memref<10240x128xf32, #tpu.memory_space<vmem_shared>> -> memref<128x128xf32, #tpu.memory_space<vmem_shared>>
      %dma_wait3A_50 = arith.constant 0 : i32
      %dma_wait3A_51 = tpu.memref_slice %arg18[%add3A_22, %dma_wait3A_50] : memref<10240x128xf32, #tpu.memory_space<vmem_shared>> -> memref<128x128xf32, #tpu.memory_space<vmem_shared>>
      tpu.wait_dma2 semaphore(%run_scoped3A : memref<!tpu.dma_semaphore, #tpu.memory_space<semaphore_mem>>) src(%arg10 : memref<128x128xf32, #tpu.memory_space<vmem>>) dst(%dma_wait3A_51 : memref<128x128xf32, #tpu.memory_space<vmem_shared>>)
      tpu.yield
    }) : () -> ()
    %mul3A_23 = arith.constant 640 : i32
    %mul3A_24 = arith.muli %arg1, %mul3A_23 : i32
    %add3A_25 = arith.constant 384 : i32
    %add3A_26 = arith.addi %mul3A_24, %add3A_25 : i32
    "tpu.region"() ({
      %run_scoped3A = tpu.sem_alloc : memref<!tpu.dma_semaphore, #tpu.memory_space<semaphore_mem>>
      %dma_start3A = arith.constant 0 : i32
      %dma_start3A_46 = tpu.memref_slice %arg18[%add3A_26, %dma_start3A] : memref<10240x128xf32, #tpu.memory_space<vmem_shared>> -> memref<128x128xf32, #tpu.memory_space<vmem_shared>>
      %dma_start3A_47 = arith.constant 0 : i32
      %dma_start3A_48 = tpu.memref_slice %arg18[%add3A_26, %dma_start3A_47] : memref<10240x128xf32, #tpu.memory_space<vmem_shared>> -> memref<128x128xf32, #tpu.memory_space<vmem_shared>>
      tpu.enqueue_dma source(%arg10 : memref<128x128xf32, #tpu.memory_space<vmem>>) target(%dma_start3A_48 : memref<128x128xf32, #tpu.memory_space<vmem_shared>>) target_semaphore(%run_scoped3A : memref<!tpu.dma_semaphore, #tpu.memory_space<semaphore_mem>>)
      %dma_wait3A = arith.constant 0 : i32
      %dma_wait3A_49 = tpu.memref_slice %arg18[%add3A_26, %dma_wait3A] : memref<10240x128xf32, #tpu.memory_space<vmem_shared>> -> memref<128x128xf32, #tpu.memory_space<vmem_shared>>
      %dma_wait3A_50 = arith.constant 0 : i32
      %dma_wait3A_51 = tpu.memref_slice %arg18[%add3A_26, %dma_wait3A_50] : memref<10240x128xf32, #tpu.memory_space<vmem_shared>> -> memref<128x128xf32, #tpu.memory_space<vmem_shared>>
      tpu.wait_dma2 semaphore(%run_scoped3A : memref<!tpu.dma_semaphore, #tpu.memory_space<semaphore_mem>>) src(%arg10 : memref<128x128xf32, #tpu.memory_space<vmem>>) dst(%dma_wait3A_51 : memref<128x128xf32, #tpu.memory_space<vmem_shared>>)
      tpu.yield
    }) : () -> ()
    %mul3A_27 = arith.constant 640 : i32
    %mul3A_28 = arith.muli %arg1, %mul3A_27 : i32
    %add3A_29 = arith.constant 512 : i32
    %add3A_30 = arith.addi %mul3A_28, %add3A_29 : i32
    "tpu.region"() ({
      %run_scoped3A = tpu.sem_alloc : memref<!tpu.dma_semaphore, #tpu.memory_space<semaphore_mem>>
      %dma_start3A = arith.constant 0 : i32
      %dma_start3A_46 = tpu.memref_slice %arg18[%add3A_30, %dma_start3A] : memref<10240x128xf32, #tpu.memory_space<vmem_shared>> -> memref<128x128xf32, #tpu.memory_space<vmem_shared>>
      %dma_start3A_47 = arith.constant 0 : i32
      %dma_start3A_48 = tpu.memref_slice %arg18[%add3A_30, %dma_start3A_47] : memref<10240x128xf32, #tpu.memory_space<vmem_shared>> -> memref<128x128xf32, #tpu.memory_space<vmem_shared>>
      tpu.enqueue_dma source(%arg10 : memref<128x128xf32, #tpu.memory_space<vmem>>) target(%dma_start3A_48 : memref<128x128xf32, #tpu.memory_space<vmem_shared>>) target_semaphore(%run_scoped3A : memref<!tpu.dma_semaphore, #tpu.memory_space<semaphore_mem>>)
      %dma_wait3A = arith.constant 0 : i32
      %dma_wait3A_49 = tpu.memref_slice %arg18[%add3A_30, %dma_wait3A] : memref<10240x128xf32, #tpu.memory_space<vmem_shared>> -> memref<128x128xf32, #tpu.memory_space<vmem_shared>>
      %dma_wait3A_50 = arith.constant 0 : i32
      %dma_wait3A_51 = tpu.memref_slice %arg18[%add3A_30, %dma_wait3A_50] : memref<10240x128xf32, #tpu.memory_space<vmem_shared>> -> memref<128x128xf32, #tpu.memory_space<vmem_shared>>
      tpu.wait_dma2 semaphore(%run_scoped3A : memref<!tpu.dma_semaphore, #tpu.memory_space<semaphore_mem>>) src(%arg10 : memref<128x128xf32, #tpu.memory_space<vmem>>) dst(%dma_wait3A_51 : memref<128x128xf32, #tpu.memory_space<vmem_shared>>)
      tpu.yield
    }) : () -> ()
    %barrier3A = arith.constant 0 : index
    tpu.barrier barrier_id(%barrier3A)
    %eq3A_31 = arith.constant 0 : i32
    %eq3A_32 = arith.cmpi eq, %arg0, %eq3A_31 : i32
    %convert_element_type3A_33 = arith.extui %eq3A_32 : i1 to i32
    %cond3A_34 = arith.constant 0 : i32
    %cond3A_35 = arith.cmpi ne, %convert_element_type3A_33, %cond3A_34 : i32
    scf.if %cond3A_35 {
      %dma_wait3A = arith.constant 0 : i32
      %dma_wait3A_46 = arith.constant 0 : i32
      %dma_wait3A_47 = arith.constant 0 : i32
      %dma_wait3A_48 = tpu.memref_slice %arg8[%dma_wait3A, %dma_wait3A_46, %dma_wait3A_47] : memref<2x24x128xi32, #tpu.memory_space<vmem>> -> memref<1x24x128xi32, #tpu.memory_space<vmem>>
      %dma_wait3A_49 = tpu.memref_squeeze %dma_wait3A_48 : memref<1x24x128xi32, #tpu.memory_space<vmem>> -> memref<24x128xi32, #tpu.memory_space<vmem>>
      %dma_wait3A_50 = arith.constant 0 : i32
      %dma_wait3A_51 = arith.constant 0 : i32
      %dma_wait3A_52 = tpu.memref_slice %dma_wait3A_49[%dma_wait3A_50, %dma_wait3A_51] : memref<24x128xi32, #tpu.memory_space<vmem>> -> memref<24x128xi32, #tpu.memory_space<vmem>>
      %dma_wait3A_53 = arith.constant 0 : i32
      %dma_wait3A_54 = arith.constant 0 : i32
      %dma_wait3A_55 = tpu.memref_slice %arg3[%arg1, %dma_wait3A_53, %dma_wait3A_54] : memref<16x144x128xi32, #tpu.memory_space<hbm>> -> memref<1x144x128xi32, #tpu.memory_space<hbm>>
      %dma_wait3A_56 = tpu.memref_squeeze %dma_wait3A_55 : memref<1x144x128xi32, #tpu.memory_space<hbm>> -> memref<144x128xi32, #tpu.memory_space<hbm>>
      %dma_wait3A_57 = arith.constant 0 : i32
      %dma_wait3A_58 = arith.constant 0 : i32
      %dma_wait3A_59 = tpu.memref_slice %dma_wait3A_56[%dma_wait3A_57, %dma_wait3A_58] : memref<144x128xi32, #tpu.memory_space<hbm>> -> memref<24x128xi32, #tpu.memory_space<hbm>>
      %dma_wait3A_60 = arith.constant 0 : i32
      %dma_wait3A_61 = arith.constant 0 : i32
      %dma_wait3A_62 = tpu.memref_slice %arg8[%dma_wait3A, %dma_wait3A_60, %dma_wait3A_61] : memref<2x24x128xi32, #tpu.memory_space<vmem>> -> memref<1x24x128xi32, #tpu.memory_space<vmem>>
      %dma_wait3A_63 = tpu.memref_squeeze %dma_wait3A_62 : memref<1x24x128xi32, #tpu.memory_space<vmem>> -> memref<24x128xi32, #tpu.memory_space<vmem>>
      %dma_wait3A_64 = arith.constant 0 : i32
      %dma_wait3A_65 = arith.constant 0 : i32
      %dma_wait3A_66 = tpu.memref_slice %dma_wait3A_63[%dma_wait3A_64, %dma_wait3A_65] : memref<24x128xi32, #tpu.memory_space<vmem>> -> memref<24x128xi32, #tpu.memory_space<vmem>>
      %dma_wait3A_67 = arith.constant 0 : i32
      %dma_wait3A_68 = arith.constant 0 : i32
      %dma_wait3A_69 = tpu.memref_slice %arg3[%arg1, %dma_wait3A_67, %dma_wait3A_68] : memref<16x144x128xi32, #tpu.memory_space<hbm>> -> memref<1x144x128xi32, #tpu.memory_space<hbm>>
      %dma_wait3A_70 = tpu.memref_squeeze %dma_wait3A_69 : memref<1x144x128xi32, #tpu.memory_space<hbm>> -> memref<144x128xi32, #tpu.memory_space<hbm>>
      %dma_wait3A_71 = arith.constant 0 : i32
      %dma_wait3A_72 = arith.constant 0 : i32
      %dma_wait3A_73 = tpu.memref_slice %dma_wait3A_70[%dma_wait3A_71, %dma_wait3A_72] : memref<144x128xi32, #tpu.memory_space<hbm>> -> memref<24x128xi32, #tpu.memory_space<hbm>>
      tpu.wait_dma2 semaphore(%arg12 : memref<!tpu.dma_semaphore, #tpu.memory_space<semaphore_mem>>) src(%dma_wait3A_73 : memref<24x128xi32, #tpu.memory_space<hbm>>) dst(%dma_wait3A_66 : memref<24x128xi32, #tpu.memory_space<vmem>>)
      %dma_wait3A_74 = arith.constant 0 : i32
      %dma_wait3A_75 = arith.constant 0 : i32
      %dma_wait3A_76 = arith.constant 0 : i32
      %dma_wait3A_77 = tpu.memref_slice %arg9[%dma_wait3A_74, %dma_wait3A_75, %dma_wait3A_76] : memref<2x24x128xi32, #tpu.memory_space<vmem>> -> memref<1x24x128xi32, #tpu.memory_space<vmem>>
      %dma_wait3A_78 = tpu.memref_squeeze %dma_wait3A_77 : memref<1x24x128xi32, #tpu.memory_space<vmem>> -> memref<24x128xi32, #tpu.memory_space<vmem>>
      %dma_wait3A_79 = arith.constant 0 : i32
      %dma_wait3A_80 = arith.constant 0 : i32
      %dma_wait3A_81 = tpu.memref_slice %dma_wait3A_78[%dma_wait3A_79, %dma_wait3A_80] : memref<24x128xi32, #tpu.memory_space<vmem>> -> memref<24x128xi32, #tpu.memory_space<vmem>>
      %dma_wait3A_82 = arith.constant 0 : i32
      %dma_wait3A_83 = arith.constant 0 : i32
      %dma_wait3A_84 = tpu.memref_slice %arg4[%arg1, %dma_wait3A_82, %dma_wait3A_83] : memref<16x144x128xi32, #tpu.memory_space<hbm>> -> memref<1x144x128xi32, #tpu.memory_space<hbm>>
      %dma_wait3A_85 = tpu.memref_squeeze %dma_wait3A_84 : memref<1x144x128xi32, #tpu.memory_space<hbm>> -> memref<144x128xi32, #tpu.memory_space<hbm>>
      %dma_wait3A_86 = arith.constant 0 : i32
      %dma_wait3A_87 = arith.constant 0 : i32
      %dma_wait3A_88 = tpu.memref_slice %dma_wait3A_85[%dma_wait3A_86, %dma_wait3A_87] : memref<144x128xi32, #tpu.memory_space<hbm>> -> memref<24x128xi32, #tpu.memory_space<hbm>>
      %dma_wait3A_89 = arith.constant 0 : i32
      %dma_wait3A_90 = arith.constant 0 : i32
      %dma_wait3A_91 = tpu.memref_slice %arg9[%dma_wait3A_74, %dma_wait3A_89, %dma_wait3A_90] : memref<2x24x128xi32, #tpu.memory_space<vmem>> -> memref<1x24x128xi32, #tpu.memory_space<vmem>>
      %dma_wait3A_92 = tpu.memref_squeeze %dma_wait3A_91 : memref<1x24x128xi32, #tpu.memory_space<vmem>> -> memref<24x128xi32, #tpu.memory_space<vmem>>
      %dma_wait3A_93 = arith.constant 0 : i32
      %dma_wait3A_94 = arith.constant 0 : i32
      %dma_wait3A_95 = tpu.memref_slice %dma_wait3A_92[%dma_wait3A_93, %dma_wait3A_94] : memref<24x128xi32, #tpu.memory_space<vmem>> -> memref<24x128xi32, #tpu.memory_space<vmem>>
      %dma_wait3A_96 = arith.constant 0 : i32
      %dma_wait3A_97 = arith.constant 0 : i32
      %dma_wait3A_98 = tpu.memref_slice %arg4[%arg1, %dma_wait3A_96, %dma_wait3A_97] : memref<16x144x128xi32, #tpu.memory_space<hbm>> -> memref<1x144x128xi32, #tpu.memory_space<hbm>>
      %dma_wait3A_99 = tpu.memref_squeeze %dma_wait3A_98 : memref<1x144x128xi32, #tpu.memory_space<hbm>> -> memref<144x128xi32, #tpu.memory_space<hbm>>
      %dma_wait3A_100 = arith.constant 0 : i32
      %dma_wait3A_101 = arith.constant 0 : i32
      %dma_wait3A_102 = tpu.memref_slice %dma_wait3A_99[%dma_wait3A_100, %dma_wait3A_101] : memref<144x128xi32, #tpu.memory_space<hbm>> -> memref<24x128xi32, #tpu.memory_space<hbm>>
      tpu.wait_dma2 semaphore(%arg13 : memref<!tpu.dma_semaphore, #tpu.memory_space<semaphore_mem>>) src(%dma_wait3A_102 : memref<24x128xi32, #tpu.memory_space<hbm>>) dst(%dma_wait3A_95 : memref<24x128xi32, #tpu.memory_space<vmem>>)
      %dma_start3A = arith.constant 0 : i32
      %dma_start3A_103 = arith.constant 0 : i32
      %dma_start3A_104 = arith.constant 0 : i32
      %dma_start3A_105 = tpu.memref_slice %arg8[%dma_start3A, %dma_start3A_103, %dma_start3A_104] : memref<2x24x128xi32, #tpu.memory_space<vmem>> -> memref<1x1x128xi32, #tpu.memory_space<vmem>>
      %dma_start3A_106 = tpu.memref_squeeze %dma_start3A_105 : memref<1x1x128xi32, #tpu.memory_space<vmem>> -> memref<128xi32, #tpu.memory_space<vmem>>
      %dma_start3A_107 = arith.constant 0 : i32
      %dma_start3A_108 = arith.constant 0 : i32
      %dma_start3A_109 = tpu.memref_slice %arg2[%dma_start3A_107, %dma_start3A_108] : memref<10000x128xf32, #tpu.memory_space<hbm>> -> memref<10000x128xf32, #tpu.memory_space<hbm>>
      tpu.enqueue_indirect_dma source(%dma_start3A_109 : memref<10000x128xf32, #tpu.memory_space<hbm>>) target(%arg10 : memref<128x128xf32, #tpu.memory_space<vmem>>) offsets(%dma_start3A_106 : memref<128xi32, #tpu.memory_space<vmem>>) semaphore(%arg14 : memref<!tpu.dma_semaphore, #tpu.memory_space<semaphore_mem>>)
      %dma_start3A_110 = arith.constant 0 : i32
      %dma_start3A_111 = arith.constant 1 : i32
      %dma_start3A_112 = arith.constant 0 : i32
      %dma_start3A_113 = tpu.memref_slice %arg8[%dma_start3A_110, %dma_start3A_111, %dma_start3A_112] : memref<2x24x128xi32, #tpu.memory_space<vmem>> -> memref<1x1x128xi32, #tpu.memory_space<vmem>>
      %dma_start3A_114 = tpu.memref_squeeze %dma_start3A_113 : memref<1x1x128xi32, #tpu.memory_space<vmem>> -> memref<128xi32, #tpu.memory_space<vmem>>
      %dma_start3A_115 = arith.constant 0 : i32
      %dma_start3A_116 = arith.constant 0 : i32
      %dma_start3A_117 = tpu.memref_slice %arg2[%dma_start3A_115, %dma_start3A_116] : memref<10000x128xf32, #tpu.memory_space<hbm>> -> memref<10000x128xf32, #tpu.memory_space<hbm>>
      tpu.enqueue_indirect_dma source(%dma_start3A_117 : memref<10000x128xf32, #tpu.memory_space<hbm>>) target(%arg11 : memref<128x128xf32, #tpu.memory_space<vmem>>) offsets(%dma_start3A_114 : memref<128xi32, #tpu.memory_space<vmem>>) semaphore(%arg15 : memref<!tpu.dma_semaphore, #tpu.memory_space<semaphore_mem>>)
      %scan3A_118 = arith.constant 0 : i32
      %scan3A_119 = arith.constant 0 : i32
      %scan3A_120 = arith.constant 72 : i32
      %scan3A_121 = arith.addi %scan3A_119, %scan3A_120 : i32
      %scan3A_122 = arith.constant 1 : i32
      %scan3A_123 = scf.for %scan3A_125 = %scan3A_119 to %scan3A_121 step %scan3A_122 iter_args(%scan3A_126 = %scan3A_118) -> (i32)  : i32 {
        %mul3A_127 = arith.constant 2 : i32
        %mul3A_128 = arith.muli %scan3A_125, %mul3A_127 : i32
        %jit3A = arith.constant 24 : i32
        %div3A = arith.divsi %mul3A_128, %jit3A : i32
        %sign3A = arith.constant 0 : i32
        %sign3A_129 = arith.cmpi sgt, %mul3A_128, %sign3A : i32
        %sign3A_130 = arith.extui %sign3A_129 : i1 to i32
        %sign3A_131 = arith.constant 0 : i32
        %sign3A_132 = arith.cmpi slt, %mul3A_128, %sign3A_131 : i32
        %sign3A_133 = arith.extui %sign3A_132 : i1 to i32
        %sign3A_134 = arith.subi %sign3A_130, %sign3A_133 : i32
        %sign3A_135 = arith.constant 0 : i32
        %sign3A_136 = arith.cmpi sgt, %jit3A, %sign3A_135 : i32
        %sign3A_137 = arith.extui %sign3A_136 : i1 to i32
        %sign3A_138 = arith.constant 0 : i32
        %sign3A_139 = arith.cmpi slt, %jit3A, %sign3A_138 : i32
        %sign3A_140 = arith.extui %sign3A_139 : i1 to i32
        %sign3A_141 = arith.subi %sign3A_137, %sign3A_140 : i32
        %ne3A = arith.cmpi ne, %sign3A_134, %sign3A_141 : i32
        %rem3A = arith.remsi %mul3A_128, %jit3A : i32
        %ne3A_142 = arith.constant 0 : i32
        %ne3A_143 = arith.cmpi ne, %rem3A, %ne3A_142 : i32
        %and3A = arith.andi %ne3A, %ne3A_143 : i1
        %sub3A = arith.constant 1 : i32
        %sub3A_144 = arith.subi %div3A, %sub3A : i32
        %select_n3A = arith.select %and3A, %sub3A_144, %div3A : i32
        %rem3A_145 = arith.constant 24 : i32
        %rem3A_146 = arith.remsi %mul3A_128, %rem3A_145 : i32
        %rem3A_147 = arith.constant 2 : i32
        %rem3A_148 = arith.remsi %select_n3A, %rem3A_147 : i32
        %eq3A_149 = arith.constant 0 : i32
        %eq3A_150 = arith.cmpi eq, %rem3A_146, %eq3A_149 : i32
        %add3A_151 = arith.constant 1 : i32
        %add3A_152 = arith.addi %select_n3A, %add3A_151 : i32
        %lt3A = arith.constant 6 : i32
        %lt3A_153 = arith.cmpi slt, %add3A_152, %lt3A : i32
        %and3A_154 = arith.andi %eq3A_150, %lt3A_153 : i1
        %convert_element_type3A_155 = arith.extui %and3A_154 : i1 to i32
        %cond3A_156 = arith.constant 0 : i32
        %cond3A_157 = arith.cmpi ne, %convert_element_type3A_155, %cond3A_156 : i32
        scf.if %cond3A_157 {
          %add3A_231 = arith.constant 1 : i32
          %add3A_232 = arith.addi %select_n3A, %add3A_231 : i32
          %add3A_233 = arith.constant 1 : i32
          %add3A_234 = arith.addi %select_n3A, %add3A_233 : i32
          %rem3A_235 = arith.constant 2 : i32
          %rem3A_236 = arith.remsi %add3A_234, %rem3A_235 : i32
          %mul3A_237 = arith.constant 24 : i32
          %mul3A_238 = arith.muli %add3A_232, %mul3A_237 : i32
          %dma_start3A_239 = arith.constant 0 : i32
          %dma_start3A_240 = arith.constant 0 : i32
          %dma_start3A_241 = tpu.memref_slice %arg8[%rem3A_236, %dma_start3A_239, %dma_start3A_240] : memref<2x24x128xi32, #tpu.memory_space<vmem>> -> memref<1x24x128xi32, #tpu.memory_space<vmem>>
          %dma_start3A_242 = tpu.memref_squeeze %dma_start3A_241 : memref<1x24x128xi32, #tpu.memory_space<vmem>> -> memref<24x128xi32, #tpu.memory_space<vmem>>
          %dma_start3A_243 = arith.constant 0 : i32
          %dma_start3A_244 = arith.constant 0 : i32
          %dma_start3A_245 = tpu.memref_slice %dma_start3A_242[%dma_start3A_243, %dma_start3A_244] : memref<24x128xi32, #tpu.memory_space<vmem>> -> memref<24x128xi32, #tpu.memory_space<vmem>>
          %dma_start3A_246 = arith.constant 0 : i32
          %dma_start3A_247 = arith.constant 0 : i32
          %dma_start3A_248 = tpu.memref_slice %arg3[%arg1, %dma_start3A_246, %dma_start3A_247] : memref<16x144x128xi32, #tpu.memory_space<hbm>> -> memref<1x144x128xi32, #tpu.memory_space<hbm>>
          %dma_start3A_249 = tpu.memref_squeeze %dma_start3A_248 : memref<1x144x128xi32, #tpu.memory_space<hbm>> -> memref<144x128xi32, #tpu.memory_space<hbm>>
          %dma_start3A_250 = arith.constant 0 : i32
          %dma_start3A_251 = tpu.memref_slice %dma_start3A_249[%mul3A_238, %dma_start3A_250] : memref<144x128xi32, #tpu.memory_space<hbm>> -> memref<24x128xi32, #tpu.memory_space<hbm>>
          %dma_start3A_252 = arith.constant 0 : i32
          %dma_start3A_253 = arith.constant 0 : i32
          %dma_start3A_254 = tpu.memref_slice %arg8[%rem3A_236, %dma_start3A_252, %dma_start3A_253] : memref<2x24x128xi32, #tpu.memory_space<vmem>> -> memref<1x24x128xi32, #tpu.memory_space<vmem>>
          %dma_start3A_255 = tpu.memref_squeeze %dma_start3A_254 : memref<1x24x128xi32, #tpu.memory_space<vmem>> -> memref<24x128xi32, #tpu.memory_space<vmem>>
          %dma_start3A_256 = arith.constant 0 : i32
          %dma_start3A_257 = arith.constant 0 : i32
          %dma_start3A_258 = tpu.memref_slice %dma_start3A_255[%dma_start3A_256, %dma_start3A_257] : memref<24x128xi32, #tpu.memory_space<vmem>> -> memref<24x128xi32, #tpu.memory_space<vmem>>
          %dma_start3A_259 = arith.constant 0 : i32
          %dma_start3A_260 = arith.constant 0 : i32
          %dma_start3A_261 = tpu.memref_slice %arg3[%arg1, %dma_start3A_259, %dma_start3A_260] : memref<16x144x128xi32, #tpu.memory_space<hbm>> -> memref<1x144x128xi32, #tpu.memory_space<hbm>>
          %dma_start3A_262 = tpu.memref_squeeze %dma_start3A_261 : memref<1x144x128xi32, #tpu.memory_space<hbm>> -> memref<144x128xi32, #tpu.memory_space<hbm>>
          %dma_start3A_263 = arith.constant 0 : i32
          %dma_start3A_264 = tpu.memref_slice %dma_start3A_262[%mul3A_238, %dma_start3A_263] : memref<144x128xi32, #tpu.memory_space<hbm>> -> memref<24x128xi32, #tpu.memory_space<hbm>>
          tpu.enqueue_dma source(%dma_start3A_264 : memref<24x128xi32, #tpu.memory_space<hbm>>) target(%dma_start3A_258 : memref<24x128xi32, #tpu.memory_space<vmem>>) target_semaphore(%arg12 : memref<!tpu.dma_semaphore, #tpu.memory_space<semaphore_mem>>)
          %mul3A_265 = arith.constant 24 : i32
          %mul3A_266 = arith.muli %add3A_232, %mul3A_265 : i32
          %dma_start3A_267 = arith.constant 0 : i32
          %dma_start3A_268 = arith.constant 0 : i32
          %dma_start3A_269 = tpu.memref_slice %arg9[%rem3A_236, %dma_start3A_267, %dma_start3A_268] : memref<2x24x128xi32, #tpu.memory_space<vmem>> -> memref<1x24x128xi32, #tpu.memory_space<vmem>>
          %dma_start3A_270 = tpu.memref_squeeze %dma_start3A_269 : memref<1x24x128xi32, #tpu.memory_space<vmem>> -> memref<24x128xi32, #tpu.memory_space<vmem>>
          %dma_start3A_271 = arith.constant 0 : i32
          %dma_start3A_272 = arith.constant 0 : i32
          %dma_start3A_273 = tpu.memref_slice %dma_start3A_270[%dma_start3A_271, %dma_start3A_272] : memref<24x128xi32, #tpu.memory_space<vmem>> -> memref<24x128xi32, #tpu.memory_space<vmem>>
          %dma_start3A_274 = arith.constant 0 : i32
          %dma_start3A_275 = arith.constant 0 : i32
          %dma_start3A_276 = tpu.memref_slice %arg4[%arg1, %dma_start3A_274, %dma_start3A_275] : memref<16x144x128xi32, #tpu.memory_space<hbm>> -> memref<1x144x128xi32, #tpu.memory_space<hbm>>
          %dma_start3A_277 = tpu.memref_squeeze %dma_start3A_276 : memref<1x144x128xi32, #tpu.memory_space<hbm>> -> memref<144x128xi32, #tpu.memory_space<hbm>>
          %dma_start3A_278 = arith.constant 0 : i32
          %dma_start3A_279 = tpu.memref_slice %dma_start3A_277[%mul3A_266, %dma_start3A_278] : memref<144x128xi32, #tpu.memory_space<hbm>> -> memref<24x128xi32, #tpu.memory_space<hbm>>
          %dma_start3A_280 = arith.constant 0 : i32
          %dma_start3A_281 = arith.constant 0 : i32
          %dma_start3A_282 = tpu.memref_slice %arg9[%rem3A_236, %dma_start3A_280, %dma_start3A_281] : memref<2x24x128xi32, #tpu.memory_space<vmem>> -> memref<1x24x128xi32, #tpu.memory_space<vmem>>
          %dma_start3A_283 = tpu.memref_squeeze %dma_start3A_282 : memref<1x24x128xi32, #tpu.memory_space<vmem>> -> memref<24x128xi32, #tpu.memory_space<vmem>>
          %dma_start3A_284 = arith.constant 0 : i32
          %dma_start3A_285 = arith.constant 0 : i32
          %dma_start3A_286 = tpu.memref_slice %dma_start3A_283[%dma_start3A_284, %dma_start3A_285] : memref<24x128xi32, #tpu.memory_space<vmem>> -> memref<24x128xi32, #tpu.memory_space<vmem>>
          %dma_start3A_287 = arith.constant 0 : i32
          %dma_start3A_288 = arith.constant 0 : i32
          %dma_start3A_289 = tpu.memref_slice %arg4[%arg1, %dma_start3A_287, %dma_start3A_288] : memref<16x144x128xi32, #tpu.memory_space<hbm>> -> memref<1x144x128xi32, #tpu.memory_space<hbm>>
          %dma_start3A_290 = tpu.memref_squeeze %dma_start3A_289 : memref<1x144x128xi32, #tpu.memory_space<hbm>> -> memref<144x128xi32, #tpu.memory_space<hbm>>
          %dma_start3A_291 = arith.constant 0 : i32
          %dma_start3A_292 = tpu.memref_slice %dma_start3A_290[%mul3A_266, %dma_start3A_291] : memref<144x128xi32, #tpu.memory_space<hbm>> -> memref<24x128xi32, #tpu.memory_space<hbm>>
          tpu.enqueue_dma source(%dma_start3A_292 : memref<24x128xi32, #tpu.memory_space<hbm>>) target(%dma_start3A_286 : memref<24x128xi32, #tpu.memory_space<vmem>>) target_semaphore(%arg13 : memref<!tpu.dma_semaphore, #tpu.memory_space<semaphore_mem>>)
        } else {
        }
        %eq3A_158 = arith.constant 22 : i32
        %eq3A_159 = arith.cmpi eq, %rem3A_146, %eq3A_158 : i32
        %add3A_160 = arith.constant 1 : i32
        %add3A_161 = arith.addi %select_n3A, %add3A_160 : i32
        %lt3A_162 = arith.constant 6 : i32
        %lt3A_163 = arith.cmpi slt, %add3A_161, %lt3A_162 : i32
        %and3A_164 = arith.andi %eq3A_159, %lt3A_163 : i1
        %convert_element_type3A_165 = arith.extui %and3A_164 : i1 to i32
        %cond3A_166 = arith.constant 0 : i32
        %cond3A_167 = arith.cmpi ne, %convert_element_type3A_165, %cond3A_166 : i32
        scf.if %cond3A_167 {
          %add3A_231 = arith.constant 1 : i32
          %add3A_232 = arith.addi %select_n3A, %add3A_231 : i32
          %add3A_233 = arith.constant 1 : i32
          %add3A_234 = arith.addi %select_n3A, %add3A_233 : i32
          %rem3A_235 = arith.constant 2 : i32
          %rem3A_236 = arith.remsi %add3A_234, %rem3A_235 : i32
          %mul3A_237 = arith.constant 24 : i32
          %mul3A_238 = arith.muli %add3A_232, %mul3A_237 : i32
          %dma_wait3A_239 = arith.constant 0 : i32
          %dma_wait3A_240 = arith.constant 0 : i32
          %dma_wait3A_241 = tpu.memref_slice %arg8[%rem3A_236, %dma_wait3A_239, %dma_wait3A_240] : memref<2x24x128xi32, #tpu.memory_space<vmem>> -> memref<1x24x128xi32, #tpu.memory_space<vmem>>
          %dma_wait3A_242 = tpu.memref_squeeze %dma_wait3A_241 : memref<1x24x128xi32, #tpu.memory_space<vmem>> -> memref<24x128xi32, #tpu.memory_space<vmem>>
          %dma_wait3A_243 = arith.constant 0 : i32
          %dma_wait3A_244 = arith.constant 0 : i32
          %dma_wait3A_245 = tpu.memref_slice %dma_wait3A_242[%dma_wait3A_243, %dma_wait3A_244] : memref<24x128xi32, #tpu.memory_space<vmem>> -> memref<24x128xi32, #tpu.memory_space<vmem>>
          %dma_wait3A_246 = arith.constant 0 : i32
          %dma_wait3A_247 = arith.constant 0 : i32
          %dma_wait3A_248 = tpu.memref_slice %arg3[%arg1, %dma_wait3A_246, %dma_wait3A_247] : memref<16x144x128xi32, #tpu.memory_space<hbm>> -> memref<1x144x128xi32, #tpu.memory_space<hbm>>
          %dma_wait3A_249 = tpu.memref_squeeze %dma_wait3A_248 : memref<1x144x128xi32, #tpu.memory_space<hbm>> -> memref<144x128xi32, #tpu.memory_space<hbm>>
          %dma_wait3A_250 = arith.constant 0 : i32
          %dma_wait3A_251 = tpu.memref_slice %dma_wait3A_249[%mul3A_238, %dma_wait3A_250] : memref<144x128xi32, #tpu.memory_space<hbm>> -> memref<24x128xi32, #tpu.memory_space<hbm>>
          %dma_wait3A_252 = arith.constant 0 : i32
          %dma_wait3A_253 = arith.constant 0 : i32
          %dma_wait3A_254 = tpu.memref_slice %arg8[%rem3A_236, %dma_wait3A_252, %dma_wait3A_253] : memref<2x24x128xi32, #tpu.memory_space<vmem>> -> memref<1x24x128xi32, #tpu.memory_space<vmem>>
          %dma_wait3A_255 = tpu.memref_squeeze %dma_wait3A_254 : memref<1x24x128xi32, #tpu.memory_space<vmem>> -> memref<24x128xi32, #tpu.memory_space<vmem>>
          %dma_wait3A_256 = arith.constant 0 : i32
          %dma_wait3A_257 = arith.constant 0 : i32
          %dma_wait3A_258 = tpu.memref_slice %dma_wait3A_255[%dma_wait3A_256, %dma_wait3A_257] : memref<24x128xi32, #tpu.memory_space<vmem>> -> memref<24x128xi32, #tpu.memory_space<vmem>>
          %dma_wait3A_259 = arith.constant 0 : i32
          %dma_wait3A_260 = arith.constant 0 : i32
          %dma_wait3A_261 = tpu.memref_slice %arg3[%arg1, %dma_wait3A_259, %dma_wait3A_260] : memref<16x144x128xi32, #tpu.memory_space<hbm>> -> memref<1x144x128xi32, #tpu.memory_space<hbm>>
          %dma_wait3A_262 = tpu.memref_squeeze %dma_wait3A_261 : memref<1x144x128xi32, #tpu.memory_space<hbm>> -> memref<144x128xi32, #tpu.memory_space<hbm>>
          %dma_wait3A_263 = arith.constant 0 : i32
          %dma_wait3A_264 = tpu.memref_slice %dma_wait3A_262[%mul3A_238, %dma_wait3A_263] : memref<144x128xi32, #tpu.memory_space<hbm>> -> memref<24x128xi32, #tpu.memory_space<hbm>>
          tpu.wait_dma2 semaphore(%arg12 : memref<!tpu.dma_semaphore, #tpu.memory_space<semaphore_mem>>) src(%dma_wait3A_264 : memref<24x128xi32, #tpu.memory_space<hbm>>) dst(%dma_wait3A_258 : memref<24x128xi32, #tpu.memory_space<vmem>>)
          %mul3A_265 = arith.constant 24 : i32
          %mul3A_266 = arith.muli %add3A_232, %mul3A_265 : i32
          %dma_wait3A_267 = arith.constant 0 : i32
          %dma_wait3A_268 = arith.constant 0 : i32
          %dma_wait3A_269 = tpu.memref_slice %arg9[%rem3A_236, %dma_wait3A_267, %dma_wait3A_268] : memref<2x24x128xi32, #tpu.memory_space<vmem>> -> memref<1x24x128xi32, #tpu.memory_space<vmem>>
          %dma_wait3A_270 = tpu.memref_squeeze %dma_wait3A_269 : memref<1x24x128xi32, #tpu.memory_space<vmem>> -> memref<24x128xi32, #tpu.memory_space<vmem>>
          %dma_wait3A_271 = arith.constant 0 : i32
          %dma_wait3A_272 = arith.constant 0 : i32
          %dma_wait3A_273 = tpu.memref_slice %dma_wait3A_270[%dma_wait3A_271, %dma_wait3A_272] : memref<24x128xi32, #tpu.memory_space<vmem>> -> memref<24x128xi32, #tpu.memory_space<vmem>>
          %dma_wait3A_274 = arith.constant 0 : i32
          %dma_wait3A_275 = arith.constant 0 : i32
          %dma_wait3A_276 = tpu.memref_slice %arg4[%arg1, %dma_wait3A_274, %dma_wait3A_275] : memref<16x144x128xi32, #tpu.memory_space<hbm>> -> memref<1x144x128xi32, #tpu.memory_space<hbm>>
          %dma_wait3A_277 = tpu.memref_squeeze %dma_wait3A_276 : memref<1x144x128xi32, #tpu.memory_space<hbm>> -> memref<144x128xi32, #tpu.memory_space<hbm>>
          %dma_wait3A_278 = arith.constant 0 : i32
          %dma_wait3A_279 = tpu.memref_slice %dma_wait3A_277[%mul3A_266, %dma_wait3A_278] : memref<144x128xi32, #tpu.memory_space<hbm>> -> memref<24x128xi32, #tpu.memory_space<hbm>>
          %dma_wait3A_280 = arith.constant 0 : i32
          %dma_wait3A_281 = arith.constant 0 : i32
          %dma_wait3A_282 = tpu.memref_slice %arg9[%rem3A_236, %dma_wait3A_280, %dma_wait3A_281] : memref<2x24x128xi32, #tpu.memory_space<vmem>> -> memref<1x24x128xi32, #tpu.memory_space<vmem>>
          %dma_wait3A_283 = tpu.memref_squeeze %dma_wait3A_282 : memref<1x24x128xi32, #tpu.memory_space<vmem>> -> memref<24x128xi32, #tpu.memory_space<vmem>>
          %dma_wait3A_284 = arith.constant 0 : i32
          %dma_wait3A_285 = arith.constant 0 : i32
          %dma_wait3A_286 = tpu.memref_slice %dma_wait3A_283[%dma_wait3A_284, %dma_wait3A_285] : memref<24x128xi32, #tpu.memory_space<vmem>> -> memref<24x128xi32, #tpu.memory_space<vmem>>
          %dma_wait3A_287 = arith.constant 0 : i32
          %dma_wait3A_288 = arith.constant 0 : i32
          %dma_wait3A_289 = tpu.memref_slice %arg4[%arg1, %dma_wait3A_287, %dma_wait3A_288] : memref<16x144x128xi32, #tpu.memory_space<hbm>> -> memref<1x144x128xi32, #tpu.memory_space<hbm>>
          %dma_wait3A_290 = tpu.memref_squeeze %dma_wait3A_289 : memref<1x144x128xi32, #tpu.memory_space<hbm>> -> memref<144x128xi32, #tpu.memory_space<hbm>>
          %dma_wait3A_291 = arith.constant 0 : i32
          %dma_wait3A_292 = tpu.memref_slice %dma_wait3A_290[%mul3A_266, %dma_wait3A_291] : memref<144x128xi32, #tpu.memory_space<hbm>> -> memref<24x128xi32, #tpu.memory_space<hbm>>
          tpu.wait_dma2 semaphore(%arg13 : memref<!tpu.dma_semaphore, #tpu.memory_space<semaphore_mem>>) src(%dma_wait3A_292 : memref<24x128xi32, #tpu.memory_space<hbm>>) dst(%dma_wait3A_286 : memref<24x128xi32, #tpu.memory_space<vmem>>)
        } else {
        }
        %add3A_168 = arith.constant 0 : i32
        %add3A_169 = arith.addi %rem3A_146, %add3A_168 : i32
        %dma_wait3A_170 = arith.constant 0 : i32
        %dma_wait3A_171 = tpu.memref_slice %arg8[%rem3A_148, %add3A_169, %dma_wait3A_170] : memref<2x24x128xi32, #tpu.memory_space<vmem>> -> memref<1x1x128xi32, #tpu.memory_space<vmem>>
        %dma_wait3A_172 = tpu.memref_squeeze %dma_wait3A_171 : memref<1x1x128xi32, #tpu.memory_space<vmem>> -> memref<128xi32, #tpu.memory_space<vmem>>
        %dma_wait3A_173 = arith.constant 0 : i32
        %dma_wait3A_174 = arith.constant 0 : i32
        %dma_wait3A_175 = tpu.memref_slice %arg2[%dma_wait3A_173, %dma_wait3A_174] : memref<10000x128xf32, #tpu.memory_space<hbm>> -> memref<10000x128xf32, #tpu.memory_space<hbm>>
        tpu.wait_indirect_dma semaphore(%arg14 : memref<!tpu.dma_semaphore, #tpu.memory_space<semaphore_mem>>) src(%dma_wait3A_175 : memref<10000x128xf32, #tpu.memory_space<hbm>>) dst(%arg10 : memref<128x128xf32, #tpu.memory_space<vmem>>)
        %add3A_176 = arith.constant 0 : i32
        %add3A_177 = arith.addi %rem3A_146, %add3A_176 : i32
        %dma_start3A_178 = arith.constant 0 : i32
        %dma_start3A_179 = tpu.memref_slice %arg9[%rem3A_148, %add3A_177, %dma_start3A_178] : memref<2x24x128xi32, #tpu.memory_space<vmem>> -> memref<1x1x128xi32, #tpu.memory_space<vmem>>
        %dma_start3A_180 = tpu.memref_squeeze %dma_start3A_179 : memref<1x1x128xi32, #tpu.memory_space<vmem>> -> memref<128xi32, #tpu.memory_space<vmem>>
        %dma_start3A_181 = arith.constant 0 : i32
        %dma_start3A_182 = arith.constant 0 : i32
        %dma_start3A_183 = tpu.memref_slice %arg18[%dma_start3A_181, %dma_start3A_182] : memref<10240x128xf32, #tpu.memory_space<vmem_shared>> -> memref<10240x128xf32, #tpu.memory_space<vmem_shared>>
        tpu.enqueue_indirect_dma source(%arg10 : memref<128x128xf32, #tpu.memory_space<vmem>>) target(%dma_start3A_183 : memref<10240x128xf32, #tpu.memory_space<vmem_shared>>) offsets(%dma_start3A_180 : memref<128xi32, #tpu.memory_space<vmem>>) semaphore(%arg16 : memref<!tpu.dma_semaphore, #tpu.memory_space<semaphore_mem>>) {add = true}
        %add3A_184 = arith.constant 1 : i32
        %add3A_185 = arith.addi %rem3A_146, %add3A_184 : i32
        %dma_wait3A_186 = arith.constant 0 : i32
        %dma_wait3A_187 = tpu.memref_slice %arg8[%rem3A_148, %add3A_185, %dma_wait3A_186] : memref<2x24x128xi32, #tpu.memory_space<vmem>> -> memref<1x1x128xi32, #tpu.memory_space<vmem>>
        %dma_wait3A_188 = tpu.memref_squeeze %dma_wait3A_187 : memref<1x1x128xi32, #tpu.memory_space<vmem>> -> memref<128xi32, #tpu.memory_space<vmem>>
        %dma_wait3A_189 = arith.constant 0 : i32
        %dma_wait3A_190 = arith.constant 0 : i32
        %dma_wait3A_191 = tpu.memref_slice %arg2[%dma_wait3A_189, %dma_wait3A_190] : memref<10000x128xf32, #tpu.memory_space<hbm>> -> memref<10000x128xf32, #tpu.memory_space<hbm>>
        tpu.wait_indirect_dma semaphore(%arg15 : memref<!tpu.dma_semaphore, #tpu.memory_space<semaphore_mem>>) src(%dma_wait3A_191 : memref<10000x128xf32, #tpu.memory_space<hbm>>) dst(%arg11 : memref<128x128xf32, #tpu.memory_space<vmem>>)
        %add3A_192 = arith.constant 1 : i32
        %add3A_193 = arith.addi %rem3A_146, %add3A_192 : i32
        %dma_start3A_194 = arith.constant 0 : i32
        %dma_start3A_195 = tpu.memref_slice %arg9[%rem3A_148, %add3A_193, %dma_start3A_194] : memref<2x24x128xi32, #tpu.memory_space<vmem>> -> memref<1x1x128xi32, #tpu.memory_space<vmem>>
        %dma_start3A_196 = tpu.memref_squeeze %dma_start3A_195 : memref<1x1x128xi32, #tpu.memory_space<vmem>> -> memref<128xi32, #tpu.memory_space<vmem>>
        %dma_start3A_197 = arith.constant 0 : i32
        %dma_start3A_198 = arith.constant 0 : i32
        %dma_start3A_199 = tpu.memref_slice %arg18[%dma_start3A_197, %dma_start3A_198] : memref<10240x128xf32, #tpu.memory_space<vmem_shared>> -> memref<10240x128xf32, #tpu.memory_space<vmem_shared>>
        tpu.enqueue_indirect_dma source(%arg11 : memref<128x128xf32, #tpu.memory_space<vmem>>) target(%dma_start3A_199 : memref<10240x128xf32, #tpu.memory_space<vmem_shared>>) offsets(%dma_start3A_196 : memref<128xi32, #tpu.memory_space<vmem>>) semaphore(%arg17 : memref<!tpu.dma_semaphore, #tpu.memory_space<semaphore_mem>>) {add = true}
        %dma_wait3A_200 = arith.constant 0 : i32
        %dma_wait3A_201 = tpu.memref_slice %arg9[%rem3A_148, %add3A_177, %dma_wait3A_200] : memref<2x24x128xi32, #tpu.memory_space<vmem>> -> memref<1x1x128xi32, #tpu.memory_space<vmem>>
        %dma_wait3A_202 = tpu.memref_squeeze %dma_wait3A_201 : memref<1x1x128xi32, #tpu.memory_space<vmem>> -> memref<128xi32, #tpu.memory_space<vmem>>
        %dma_wait3A_203 = arith.constant 0 : i32
        %dma_wait3A_204 = arith.constant 0 : i32
        %dma_wait3A_205 = tpu.memref_slice %arg18[%dma_wait3A_203, %dma_wait3A_204] : memref<10240x128xf32, #tpu.memory_space<vmem_shared>> -> memref<10240x128xf32, #tpu.memory_space<vmem_shared>>
        tpu.wait_indirect_dma semaphore(%arg16 : memref<!tpu.dma_semaphore, #tpu.memory_space<semaphore_mem>>) src(%arg10 : memref<128x128xf32, #tpu.memory_space<vmem>>) dst(%dma_wait3A_205 : memref<10240x128xf32, #tpu.memory_space<vmem_shared>>)
        %add3A_206 = arith.constant 0 : i32
        %add3A_207 = arith.addi %mul3A_128, %add3A_206 : i32
        %add3A_208 = arith.constant 2 : i32
        %add3A_209 = arith.addi %add3A_207, %add3A_208 : i32
        %lt3A_210 = arith.constant 144 : i32
        %lt3A_211 = arith.cmpi slt, %add3A_209, %lt3A_210 : i32
        %convert_element_type3A_212 = arith.extui %lt3A_211 : i1 to i32
        %cond3A_213 = arith.constant 0 : i32
        %cond3A_214 = arith.cmpi ne, %convert_element_type3A_212, %cond3A_213 : i32
        scf.if %cond3A_214 {
          %jit3A_231 = arith.constant 24 : i32
          %div3A_232 = arith.divsi %add3A_209, %jit3A_231 : i32
          %sign3A_233 = arith.constant 0 : i32
          %sign3A_234 = arith.cmpi sgt, %add3A_209, %sign3A_233 : i32
          %sign3A_235 = arith.extui %sign3A_234 : i1 to i32
          %sign3A_236 = arith.constant 0 : i32
          %sign3A_237 = arith.cmpi slt, %add3A_209, %sign3A_236 : i32
          %sign3A_238 = arith.extui %sign3A_237 : i1 to i32
          %sign3A_239 = arith.subi %sign3A_235, %sign3A_238 : i32
          %sign3A_240 = arith.constant 0 : i32
          %sign3A_241 = arith.cmpi sgt, %jit3A_231, %sign3A_240 : i32
          %sign3A_242 = arith.extui %sign3A_241 : i1 to i32
          %sign3A_243 = arith.constant 0 : i32
          %sign3A_244 = arith.cmpi slt, %jit3A_231, %sign3A_243 : i32
          %sign3A_245 = arith.extui %sign3A_244 : i1 to i32
          %sign3A_246 = arith.subi %sign3A_242, %sign3A_245 : i32
          %ne3A_247 = arith.cmpi ne, %sign3A_239, %sign3A_246 : i32
          %rem3A_248 = arith.remsi %add3A_209, %jit3A_231 : i32
          %ne3A_249 = arith.constant 0 : i32
          %ne3A_250 = arith.cmpi ne, %rem3A_248, %ne3A_249 : i32
          %and3A_251 = arith.andi %ne3A_247, %ne3A_250 : i1
          %sub3A_252 = arith.constant 1 : i32
          %sub3A_253 = arith.subi %div3A_232, %sub3A_252 : i32
          %select_n3A_254 = arith.select %and3A_251, %sub3A_253, %div3A_232 : i32
          %rem3A_255 = arith.constant 2 : i32
          %rem3A_256 = arith.remsi %select_n3A_254, %rem3A_255 : i32
          %rem3A_257 = arith.constant 24 : i32
          %rem3A_258 = arith.remsi %add3A_209, %rem3A_257 : i32
          %dma_start3A_259 = arith.constant 0 : i32
          %dma_start3A_260 = tpu.memref_slice %arg8[%rem3A_256, %rem3A_258, %dma_start3A_259] : memref<2x24x128xi32, #tpu.memory_space<vmem>> -> memref<1x1x128xi32, #tpu.memory_space<vmem>>
          %dma_start3A_261 = tpu.memref_squeeze %dma_start3A_260 : memref<1x1x128xi32, #tpu.memory_space<vmem>> -> memref<128xi32, #tpu.memory_space<vmem>>
          %dma_start3A_262 = arith.constant 0 : i32
          %dma_start3A_263 = arith.constant 0 : i32
          %dma_start3A_264 = tpu.memref_slice %arg2[%dma_start3A_262, %dma_start3A_263] : memref<10000x128xf32, #tpu.memory_space<hbm>> -> memref<10000x128xf32, #tpu.memory_space<hbm>>
          tpu.enqueue_indirect_dma source(%dma_start3A_264 : memref<10000x128xf32, #tpu.memory_space<hbm>>) target(%arg10 : memref<128x128xf32, #tpu.memory_space<vmem>>) offsets(%dma_start3A_261 : memref<128xi32, #tpu.memory_space<vmem>>) semaphore(%arg14 : memref<!tpu.dma_semaphore, #tpu.memory_space<semaphore_mem>>)
        } else {
        }
        %dma_wait3A_215 = arith.constant 0 : i32
        %dma_wait3A_216 = tpu.memref_slice %arg9[%rem3A_148, %add3A_193, %dma_wait3A_215] : memref<2x24x128xi32, #tpu.memory_space<vmem>> -> memref<1x1x128xi32, #tpu.memory_space<vmem>>
        %dma_wait3A_217 = tpu.memref_squeeze %dma_wait3A_216 : memref<1x1x128xi32, #tpu.memory_space<vmem>> -> memref<128xi32, #tpu.memory_space<vmem>>
        %dma_wait3A_218 = arith.constant 0 : i32
        %dma_wait3A_219 = arith.constant 0 : i32
        %dma_wait3A_220 = tpu.memref_slice %arg18[%dma_wait3A_218, %dma_wait3A_219] : memref<10240x128xf32, #tpu.memory_space<vmem_shared>> -> memref<10240x128xf32, #tpu.memory_space<vmem_shared>>
        tpu.wait_indirect_dma semaphore(%arg17 : memref<!tpu.dma_semaphore, #tpu.memory_space<semaphore_mem>>) src(%arg11 : memref<128x128xf32, #tpu.memory_space<vmem>>) dst(%dma_wait3A_220 : memref<10240x128xf32, #tpu.memory_space<vmem_shared>>)
        %add3A_221 = arith.constant 1 : i32
        %add3A_222 = arith.addi %mul3A_128, %add3A_221 : i32
        %add3A_223 = arith.constant 2 : i32
        %add3A_224 = arith.addi %add3A_222, %add3A_223 : i32
        %lt3A_225 = arith.constant 144 : i32
        %lt3A_226 = arith.cmpi slt, %add3A_224, %lt3A_225 : i32
        %convert_element_type3A_227 = arith.extui %lt3A_226 : i1 to i32
        %cond3A_228 = arith.constant 0 : i32
        %cond3A_229 = arith.cmpi ne, %convert_element_type3A_227, %cond3A_228 : i32
        scf.if %cond3A_229 {
          %jit3A_231 = arith.constant 24 : i32
          %div3A_232 = arith.divsi %add3A_224, %jit3A_231 : i32
          %sign3A_233 = arith.constant 0 : i32
          %sign3A_234 = arith.cmpi sgt, %add3A_224, %sign3A_233 : i32
          %sign3A_235 = arith.extui %sign3A_234 : i1 to i32
          %sign3A_236 = arith.constant 0 : i32
          %sign3A_237 = arith.cmpi slt, %add3A_224, %sign3A_236 : i32
          %sign3A_238 = arith.extui %sign3A_237 : i1 to i32
          %sign3A_239 = arith.subi %sign3A_235, %sign3A_238 : i32
          %sign3A_240 = arith.constant 0 : i32
          %sign3A_241 = arith.cmpi sgt, %jit3A_231, %sign3A_240 : i32
          %sign3A_242 = arith.extui %sign3A_241 : i1 to i32
          %sign3A_243 = arith.constant 0 : i32
          %sign3A_244 = arith.cmpi slt, %jit3A_231, %sign3A_243 : i32
          %sign3A_245 = arith.extui %sign3A_244 : i1 to i32
          %sign3A_246 = arith.subi %sign3A_242, %sign3A_245 : i32
          %ne3A_247 = arith.cmpi ne, %sign3A_239, %sign3A_246 : i32
          %rem3A_248 = arith.remsi %add3A_224, %jit3A_231 : i32
          %ne3A_249 = arith.constant 0 : i32
          %ne3A_250 = arith.cmpi ne, %rem3A_248, %ne3A_249 : i32
          %and3A_251 = arith.andi %ne3A_247, %ne3A_250 : i1
          %sub3A_252 = arith.constant 1 : i32
          %sub3A_253 = arith.subi %div3A_232, %sub3A_252 : i32
          %select_n3A_254 = arith.select %and3A_251, %sub3A_253, %div3A_232 : i32
          %rem3A_255 = arith.constant 2 : i32
          %rem3A_256 = arith.remsi %select_n3A_254, %rem3A_255 : i32
          %rem3A_257 = arith.constant 24 : i32
          %rem3A_258 = arith.remsi %add3A_224, %rem3A_257 : i32
          %dma_start3A_259 = arith.constant 0 : i32
          %dma_start3A_260 = tpu.memref_slice %arg8[%rem3A_256, %rem3A_258, %dma_start3A_259] : memref<2x24x128xi32, #tpu.memory_space<vmem>> -> memref<1x1x128xi32, #tpu.memory_space<vmem>>
          %dma_start3A_261 = tpu.memref_squeeze %dma_start3A_260 : memref<1x1x128xi32, #tpu.memory_space<vmem>> -> memref<128xi32, #tpu.memory_space<vmem>>
          %dma_start3A_262 = arith.constant 0 : i32
          %dma_start3A_263 = arith.constant 0 : i32
          %dma_start3A_264 = tpu.memref_slice %arg2[%dma_start3A_262, %dma_start3A_263] : memref<10000x128xf32, #tpu.memory_space<hbm>> -> memref<10000x128xf32, #tpu.memory_space<hbm>>
          tpu.enqueue_indirect_dma source(%dma_start3A_264 : memref<10000x128xf32, #tpu.memory_space<hbm>>) target(%arg11 : memref<128x128xf32, #tpu.memory_space<vmem>>) offsets(%dma_start3A_261 : memref<128xi32, #tpu.memory_space<vmem>>) semaphore(%arg15 : memref<!tpu.dma_semaphore, #tpu.memory_space<semaphore_mem>>)
        } else {
        }
        %scan3A_230 = arith.constant 0 : i32
        scf.yield %scan3A_230 : i32
      }
      %scan3A_124 = arith.constant 72 : i32
    } else {
    }
    %eq3A_36 = arith.constant 1 : i32
    %eq3A_37 = arith.cmpi eq, %arg0, %eq3A_36 : i32
    %convert_element_type3A_38 = arith.extui %eq3A_37 : i1 to i32
    %cond3A_39 = arith.constant 0 : i32
    %cond3A_40 = arith.cmpi ne, %convert_element_type3A_38, %cond3A_39 : i32
    scf.if %cond3A_40 {
      %dma_wait3A = arith.constant 0 : i32
      %dma_wait3A_46 = arith.constant 0 : i32
      %dma_wait3A_47 = arith.constant 0 : i32
      %dma_wait3A_48 = tpu.memref_slice %arg8[%dma_wait3A, %dma_wait3A_46, %dma_wait3A_47] : memref<2x24x128xi32, #tpu.memory_space<vmem>> -> memref<1x24x128xi32, #tpu.memory_space<vmem>>
      %dma_wait3A_49 = tpu.memref_squeeze %dma_wait3A_48 : memref<1x24x128xi32, #tpu.memory_space<vmem>> -> memref<24x128xi32, #tpu.memory_space<vmem>>
      %dma_wait3A_50 = arith.constant 0 : i32
      %dma_wait3A_51 = arith.constant 0 : i32
      %dma_wait3A_52 = tpu.memref_slice %dma_wait3A_49[%dma_wait3A_50, %dma_wait3A_51] : memref<24x128xi32, #tpu.memory_space<vmem>> -> memref<16x128xi32, #tpu.memory_space<vmem>>
      %dma_wait3A_53 = arith.constant 0 : i32
      %dma_wait3A_54 = arith.constant 0 : i32
      %dma_wait3A_55 = tpu.memref_slice %arg5[%arg1, %dma_wait3A_53, %dma_wait3A_54] : memref<16x16x128xi32, #tpu.memory_space<hbm>> -> memref<1x16x128xi32, #tpu.memory_space<hbm>>
      %dma_wait3A_56 = tpu.memref_squeeze %dma_wait3A_55 : memref<1x16x128xi32, #tpu.memory_space<hbm>> -> memref<16x128xi32, #tpu.memory_space<hbm>>
      %dma_wait3A_57 = arith.constant 0 : i32
      %dma_wait3A_58 = arith.constant 0 : i32
      %dma_wait3A_59 = tpu.memref_slice %dma_wait3A_56[%dma_wait3A_57, %dma_wait3A_58] : memref<16x128xi32, #tpu.memory_space<hbm>> -> memref<16x128xi32, #tpu.memory_space<hbm>>
      %dma_wait3A_60 = arith.constant 0 : i32
      %dma_wait3A_61 = arith.constant 0 : i32
      %dma_wait3A_62 = tpu.memref_slice %arg8[%dma_wait3A, %dma_wait3A_60, %dma_wait3A_61] : memref<2x24x128xi32, #tpu.memory_space<vmem>> -> memref<1x24x128xi32, #tpu.memory_space<vmem>>
      %dma_wait3A_63 = tpu.memref_squeeze %dma_wait3A_62 : memref<1x24x128xi32, #tpu.memory_space<vmem>> -> memref<24x128xi32, #tpu.memory_space<vmem>>
      %dma_wait3A_64 = arith.constant 0 : i32
      %dma_wait3A_65 = arith.constant 0 : i32
      %dma_wait3A_66 = tpu.memref_slice %dma_wait3A_63[%dma_wait3A_64, %dma_wait3A_65] : memref<24x128xi32, #tpu.memory_space<vmem>> -> memref<16x128xi32, #tpu.memory_space<vmem>>
      %dma_wait3A_67 = arith.constant 0 : i32
      %dma_wait3A_68 = arith.constant 0 : i32
      %dma_wait3A_69 = tpu.memref_slice %arg5[%arg1, %dma_wait3A_67, %dma_wait3A_68] : memref<16x16x128xi32, #tpu.memory_space<hbm>> -> memref<1x16x128xi32, #tpu.memory_space<hbm>>
      %dma_wait3A_70 = tpu.memref_squeeze %dma_wait3A_69 : memref<1x16x128xi32, #tpu.memory_space<hbm>> -> memref<16x128xi32, #tpu.memory_space<hbm>>
      %dma_wait3A_71 = arith.constant 0 : i32
      %dma_wait3A_72 = arith.constant 0 : i32
      %dma_wait3A_73 = tpu.memref_slice %dma_wait3A_70[%dma_wait3A_71, %dma_wait3A_72] : memref<16x128xi32, #tpu.memory_space<hbm>> -> memref<16x128xi32, #tpu.memory_space<hbm>>
      tpu.wait_dma2 semaphore(%arg12 : memref<!tpu.dma_semaphore, #tpu.memory_space<semaphore_mem>>) src(%dma_wait3A_73 : memref<16x128xi32, #tpu.memory_space<hbm>>) dst(%dma_wait3A_66 : memref<16x128xi32, #tpu.memory_space<vmem>>)
      %dma_wait3A_74 = arith.constant 0 : i32
      %dma_wait3A_75 = arith.constant 0 : i32
      %dma_wait3A_76 = arith.constant 0 : i32
      %dma_wait3A_77 = tpu.memref_slice %arg9[%dma_wait3A_74, %dma_wait3A_75, %dma_wait3A_76] : memref<2x24x128xi32, #tpu.memory_space<vmem>> -> memref<1x24x128xi32, #tpu.memory_space<vmem>>
      %dma_wait3A_78 = tpu.memref_squeeze %dma_wait3A_77 : memref<1x24x128xi32, #tpu.memory_space<vmem>> -> memref<24x128xi32, #tpu.memory_space<vmem>>
      %dma_wait3A_79 = arith.constant 0 : i32
      %dma_wait3A_80 = arith.constant 0 : i32
      %dma_wait3A_81 = tpu.memref_slice %dma_wait3A_78[%dma_wait3A_79, %dma_wait3A_80] : memref<24x128xi32, #tpu.memory_space<vmem>> -> memref<16x128xi32, #tpu.memory_space<vmem>>
      %dma_wait3A_82 = arith.constant 0 : i32
      %dma_wait3A_83 = arith.constant 0 : i32
      %dma_wait3A_84 = tpu.memref_slice %arg6[%arg1, %dma_wait3A_82, %dma_wait3A_83] : memref<16x16x128xi32, #tpu.memory_space<hbm>> -> memref<1x16x128xi32, #tpu.memory_space<hbm>>
      %dma_wait3A_85 = tpu.memref_squeeze %dma_wait3A_84 : memref<1x16x128xi32, #tpu.memory_space<hbm>> -> memref<16x128xi32, #tpu.memory_space<hbm>>
      %dma_wait3A_86 = arith.constant 0 : i32
      %dma_wait3A_87 = arith.constant 0 : i32
      %dma_wait3A_88 = tpu.memref_slice %dma_wait3A_85[%dma_wait3A_86, %dma_wait3A_87] : memref<16x128xi32, #tpu.memory_space<hbm>> -> memref<16x128xi32, #tpu.memory_space<hbm>>
      %dma_wait3A_89 = arith.constant 0 : i32
      %dma_wait3A_90 = arith.constant 0 : i32
      %dma_wait3A_91 = tpu.memref_slice %arg9[%dma_wait3A_74, %dma_wait3A_89, %dma_wait3A_90] : memref<2x24x128xi32, #tpu.memory_space<vmem>> -> memref<1x24x128xi32, #tpu.memory_space<vmem>>
      %dma_wait3A_92 = tpu.memref_squeeze %dma_wait3A_91 : memref<1x24x128xi32, #tpu.memory_space<vmem>> -> memref<24x128xi32, #tpu.memory_space<vmem>>
      %dma_wait3A_93 = arith.constant 0 : i32
      %dma_wait3A_94 = arith.constant 0 : i32
      %dma_wait3A_95 = tpu.memref_slice %dma_wait3A_92[%dma_wait3A_93, %dma_wait3A_94] : memref<24x128xi32, #tpu.memory_space<vmem>> -> memref<16x128xi32, #tpu.memory_space<vmem>>
      %dma_wait3A_96 = arith.constant 0 : i32
      %dma_wait3A_97 = arith.constant 0 : i32
      %dma_wait3A_98 = tpu.memref_slice %arg6[%arg1, %dma_wait3A_96, %dma_wait3A_97] : memref<16x16x128xi32, #tpu.memory_space<hbm>> -> memref<1x16x128xi32, #tpu.memory_space<hbm>>
      %dma_wait3A_99 = tpu.memref_squeeze %dma_wait3A_98 : memref<1x16x128xi32, #tpu.memory_space<hbm>> -> memref<16x128xi32, #tpu.memory_space<hbm>>
      %dma_wait3A_100 = arith.constant 0 : i32
      %dma_wait3A_101 = arith.constant 0 : i32
      %dma_wait3A_102 = tpu.memref_slice %dma_wait3A_99[%dma_wait3A_100, %dma_wait3A_101] : memref<16x128xi32, #tpu.memory_space<hbm>> -> memref<16x128xi32, #tpu.memory_space<hbm>>
      tpu.wait_dma2 semaphore(%arg13 : memref<!tpu.dma_semaphore, #tpu.memory_space<semaphore_mem>>) src(%dma_wait3A_102 : memref<16x128xi32, #tpu.memory_space<hbm>>) dst(%dma_wait3A_95 : memref<16x128xi32, #tpu.memory_space<vmem>>)
      %dma_start3A = arith.constant 0 : i32
      %dma_start3A_103 = arith.constant 0 : i32
      %dma_start3A_104 = arith.constant 0 : i32
      %dma_start3A_105 = tpu.memref_slice %arg8[%dma_start3A, %dma_start3A_103, %dma_start3A_104] : memref<2x24x128xi32, #tpu.memory_space<vmem>> -> memref<1x1x128xi32, #tpu.memory_space<vmem>>
      %dma_start3A_106 = tpu.memref_squeeze %dma_start3A_105 : memref<1x1x128xi32, #tpu.memory_space<vmem>> -> memref<128xi32, #tpu.memory_space<vmem>>
      %dma_start3A_107 = arith.constant 0 : i32
      %dma_start3A_108 = arith.constant 0 : i32
      %dma_start3A_109 = tpu.memref_slice %arg2[%dma_start3A_107, %dma_start3A_108] : memref<10000x128xf32, #tpu.memory_space<hbm>> -> memref<10000x128xf32, #tpu.memory_space<hbm>>
      tpu.enqueue_indirect_dma source(%dma_start3A_109 : memref<10000x128xf32, #tpu.memory_space<hbm>>) target(%arg10 : memref<128x128xf32, #tpu.memory_space<vmem>>) offsets(%dma_start3A_106 : memref<128xi32, #tpu.memory_space<vmem>>) semaphore(%arg14 : memref<!tpu.dma_semaphore, #tpu.memory_space<semaphore_mem>>)
      %dma_start3A_110 = arith.constant 0 : i32
      %dma_start3A_111 = arith.constant 1 : i32
      %dma_start3A_112 = arith.constant 0 : i32
      %dma_start3A_113 = tpu.memref_slice %arg8[%dma_start3A_110, %dma_start3A_111, %dma_start3A_112] : memref<2x24x128xi32, #tpu.memory_space<vmem>> -> memref<1x1x128xi32, #tpu.memory_space<vmem>>
      %dma_start3A_114 = tpu.memref_squeeze %dma_start3A_113 : memref<1x1x128xi32, #tpu.memory_space<vmem>> -> memref<128xi32, #tpu.memory_space<vmem>>
      %dma_start3A_115 = arith.constant 0 : i32
      %dma_start3A_116 = arith.constant 0 : i32
      %dma_start3A_117 = tpu.memref_slice %arg2[%dma_start3A_115, %dma_start3A_116] : memref<10000x128xf32, #tpu.memory_space<hbm>> -> memref<10000x128xf32, #tpu.memory_space<hbm>>
      tpu.enqueue_indirect_dma source(%dma_start3A_117 : memref<10000x128xf32, #tpu.memory_space<hbm>>) target(%arg11 : memref<128x128xf32, #tpu.memory_space<vmem>>) offsets(%dma_start3A_114 : memref<128xi32, #tpu.memory_space<vmem>>) semaphore(%arg15 : memref<!tpu.dma_semaphore, #tpu.memory_space<semaphore_mem>>)
      %scan3A_118 = arith.constant 0 : i32
      %scan3A_119 = arith.constant 0 : i32
      %scan3A_120 = arith.constant 8 : i32
      %scan3A_121 = arith.addi %scan3A_119, %scan3A_120 : i32
      %scan3A_122 = arith.constant 1 : i32
      %scan3A_123 = scf.for %scan3A_125 = %scan3A_119 to %scan3A_121 step %scan3A_122 iter_args(%scan3A_126 = %scan3A_118) -> (i32)  : i32 {
        %mul3A_127 = arith.constant 2 : i32
        %mul3A_128 = arith.muli %scan3A_125, %mul3A_127 : i32
        %jit3A = arith.constant 16 : i32
        %div3A = arith.divsi %mul3A_128, %jit3A : i32
        %sign3A = arith.constant 0 : i32
        %sign3A_129 = arith.cmpi sgt, %mul3A_128, %sign3A : i32
        %sign3A_130 = arith.extui %sign3A_129 : i1 to i32
        %sign3A_131 = arith.constant 0 : i32
        %sign3A_132 = arith.cmpi slt, %mul3A_128, %sign3A_131 : i32
        %sign3A_133 = arith.extui %sign3A_132 : i1 to i32
        %sign3A_134 = arith.subi %sign3A_130, %sign3A_133 : i32
        %sign3A_135 = arith.constant 0 : i32
        %sign3A_136 = arith.cmpi sgt, %jit3A, %sign3A_135 : i32
        %sign3A_137 = arith.extui %sign3A_136 : i1 to i32
        %sign3A_138 = arith.constant 0 : i32
        %sign3A_139 = arith.cmpi slt, %jit3A, %sign3A_138 : i32
        %sign3A_140 = arith.extui %sign3A_139 : i1 to i32
        %sign3A_141 = arith.subi %sign3A_137, %sign3A_140 : i32
        %ne3A = arith.cmpi ne, %sign3A_134, %sign3A_141 : i32
        %rem3A = arith.remsi %mul3A_128, %jit3A : i32
        %ne3A_142 = arith.constant 0 : i32
        %ne3A_143 = arith.cmpi ne, %rem3A, %ne3A_142 : i32
        %and3A = arith.andi %ne3A, %ne3A_143 : i1
        %sub3A = arith.constant 1 : i32
        %sub3A_144 = arith.subi %div3A, %sub3A : i32
        %select_n3A = arith.select %and3A, %sub3A_144, %div3A : i32
        %rem3A_145 = arith.constant 16 : i32
        %rem3A_146 = arith.remsi %mul3A_128, %rem3A_145 : i32
        %rem3A_147 = arith.constant 2 : i32
        %rem3A_148 = arith.remsi %select_n3A, %rem3A_147 : i32
        %eq3A_149 = arith.constant 0 : i32
        %eq3A_150 = arith.cmpi eq, %rem3A_146, %eq3A_149 : i32
        %add3A_151 = arith.constant 1 : i32
        %add3A_152 = arith.addi %select_n3A, %add3A_151 : i32
        %lt3A = arith.constant 1 : i32
        %lt3A_153 = arith.cmpi slt, %add3A_152, %lt3A : i32
        %and3A_154 = arith.andi %eq3A_150, %lt3A_153 : i1
        %convert_element_type3A_155 = arith.extui %and3A_154 : i1 to i32
        %cond3A_156 = arith.constant 0 : i32
        %cond3A_157 = arith.cmpi ne, %convert_element_type3A_155, %cond3A_156 : i32
        scf.if %cond3A_157 {
          %add3A_231 = arith.constant 1 : i32
          %add3A_232 = arith.addi %select_n3A, %add3A_231 : i32
          %add3A_233 = arith.constant 1 : i32
          %add3A_234 = arith.addi %select_n3A, %add3A_233 : i32
          %rem3A_235 = arith.constant 2 : i32
          %rem3A_236 = arith.remsi %add3A_234, %rem3A_235 : i32
          %mul3A_237 = arith.constant 16 : i32
          %mul3A_238 = arith.muli %add3A_232, %mul3A_237 : i32
          %dma_start3A_239 = arith.constant 0 : i32
          %dma_start3A_240 = arith.constant 0 : i32
          %dma_start3A_241 = tpu.memref_slice %arg8[%rem3A_236, %dma_start3A_239, %dma_start3A_240] : memref<2x24x128xi32, #tpu.memory_space<vmem>> -> memref<1x24x128xi32, #tpu.memory_space<vmem>>
          %dma_start3A_242 = tpu.memref_squeeze %dma_start3A_241 : memref<1x24x128xi32, #tpu.memory_space<vmem>> -> memref<24x128xi32, #tpu.memory_space<vmem>>
          %dma_start3A_243 = arith.constant 0 : i32
          %dma_start3A_244 = arith.constant 0 : i32
          %dma_start3A_245 = tpu.memref_slice %dma_start3A_242[%dma_start3A_243, %dma_start3A_244] : memref<24x128xi32, #tpu.memory_space<vmem>> -> memref<16x128xi32, #tpu.memory_space<vmem>>
          %dma_start3A_246 = arith.constant 0 : i32
          %dma_start3A_247 = arith.constant 0 : i32
          %dma_start3A_248 = tpu.memref_slice %arg5[%arg1, %dma_start3A_246, %dma_start3A_247] : memref<16x16x128xi32, #tpu.memory_space<hbm>> -> memref<1x16x128xi32, #tpu.memory_space<hbm>>
          %dma_start3A_249 = tpu.memref_squeeze %dma_start3A_248 : memref<1x16x128xi32, #tpu.memory_space<hbm>> -> memref<16x128xi32, #tpu.memory_space<hbm>>
          %dma_start3A_250 = arith.constant 0 : i32
          %dma_start3A_251 = tpu.memref_slice %dma_start3A_249[%mul3A_238, %dma_start3A_250] : memref<16x128xi32, #tpu.memory_space<hbm>> -> memref<16x128xi32, #tpu.memory_space<hbm>>
          %dma_start3A_252 = arith.constant 0 : i32
          %dma_start3A_253 = arith.constant 0 : i32
          %dma_start3A_254 = tpu.memref_slice %arg8[%rem3A_236, %dma_start3A_252, %dma_start3A_253] : memref<2x24x128xi32, #tpu.memory_space<vmem>> -> memref<1x24x128xi32, #tpu.memory_space<vmem>>
          %dma_start3A_255 = tpu.memref_squeeze %dma_start3A_254 : memref<1x24x128xi32, #tpu.memory_space<vmem>> -> memref<24x128xi32, #tpu.memory_space<vmem>>
          %dma_start3A_256 = arith.constant 0 : i32
          %dma_start3A_257 = arith.constant 0 : i32
          %dma_start3A_258 = tpu.memref_slice %dma_start3A_255[%dma_start3A_256, %dma_start3A_257] : memref<24x128xi32, #tpu.memory_space<vmem>> -> memref<16x128xi32, #tpu.memory_space<vmem>>
          %dma_start3A_259 = arith.constant 0 : i32
          %dma_start3A_260 = arith.constant 0 : i32
          %dma_start3A_261 = tpu.memref_slice %arg5[%arg1, %dma_start3A_259, %dma_start3A_260] : memref<16x16x128xi32, #tpu.memory_space<hbm>> -> memref<1x16x128xi32, #tpu.memory_space<hbm>>
          %dma_start3A_262 = tpu.memref_squeeze %dma_start3A_261 : memref<1x16x128xi32, #tpu.memory_space<hbm>> -> memref<16x128xi32, #tpu.memory_space<hbm>>
          %dma_start3A_263 = arith.constant 0 : i32
          %dma_start3A_264 = tpu.memref_slice %dma_start3A_262[%mul3A_238, %dma_start3A_263] : memref<16x128xi32, #tpu.memory_space<hbm>> -> memref<16x128xi32, #tpu.memory_space<hbm>>
          tpu.enqueue_dma source(%dma_start3A_264 : memref<16x128xi32, #tpu.memory_space<hbm>>) target(%dma_start3A_258 : memref<16x128xi32, #tpu.memory_space<vmem>>) target_semaphore(%arg12 : memref<!tpu.dma_semaphore, #tpu.memory_space<semaphore_mem>>)
          %mul3A_265 = arith.constant 16 : i32
          %mul3A_266 = arith.muli %add3A_232, %mul3A_265 : i32
          %dma_start3A_267 = arith.constant 0 : i32
          %dma_start3A_268 = arith.constant 0 : i32
          %dma_start3A_269 = tpu.memref_slice %arg9[%rem3A_236, %dma_start3A_267, %dma_start3A_268] : memref<2x24x128xi32, #tpu.memory_space<vmem>> -> memref<1x24x128xi32, #tpu.memory_space<vmem>>
          %dma_start3A_270 = tpu.memref_squeeze %dma_start3A_269 : memref<1x24x128xi32, #tpu.memory_space<vmem>> -> memref<24x128xi32, #tpu.memory_space<vmem>>
          %dma_start3A_271 = arith.constant 0 : i32
          %dma_start3A_272 = arith.constant 0 : i32
          %dma_start3A_273 = tpu.memref_slice %dma_start3A_270[%dma_start3A_271, %dma_start3A_272] : memref<24x128xi32, #tpu.memory_space<vmem>> -> memref<16x128xi32, #tpu.memory_space<vmem>>
          %dma_start3A_274 = arith.constant 0 : i32
          %dma_start3A_275 = arith.constant 0 : i32
          %dma_start3A_276 = tpu.memref_slice %arg6[%arg1, %dma_start3A_274, %dma_start3A_275] : memref<16x16x128xi32, #tpu.memory_space<hbm>> -> memref<1x16x128xi32, #tpu.memory_space<hbm>>
          %dma_start3A_277 = tpu.memref_squeeze %dma_start3A_276 : memref<1x16x128xi32, #tpu.memory_space<hbm>> -> memref<16x128xi32, #tpu.memory_space<hbm>>
          %dma_start3A_278 = arith.constant 0 : i32
          %dma_start3A_279 = tpu.memref_slice %dma_start3A_277[%mul3A_266, %dma_start3A_278] : memref<16x128xi32, #tpu.memory_space<hbm>> -> memref<16x128xi32, #tpu.memory_space<hbm>>
          %dma_start3A_280 = arith.constant 0 : i32
          %dma_start3A_281 = arith.constant 0 : i32
          %dma_start3A_282 = tpu.memref_slice %arg9[%rem3A_236, %dma_start3A_280, %dma_start3A_281] : memref<2x24x128xi32, #tpu.memory_space<vmem>> -> memref<1x24x128xi32, #tpu.memory_space<vmem>>
          %dma_start3A_283 = tpu.memref_squeeze %dma_start3A_282 : memref<1x24x128xi32, #tpu.memory_space<vmem>> -> memref<24x128xi32, #tpu.memory_space<vmem>>
          %dma_start3A_284 = arith.constant 0 : i32
          %dma_start3A_285 = arith.constant 0 : i32
          %dma_start3A_286 = tpu.memref_slice %dma_start3A_283[%dma_start3A_284, %dma_start3A_285] : memref<24x128xi32, #tpu.memory_space<vmem>> -> memref<16x128xi32, #tpu.memory_space<vmem>>
          %dma_start3A_287 = arith.constant 0 : i32
          %dma_start3A_288 = arith.constant 0 : i32
          %dma_start3A_289 = tpu.memref_slice %arg6[%arg1, %dma_start3A_287, %dma_start3A_288] : memref<16x16x128xi32, #tpu.memory_space<hbm>> -> memref<1x16x128xi32, #tpu.memory_space<hbm>>
          %dma_start3A_290 = tpu.memref_squeeze %dma_start3A_289 : memref<1x16x128xi32, #tpu.memory_space<hbm>> -> memref<16x128xi32, #tpu.memory_space<hbm>>
          %dma_start3A_291 = arith.constant 0 : i32
          %dma_start3A_292 = tpu.memref_slice %dma_start3A_290[%mul3A_266, %dma_start3A_291] : memref<16x128xi32, #tpu.memory_space<hbm>> -> memref<16x128xi32, #tpu.memory_space<hbm>>
          tpu.enqueue_dma source(%dma_start3A_292 : memref<16x128xi32, #tpu.memory_space<hbm>>) target(%dma_start3A_286 : memref<16x128xi32, #tpu.memory_space<vmem>>) target_semaphore(%arg13 : memref<!tpu.dma_semaphore, #tpu.memory_space<semaphore_mem>>)
        } else {
        }
        %eq3A_158 = arith.constant 14 : i32
        %eq3A_159 = arith.cmpi eq, %rem3A_146, %eq3A_158 : i32
        %add3A_160 = arith.constant 1 : i32
        %add3A_161 = arith.addi %select_n3A, %add3A_160 : i32
        %lt3A_162 = arith.constant 1 : i32
        %lt3A_163 = arith.cmpi slt, %add3A_161, %lt3A_162 : i32
        %and3A_164 = arith.andi %eq3A_159, %lt3A_163 : i1
        %convert_element_type3A_165 = arith.extui %and3A_164 : i1 to i32
        %cond3A_166 = arith.constant 0 : i32
        %cond3A_167 = arith.cmpi ne, %convert_element_type3A_165, %cond3A_166 : i32
        scf.if %cond3A_167 {
          %add3A_231 = arith.constant 1 : i32
          %add3A_232 = arith.addi %select_n3A, %add3A_231 : i32
          %add3A_233 = arith.constant 1 : i32
          %add3A_234 = arith.addi %select_n3A, %add3A_233 : i32
          %rem3A_235 = arith.constant 2 : i32
          %rem3A_236 = arith.remsi %add3A_234, %rem3A_235 : i32
          %mul3A_237 = arith.constant 16 : i32
          %mul3A_238 = arith.muli %add3A_232, %mul3A_237 : i32
          %dma_wait3A_239 = arith.constant 0 : i32
          %dma_wait3A_240 = arith.constant 0 : i32
          %dma_wait3A_241 = tpu.memref_slice %arg8[%rem3A_236, %dma_wait3A_239, %dma_wait3A_240] : memref<2x24x128xi32, #tpu.memory_space<vmem>> -> memref<1x24x128xi32, #tpu.memory_space<vmem>>
          %dma_wait3A_242 = tpu.memref_squeeze %dma_wait3A_241 : memref<1x24x128xi32, #tpu.memory_space<vmem>> -> memref<24x128xi32, #tpu.memory_space<vmem>>
          %dma_wait3A_243 = arith.constant 0 : i32
          %dma_wait3A_244 = arith.constant 0 : i32
          %dma_wait3A_245 = tpu.memref_slice %dma_wait3A_242[%dma_wait3A_243, %dma_wait3A_244] : memref<24x128xi32, #tpu.memory_space<vmem>> -> memref<16x128xi32, #tpu.memory_space<vmem>>
          %dma_wait3A_246 = arith.constant 0 : i32
          %dma_wait3A_247 = arith.constant 0 : i32
          %dma_wait3A_248 = tpu.memref_slice %arg5[%arg1, %dma_wait3A_246, %dma_wait3A_247] : memref<16x16x128xi32, #tpu.memory_space<hbm>> -> memref<1x16x128xi32, #tpu.memory_space<hbm>>
          %dma_wait3A_249 = tpu.memref_squeeze %dma_wait3A_248 : memref<1x16x128xi32, #tpu.memory_space<hbm>> -> memref<16x128xi32, #tpu.memory_space<hbm>>
          %dma_wait3A_250 = arith.constant 0 : i32
          %dma_wait3A_251 = tpu.memref_slice %dma_wait3A_249[%mul3A_238, %dma_wait3A_250] : memref<16x128xi32, #tpu.memory_space<hbm>> -> memref<16x128xi32, #tpu.memory_space<hbm>>
          %dma_wait3A_252 = arith.constant 0 : i32
          %dma_wait3A_253 = arith.constant 0 : i32
          %dma_wait3A_254 = tpu.memref_slice %arg8[%rem3A_236, %dma_wait3A_252, %dma_wait3A_253] : memref<2x24x128xi32, #tpu.memory_space<vmem>> -> memref<1x24x128xi32, #tpu.memory_space<vmem>>
          %dma_wait3A_255 = tpu.memref_squeeze %dma_wait3A_254 : memref<1x24x128xi32, #tpu.memory_space<vmem>> -> memref<24x128xi32, #tpu.memory_space<vmem>>
          %dma_wait3A_256 = arith.constant 0 : i32
          %dma_wait3A_257 = arith.constant 0 : i32
          %dma_wait3A_258 = tpu.memref_slice %dma_wait3A_255[%dma_wait3A_256, %dma_wait3A_257] : memref<24x128xi32, #tpu.memory_space<vmem>> -> memref<16x128xi32, #tpu.memory_space<vmem>>
          %dma_wait3A_259 = arith.constant 0 : i32
          %dma_wait3A_260 = arith.constant 0 : i32
          %dma_wait3A_261 = tpu.memref_slice %arg5[%arg1, %dma_wait3A_259, %dma_wait3A_260] : memref<16x16x128xi32, #tpu.memory_space<hbm>> -> memref<1x16x128xi32, #tpu.memory_space<hbm>>
          %dma_wait3A_262 = tpu.memref_squeeze %dma_wait3A_261 : memref<1x16x128xi32, #tpu.memory_space<hbm>> -> memref<16x128xi32, #tpu.memory_space<hbm>>
          %dma_wait3A_263 = arith.constant 0 : i32
          %dma_wait3A_264 = tpu.memref_slice %dma_wait3A_262[%mul3A_238, %dma_wait3A_263] : memref<16x128xi32, #tpu.memory_space<hbm>> -> memref<16x128xi32, #tpu.memory_space<hbm>>
          tpu.wait_dma2 semaphore(%arg12 : memref<!tpu.dma_semaphore, #tpu.memory_space<semaphore_mem>>) src(%dma_wait3A_264 : memref<16x128xi32, #tpu.memory_space<hbm>>) dst(%dma_wait3A_258 : memref<16x128xi32, #tpu.memory_space<vmem>>)
          %mul3A_265 = arith.constant 16 : i32
          %mul3A_266 = arith.muli %add3A_232, %mul3A_265 : i32
          %dma_wait3A_267 = arith.constant 0 : i32
          %dma_wait3A_268 = arith.constant 0 : i32
          %dma_wait3A_269 = tpu.memref_slice %arg9[%rem3A_236, %dma_wait3A_267, %dma_wait3A_268] : memref<2x24x128xi32, #tpu.memory_space<vmem>> -> memref<1x24x128xi32, #tpu.memory_space<vmem>>
          %dma_wait3A_270 = tpu.memref_squeeze %dma_wait3A_269 : memref<1x24x128xi32, #tpu.memory_space<vmem>> -> memref<24x128xi32, #tpu.memory_space<vmem>>
          %dma_wait3A_271 = arith.constant 0 : i32
          %dma_wait3A_272 = arith.constant 0 : i32
          %dma_wait3A_273 = tpu.memref_slice %dma_wait3A_270[%dma_wait3A_271, %dma_wait3A_272] : memref<24x128xi32, #tpu.memory_space<vmem>> -> memref<16x128xi32, #tpu.memory_space<vmem>>
          %dma_wait3A_274 = arith.constant 0 : i32
          %dma_wait3A_275 = arith.constant 0 : i32
          %dma_wait3A_276 = tpu.memref_slice %arg6[%arg1, %dma_wait3A_274, %dma_wait3A_275] : memref<16x16x128xi32, #tpu.memory_space<hbm>> -> memref<1x16x128xi32, #tpu.memory_space<hbm>>
          %dma_wait3A_277 = tpu.memref_squeeze %dma_wait3A_276 : memref<1x16x128xi32, #tpu.memory_space<hbm>> -> memref<16x128xi32, #tpu.memory_space<hbm>>
          %dma_wait3A_278 = arith.constant 0 : i32
          %dma_wait3A_279 = tpu.memref_slice %dma_wait3A_277[%mul3A_266, %dma_wait3A_278] : memref<16x128xi32, #tpu.memory_space<hbm>> -> memref<16x128xi32, #tpu.memory_space<hbm>>
          %dma_wait3A_280 = arith.constant 0 : i32
          %dma_wait3A_281 = arith.constant 0 : i32
          %dma_wait3A_282 = tpu.memref_slice %arg9[%rem3A_236, %dma_wait3A_280, %dma_wait3A_281] : memref<2x24x128xi32, #tpu.memory_space<vmem>> -> memref<1x24x128xi32, #tpu.memory_space<vmem>>
          %dma_wait3A_283 = tpu.memref_squeeze %dma_wait3A_282 : memref<1x24x128xi32, #tpu.memory_space<vmem>> -> memref<24x128xi32, #tpu.memory_space<vmem>>
          %dma_wait3A_284 = arith.constant 0 : i32
          %dma_wait3A_285 = arith.constant 0 : i32
          %dma_wait3A_286 = tpu.memref_slice %dma_wait3A_283[%dma_wait3A_284, %dma_wait3A_285] : memref<24x128xi32, #tpu.memory_space<vmem>> -> memref<16x128xi32, #tpu.memory_space<vmem>>
          %dma_wait3A_287 = arith.constant 0 : i32
          %dma_wait3A_288 = arith.constant 0 : i32
          %dma_wait3A_289 = tpu.memref_slice %arg6[%arg1, %dma_wait3A_287, %dma_wait3A_288] : memref<16x16x128xi32, #tpu.memory_space<hbm>> -> memref<1x16x128xi32, #tpu.memory_space<hbm>>
          %dma_wait3A_290 = tpu.memref_squeeze %dma_wait3A_289 : memref<1x16x128xi32, #tpu.memory_space<hbm>> -> memref<16x128xi32, #tpu.memory_space<hbm>>
          %dma_wait3A_291 = arith.constant 0 : i32
          %dma_wait3A_292 = tpu.memref_slice %dma_wait3A_290[%mul3A_266, %dma_wait3A_291] : memref<16x128xi32, #tpu.memory_space<hbm>> -> memref<16x128xi32, #tpu.memory_space<hbm>>
          tpu.wait_dma2 semaphore(%arg13 : memref<!tpu.dma_semaphore, #tpu.memory_space<semaphore_mem>>) src(%dma_wait3A_292 : memref<16x128xi32, #tpu.memory_space<hbm>>) dst(%dma_wait3A_286 : memref<16x128xi32, #tpu.memory_space<vmem>>)
        } else {
        }
        %add3A_168 = arith.constant 0 : i32
        %add3A_169 = arith.addi %rem3A_146, %add3A_168 : i32
        %dma_wait3A_170 = arith.constant 0 : i32
        %dma_wait3A_171 = tpu.memref_slice %arg8[%rem3A_148, %add3A_169, %dma_wait3A_170] : memref<2x24x128xi32, #tpu.memory_space<vmem>> -> memref<1x1x128xi32, #tpu.memory_space<vmem>>
        %dma_wait3A_172 = tpu.memref_squeeze %dma_wait3A_171 : memref<1x1x128xi32, #tpu.memory_space<vmem>> -> memref<128xi32, #tpu.memory_space<vmem>>
        %dma_wait3A_173 = arith.constant 0 : i32
        %dma_wait3A_174 = arith.constant 0 : i32
        %dma_wait3A_175 = tpu.memref_slice %arg2[%dma_wait3A_173, %dma_wait3A_174] : memref<10000x128xf32, #tpu.memory_space<hbm>> -> memref<10000x128xf32, #tpu.memory_space<hbm>>
        tpu.wait_indirect_dma semaphore(%arg14 : memref<!tpu.dma_semaphore, #tpu.memory_space<semaphore_mem>>) src(%dma_wait3A_175 : memref<10000x128xf32, #tpu.memory_space<hbm>>) dst(%arg10 : memref<128x128xf32, #tpu.memory_space<vmem>>)
        %add3A_176 = arith.constant 0 : i32
        %add3A_177 = arith.addi %rem3A_146, %add3A_176 : i32
        %dma_start3A_178 = arith.constant 0 : i32
        %dma_start3A_179 = tpu.memref_slice %arg9[%rem3A_148, %add3A_177, %dma_start3A_178] : memref<2x24x128xi32, #tpu.memory_space<vmem>> -> memref<1x1x128xi32, #tpu.memory_space<vmem>>
        %dma_start3A_180 = tpu.memref_squeeze %dma_start3A_179 : memref<1x1x128xi32, #tpu.memory_space<vmem>> -> memref<128xi32, #tpu.memory_space<vmem>>
        %dma_start3A_181 = arith.constant 0 : i32
        %dma_start3A_182 = arith.constant 0 : i32
        %dma_start3A_183 = tpu.memref_slice %arg18[%dma_start3A_181, %dma_start3A_182] : memref<10240x128xf32, #tpu.memory_space<vmem_shared>> -> memref<10240x128xf32, #tpu.memory_space<vmem_shared>>
        tpu.enqueue_indirect_dma source(%arg10 : memref<128x128xf32, #tpu.memory_space<vmem>>) target(%dma_start3A_183 : memref<10240x128xf32, #tpu.memory_space<vmem_shared>>) offsets(%dma_start3A_180 : memref<128xi32, #tpu.memory_space<vmem>>) semaphore(%arg16 : memref<!tpu.dma_semaphore, #tpu.memory_space<semaphore_mem>>) {add = true}
        %add3A_184 = arith.constant 1 : i32
        %add3A_185 = arith.addi %rem3A_146, %add3A_184 : i32
        %dma_wait3A_186 = arith.constant 0 : i32
        %dma_wait3A_187 = tpu.memref_slice %arg8[%rem3A_148, %add3A_185, %dma_wait3A_186] : memref<2x24x128xi32, #tpu.memory_space<vmem>> -> memref<1x1x128xi32, #tpu.memory_space<vmem>>
        %dma_wait3A_188 = tpu.memref_squeeze %dma_wait3A_187 : memref<1x1x128xi32, #tpu.memory_space<vmem>> -> memref<128xi32, #tpu.memory_space<vmem>>
        %dma_wait3A_189 = arith.constant 0 : i32
        %dma_wait3A_190 = arith.constant 0 : i32
        %dma_wait3A_191 = tpu.memref_slice %arg2[%dma_wait3A_189, %dma_wait3A_190] : memref<10000x128xf32, #tpu.memory_space<hbm>> -> memref<10000x128xf32, #tpu.memory_space<hbm>>
        tpu.wait_indirect_dma semaphore(%arg15 : memref<!tpu.dma_semaphore, #tpu.memory_space<semaphore_mem>>) src(%dma_wait3A_191 : memref<10000x128xf32, #tpu.memory_space<hbm>>) dst(%arg11 : memref<128x128xf32, #tpu.memory_space<vmem>>)
        %add3A_192 = arith.constant 1 : i32
        %add3A_193 = arith.addi %rem3A_146, %add3A_192 : i32
        %dma_start3A_194 = arith.constant 0 : i32
        %dma_start3A_195 = tpu.memref_slice %arg9[%rem3A_148, %add3A_193, %dma_start3A_194] : memref<2x24x128xi32, #tpu.memory_space<vmem>> -> memref<1x1x128xi32, #tpu.memory_space<vmem>>
        %dma_start3A_196 = tpu.memref_squeeze %dma_start3A_195 : memref<1x1x128xi32, #tpu.memory_space<vmem>> -> memref<128xi32, #tpu.memory_space<vmem>>
        %dma_start3A_197 = arith.constant 0 : i32
        %dma_start3A_198 = arith.constant 0 : i32
        %dma_start3A_199 = tpu.memref_slice %arg18[%dma_start3A_197, %dma_start3A_198] : memref<10240x128xf32, #tpu.memory_space<vmem_shared>> -> memref<10240x128xf32, #tpu.memory_space<vmem_shared>>
        tpu.enqueue_indirect_dma source(%arg11 : memref<128x128xf32, #tpu.memory_space<vmem>>) target(%dma_start3A_199 : memref<10240x128xf32, #tpu.memory_space<vmem_shared>>) offsets(%dma_start3A_196 : memref<128xi32, #tpu.memory_space<vmem>>) semaphore(%arg17 : memref<!tpu.dma_semaphore, #tpu.memory_space<semaphore_mem>>) {add = true}
        %dma_wait3A_200 = arith.constant 0 : i32
        %dma_wait3A_201 = tpu.memref_slice %arg9[%rem3A_148, %add3A_177, %dma_wait3A_200] : memref<2x24x128xi32, #tpu.memory_space<vmem>> -> memref<1x1x128xi32, #tpu.memory_space<vmem>>
        %dma_wait3A_202 = tpu.memref_squeeze %dma_wait3A_201 : memref<1x1x128xi32, #tpu.memory_space<vmem>> -> memref<128xi32, #tpu.memory_space<vmem>>
        %dma_wait3A_203 = arith.constant 0 : i32
        %dma_wait3A_204 = arith.constant 0 : i32
        %dma_wait3A_205 = tpu.memref_slice %arg18[%dma_wait3A_203, %dma_wait3A_204] : memref<10240x128xf32, #tpu.memory_space<vmem_shared>> -> memref<10240x128xf32, #tpu.memory_space<vmem_shared>>
        tpu.wait_indirect_dma semaphore(%arg16 : memref<!tpu.dma_semaphore, #tpu.memory_space<semaphore_mem>>) src(%arg10 : memref<128x128xf32, #tpu.memory_space<vmem>>) dst(%dma_wait3A_205 : memref<10240x128xf32, #tpu.memory_space<vmem_shared>>)
        %add3A_206 = arith.constant 0 : i32
        %add3A_207 = arith.addi %mul3A_128, %add3A_206 : i32
        %add3A_208 = arith.constant 2 : i32
        %add3A_209 = arith.addi %add3A_207, %add3A_208 : i32
        %lt3A_210 = arith.constant 16 : i32
        %lt3A_211 = arith.cmpi slt, %add3A_209, %lt3A_210 : i32
        %convert_element_type3A_212 = arith.extui %lt3A_211 : i1 to i32
        %cond3A_213 = arith.constant 0 : i32
        %cond3A_214 = arith.cmpi ne, %convert_element_type3A_212, %cond3A_213 : i32
        scf.if %cond3A_214 {
          %jit3A_231 = arith.constant 16 : i32
          %div3A_232 = arith.divsi %add3A_209, %jit3A_231 : i32
          %sign3A_233 = arith.constant 0 : i32
          %sign3A_234 = arith.cmpi sgt, %add3A_209, %sign3A_233 : i32
          %sign3A_235 = arith.extui %sign3A_234 : i1 to i32
          %sign3A_236 = arith.constant 0 : i32
          %sign3A_237 = arith.cmpi slt, %add3A_209, %sign3A_236 : i32
          %sign3A_238 = arith.extui %sign3A_237 : i1 to i32
          %sign3A_239 = arith.subi %sign3A_235, %sign3A_238 : i32
          %sign3A_240 = arith.constant 0 : i32
          %sign3A_241 = arith.cmpi sgt, %jit3A_231, %sign3A_240 : i32
          %sign3A_242 = arith.extui %sign3A_241 : i1 to i32
          %sign3A_243 = arith.constant 0 : i32
          %sign3A_244 = arith.cmpi slt, %jit3A_231, %sign3A_243 : i32
          %sign3A_245 = arith.extui %sign3A_244 : i1 to i32
          %sign3A_246 = arith.subi %sign3A_242, %sign3A_245 : i32
          %ne3A_247 = arith.cmpi ne, %sign3A_239, %sign3A_246 : i32
          %rem3A_248 = arith.remsi %add3A_209, %jit3A_231 : i32
          %ne3A_249 = arith.constant 0 : i32
          %ne3A_250 = arith.cmpi ne, %rem3A_248, %ne3A_249 : i32
          %and3A_251 = arith.andi %ne3A_247, %ne3A_250 : i1
          %sub3A_252 = arith.constant 1 : i32
          %sub3A_253 = arith.subi %div3A_232, %sub3A_252 : i32
          %select_n3A_254 = arith.select %and3A_251, %sub3A_253, %div3A_232 : i32
          %rem3A_255 = arith.constant 2 : i32
          %rem3A_256 = arith.remsi %select_n3A_254, %rem3A_255 : i32
          %rem3A_257 = arith.constant 16 : i32
          %rem3A_258 = arith.remsi %add3A_209, %rem3A_257 : i32
          %dma_start3A_259 = arith.constant 0 : i32
          %dma_start3A_260 = tpu.memref_slice %arg8[%rem3A_256, %rem3A_258, %dma_start3A_259] : memref<2x24x128xi32, #tpu.memory_space<vmem>> -> memref<1x1x128xi32, #tpu.memory_space<vmem>>
          %dma_start3A_261 = tpu.memref_squeeze %dma_start3A_260 : memref<1x1x128xi32, #tpu.memory_space<vmem>> -> memref<128xi32, #tpu.memory_space<vmem>>
          %dma_start3A_262 = arith.constant 0 : i32
          %dma_start3A_263 = arith.constant 0 : i32
          %dma_start3A_264 = tpu.memref_slice %arg2[%dma_start3A_262, %dma_start3A_263] : memref<10000x128xf32, #tpu.memory_space<hbm>> -> memref<10000x128xf32, #tpu.memory_space<hbm>>
          tpu.enqueue_indirect_dma source(%dma_start3A_264 : memref<10000x128xf32, #tpu.memory_space<hbm>>) target(%arg10 : memref<128x128xf32, #tpu.memory_space<vmem>>) offsets(%dma_start3A_261 : memref<128xi32, #tpu.memory_space<vmem>>) semaphore(%arg14 : memref<!tpu.dma_semaphore, #tpu.memory_space<semaphore_mem>>)
        } else {
        }
        %dma_wait3A_215 = arith.constant 0 : i32
        %dma_wait3A_216 = tpu.memref_slice %arg9[%rem3A_148, %add3A_193, %dma_wait3A_215] : memref<2x24x128xi32, #tpu.memory_space<vmem>> -> memref<1x1x128xi32, #tpu.memory_space<vmem>>
        %dma_wait3A_217 = tpu.memref_squeeze %dma_wait3A_216 : memref<1x1x128xi32, #tpu.memory_space<vmem>> -> memref<128xi32, #tpu.memory_space<vmem>>
        %dma_wait3A_218 = arith.constant 0 : i32
        %dma_wait3A_219 = arith.constant 0 : i32
        %dma_wait3A_220 = tpu.memref_slice %arg18[%dma_wait3A_218, %dma_wait3A_219] : memref<10240x128xf32, #tpu.memory_space<vmem_shared>> -> memref<10240x128xf32, #tpu.memory_space<vmem_shared>>
        tpu.wait_indirect_dma semaphore(%arg17 : memref<!tpu.dma_semaphore, #tpu.memory_space<semaphore_mem>>) src(%arg11 : memref<128x128xf32, #tpu.memory_space<vmem>>) dst(%dma_wait3A_220 : memref<10240x128xf32, #tpu.memory_space<vmem_shared>>)
        %add3A_221 = arith.constant 1 : i32
        %add3A_222 = arith.addi %mul3A_128, %add3A_221 : i32
        %add3A_223 = arith.constant 2 : i32
        %add3A_224 = arith.addi %add3A_222, %add3A_223 : i32
        %lt3A_225 = arith.constant 16 : i32
        %lt3A_226 = arith.cmpi slt, %add3A_224, %lt3A_225 : i32
        %convert_element_type3A_227 = arith.extui %lt3A_226 : i1 to i32
        %cond3A_228 = arith.constant 0 : i32
        %cond3A_229 = arith.cmpi ne, %convert_element_type3A_227, %cond3A_228 : i32
        scf.if %cond3A_229 {
          %jit3A_231 = arith.constant 16 : i32
          %div3A_232 = arith.divsi %add3A_224, %jit3A_231 : i32
          %sign3A_233 = arith.constant 0 : i32
          %sign3A_234 = arith.cmpi sgt, %add3A_224, %sign3A_233 : i32
          %sign3A_235 = arith.extui %sign3A_234 : i1 to i32
          %sign3A_236 = arith.constant 0 : i32
          %sign3A_237 = arith.cmpi slt, %add3A_224, %sign3A_236 : i32
          %sign3A_238 = arith.extui %sign3A_237 : i1 to i32
          %sign3A_239 = arith.subi %sign3A_235, %sign3A_238 : i32
          %sign3A_240 = arith.constant 0 : i32
          %sign3A_241 = arith.cmpi sgt, %jit3A_231, %sign3A_240 : i32
          %sign3A_242 = arith.extui %sign3A_241 : i1 to i32
          %sign3A_243 = arith.constant 0 : i32
          %sign3A_244 = arith.cmpi slt, %jit3A_231, %sign3A_243 : i32
          %sign3A_245 = arith.extui %sign3A_244 : i1 to i32
          %sign3A_246 = arith.subi %sign3A_242, %sign3A_245 : i32
          %ne3A_247 = arith.cmpi ne, %sign3A_239, %sign3A_246 : i32
          %rem3A_248 = arith.remsi %add3A_224, %jit3A_231 : i32
          %ne3A_249 = arith.constant 0 : i32
          %ne3A_250 = arith.cmpi ne, %rem3A_248, %ne3A_249 : i32
          %and3A_251 = arith.andi %ne3A_247, %ne3A_250 : i1
          %sub3A_252 = arith.constant 1 : i32
          %sub3A_253 = arith.subi %div3A_232, %sub3A_252 : i32
          %select_n3A_254 = arith.select %and3A_251, %sub3A_253, %div3A_232 : i32
          %rem3A_255 = arith.constant 2 : i32
          %rem3A_256 = arith.remsi %select_n3A_254, %rem3A_255 : i32
          %rem3A_257 = arith.constant 16 : i32
          %rem3A_258 = arith.remsi %add3A_224, %rem3A_257 : i32
          %dma_start3A_259 = arith.constant 0 : i32
          %dma_start3A_260 = tpu.memref_slice %arg8[%rem3A_256, %rem3A_258, %dma_start3A_259] : memref<2x24x128xi32, #tpu.memory_space<vmem>> -> memref<1x1x128xi32, #tpu.memory_space<vmem>>
          %dma_start3A_261 = tpu.memref_squeeze %dma_start3A_260 : memref<1x1x128xi32, #tpu.memory_space<vmem>> -> memref<128xi32, #tpu.memory_space<vmem>>
          %dma_start3A_262 = arith.constant 0 : i32
          %dma_start3A_263 = arith.constant 0 : i32
          %dma_start3A_264 = tpu.memref_slice %arg2[%dma_start3A_262, %dma_start3A_263] : memref<10000x128xf32, #tpu.memory_space<hbm>> -> memref<10000x128xf32, #tpu.memory_space<hbm>>
          tpu.enqueue_indirect_dma source(%dma_start3A_264 : memref<10000x128xf32, #tpu.memory_space<hbm>>) target(%arg11 : memref<128x128xf32, #tpu.memory_space<vmem>>) offsets(%dma_start3A_261 : memref<128xi32, #tpu.memory_space<vmem>>) semaphore(%arg15 : memref<!tpu.dma_semaphore, #tpu.memory_space<semaphore_mem>>)
        } else {
        }
        %scan3A_230 = arith.constant 0 : i32
        scf.yield %scan3A_230 : i32
      }
      %scan3A_124 = arith.constant 8 : i32
    } else {
    }
    %barrier3A_41 = arith.constant 0 : index
    tpu.barrier barrier_id(%barrier3A_41)
    %mul3A_42 = arith.constant 640 : i32
    %mul3A_43 = arith.muli %arg1, %mul3A_42 : i32
    %mul3A_44 = arith.constant 640 : i32
    %mul3A_45 = arith.muli %arg1, %mul3A_44 : i32
    "tpu.region"() ({
      %run_scoped3A = tpu.sem_alloc : memref<!tpu.dma_semaphore, #tpu.memory_space<semaphore_mem>>
      %dma_start3A = arith.constant 0 : i32
      %dma_start3A_46 = arith.constant 0 : i32
      %dma_start3A_47 = tpu.memref_slice %arg7[%arg0, %dma_start3A, %dma_start3A_46] : memref<2x10240x128xf32, #tpu.memory_space<hbm>> -> memref<1x10240x128xf32, #tpu.memory_space<hbm>>
      %dma_start3A_48 = tpu.memref_squeeze %dma_start3A_47 : memref<1x10240x128xf32, #tpu.memory_space<hbm>> -> memref<10240x128xf32, #tpu.memory_space<hbm>>
      %dma_start3A_49 = arith.constant 0 : i32
      %dma_start3A_50 = tpu.memref_slice %dma_start3A_48[%mul3A_45, %dma_start3A_49] : memref<10240x128xf32, #tpu.memory_space<hbm>> -> memref<640x128xf32, #tpu.memory_space<hbm>>
      %dma_start3A_51 = arith.constant 0 : i32
      %dma_start3A_52 = tpu.memref_slice %arg18[%mul3A_43, %dma_start3A_51] : memref<10240x128xf32, #tpu.memory_space<vmem_shared>> -> memref<640x128xf32, #tpu.memory_space<vmem_shared>>
      tpu.enqueue_dma source(%dma_start3A_52 : memref<640x128xf32, #tpu.memory_space<vmem_shared>>) target(%dma_start3A_50 : memref<640x128xf32, #tpu.memory_space<hbm>>) target_semaphore(%run_scoped3A : memref<!tpu.dma_semaphore, #tpu.memory_space<semaphore_mem>>)
      %dma_wait3A = arith.constant 0 : i32
      %dma_wait3A_53 = arith.constant 0 : i32
      %dma_wait3A_54 = tpu.memref_slice %arg7[%arg0, %dma_wait3A, %dma_wait3A_53] : memref<2x10240x128xf32, #tpu.memory_space<hbm>> -> memref<1x10240x128xf32, #tpu.memory_space<hbm>>
      %dma_wait3A_55 = tpu.memref_squeeze %dma_wait3A_54 : memref<1x10240x128xf32, #tpu.memory_space<hbm>> -> memref<10240x128xf32, #tpu.memory_space<hbm>>
      %dma_wait3A_56 = arith.constant 0 : i32
      %dma_wait3A_57 = tpu.memref_slice %dma_wait3A_55[%mul3A_45, %dma_wait3A_56] : memref<10240x128xf32, #tpu.memory_space<hbm>> -> memref<640x128xf32, #tpu.memory_space<hbm>>
      %dma_wait3A_58 = arith.constant 0 : i32
      %dma_wait3A_59 = tpu.memref_slice %arg18[%mul3A_43, %dma_wait3A_58] : memref<10240x128xf32, #tpu.memory_space<vmem_shared>> -> memref<640x128xf32, #tpu.memory_space<vmem_shared>>
      tpu.wait_dma2 semaphore(%run_scoped3A : memref<!tpu.dma_semaphore, #tpu.memory_space<semaphore_mem>>) src(%dma_wait3A_59 : memref<640x128xf32, #tpu.memory_space<vmem_shared>>) dst(%dma_wait3A_57 : memref<640x128xf32, #tpu.memory_space<hbm>>)
      tpu.yield
    }) : () -> ()
    return
  }
}

#map = affine_map<(d0, d1) -> (0, 0, 0)>
module attributes {stable_mosaic.version = 14 : i64} {
  func.func @_deg_kernel(%arg0: i32, %arg1: i32, %arg2: memref<16x88x128xi32, #tpu.memory_space<hbm>>, %arg3: memref<16x72x128xi32, #tpu.memory_space<hbm>>, %arg4: memref<2x10240x128xf32, #tpu.memory_space<hbm>>, %arg5: memref<88x128xi32, #tpu.memory_space<vmem>>, %arg6: memref<128x128xf32, #tpu.memory_space<vmem>>, %arg7: memref<10240x128xf32, #tpu.memory_space<vmem_shared>>, %arg8: memref<!tpu.dma_semaphore, #tpu.memory_space<semaphore_mem>>, %arg9: memref<!tpu.dma_semaphore, #tpu.memory_space<semaphore_mem>>, %arg10: memref<!tpu.dma_semaphore, #tpu.memory_space<semaphore_mem>>, %arg11: memref<!tpu.dma_semaphore, #tpu.memory_space<semaphore_mem>>, %arg12: memref<!tpu.dma_semaphore, #tpu.memory_space<semaphore_mem>>, %arg13: memref<!tpu.dma_semaphore, #tpu.memory_space<semaphore_mem>>, %arg14: memref<!tpu.dma_semaphore, #tpu.memory_space<semaphore_mem>>, %arg15: memref<!tpu.dma_semaphore, #tpu.memory_space<semaphore_mem>>) attributes {dimension_semantics = [#tpu.dimension_semantics<core_parallel>, #tpu.dimension_semantics<subcore_parallel>], iteration_bounds = array<i64: 2, 16>, scalar_prefetch = 0 : i64, scratch_operands = 11 : i64, tpu.core_type = #tpu.core_type<sc_vector_subcore>, window_params = [{transform_indices = #map}, {transform_indices = #map}, {transform_indices = #map}]} {
    %eq3A = arith.constant 0 : i32
    %eq3A_0 = arith.cmpi eq, %arg0, %eq3A : i32
    %convert_element_type3A = arith.extui %eq3A_0 : i1 to i32
    %cond3A = arith.constant 0 : i32
    %cond3A_1 = arith.cmpi ne, %convert_element_type3A, %cond3A : i32
    scf.if %cond3A_1 {
      %dma_start3A = arith.constant 0 : i32
      %dma_start3A_63 = arith.constant 0 : i32
      %dma_start3A_64 = tpu.memref_slice %arg2[%arg1, %dma_start3A, %dma_start3A_63] : memref<16x88x128xi32, #tpu.memory_space<hbm>> -> memref<1x88x128xi32, #tpu.memory_space<hbm>>
      %dma_start3A_65 = tpu.memref_squeeze %dma_start3A_64 : memref<1x88x128xi32, #tpu.memory_space<hbm>> -> memref<88x128xi32, #tpu.memory_space<hbm>>
      %dma_start3A_66 = arith.constant 0 : i32
      %dma_start3A_67 = arith.constant 0 : i32
      %dma_start3A_68 = tpu.memref_slice %arg2[%arg1, %dma_start3A_66, %dma_start3A_67] : memref<16x88x128xi32, #tpu.memory_space<hbm>> -> memref<1x88x128xi32, #tpu.memory_space<hbm>>
      %dma_start3A_69 = tpu.memref_squeeze %dma_start3A_68 : memref<1x88x128xi32, #tpu.memory_space<hbm>> -> memref<88x128xi32, #tpu.memory_space<hbm>>
      tpu.enqueue_dma source(%dma_start3A_69 : memref<88x128xi32, #tpu.memory_space<hbm>>) target(%arg5 : memref<88x128xi32, #tpu.memory_space<vmem>>) target_semaphore(%arg8 : memref<!tpu.dma_semaphore, #tpu.memory_space<semaphore_mem>>)
    } else {
    }
    %eq3A_2 = arith.constant 1 : i32
    %eq3A_3 = arith.cmpi eq, %arg0, %eq3A_2 : i32
    %convert_element_type3A_4 = arith.extui %eq3A_3 : i1 to i32
    %cond3A_5 = arith.constant 0 : i32
    %cond3A_6 = arith.cmpi ne, %convert_element_type3A_4, %cond3A_5 : i32
    scf.if %cond3A_6 {
      %dma_start3A = arith.constant 0 : i32
      %dma_start3A_63 = arith.constant 0 : i32
      %dma_start3A_64 = tpu.memref_slice %arg5[%dma_start3A, %dma_start3A_63] : memref<88x128xi32, #tpu.memory_space<vmem>> -> memref<72x128xi32, #tpu.memory_space<vmem>>
      %dma_start3A_65 = arith.constant 0 : i32
      %dma_start3A_66 = arith.constant 0 : i32
      %dma_start3A_67 = tpu.memref_slice %arg3[%arg1, %dma_start3A_65, %dma_start3A_66] : memref<16x72x128xi32, #tpu.memory_space<hbm>> -> memref<1x72x128xi32, #tpu.memory_space<hbm>>
      %dma_start3A_68 = tpu.memref_squeeze %dma_start3A_67 : memref<1x72x128xi32, #tpu.memory_space<hbm>> -> memref<72x128xi32, #tpu.memory_space<hbm>>
      %dma_start3A_69 = arith.constant 0 : i32
      %dma_start3A_70 = arith.constant 0 : i32
      %dma_start3A_71 = tpu.memref_slice %arg5[%dma_start3A_69, %dma_start3A_70] : memref<88x128xi32, #tpu.memory_space<vmem>> -> memref<72x128xi32, #tpu.memory_space<vmem>>
      %dma_start3A_72 = arith.constant 0 : i32
      %dma_start3A_73 = arith.constant 0 : i32
      %dma_start3A_74 = tpu.memref_slice %arg3[%arg1, %dma_start3A_72, %dma_start3A_73] : memref<16x72x128xi32, #tpu.memory_space<hbm>> -> memref<1x72x128xi32, #tpu.memory_space<hbm>>
      %dma_start3A_75 = tpu.memref_squeeze %dma_start3A_74 : memref<1x72x128xi32, #tpu.memory_space<hbm>> -> memref<72x128xi32, #tpu.memory_space<hbm>>
      tpu.enqueue_dma source(%dma_start3A_75 : memref<72x128xi32, #tpu.memory_space<hbm>>) target(%dma_start3A_71 : memref<72x128xi32, #tpu.memory_space<vmem>>) target_semaphore(%arg8 : memref<!tpu.dma_semaphore, #tpu.memory_space<semaphore_mem>>)
    } else {
    }
    %scan3A = arith.constant 0 : i32
    %scan3A_7 = arith.constant 0 : i32
    %scan3A_8 = arith.constant 128 : i32
    %scan3A_9 = arith.addi %scan3A_7, %scan3A_8 : i32
    %scan3A_10 = arith.constant 1 : i32
    %scan3A_11 = scf.for %scan3A_63 = %scan3A_7 to %scan3A_9 step %scan3A_10 iter_args(%scan3A_64 = %scan3A) -> (i32)  : i32 {
      %broadcast_in_dim3A = arith.constant 0.000000e+00 : f32
      %broadcast_in_dim3A_65 = vector.broadcast %broadcast_in_dim3A : f32 to vector<16xf32>
      %swap3A = arith.index_cast %scan3A_63 : i32 to index
      %swap3A_66 = arith.constant 0 : index
      %swap3A_67 = tpu.vector_load %arg6[%swap3A, %swap3A_66] {strides = array<i32>} : memref<128x128xf32, #tpu.memory_space<vmem>>, vector<1x16xf32>,
      %swap3A_68 = vector.shape_cast %swap3A_67 : vector<1x16xf32> to vector<16xf32>
      %swap3A_69 = vector.shape_cast %broadcast_in_dim3A_65 : vector<16xf32> to vector<1x16xf32>
      tpu.vector_store %arg6[%swap3A, %swap3A_66], %swap3A_69 {strides = array<i32>} : memref<128x128xf32, #tpu.memory_space<vmem>>, vector<1x16xf32>,
      %broadcast_in_dim3A_70 = arith.constant 0.000000e+00 : f32
      %broadcast_in_dim3A_71 = vector.broadcast %broadcast_in_dim3A_70 : f32 to vector<16xf32>
      %swap3A_72 = arith.index_cast %scan3A_63 : i32 to index
      %swap3A_73 = arith.constant 16 : index
      %swap3A_74 = tpu.vector_load %arg6[%swap3A_72, %swap3A_73] {strides = array<i32>} : memref<128x128xf32, #tpu.memory_space<vmem>>, vector<1x16xf32>,
      %swap3A_75 = vector.shape_cast %swap3A_74 : vector<1x16xf32> to vector<16xf32>
      %swap3A_76 = vector.shape_cast %broadcast_in_dim3A_71 : vector<16xf32> to vector<1x16xf32>
      tpu.vector_store %arg6[%swap3A_72, %swap3A_73], %swap3A_76 {strides = array<i32>} : memref<128x128xf32, #tpu.memory_space<vmem>>, vector<1x16xf32>,
      %broadcast_in_dim3A_77 = arith.constant 0.000000e+00 : f32
      %broadcast_in_dim3A_78 = vector.broadcast %broadcast_in_dim3A_77 : f32 to vector<16xf32>
      %swap3A_79 = arith.index_cast %scan3A_63 : i32 to index
      %swap3A_80 = arith.constant 32 : index
      %swap3A_81 = tpu.vector_load %arg6[%swap3A_79, %swap3A_80] {strides = array<i32>} : memref<128x128xf32, #tpu.memory_space<vmem>>, vector<1x16xf32>,
      %swap3A_82 = vector.shape_cast %swap3A_81 : vector<1x16xf32> to vector<16xf32>
      %swap3A_83 = vector.shape_cast %broadcast_in_dim3A_78 : vector<16xf32> to vector<1x16xf32>
      tpu.vector_store %arg6[%swap3A_79, %swap3A_80], %swap3A_83 {strides = array<i32>} : memref<128x128xf32, #tpu.memory_space<vmem>>, vector<1x16xf32>,
      %broadcast_in_dim3A_84 = arith.constant 0.000000e+00 : f32
      %broadcast_in_dim3A_85 = vector.broadcast %broadcast_in_dim3A_84 : f32 to vector<16xf32>
      %swap3A_86 = arith.index_cast %scan3A_63 : i32 to index
      %swap3A_87 = arith.constant 48 : index
      %swap3A_88 = tpu.vector_load %arg6[%swap3A_86, %swap3A_87] {strides = array<i32>} : memref<128x128xf32, #tpu.memory_space<vmem>>, vector<1x16xf32>,
      %swap3A_89 = vector.shape_cast %swap3A_88 : vector<1x16xf32> to vector<16xf32>
      %swap3A_90 = vector.shape_cast %broadcast_in_dim3A_85 : vector<16xf32> to vector<1x16xf32>
      tpu.vector_store %arg6[%swap3A_86, %swap3A_87], %swap3A_90 {strides = array<i32>} : memref<128x128xf32, #tpu.memory_space<vmem>>, vector<1x16xf32>,
      %broadcast_in_dim3A_91 = arith.constant 0.000000e+00 : f32
      %broadcast_in_dim3A_92 = vector.broadcast %broadcast_in_dim3A_91 : f32 to vector<16xf32>
      %swap3A_93 = arith.index_cast %scan3A_63 : i32 to index
      %swap3A_94 = arith.constant 64 : index
      %swap3A_95 = tpu.vector_load %arg6[%swap3A_93, %swap3A_94] {strides = array<i32>} : memref<128x128xf32, #tpu.memory_space<vmem>>, vector<1x16xf32>,
      %swap3A_96 = vector.shape_cast %swap3A_95 : vector<1x16xf32> to vector<16xf32>
      %swap3A_97 = vector.shape_cast %broadcast_in_dim3A_92 : vector<16xf32> to vector<1x16xf32>
      tpu.vector_store %arg6[%swap3A_93, %swap3A_94], %swap3A_97 {strides = array<i32>} : memref<128x128xf32, #tpu.memory_space<vmem>>, vector<1x16xf32>,
      %broadcast_in_dim3A_98 = arith.constant 0.000000e+00 : f32
      %broadcast_in_dim3A_99 = vector.broadcast %broadcast_in_dim3A_98 : f32 to vector<16xf32>
      %swap3A_100 = arith.index_cast %scan3A_63 : i32 to index
      %swap3A_101 = arith.constant 80 : index
      %swap3A_102 = tpu.vector_load %arg6[%swap3A_100, %swap3A_101] {strides = array<i32>} : memref<128x128xf32, #tpu.memory_space<vmem>>, vector<1x16xf32>,
      %swap3A_103 = vector.shape_cast %swap3A_102 : vector<1x16xf32> to vector<16xf32>
      %swap3A_104 = vector.shape_cast %broadcast_in_dim3A_99 : vector<16xf32> to vector<1x16xf32>
      tpu.vector_store %arg6[%swap3A_100, %swap3A_101], %swap3A_104 {strides = array<i32>} : memref<128x128xf32, #tpu.memory_space<vmem>>, vector<1x16xf32>,
      %broadcast_in_dim3A_105 = arith.constant 0.000000e+00 : f32
      %broadcast_in_dim3A_106 = vector.broadcast %broadcast_in_dim3A_105 : f32 to vector<16xf32>
      %swap3A_107 = arith.index_cast %scan3A_63 : i32 to index
      %swap3A_108 = arith.constant 96 : index
      %swap3A_109 = tpu.vector_load %arg6[%swap3A_107, %swap3A_108] {strides = array<i32>} : memref<128x128xf32, #tpu.memory_space<vmem>>, vector<1x16xf32>,
      %swap3A_110 = vector.shape_cast %swap3A_109 : vector<1x16xf32> to vector<16xf32>
      %swap3A_111 = vector.shape_cast %broadcast_in_dim3A_106 : vector<16xf32> to vector<1x16xf32>
      tpu.vector_store %arg6[%swap3A_107, %swap3A_108], %swap3A_111 {strides = array<i32>} : memref<128x128xf32, #tpu.memory_space<vmem>>, vector<1x16xf32>,
      %broadcast_in_dim3A_112 = arith.constant 0.000000e+00 : f32
      %broadcast_in_dim3A_113 = vector.broadcast %broadcast_in_dim3A_112 : f32 to vector<16xf32>
      %swap3A_114 = arith.index_cast %scan3A_63 : i32 to index
      %swap3A_115 = arith.constant 112 : index
      %swap3A_116 = tpu.vector_load %arg6[%swap3A_114, %swap3A_115] {strides = array<i32>} : memref<128x128xf32, #tpu.memory_space<vmem>>, vector<1x16xf32>,
      %swap3A_117 = vector.shape_cast %swap3A_116 : vector<1x16xf32> to vector<16xf32>
      %swap3A_118 = vector.shape_cast %broadcast_in_dim3A_113 : vector<16xf32> to vector<1x16xf32>
      tpu.vector_store %arg6[%swap3A_114, %swap3A_115], %swap3A_118 {strides = array<i32>} : memref<128x128xf32, #tpu.memory_space<vmem>>, vector<1x16xf32>,
      %scan3A_119 = arith.constant 0 : i32
      scf.yield %scan3A_119 : i32
    }
    %scan3A_12 = arith.constant 128 : i32
    %mul3A = arith.constant 640 : i32
    %mul3A_13 = arith.muli %arg1, %mul3A : i32
    %add3A = arith.constant 0 : i32
    %add3A_14 = arith.addi %mul3A_13, %add3A : i32
    "tpu.region"() ({
      %run_scoped3A = tpu.sem_alloc : memref<!tpu.dma_semaphore, #tpu.memory_space<semaphore_mem>>
      %dma_start3A = arith.constant 0 : i32
      %dma_start3A_63 = tpu.memref_slice %arg7[%add3A_14, %dma_start3A] : memref<10240x128xf32, #tpu.memory_space<vmem_shared>> -> memref<128x128xf32, #tpu.memory_space<vmem_shared>>
      %dma_start3A_64 = arith.constant 0 : i32
      %dma_start3A_65 = tpu.memref_slice %arg7[%add3A_14, %dma_start3A_64] : memref<10240x128xf32, #tpu.memory_space<vmem_shared>> -> memref<128x128xf32, #tpu.memory_space<vmem_shared>>
      tpu.enqueue_dma source(%arg6 : memref<128x128xf32, #tpu.memory_space<vmem>>) target(%dma_start3A_65 : memref<128x128xf32, #tpu.memory_space<vmem_shared>>) target_semaphore(%run_scoped3A : memref<!tpu.dma_semaphore, #tpu.memory_space<semaphore_mem>>)
      %dma_wait3A = arith.constant 0 : i32
      %dma_wait3A_66 = tpu.memref_slice %arg7[%add3A_14, %dma_wait3A] : memref<10240x128xf32, #tpu.memory_space<vmem_shared>> -> memref<128x128xf32, #tpu.memory_space<vmem_shared>>
      %dma_wait3A_67 = arith.constant 0 : i32
      %dma_wait3A_68 = tpu.memref_slice %arg7[%add3A_14, %dma_wait3A_67] : memref<10240x128xf32, #tpu.memory_space<vmem_shared>> -> memref<128x128xf32, #tpu.memory_space<vmem_shared>>
      tpu.wait_dma2 semaphore(%run_scoped3A : memref<!tpu.dma_semaphore, #tpu.memory_space<semaphore_mem>>) src(%arg6 : memref<128x128xf32, #tpu.memory_space<vmem>>) dst(%dma_wait3A_68 : memref<128x128xf32, #tpu.memory_space<vmem_shared>>)
      tpu.yield
    }) : () -> ()
    %mul3A_15 = arith.constant 640 : i32
    %mul3A_16 = arith.muli %arg1, %mul3A_15 : i32
    %add3A_17 = arith.constant 128 : i32
    %add3A_18 = arith.addi %mul3A_16, %add3A_17 : i32
    "tpu.region"() ({
      %run_scoped3A = tpu.sem_alloc : memref<!tpu.dma_semaphore, #tpu.memory_space<semaphore_mem>>
      %dma_start3A = arith.constant 0 : i32
      %dma_start3A_63 = tpu.memref_slice %arg7[%add3A_18, %dma_start3A] : memref<10240x128xf32, #tpu.memory_space<vmem_shared>> -> memref<128x128xf32, #tpu.memory_space<vmem_shared>>
      %dma_start3A_64 = arith.constant 0 : i32
      %dma_start3A_65 = tpu.memref_slice %arg7[%add3A_18, %dma_start3A_64] : memref<10240x128xf32, #tpu.memory_space<vmem_shared>> -> memref<128x128xf32, #tpu.memory_space<vmem_shared>>
      tpu.enqueue_dma source(%arg6 : memref<128x128xf32, #tpu.memory_space<vmem>>) target(%dma_start3A_65 : memref<128x128xf32, #tpu.memory_space<vmem_shared>>) target_semaphore(%run_scoped3A : memref<!tpu.dma_semaphore, #tpu.memory_space<semaphore_mem>>)
      %dma_wait3A = arith.constant 0 : i32
      %dma_wait3A_66 = tpu.memref_slice %arg7[%add3A_18, %dma_wait3A] : memref<10240x128xf32, #tpu.memory_space<vmem_shared>> -> memref<128x128xf32, #tpu.memory_space<vmem_shared>>
      %dma_wait3A_67 = arith.constant 0 : i32
      %dma_wait3A_68 = tpu.memref_slice %arg7[%add3A_18, %dma_wait3A_67] : memref<10240x128xf32, #tpu.memory_space<vmem_shared>> -> memref<128x128xf32, #tpu.memory_space<vmem_shared>>
      tpu.wait_dma2 semaphore(%run_scoped3A : memref<!tpu.dma_semaphore, #tpu.memory_space<semaphore_mem>>) src(%arg6 : memref<128x128xf32, #tpu.memory_space<vmem>>) dst(%dma_wait3A_68 : memref<128x128xf32, #tpu.memory_space<vmem_shared>>)
      tpu.yield
    }) : () -> ()
    %mul3A_19 = arith.constant 640 : i32
    %mul3A_20 = arith.muli %arg1, %mul3A_19 : i32
    %add3A_21 = arith.constant 256 : i32
    %add3A_22 = arith.addi %mul3A_20, %add3A_21 : i32
    "tpu.region"() ({
      %run_scoped3A = tpu.sem_alloc : memref<!tpu.dma_semaphore, #tpu.memory_space<semaphore_mem>>
      %dma_start3A = arith.constant 0 : i32
      %dma_start3A_63 = tpu.memref_slice %arg7[%add3A_22, %dma_start3A] : memref<10240x128xf32, #tpu.memory_space<vmem_shared>> -> memref<128x128xf32, #tpu.memory_space<vmem_shared>>
      %dma_start3A_64 = arith.constant 0 : i32
      %dma_start3A_65 = tpu.memref_slice %arg7[%add3A_22, %dma_start3A_64] : memref<10240x128xf32, #tpu.memory_space<vmem_shared>> -> memref<128x128xf32, #tpu.memory_space<vmem_shared>>
      tpu.enqueue_dma source(%arg6 : memref<128x128xf32, #tpu.memory_space<vmem>>) target(%dma_start3A_65 : memref<128x128xf32, #tpu.memory_space<vmem_shared>>) target_semaphore(%run_scoped3A : memref<!tpu.dma_semaphore, #tpu.memory_space<semaphore_mem>>)
      %dma_wait3A = arith.constant 0 : i32
      %dma_wait3A_66 = tpu.memref_slice %arg7[%add3A_22, %dma_wait3A] : memref<10240x128xf32, #tpu.memory_space<vmem_shared>> -> memref<128x128xf32, #tpu.memory_space<vmem_shared>>
      %dma_wait3A_67 = arith.constant 0 : i32
      %dma_wait3A_68 = tpu.memref_slice %arg7[%add3A_22, %dma_wait3A_67] : memref<10240x128xf32, #tpu.memory_space<vmem_shared>> -> memref<128x128xf32, #tpu.memory_space<vmem_shared>>
      tpu.wait_dma2 semaphore(%run_scoped3A : memref<!tpu.dma_semaphore, #tpu.memory_space<semaphore_mem>>) src(%arg6 : memref<128x128xf32, #tpu.memory_space<vmem>>) dst(%dma_wait3A_68 : memref<128x128xf32, #tpu.memory_space<vmem_shared>>)
      tpu.yield
    }) : () -> ()
    %mul3A_23 = arith.constant 640 : i32
    %mul3A_24 = arith.muli %arg1, %mul3A_23 : i32
    %add3A_25 = arith.constant 384 : i32
    %add3A_26 = arith.addi %mul3A_24, %add3A_25 : i32
    "tpu.region"() ({
      %run_scoped3A = tpu.sem_alloc : memref<!tpu.dma_semaphore, #tpu.memory_space<semaphore_mem>>
      %dma_start3A = arith.constant 0 : i32
      %dma_start3A_63 = tpu.memref_slice %arg7[%add3A_26, %dma_start3A] : memref<10240x128xf32, #tpu.memory_space<vmem_shared>> -> memref<128x128xf32, #tpu.memory_space<vmem_shared>>
      %dma_start3A_64 = arith.constant 0 : i32
      %dma_start3A_65 = tpu.memref_slice %arg7[%add3A_26, %dma_start3A_64] : memref<10240x128xf32, #tpu.memory_space<vmem_shared>> -> memref<128x128xf32, #tpu.memory_space<vmem_shared>>
      tpu.enqueue_dma source(%arg6 : memref<128x128xf32, #tpu.memory_space<vmem>>) target(%dma_start3A_65 : memref<128x128xf32, #tpu.memory_space<vmem_shared>>) target_semaphore(%run_scoped3A : memref<!tpu.dma_semaphore, #tpu.memory_space<semaphore_mem>>)
      %dma_wait3A = arith.constant 0 : i32
      %dma_wait3A_66 = tpu.memref_slice %arg7[%add3A_26, %dma_wait3A] : memref<10240x128xf32, #tpu.memory_space<vmem_shared>> -> memref<128x128xf32, #tpu.memory_space<vmem_shared>>
      %dma_wait3A_67 = arith.constant 0 : i32
      %dma_wait3A_68 = tpu.memref_slice %arg7[%add3A_26, %dma_wait3A_67] : memref<10240x128xf32, #tpu.memory_space<vmem_shared>> -> memref<128x128xf32, #tpu.memory_space<vmem_shared>>
      tpu.wait_dma2 semaphore(%run_scoped3A : memref<!tpu.dma_semaphore, #tpu.memory_space<semaphore_mem>>) src(%arg6 : memref<128x128xf32, #tpu.memory_space<vmem>>) dst(%dma_wait3A_68 : memref<128x128xf32, #tpu.memory_space<vmem_shared>>)
      tpu.yield
    }) : () -> ()
    %mul3A_27 = arith.constant 640 : i32
    %mul3A_28 = arith.muli %arg1, %mul3A_27 : i32
    %add3A_29 = arith.constant 512 : i32
    %add3A_30 = arith.addi %mul3A_28, %add3A_29 : i32
    "tpu.region"() ({
      %run_scoped3A = tpu.sem_alloc : memref<!tpu.dma_semaphore, #tpu.memory_space<semaphore_mem>>
      %dma_start3A = arith.constant 0 : i32
      %dma_start3A_63 = tpu.memref_slice %arg7[%add3A_30, %dma_start3A] : memref<10240x128xf32, #tpu.memory_space<vmem_shared>> -> memref<128x128xf32, #tpu.memory_space<vmem_shared>>
      %dma_start3A_64 = arith.constant 0 : i32
      %dma_start3A_65 = tpu.memref_slice %arg7[%add3A_30, %dma_start3A_64] : memref<10240x128xf32, #tpu.memory_space<vmem_shared>> -> memref<128x128xf32, #tpu.memory_space<vmem_shared>>
      tpu.enqueue_dma source(%arg6 : memref<128x128xf32, #tpu.memory_space<vmem>>) target(%dma_start3A_65 : memref<128x128xf32, #tpu.memory_space<vmem_shared>>) target_semaphore(%run_scoped3A : memref<!tpu.dma_semaphore, #tpu.memory_space<semaphore_mem>>)
      %dma_wait3A = arith.constant 0 : i32
      %dma_wait3A_66 = tpu.memref_slice %arg7[%add3A_30, %dma_wait3A] : memref<10240x128xf32, #tpu.memory_space<vmem_shared>> -> memref<128x128xf32, #tpu.memory_space<vmem_shared>>
      %dma_wait3A_67 = arith.constant 0 : i32
      %dma_wait3A_68 = tpu.memref_slice %arg7[%add3A_30, %dma_wait3A_67] : memref<10240x128xf32, #tpu.memory_space<vmem_shared>> -> memref<128x128xf32, #tpu.memory_space<vmem_shared>>
      tpu.wait_dma2 semaphore(%run_scoped3A : memref<!tpu.dma_semaphore, #tpu.memory_space<semaphore_mem>>) src(%arg6 : memref<128x128xf32, #tpu.memory_space<vmem>>) dst(%dma_wait3A_68 : memref<128x128xf32, #tpu.memory_space<vmem_shared>>)
      tpu.yield
    }) : () -> ()
    %scan3A_31 = arith.constant 0 : i32
    %scan3A_32 = arith.constant 0 : i32
    %scan3A_33 = arith.constant 128 : i32
    %scan3A_34 = arith.addi %scan3A_32, %scan3A_33 : i32
    %scan3A_35 = arith.constant 1 : i32
    %scan3A_36 = scf.for %scan3A_63 = %scan3A_32 to %scan3A_34 step %scan3A_35 iter_args(%scan3A_64 = %scan3A_31) -> (i32)  : i32 {
      %broadcast_in_dim3A = arith.constant 1.000000e+00 : f32
      %broadcast_in_dim3A_65 = vector.broadcast %broadcast_in_dim3A : f32 to vector<16xf32>
      %swap3A = arith.index_cast %scan3A_63 : i32 to index
      %swap3A_66 = arith.constant 0 : index
      %swap3A_67 = tpu.vector_load %arg6[%swap3A, %swap3A_66] {strides = array<i32>} : memref<128x128xf32, #tpu.memory_space<vmem>>, vector<1x16xf32>,
      %swap3A_68 = vector.shape_cast %swap3A_67 : vector<1x16xf32> to vector<16xf32>
      %swap3A_69 = vector.shape_cast %broadcast_in_dim3A_65 : vector<16xf32> to vector<1x16xf32>
      tpu.vector_store %arg6[%swap3A, %swap3A_66], %swap3A_69 {strides = array<i32>} : memref<128x128xf32, #tpu.memory_space<vmem>>, vector<1x16xf32>,
      %broadcast_in_dim3A_70 = arith.constant 1.000000e+00 : f32
      %broadcast_in_dim3A_71 = vector.broadcast %broadcast_in_dim3A_70 : f32 to vector<16xf32>
      %swap3A_72 = arith.index_cast %scan3A_63 : i32 to index
      %swap3A_73 = arith.constant 16 : index
      %swap3A_74 = tpu.vector_load %arg6[%swap3A_72, %swap3A_73] {strides = array<i32>} : memref<128x128xf32, #tpu.memory_space<vmem>>, vector<1x16xf32>,
      %swap3A_75 = vector.shape_cast %swap3A_74 : vector<1x16xf32> to vector<16xf32>
      %swap3A_76 = vector.shape_cast %broadcast_in_dim3A_71 : vector<16xf32> to vector<1x16xf32>
      tpu.vector_store %arg6[%swap3A_72, %swap3A_73], %swap3A_76 {strides = array<i32>} : memref<128x128xf32, #tpu.memory_space<vmem>>, vector<1x16xf32>,
      %broadcast_in_dim3A_77 = arith.constant 1.000000e+00 : f32
      %broadcast_in_dim3A_78 = vector.broadcast %broadcast_in_dim3A_77 : f32 to vector<16xf32>
      %swap3A_79 = arith.index_cast %scan3A_63 : i32 to index
      %swap3A_80 = arith.constant 32 : index
      %swap3A_81 = tpu.vector_load %arg6[%swap3A_79, %swap3A_80] {strides = array<i32>} : memref<128x128xf32, #tpu.memory_space<vmem>>, vector<1x16xf32>,
      %swap3A_82 = vector.shape_cast %swap3A_81 : vector<1x16xf32> to vector<16xf32>
      %swap3A_83 = vector.shape_cast %broadcast_in_dim3A_78 : vector<16xf32> to vector<1x16xf32>
      tpu.vector_store %arg6[%swap3A_79, %swap3A_80], %swap3A_83 {strides = array<i32>} : memref<128x128xf32, #tpu.memory_space<vmem>>, vector<1x16xf32>,
      %broadcast_in_dim3A_84 = arith.constant 1.000000e+00 : f32
      %broadcast_in_dim3A_85 = vector.broadcast %broadcast_in_dim3A_84 : f32 to vector<16xf32>
      %swap3A_86 = arith.index_cast %scan3A_63 : i32 to index
      %swap3A_87 = arith.constant 48 : index
      %swap3A_88 = tpu.vector_load %arg6[%swap3A_86, %swap3A_87] {strides = array<i32>} : memref<128x128xf32, #tpu.memory_space<vmem>>, vector<1x16xf32>,
      %swap3A_89 = vector.shape_cast %swap3A_88 : vector<1x16xf32> to vector<16xf32>
      %swap3A_90 = vector.shape_cast %broadcast_in_dim3A_85 : vector<16xf32> to vector<1x16xf32>
      tpu.vector_store %arg6[%swap3A_86, %swap3A_87], %swap3A_90 {strides = array<i32>} : memref<128x128xf32, #tpu.memory_space<vmem>>, vector<1x16xf32>,
      %broadcast_in_dim3A_91 = arith.constant 1.000000e+00 : f32
      %broadcast_in_dim3A_92 = vector.broadcast %broadcast_in_dim3A_91 : f32 to vector<16xf32>
      %swap3A_93 = arith.index_cast %scan3A_63 : i32 to index
      %swap3A_94 = arith.constant 64 : index
      %swap3A_95 = tpu.vector_load %arg6[%swap3A_93, %swap3A_94] {strides = array<i32>} : memref<128x128xf32, #tpu.memory_space<vmem>>, vector<1x16xf32>,
      %swap3A_96 = vector.shape_cast %swap3A_95 : vector<1x16xf32> to vector<16xf32>
      %swap3A_97 = vector.shape_cast %broadcast_in_dim3A_92 : vector<16xf32> to vector<1x16xf32>
      tpu.vector_store %arg6[%swap3A_93, %swap3A_94], %swap3A_97 {strides = array<i32>} : memref<128x128xf32, #tpu.memory_space<vmem>>, vector<1x16xf32>,
      %broadcast_in_dim3A_98 = arith.constant 1.000000e+00 : f32
      %broadcast_in_dim3A_99 = vector.broadcast %broadcast_in_dim3A_98 : f32 to vector<16xf32>
      %swap3A_100 = arith.index_cast %scan3A_63 : i32 to index
      %swap3A_101 = arith.constant 80 : index
      %swap3A_102 = tpu.vector_load %arg6[%swap3A_100, %swap3A_101] {strides = array<i32>} : memref<128x128xf32, #tpu.memory_space<vmem>>, vector<1x16xf32>,
      %swap3A_103 = vector.shape_cast %swap3A_102 : vector<1x16xf32> to vector<16xf32>
      %swap3A_104 = vector.shape_cast %broadcast_in_dim3A_99 : vector<16xf32> to vector<1x16xf32>
      tpu.vector_store %arg6[%swap3A_100, %swap3A_101], %swap3A_104 {strides = array<i32>} : memref<128x128xf32, #tpu.memory_space<vmem>>, vector<1x16xf32>,
      %broadcast_in_dim3A_105 = arith.constant 1.000000e+00 : f32
      %broadcast_in_dim3A_106 = vector.broadcast %broadcast_in_dim3A_105 : f32 to vector<16xf32>
      %swap3A_107 = arith.index_cast %scan3A_63 : i32 to index
      %swap3A_108 = arith.constant 96 : index
      %swap3A_109 = tpu.vector_load %arg6[%swap3A_107, %swap3A_108] {strides = array<i32>} : memref<128x128xf32, #tpu.memory_space<vmem>>, vector<1x16xf32>,
      %swap3A_110 = vector.shape_cast %swap3A_109 : vector<1x16xf32> to vector<16xf32>
      %swap3A_111 = vector.shape_cast %broadcast_in_dim3A_106 : vector<16xf32> to vector<1x16xf32>
      tpu.vector_store %arg6[%swap3A_107, %swap3A_108], %swap3A_111 {strides = array<i32>} : memref<128x128xf32, #tpu.memory_space<vmem>>, vector<1x16xf32>,
      %broadcast_in_dim3A_112 = arith.constant 1.000000e+00 : f32
      %broadcast_in_dim3A_113 = vector.broadcast %broadcast_in_dim3A_112 : f32 to vector<16xf32>
      %swap3A_114 = arith.index_cast %scan3A_63 : i32 to index
      %swap3A_115 = arith.constant 112 : index
      %swap3A_116 = tpu.vector_load %arg6[%swap3A_114, %swap3A_115] {strides = array<i32>} : memref<128x128xf32, #tpu.memory_space<vmem>>, vector<1x16xf32>,
      %swap3A_117 = vector.shape_cast %swap3A_116 : vector<1x16xf32> to vector<16xf32>
      %swap3A_118 = vector.shape_cast %broadcast_in_dim3A_113 : vector<16xf32> to vector<1x16xf32>
      tpu.vector_store %arg6[%swap3A_114, %swap3A_115], %swap3A_118 {strides = array<i32>} : memref<128x128xf32, #tpu.memory_space<vmem>>, vector<1x16xf32>,
      %scan3A_119 = arith.constant 0 : i32
      scf.yield %scan3A_119 : i32
    }
    %scan3A_37 = arith.constant 128 : i32
    %eq3A_38 = arith.constant 0 : i32
    %eq3A_39 = arith.cmpi eq, %arg0, %eq3A_38 : i32
    %convert_element_type3A_40 = arith.extui %eq3A_39 : i1 to i32
    %cond3A_41 = arith.constant 0 : i32
    %cond3A_42 = arith.cmpi ne, %convert_element_type3A_40, %cond3A_41 : i32
    scf.if %cond3A_42 {
      %dma_wait3A = arith.constant 0 : i32
      %dma_wait3A_63 = arith.constant 0 : i32
      %dma_wait3A_64 = tpu.memref_slice %arg2[%arg1, %dma_wait3A, %dma_wait3A_63] : memref<16x88x128xi32, #tpu.memory_space<hbm>> -> memref<1x88x128xi32, #tpu.memory_space<hbm>>
      %dma_wait3A_65 = tpu.memref_squeeze %dma_wait3A_64 : memref<1x88x128xi32, #tpu.memory_space<hbm>> -> memref<88x128xi32, #tpu.memory_space<hbm>>
      %dma_wait3A_66 = arith.constant 0 : i32
      %dma_wait3A_67 = arith.constant 0 : i32
      %dma_wait3A_68 = tpu.memref_slice %arg2[%arg1, %dma_wait3A_66, %dma_wait3A_67] : memref<16x88x128xi32, #tpu.memory_space<hbm>> -> memref<1x88x128xi32, #tpu.memory_space<hbm>>
      %dma_wait3A_69 = tpu.memref_squeeze %dma_wait3A_68 : memref<1x88x128xi32, #tpu.memory_space<hbm>> -> memref<88x128xi32, #tpu.memory_space<hbm>>
      tpu.wait_dma2 semaphore(%arg8 : memref<!tpu.dma_semaphore, #tpu.memory_space<semaphore_mem>>) src(%dma_wait3A_69 : memref<88x128xi32, #tpu.memory_space<hbm>>) dst(%arg5 : memref<88x128xi32, #tpu.memory_space<vmem>>)
    } else {
    }
    %eq3A_43 = arith.constant 1 : i32
    %eq3A_44 = arith.cmpi eq, %arg0, %eq3A_43 : i32
    %convert_element_type3A_45 = arith.extui %eq3A_44 : i1 to i32
    %cond3A_46 = arith.constant 0 : i32
    %cond3A_47 = arith.cmpi ne, %convert_element_type3A_45, %cond3A_46 : i32
    scf.if %cond3A_47 {
      %dma_wait3A = arith.constant 0 : i32
      %dma_wait3A_63 = arith.constant 0 : i32
      %dma_wait3A_64 = tpu.memref_slice %arg5[%dma_wait3A, %dma_wait3A_63] : memref<88x128xi32, #tpu.memory_space<vmem>> -> memref<72x128xi32, #tpu.memory_space<vmem>>
      %dma_wait3A_65 = arith.constant 0 : i32
      %dma_wait3A_66 = arith.constant 0 : i32
      %dma_wait3A_67 = tpu.memref_slice %arg3[%arg1, %dma_wait3A_65, %dma_wait3A_66] : memref<16x72x128xi32, #tpu.memory_space<hbm>> -> memref<1x72x128xi32, #tpu.memory_space<hbm>>
      %dma_wait3A_68 = tpu.memref_squeeze %dma_wait3A_67 : memref<1x72x128xi32, #tpu.memory_space<hbm>> -> memref<72x128xi32, #tpu.memory_space<hbm>>
      %dma_wait3A_69 = arith.constant 0 : i32
      %dma_wait3A_70 = arith.constant 0 : i32
      %dma_wait3A_71 = tpu.memref_slice %arg5[%dma_wait3A_69, %dma_wait3A_70] : memref<88x128xi32, #tpu.memory_space<vmem>> -> memref<72x128xi32, #tpu.memory_space<vmem>>
      %dma_wait3A_72 = arith.constant 0 : i32
      %dma_wait3A_73 = arith.constant 0 : i32
      %dma_wait3A_74 = tpu.memref_slice %arg3[%arg1, %dma_wait3A_72, %dma_wait3A_73] : memref<16x72x128xi32, #tpu.memory_space<hbm>> -> memref<1x72x128xi32, #tpu.memory_space<hbm>>
      %dma_wait3A_75 = tpu.memref_squeeze %dma_wait3A_74 : memref<1x72x128xi32, #tpu.memory_space<hbm>> -> memref<72x128xi32, #tpu.memory_space<hbm>>
      tpu.wait_dma2 semaphore(%arg8 : memref<!tpu.dma_semaphore, #tpu.memory_space<semaphore_mem>>) src(%dma_wait3A_75 : memref<72x128xi32, #tpu.memory_space<hbm>>) dst(%dma_wait3A_71 : memref<72x128xi32, #tpu.memory_space<vmem>>)
    } else {
    }
    %barrier3A = arith.constant 0 : index
    tpu.barrier barrier_id(%barrier3A)
    %eq3A_48 = arith.constant 0 : i32
    %eq3A_49 = arith.cmpi eq, %arg0, %eq3A_48 : i32
    %convert_element_type3A_50 = arith.extui %eq3A_49 : i1 to i32
    %cond3A_51 = arith.constant 0 : i32
    %cond3A_52 = arith.cmpi ne, %convert_element_type3A_50, %cond3A_51 : i32
    scf.if %cond3A_52 {
      %dma_start3A = arith.constant 0 : i32
      %dma_start3A_63 = arith.constant 0 : i32
      %dma_start3A_64 = tpu.memref_slice %arg5[%dma_start3A, %dma_start3A_63] : memref<88x128xi32, #tpu.memory_space<vmem>> -> memref<1x128xi32, #tpu.memory_space<vmem>>
      %dma_start3A_65 = tpu.memref_squeeze %dma_start3A_64 : memref<1x128xi32, #tpu.memory_space<vmem>> -> memref<128xi32, #tpu.memory_space<vmem>>
      %dma_start3A_66 = arith.constant 0 : i32
      %dma_start3A_67 = arith.constant 0 : i32
      %dma_start3A_68 = tpu.memref_slice %arg7[%dma_start3A_66, %dma_start3A_67] : memref<10240x128xf32, #tpu.memory_space<vmem_shared>> -> memref<10240x128xf32, #tpu.memory_space<vmem_shared>>
      tpu.enqueue_indirect_dma source(%arg6 : memref<128x128xf32, #tpu.memory_space<vmem>>) target(%dma_start3A_68 : memref<10240x128xf32, #tpu.memory_space<vmem_shared>>) offsets(%dma_start3A_65 : memref<128xi32, #tpu.memory_space<vmem>>) semaphore(%arg8 : memref<!tpu.dma_semaphore, #tpu.memory_space<semaphore_mem>>) {add = true}
      %dma_start3A_69 = arith.constant 1 : i32
      %dma_start3A_70 = arith.constant 0 : i32
      %dma_start3A_71 = tpu.memref_slice %arg5[%dma_start3A_69, %dma_start3A_70] : memref<88x128xi32, #tpu.memory_space<vmem>> -> memref<1x128xi32, #tpu.memory_space<vmem>>
      %dma_start3A_72 = tpu.memref_squeeze %dma_start3A_71 : memref<1x128xi32, #tpu.memory_space<vmem>> -> memref<128xi32, #tpu.memory_space<vmem>>
      %dma_start3A_73 = arith.constant 0 : i32
      %dma_start3A_74 = arith.constant 0 : i32
      %dma_start3A_75 = tpu.memref_slice %arg7[%dma_start3A_73, %dma_start3A_74] : memref<10240x128xf32, #tpu.memory_space<vmem_shared>> -> memref<10240x128xf32, #tpu.memory_space<vmem_shared>>
      tpu.enqueue_indirect_dma source(%arg6 : memref<128x128xf32, #tpu.memory_space<vmem>>) target(%dma_start3A_75 : memref<10240x128xf32, #tpu.memory_space<vmem_shared>>) offsets(%dma_start3A_72 : memref<128xi32, #tpu.memory_space<vmem>>) semaphore(%arg9 : memref<!tpu.dma_semaphore, #tpu.memory_space<semaphore_mem>>) {add = true}
      %dma_start3A_76 = arith.constant 2 : i32
      %dma_start3A_77 = arith.constant 0 : i32
      %dma_start3A_78 = tpu.memref_slice %arg5[%dma_start3A_76, %dma_start3A_77] : memref<88x128xi32, #tpu.memory_space<vmem>> -> memref<1x128xi32, #tpu.memory_space<vmem>>
      %dma_start3A_79 = tpu.memref_squeeze %dma_start3A_78 : memref<1x128xi32, #tpu.memory_space<vmem>> -> memref<128xi32, #tpu.memory_space<vmem>>
      %dma_start3A_80 = arith.constant 0 : i32
      %dma_start3A_81 = arith.constant 0 : i32
      %dma_start3A_82 = tpu.memref_slice %arg7[%dma_start3A_80, %dma_start3A_81] : memref<10240x128xf32, #tpu.memory_space<vmem_shared>> -> memref<10240x128xf32, #tpu.memory_space<vmem_shared>>
      tpu.enqueue_indirect_dma source(%arg6 : memref<128x128xf32, #tpu.memory_space<vmem>>) target(%dma_start3A_82 : memref<10240x128xf32, #tpu.memory_space<vmem_shared>>) offsets(%dma_start3A_79 : memref<128xi32, #tpu.memory_space<vmem>>) semaphore(%arg10 : memref<!tpu.dma_semaphore, #tpu.memory_space<semaphore_mem>>) {add = true}
      %dma_start3A_83 = arith.constant 3 : i32
      %dma_start3A_84 = arith.constant 0 : i32
      %dma_start3A_85 = tpu.memref_slice %arg5[%dma_start3A_83, %dma_start3A_84] : memref<88x128xi32, #tpu.memory_space<vmem>> -> memref<1x128xi32, #tpu.memory_space<vmem>>
      %dma_start3A_86 = tpu.memref_squeeze %dma_start3A_85 : memref<1x128xi32, #tpu.memory_space<vmem>> -> memref<128xi32, #tpu.memory_space<vmem>>
      %dma_start3A_87 = arith.constant 0 : i32
      %dma_start3A_88 = arith.constant 0 : i32
      %dma_start3A_89 = tpu.memref_slice %arg7[%dma_start3A_87, %dma_start3A_88] : memref<10240x128xf32, #tpu.memory_space<vmem_shared>> -> memref<10240x128xf32, #tpu.memory_space<vmem_shared>>
      tpu.enqueue_indirect_dma source(%arg6 : memref<128x128xf32, #tpu.memory_space<vmem>>) target(%dma_start3A_89 : memref<10240x128xf32, #tpu.memory_space<vmem_shared>>) offsets(%dma_start3A_86 : memref<128xi32, #tpu.memory_space<vmem>>) semaphore(%arg11 : memref<!tpu.dma_semaphore, #tpu.memory_space<semaphore_mem>>) {add = true}
      %dma_start3A_90 = arith.constant 4 : i32
      %dma_start3A_91 = arith.constant 0 : i32
      %dma_start3A_92 = tpu.memref_slice %arg5[%dma_start3A_90, %dma_start3A_91] : memref<88x128xi32, #tpu.memory_space<vmem>> -> memref<1x128xi32, #tpu.memory_space<vmem>>
      %dma_start3A_93 = tpu.memref_squeeze %dma_start3A_92 : memref<1x128xi32, #tpu.memory_space<vmem>> -> memref<128xi32, #tpu.memory_space<vmem>>
      %dma_start3A_94 = arith.constant 0 : i32
      %dma_start3A_95 = arith.constant 0 : i32
      %dma_start3A_96 = tpu.memref_slice %arg7[%dma_start3A_94, %dma_start3A_95] : memref<10240x128xf32, #tpu.memory_space<vmem_shared>> -> memref<10240x128xf32, #tpu.memory_space<vmem_shared>>
      tpu.enqueue_indirect_dma source(%arg6 : memref<128x128xf32, #tpu.memory_space<vmem>>) target(%dma_start3A_96 : memref<10240x128xf32, #tpu.memory_space<vmem_shared>>) offsets(%dma_start3A_93 : memref<128xi32, #tpu.memory_space<vmem>>) semaphore(%arg12 : memref<!tpu.dma_semaphore, #tpu.memory_space<semaphore_mem>>) {add = true}
      %dma_start3A_97 = arith.constant 5 : i32
      %dma_start3A_98 = arith.constant 0 : i32
      %dma_start3A_99 = tpu.memref_slice %arg5[%dma_start3A_97, %dma_start3A_98] : memref<88x128xi32, #tpu.memory_space<vmem>> -> memref<1x128xi32, #tpu.memory_space<vmem>>
      %dma_start3A_100 = tpu.memref_squeeze %dma_start3A_99 : memref<1x128xi32, #tpu.memory_space<vmem>> -> memref<128xi32, #tpu.memory_space<vmem>>
      %dma_start3A_101 = arith.constant 0 : i32
      %dma_start3A_102 = arith.constant 0 : i32
      %dma_start3A_103 = tpu.memref_slice %arg7[%dma_start3A_101, %dma_start3A_102] : memref<10240x128xf32, #tpu.memory_space<vmem_shared>> -> memref<10240x128xf32, #tpu.memory_space<vmem_shared>>
      tpu.enqueue_indirect_dma source(%arg6 : memref<128x128xf32, #tpu.memory_space<vmem>>) target(%dma_start3A_103 : memref<10240x128xf32, #tpu.memory_space<vmem_shared>>) offsets(%dma_start3A_100 : memref<128xi32, #tpu.memory_space<vmem>>) semaphore(%arg13 : memref<!tpu.dma_semaphore, #tpu.memory_space<semaphore_mem>>) {add = true}
      %dma_start3A_104 = arith.constant 6 : i32
      %dma_start3A_105 = arith.constant 0 : i32
      %dma_start3A_106 = tpu.memref_slice %arg5[%dma_start3A_104, %dma_start3A_105] : memref<88x128xi32, #tpu.memory_space<vmem>> -> memref<1x128xi32, #tpu.memory_space<vmem>>
      %dma_start3A_107 = tpu.memref_squeeze %dma_start3A_106 : memref<1x128xi32, #tpu.memory_space<vmem>> -> memref<128xi32, #tpu.memory_space<vmem>>
      %dma_start3A_108 = arith.constant 0 : i32
      %dma_start3A_109 = arith.constant 0 : i32
      %dma_start3A_110 = tpu.memref_slice %arg7[%dma_start3A_108, %dma_start3A_109] : memref<10240x128xf32, #tpu.memory_space<vmem_shared>> -> memref<10240x128xf32, #tpu.memory_space<vmem_shared>>
      tpu.enqueue_indirect_dma source(%arg6 : memref<128x128xf32, #tpu.memory_space<vmem>>) target(%dma_start3A_110 : memref<10240x128xf32, #tpu.memory_space<vmem_shared>>) offsets(%dma_start3A_107 : memref<128xi32, #tpu.memory_space<vmem>>) semaphore(%arg14 : memref<!tpu.dma_semaphore, #tpu.memory_space<semaphore_mem>>) {add = true}
      %dma_start3A_111 = arith.constant 7 : i32
      %dma_start3A_112 = arith.constant 0 : i32
      %dma_start3A_113 = tpu.memref_slice %arg5[%dma_start3A_111, %dma_start3A_112] : memref<88x128xi32, #tpu.memory_space<vmem>> -> memref<1x128xi32, #tpu.memory_space<vmem>>
      %dma_start3A_114 = tpu.memref_squeeze %dma_start3A_113 : memref<1x128xi32, #tpu.memory_space<vmem>> -> memref<128xi32, #tpu.memory_space<vmem>>
      %dma_start3A_115 = arith.constant 0 : i32
      %dma_start3A_116 = arith.constant 0 : i32
      %dma_start3A_117 = tpu.memref_slice %arg7[%dma_start3A_115, %dma_start3A_116] : memref<10240x128xf32, #tpu.memory_space<vmem_shared>> -> memref<10240x128xf32, #tpu.memory_space<vmem_shared>>
      tpu.enqueue_indirect_dma source(%arg6 : memref<128x128xf32, #tpu.memory_space<vmem>>) target(%dma_start3A_117 : memref<10240x128xf32, #tpu.memory_space<vmem_shared>>) offsets(%dma_start3A_114 : memref<128xi32, #tpu.memory_space<vmem>>) semaphore(%arg15 : memref<!tpu.dma_semaphore, #tpu.memory_space<semaphore_mem>>) {add = true}
      %scan3A_118 = arith.constant 0 : i32
      %scan3A_119 = arith.constant 0 : i32
      %scan3A_120 = arith.constant 11 : i32
      %scan3A_121 = arith.addi %scan3A_119, %scan3A_120 : i32
      %scan3A_122 = arith.constant 1 : i32
      %scan3A_123 = scf.for %scan3A_125 = %scan3A_119 to %scan3A_121 step %scan3A_122 iter_args(%scan3A_126 = %scan3A_118) -> (i32)  : i32 {
        %mul3A_127 = arith.constant 8 : i32
        %mul3A_128 = arith.muli %scan3A_125, %mul3A_127 : i32
        %add3A_129 = arith.constant 0 : i32
        %add3A_130 = arith.addi %mul3A_128, %add3A_129 : i32
        %dma_wait3A = arith.constant 0 : i32
        %dma_wait3A_131 = tpu.memref_slice %arg5[%add3A_130, %dma_wait3A] : memref<88x128xi32, #tpu.memory_space<vmem>> -> memref<1x128xi32, #tpu.memory_space<vmem>>
        %dma_wait3A_132 = tpu.memref_squeeze %dma_wait3A_131 : memref<1x128xi32, #tpu.memory_space<vmem>> -> memref<128xi32, #tpu.memory_space<vmem>>
        %dma_wait3A_133 = arith.constant 0 : i32
        %dma_wait3A_134 = arith.constant 0 : i32
        %dma_wait3A_135 = tpu.memref_slice %arg7[%dma_wait3A_133, %dma_wait3A_134] : memref<10240x128xf32, #tpu.memory_space<vmem_shared>> -> memref<10240x128xf32, #tpu.memory_space<vmem_shared>>
        tpu.wait_indirect_dma semaphore(%arg8 : memref<!tpu.dma_semaphore, #tpu.memory_space<semaphore_mem>>) src(%arg6 : memref<128x128xf32, #tpu.memory_space<vmem>>) dst(%dma_wait3A_135 : memref<10240x128xf32, #tpu.memory_space<vmem_shared>>)
        %add3A_136 = arith.constant 1 : i32
        %add3A_137 = arith.addi %scan3A_125, %add3A_136 : i32
        %lt3A = arith.constant 11 : i32
        %lt3A_138 = arith.cmpi slt, %add3A_137, %lt3A : i32
        %convert_element_type3A_139 = arith.extui %lt3A_138 : i1 to i32
        %cond3A_140 = arith.constant 0 : i32
        %cond3A_141 = arith.cmpi ne, %convert_element_type3A_139, %cond3A_140 : i32
        scf.if %cond3A_141 {
          %add3A_262 = arith.constant 1 : i32
          %add3A_263 = arith.addi %scan3A_125, %add3A_262 : i32
          %mul3A_264 = arith.constant 8 : i32
          %mul3A_265 = arith.muli %add3A_263, %mul3A_264 : i32
          %add3A_266 = arith.constant 0 : i32
          %add3A_267 = arith.addi %mul3A_265, %add3A_266 : i32
          %dma_start3A_268 = arith.constant 0 : i32
          %dma_start3A_269 = tpu.memref_slice %arg5[%add3A_267, %dma_start3A_268] : memref<88x128xi32, #tpu.memory_space<vmem>> -> memref<1x128xi32, #tpu.memory_space<vmem>>
          %dma_start3A_270 = tpu.memref_squeeze %dma_start3A_269 : memref<1x128xi32, #tpu.memory_space<vmem>> -> memref<128xi32, #tpu.memory_space<vmem>>
          %dma_start3A_271 = arith.constant 0 : i32
          %dma_start3A_272 = arith.constant 0 : i32
          %dma_start3A_273 = tpu.memref_slice %arg7[%dma_start3A_271, %dma_start3A_272] : memref<10240x128xf32, #tpu.memory_space<vmem_shared>> -> memref<10240x128xf32, #tpu.memory_space<vmem_shared>>
          tpu.enqueue_indirect_dma source(%arg6 : memref<128x128xf32, #tpu.memory_space<vmem>>) target(%dma_start3A_273 : memref<10240x128xf32, #tpu.memory_space<vmem_shared>>) offsets(%dma_start3A_270 : memref<128xi32, #tpu.memory_space<vmem>>) semaphore(%arg8 : memref<!tpu.dma_semaphore, #tpu.memory_space<semaphore_mem>>) {add = true}
        } else {
        }
        %mul3A_142 = arith.constant 8 : i32
        %mul3A_143 = arith.muli %scan3A_125, %mul3A_142 : i32
        %add3A_144 = arith.constant 1 : i32
        %add3A_145 = arith.addi %mul3A_143, %add3A_144 : i32
        %dma_wait3A_146 = arith.constant 0 : i32
        %dma_wait3A_147 = tpu.memref_slice %arg5[%add3A_145, %dma_wait3A_146] : memref<88x128xi32, #tpu.memory_space<vmem>> -> memref<1x128xi32, #tpu.memory_space<vmem>>
        %dma_wait3A_148 = tpu.memref_squeeze %dma_wait3A_147 : memref<1x128xi32, #tpu.memory_space<vmem>> -> memref<128xi32, #tpu.memory_space<vmem>>
        %dma_wait3A_149 = arith.constant 0 : i32
        %dma_wait3A_150 = arith.constant 0 : i32
        %dma_wait3A_151 = tpu.memref_slice %arg7[%dma_wait3A_149, %dma_wait3A_150] : memref<10240x128xf32, #tpu.memory_space<vmem_shared>> -> memref<10240x128xf32, #tpu.memory_space<vmem_shared>>
        tpu.wait_indirect_dma semaphore(%arg9 : memref<!tpu.dma_semaphore, #tpu.memory_space<semaphore_mem>>) src(%arg6 : memref<128x128xf32, #tpu.memory_space<vmem>>) dst(%dma_wait3A_151 : memref<10240x128xf32, #tpu.memory_space<vmem_shared>>)
        %add3A_152 = arith.constant 1 : i32
        %add3A_153 = arith.addi %scan3A_125, %add3A_152 : i32
        %lt3A_154 = arith.constant 11 : i32
        %lt3A_155 = arith.cmpi slt, %add3A_153, %lt3A_154 : i32
        %convert_element_type3A_156 = arith.extui %lt3A_155 : i1 to i32
        %cond3A_157 = arith.constant 0 : i32
        %cond3A_158 = arith.cmpi ne, %convert_element_type3A_156, %cond3A_157 : i32
        scf.if %cond3A_158 {
          %add3A_262 = arith.constant 1 : i32
          %add3A_263 = arith.addi %scan3A_125, %add3A_262 : i32
          %mul3A_264 = arith.constant 8 : i32
          %mul3A_265 = arith.muli %add3A_263, %mul3A_264 : i32
          %add3A_266 = arith.constant 1 : i32
          %add3A_267 = arith.addi %mul3A_265, %add3A_266 : i32
          %dma_start3A_268 = arith.constant 0 : i32
          %dma_start3A_269 = tpu.memref_slice %arg5[%add3A_267, %dma_start3A_268] : memref<88x128xi32, #tpu.memory_space<vmem>> -> memref<1x128xi32, #tpu.memory_space<vmem>>
          %dma_start3A_270 = tpu.memref_squeeze %dma_start3A_269 : memref<1x128xi32, #tpu.memory_space<vmem>> -> memref<128xi32, #tpu.memory_space<vmem>>
          %dma_start3A_271 = arith.constant 0 : i32
          %dma_start3A_272 = arith.constant 0 : i32
          %dma_start3A_273 = tpu.memref_slice %arg7[%dma_start3A_271, %dma_start3A_272] : memref<10240x128xf32, #tpu.memory_space<vmem_shared>> -> memref<10240x128xf32, #tpu.memory_space<vmem_shared>>
          tpu.enqueue_indirect_dma source(%arg6 : memref<128x128xf32, #tpu.memory_space<vmem>>) target(%dma_start3A_273 : memref<10240x128xf32, #tpu.memory_space<vmem_shared>>) offsets(%dma_start3A_270 : memref<128xi32, #tpu.memory_space<vmem>>) semaphore(%arg9 : memref<!tpu.dma_semaphore, #tpu.memory_space<semaphore_mem>>) {add = true}
        } else {
        }
        %mul3A_159 = arith.constant 8 : i32
        %mul3A_160 = arith.muli %scan3A_125, %mul3A_159 : i32
        %add3A_161 = arith.constant 2 : i32
        %add3A_162 = arith.addi %mul3A_160, %add3A_161 : i32
        %dma_wait3A_163 = arith.constant 0 : i32
        %dma_wait3A_164 = tpu.memref_slice %arg5[%add3A_162, %dma_wait3A_163] : memref<88x128xi32, #tpu.memory_space<vmem>> -> memref<1x128xi32, #tpu.memory_space<vmem>>
        %dma_wait3A_165 = tpu.memref_squeeze %dma_wait3A_164 : memref<1x128xi32, #tpu.memory_space<vmem>> -> memref<128xi32, #tpu.memory_space<vmem>>
        %dma_wait3A_166 = arith.constant 0 : i32
        %dma_wait3A_167 = arith.constant 0 : i32
        %dma_wait3A_168 = tpu.memref_slice %arg7[%dma_wait3A_166, %dma_wait3A_167] : memref<10240x128xf32, #tpu.memory_space<vmem_shared>> -> memref<10240x128xf32, #tpu.memory_space<vmem_shared>>
        tpu.wait_indirect_dma semaphore(%arg10 : memref<!tpu.dma_semaphore, #tpu.memory_space<semaphore_mem>>) src(%arg6 : memref<128x128xf32, #tpu.memory_space<vmem>>) dst(%dma_wait3A_168 : memref<10240x128xf32, #tpu.memory_space<vmem_shared>>)
        %add3A_169 = arith.constant 1 : i32
        %add3A_170 = arith.addi %scan3A_125, %add3A_169 : i32
        %lt3A_171 = arith.constant 11 : i32
        %lt3A_172 = arith.cmpi slt, %add3A_170, %lt3A_171 : i32
        %convert_element_type3A_173 = arith.extui %lt3A_172 : i1 to i32
        %cond3A_174 = arith.constant 0 : i32
        %cond3A_175 = arith.cmpi ne, %convert_element_type3A_173, %cond3A_174 : i32
        scf.if %cond3A_175 {
          %add3A_262 = arith.constant 1 : i32
          %add3A_263 = arith.addi %scan3A_125, %add3A_262 : i32
          %mul3A_264 = arith.constant 8 : i32
          %mul3A_265 = arith.muli %add3A_263, %mul3A_264 : i32
          %add3A_266 = arith.constant 2 : i32
          %add3A_267 = arith.addi %mul3A_265, %add3A_266 : i32
          %dma_start3A_268 = arith.constant 0 : i32
          %dma_start3A_269 = tpu.memref_slice %arg5[%add3A_267, %dma_start3A_268] : memref<88x128xi32, #tpu.memory_space<vmem>> -> memref<1x128xi32, #tpu.memory_space<vmem>>
          %dma_start3A_270 = tpu.memref_squeeze %dma_start3A_269 : memref<1x128xi32, #tpu.memory_space<vmem>> -> memref<128xi32, #tpu.memory_space<vmem>>
          %dma_start3A_271 = arith.constant 0 : i32
          %dma_start3A_272 = arith.constant 0 : i32
          %dma_start3A_273 = tpu.memref_slice %arg7[%dma_start3A_271, %dma_start3A_272] : memref<10240x128xf32, #tpu.memory_space<vmem_shared>> -> memref<10240x128xf32, #tpu.memory_space<vmem_shared>>
          tpu.enqueue_indirect_dma source(%arg6 : memref<128x128xf32, #tpu.memory_space<vmem>>) target(%dma_start3A_273 : memref<10240x128xf32, #tpu.memory_space<vmem_shared>>) offsets(%dma_start3A_270 : memref<128xi32, #tpu.memory_space<vmem>>) semaphore(%arg10 : memref<!tpu.dma_semaphore, #tpu.memory_space<semaphore_mem>>) {add = true}
        } else {
        }
        %mul3A_176 = arith.constant 8 : i32
        %mul3A_177 = arith.muli %scan3A_125, %mul3A_176 : i32
        %add3A_178 = arith.constant 3 : i32
        %add3A_179 = arith.addi %mul3A_177, %add3A_178 : i32
        %dma_wait3A_180 = arith.constant 0 : i32
        %dma_wait3A_181 = tpu.memref_slice %arg5[%add3A_179, %dma_wait3A_180] : memref<88x128xi32, #tpu.memory_space<vmem>> -> memref<1x128xi32, #tpu.memory_space<vmem>>
        %dma_wait3A_182 = tpu.memref_squeeze %dma_wait3A_181 : memref<1x128xi32, #tpu.memory_space<vmem>> -> memref<128xi32, #tpu.memory_space<vmem>>
        %dma_wait3A_183 = arith.constant 0 : i32
        %dma_wait3A_184 = arith.constant 0 : i32
        %dma_wait3A_185 = tpu.memref_slice %arg7[%dma_wait3A_183, %dma_wait3A_184] : memref<10240x128xf32, #tpu.memory_space<vmem_shared>> -> memref<10240x128xf32, #tpu.memory_space<vmem_shared>>
        tpu.wait_indirect_dma semaphore(%arg11 : memref<!tpu.dma_semaphore, #tpu.memory_space<semaphore_mem>>) src(%arg6 : memref<128x128xf32, #tpu.memory_space<vmem>>) dst(%dma_wait3A_185 : memref<10240x128xf32, #tpu.memory_space<vmem_shared>>)
        %add3A_186 = arith.constant 1 : i32
        %add3A_187 = arith.addi %scan3A_125, %add3A_186 : i32
        %lt3A_188 = arith.constant 11 : i32
        %lt3A_189 = arith.cmpi slt, %add3A_187, %lt3A_188 : i32
        %convert_element_type3A_190 = arith.extui %lt3A_189 : i1 to i32
        %cond3A_191 = arith.constant 0 : i32
        %cond3A_192 = arith.cmpi ne, %convert_element_type3A_190, %cond3A_191 : i32
        scf.if %cond3A_192 {
          %add3A_262 = arith.constant 1 : i32
          %add3A_263 = arith.addi %scan3A_125, %add3A_262 : i32
          %mul3A_264 = arith.constant 8 : i32
          %mul3A_265 = arith.muli %add3A_263, %mul3A_264 : i32
          %add3A_266 = arith.constant 3 : i32
          %add3A_267 = arith.addi %mul3A_265, %add3A_266 : i32
          %dma_start3A_268 = arith.constant 0 : i32
          %dma_start3A_269 = tpu.memref_slice %arg5[%add3A_267, %dma_start3A_268] : memref<88x128xi32, #tpu.memory_space<vmem>> -> memref<1x128xi32, #tpu.memory_space<vmem>>
          %dma_start3A_270 = tpu.memref_squeeze %dma_start3A_269 : memref<1x128xi32, #tpu.memory_space<vmem>> -> memref<128xi32, #tpu.memory_space<vmem>>
          %dma_start3A_271 = arith.constant 0 : i32
          %dma_start3A_272 = arith.constant 0 : i32
          %dma_start3A_273 = tpu.memref_slice %arg7[%dma_start3A_271, %dma_start3A_272] : memref<10240x128xf32, #tpu.memory_space<vmem_shared>> -> memref<10240x128xf32, #tpu.memory_space<vmem_shared>>
          tpu.enqueue_indirect_dma source(%arg6 : memref<128x128xf32, #tpu.memory_space<vmem>>) target(%dma_start3A_273 : memref<10240x128xf32, #tpu.memory_space<vmem_shared>>) offsets(%dma_start3A_270 : memref<128xi32, #tpu.memory_space<vmem>>) semaphore(%arg11 : memref<!tpu.dma_semaphore, #tpu.memory_space<semaphore_mem>>) {add = true}
        } else {
        }
        %mul3A_193 = arith.constant 8 : i32
        %mul3A_194 = arith.muli %scan3A_125, %mul3A_193 : i32
        %add3A_195 = arith.constant 4 : i32
        %add3A_196 = arith.addi %mul3A_194, %add3A_195 : i32
        %dma_wait3A_197 = arith.constant 0 : i32
        %dma_wait3A_198 = tpu.memref_slice %arg5[%add3A_196, %dma_wait3A_197] : memref<88x128xi32, #tpu.memory_space<vmem>> -> memref<1x128xi32, #tpu.memory_space<vmem>>
        %dma_wait3A_199 = tpu.memref_squeeze %dma_wait3A_198 : memref<1x128xi32, #tpu.memory_space<vmem>> -> memref<128xi32, #tpu.memory_space<vmem>>
        %dma_wait3A_200 = arith.constant 0 : i32
        %dma_wait3A_201 = arith.constant 0 : i32
        %dma_wait3A_202 = tpu.memref_slice %arg7[%dma_wait3A_200, %dma_wait3A_201] : memref<10240x128xf32, #tpu.memory_space<vmem_shared>> -> memref<10240x128xf32, #tpu.memory_space<vmem_shared>>
        tpu.wait_indirect_dma semaphore(%arg12 : memref<!tpu.dma_semaphore, #tpu.memory_space<semaphore_mem>>) src(%arg6 : memref<128x128xf32, #tpu.memory_space<vmem>>) dst(%dma_wait3A_202 : memref<10240x128xf32, #tpu.memory_space<vmem_shared>>)
        %add3A_203 = arith.constant 1 : i32
        %add3A_204 = arith.addi %scan3A_125, %add3A_203 : i32
        %lt3A_205 = arith.constant 11 : i32
        %lt3A_206 = arith.cmpi slt, %add3A_204, %lt3A_205 : i32
        %convert_element_type3A_207 = arith.extui %lt3A_206 : i1 to i32
        %cond3A_208 = arith.constant 0 : i32
        %cond3A_209 = arith.cmpi ne, %convert_element_type3A_207, %cond3A_208 : i32
        scf.if %cond3A_209 {
          %add3A_262 = arith.constant 1 : i32
          %add3A_263 = arith.addi %scan3A_125, %add3A_262 : i32
          %mul3A_264 = arith.constant 8 : i32
          %mul3A_265 = arith.muli %add3A_263, %mul3A_264 : i32
          %add3A_266 = arith.constant 4 : i32
          %add3A_267 = arith.addi %mul3A_265, %add3A_266 : i32
          %dma_start3A_268 = arith.constant 0 : i32
          %dma_start3A_269 = tpu.memref_slice %arg5[%add3A_267, %dma_start3A_268] : memref<88x128xi32, #tpu.memory_space<vmem>> -> memref<1x128xi32, #tpu.memory_space<vmem>>
          %dma_start3A_270 = tpu.memref_squeeze %dma_start3A_269 : memref<1x128xi32, #tpu.memory_space<vmem>> -> memref<128xi32, #tpu.memory_space<vmem>>
          %dma_start3A_271 = arith.constant 0 : i32
          %dma_start3A_272 = arith.constant 0 : i32
          %dma_start3A_273 = tpu.memref_slice %arg7[%dma_start3A_271, %dma_start3A_272] : memref<10240x128xf32, #tpu.memory_space<vmem_shared>> -> memref<10240x128xf32, #tpu.memory_space<vmem_shared>>
          tpu.enqueue_indirect_dma source(%arg6 : memref<128x128xf32, #tpu.memory_space<vmem>>) target(%dma_start3A_273 : memref<10240x128xf32, #tpu.memory_space<vmem_shared>>) offsets(%dma_start3A_270 : memref<128xi32, #tpu.memory_space<vmem>>) semaphore(%arg12 : memref<!tpu.dma_semaphore, #tpu.memory_space<semaphore_mem>>) {add = true}
        } else {
        }
        %mul3A_210 = arith.constant 8 : i32
        %mul3A_211 = arith.muli %scan3A_125, %mul3A_210 : i32
        %add3A_212 = arith.constant 5 : i32
        %add3A_213 = arith.addi %mul3A_211, %add3A_212 : i32
        %dma_wait3A_214 = arith.constant 0 : i32
        %dma_wait3A_215 = tpu.memref_slice %arg5[%add3A_213, %dma_wait3A_214] : memref<88x128xi32, #tpu.memory_space<vmem>> -> memref<1x128xi32, #tpu.memory_space<vmem>>
        %dma_wait3A_216 = tpu.memref_squeeze %dma_wait3A_215 : memref<1x128xi32, #tpu.memory_space<vmem>> -> memref<128xi32, #tpu.memory_space<vmem>>
        %dma_wait3A_217 = arith.constant 0 : i32
        %dma_wait3A_218 = arith.constant 0 : i32
        %dma_wait3A_219 = tpu.memref_slice %arg7[%dma_wait3A_217, %dma_wait3A_218] : memref<10240x128xf32, #tpu.memory_space<vmem_shared>> -> memref<10240x128xf32, #tpu.memory_space<vmem_shared>>
        tpu.wait_indirect_dma semaphore(%arg13 : memref<!tpu.dma_semaphore, #tpu.memory_space<semaphore_mem>>) src(%arg6 : memref<128x128xf32, #tpu.memory_space<vmem>>) dst(%dma_wait3A_219 : memref<10240x128xf32, #tpu.memory_space<vmem_shared>>)
        %add3A_220 = arith.constant 1 : i32
        %add3A_221 = arith.addi %scan3A_125, %add3A_220 : i32
        %lt3A_222 = arith.constant 11 : i32
        %lt3A_223 = arith.cmpi slt, %add3A_221, %lt3A_222 : i32
        %convert_element_type3A_224 = arith.extui %lt3A_223 : i1 to i32
        %cond3A_225 = arith.constant 0 : i32
        %cond3A_226 = arith.cmpi ne, %convert_element_type3A_224, %cond3A_225 : i32
        scf.if %cond3A_226 {
          %add3A_262 = arith.constant 1 : i32
          %add3A_263 = arith.addi %scan3A_125, %add3A_262 : i32
          %mul3A_264 = arith.constant 8 : i32
          %mul3A_265 = arith.muli %add3A_263, %mul3A_264 : i32
          %add3A_266 = arith.constant 5 : i32
          %add3A_267 = arith.addi %mul3A_265, %add3A_266 : i32
          %dma_start3A_268 = arith.constant 0 : i32
          %dma_start3A_269 = tpu.memref_slice %arg5[%add3A_267, %dma_start3A_268] : memref<88x128xi32, #tpu.memory_space<vmem>> -> memref<1x128xi32, #tpu.memory_space<vmem>>
          %dma_start3A_270 = tpu.memref_squeeze %dma_start3A_269 : memref<1x128xi32, #tpu.memory_space<vmem>> -> memref<128xi32, #tpu.memory_space<vmem>>
          %dma_start3A_271 = arith.constant 0 : i32
          %dma_start3A_272 = arith.constant 0 : i32
          %dma_start3A_273 = tpu.memref_slice %arg7[%dma_start3A_271, %dma_start3A_272] : memref<10240x128xf32, #tpu.memory_space<vmem_shared>> -> memref<10240x128xf32, #tpu.memory_space<vmem_shared>>
          tpu.enqueue_indirect_dma source(%arg6 : memref<128x128xf32, #tpu.memory_space<vmem>>) target(%dma_start3A_273 : memref<10240x128xf32, #tpu.memory_space<vmem_shared>>) offsets(%dma_start3A_270 : memref<128xi32, #tpu.memory_space<vmem>>) semaphore(%arg13 : memref<!tpu.dma_semaphore, #tpu.memory_space<semaphore_mem>>) {add = true}
        } else {
        }
        %mul3A_227 = arith.constant 8 : i32
        %mul3A_228 = arith.muli %scan3A_125, %mul3A_227 : i32
        %add3A_229 = arith.constant 6 : i32
        %add3A_230 = arith.addi %mul3A_228, %add3A_229 : i32
        %dma_wait3A_231 = arith.constant 0 : i32
        %dma_wait3A_232 = tpu.memref_slice %arg5[%add3A_230, %dma_wait3A_231] : memref<88x128xi32, #tpu.memory_space<vmem>> -> memref<1x128xi32, #tpu.memory_space<vmem>>
        %dma_wait3A_233 = tpu.memref_squeeze %dma_wait3A_232 : memref<1x128xi32, #tpu.memory_space<vmem>> -> memref<128xi32, #tpu.memory_space<vmem>>
        %dma_wait3A_234 = arith.constant 0 : i32
        %dma_wait3A_235 = arith.constant 0 : i32
        %dma_wait3A_236 = tpu.memref_slice %arg7[%dma_wait3A_234, %dma_wait3A_235] : memref<10240x128xf32, #tpu.memory_space<vmem_shared>> -> memref<10240x128xf32, #tpu.memory_space<vmem_shared>>
        tpu.wait_indirect_dma semaphore(%arg14 : memref<!tpu.dma_semaphore, #tpu.memory_space<semaphore_mem>>) src(%arg6 : memref<128x128xf32, #tpu.memory_space<vmem>>) dst(%dma_wait3A_236 : memref<10240x128xf32, #tpu.memory_space<vmem_shared>>)
        %add3A_237 = arith.constant 1 : i32
        %add3A_238 = arith.addi %scan3A_125, %add3A_237 : i32
        %lt3A_239 = arith.constant 11 : i32
        %lt3A_240 = arith.cmpi slt, %add3A_238, %lt3A_239 : i32
        %convert_element_type3A_241 = arith.extui %lt3A_240 : i1 to i32
        %cond3A_242 = arith.constant 0 : i32
        %cond3A_243 = arith.cmpi ne, %convert_element_type3A_241, %cond3A_242 : i32
        scf.if %cond3A_243 {
          %add3A_262 = arith.constant 1 : i32
          %add3A_263 = arith.addi %scan3A_125, %add3A_262 : i32
          %mul3A_264 = arith.constant 8 : i32
          %mul3A_265 = arith.muli %add3A_263, %mul3A_264 : i32
          %add3A_266 = arith.constant 6 : i32
          %add3A_267 = arith.addi %mul3A_265, %add3A_266 : i32
          %dma_start3A_268 = arith.constant 0 : i32
          %dma_start3A_269 = tpu.memref_slice %arg5[%add3A_267, %dma_start3A_268] : memref<88x128xi32, #tpu.memory_space<vmem>> -> memref<1x128xi32, #tpu.memory_space<vmem>>
          %dma_start3A_270 = tpu.memref_squeeze %dma_start3A_269 : memref<1x128xi32, #tpu.memory_space<vmem>> -> memref<128xi32, #tpu.memory_space<vmem>>
          %dma_start3A_271 = arith.constant 0 : i32
          %dma_start3A_272 = arith.constant 0 : i32
          %dma_start3A_273 = tpu.memref_slice %arg7[%dma_start3A_271, %dma_start3A_272] : memref<10240x128xf32, #tpu.memory_space<vmem_shared>> -> memref<10240x128xf32, #tpu.memory_space<vmem_shared>>
          tpu.enqueue_indirect_dma source(%arg6 : memref<128x128xf32, #tpu.memory_space<vmem>>) target(%dma_start3A_273 : memref<10240x128xf32, #tpu.memory_space<vmem_shared>>) offsets(%dma_start3A_270 : memref<128xi32, #tpu.memory_space<vmem>>) semaphore(%arg14 : memref<!tpu.dma_semaphore, #tpu.memory_space<semaphore_mem>>) {add = true}
        } else {
        }
        %mul3A_244 = arith.constant 8 : i32
        %mul3A_245 = arith.muli %scan3A_125, %mul3A_244 : i32
        %add3A_246 = arith.constant 7 : i32
        %add3A_247 = arith.addi %mul3A_245, %add3A_246 : i32
        %dma_wait3A_248 = arith.constant 0 : i32
        %dma_wait3A_249 = tpu.memref_slice %arg5[%add3A_247, %dma_wait3A_248] : memref<88x128xi32, #tpu.memory_space<vmem>> -> memref<1x128xi32, #tpu.memory_space<vmem>>
        %dma_wait3A_250 = tpu.memref_squeeze %dma_wait3A_249 : memref<1x128xi32, #tpu.memory_space<vmem>> -> memref<128xi32, #tpu.memory_space<vmem>>
        %dma_wait3A_251 = arith.constant 0 : i32
        %dma_wait3A_252 = arith.constant 0 : i32
        %dma_wait3A_253 = tpu.memref_slice %arg7[%dma_wait3A_251, %dma_wait3A_252] : memref<10240x128xf32, #tpu.memory_space<vmem_shared>> -> memref<10240x128xf32, #tpu.memory_space<vmem_shared>>
        tpu.wait_indirect_dma semaphore(%arg15 : memref<!tpu.dma_semaphore, #tpu.memory_space<semaphore_mem>>) src(%arg6 : memref<128x128xf32, #tpu.memory_space<vmem>>) dst(%dma_wait3A_253 : memref<10240x128xf32, #tpu.memory_space<vmem_shared>>)
        %add3A_254 = arith.constant 1 : i32
        %add3A_255 = arith.addi %scan3A_125, %add3A_254 : i32
        %lt3A_256 = arith.constant 11 : i32
        %lt3A_257 = arith.cmpi slt, %add3A_255, %lt3A_256 : i32
        %convert_element_type3A_258 = arith.extui %lt3A_257 : i1 to i32
        %cond3A_259 = arith.constant 0 : i32
        %cond3A_260 = arith.cmpi ne, %convert_element_type3A_258, %cond3A_259 : i32
        scf.if %cond3A_260 {
          %add3A_262 = arith.constant 1 : i32
          %add3A_263 = arith.addi %scan3A_125, %add3A_262 : i32
          %mul3A_264 = arith.constant 8 : i32
          %mul3A_265 = arith.muli %add3A_263, %mul3A_264 : i32
          %add3A_266 = arith.constant 7 : i32
          %add3A_267 = arith.addi %mul3A_265, %add3A_266 : i32
          %dma_start3A_268 = arith.constant 0 : i32
          %dma_start3A_269 = tpu.memref_slice %arg5[%add3A_267, %dma_start3A_268] : memref<88x128xi32, #tpu.memory_space<vmem>> -> memref<1x128xi32, #tpu.memory_space<vmem>>
          %dma_start3A_270 = tpu.memref_squeeze %dma_start3A_269 : memref<1x128xi32, #tpu.memory_space<vmem>> -> memref<128xi32, #tpu.memory_space<vmem>>
          %dma_start3A_271 = arith.constant 0 : i32
          %dma_start3A_272 = arith.constant 0 : i32
          %dma_start3A_273 = tpu.memref_slice %arg7[%dma_start3A_271, %dma_start3A_272] : memref<10240x128xf32, #tpu.memory_space<vmem_shared>> -> memref<10240x128xf32, #tpu.memory_space<vmem_shared>>
          tpu.enqueue_indirect_dma source(%arg6 : memref<128x128xf32, #tpu.memory_space<vmem>>) target(%dma_start3A_273 : memref<10240x128xf32, #tpu.memory_space<vmem_shared>>) offsets(%dma_start3A_270 : memref<128xi32, #tpu.memory_space<vmem>>) semaphore(%arg15 : memref<!tpu.dma_semaphore, #tpu.memory_space<semaphore_mem>>) {add = true}
        } else {
        }
        %scan3A_261 = arith.constant 0 : i32
        scf.yield %scan3A_261 : i32
      }
      %scan3A_124 = arith.constant 11 : i32
    } else {
    }
    %eq3A_53 = arith.constant 1 : i32
    %eq3A_54 = arith.cmpi eq, %arg0, %eq3A_53 : i32
    %convert_element_type3A_55 = arith.extui %eq3A_54 : i1 to i32
    %cond3A_56 = arith.constant 0 : i32
    %cond3A_57 = arith.cmpi ne, %convert_element_type3A_55, %cond3A_56 : i32
    scf.if %cond3A_57 {
      %dma_start3A = arith.constant 0 : i32
      %dma_start3A_63 = arith.constant 0 : i32
      %dma_start3A_64 = tpu.memref_slice %arg5[%dma_start3A, %dma_start3A_63] : memref<88x128xi32, #tpu.memory_space<vmem>> -> memref<1x128xi32, #tpu.memory_space<vmem>>
      %dma_start3A_65 = tpu.memref_squeeze %dma_start3A_64 : memref<1x128xi32, #tpu.memory_space<vmem>> -> memref<128xi32, #tpu.memory_space<vmem>>
      %dma_start3A_66 = arith.constant 0 : i32
      %dma_start3A_67 = arith.constant 0 : i32
      %dma_start3A_68 = tpu.memref_slice %arg7[%dma_start3A_66, %dma_start3A_67] : memref<10240x128xf32, #tpu.memory_space<vmem_shared>> -> memref<10240x128xf32, #tpu.memory_space<vmem_shared>>
      tpu.enqueue_indirect_dma source(%arg6 : memref<128x128xf32, #tpu.memory_space<vmem>>) target(%dma_start3A_68 : memref<10240x128xf32, #tpu.memory_space<vmem_shared>>) offsets(%dma_start3A_65 : memref<128xi32, #tpu.memory_space<vmem>>) semaphore(%arg8 : memref<!tpu.dma_semaphore, #tpu.memory_space<semaphore_mem>>) {add = true}
      %dma_start3A_69 = arith.constant 1 : i32
      %dma_start3A_70 = arith.constant 0 : i32
      %dma_start3A_71 = tpu.memref_slice %arg5[%dma_start3A_69, %dma_start3A_70] : memref<88x128xi32, #tpu.memory_space<vmem>> -> memref<1x128xi32, #tpu.memory_space<vmem>>
      %dma_start3A_72 = tpu.memref_squeeze %dma_start3A_71 : memref<1x128xi32, #tpu.memory_space<vmem>> -> memref<128xi32, #tpu.memory_space<vmem>>
      %dma_start3A_73 = arith.constant 0 : i32
      %dma_start3A_74 = arith.constant 0 : i32
      %dma_start3A_75 = tpu.memref_slice %arg7[%dma_start3A_73, %dma_start3A_74] : memref<10240x128xf32, #tpu.memory_space<vmem_shared>> -> memref<10240x128xf32, #tpu.memory_space<vmem_shared>>
      tpu.enqueue_indirect_dma source(%arg6 : memref<128x128xf32, #tpu.memory_space<vmem>>) target(%dma_start3A_75 : memref<10240x128xf32, #tpu.memory_space<vmem_shared>>) offsets(%dma_start3A_72 : memref<128xi32, #tpu.memory_space<vmem>>) semaphore(%arg9 : memref<!tpu.dma_semaphore, #tpu.memory_space<semaphore_mem>>) {add = true}
      %dma_start3A_76 = arith.constant 2 : i32
      %dma_start3A_77 = arith.constant 0 : i32
      %dma_start3A_78 = tpu.memref_slice %arg5[%dma_start3A_76, %dma_start3A_77] : memref<88x128xi32, #tpu.memory_space<vmem>> -> memref<1x128xi32, #tpu.memory_space<vmem>>
      %dma_start3A_79 = tpu.memref_squeeze %dma_start3A_78 : memref<1x128xi32, #tpu.memory_space<vmem>> -> memref<128xi32, #tpu.memory_space<vmem>>
      %dma_start3A_80 = arith.constant 0 : i32
      %dma_start3A_81 = arith.constant 0 : i32
      %dma_start3A_82 = tpu.memref_slice %arg7[%dma_start3A_80, %dma_start3A_81] : memref<10240x128xf32, #tpu.memory_space<vmem_shared>> -> memref<10240x128xf32, #tpu.memory_space<vmem_shared>>
      tpu.enqueue_indirect_dma source(%arg6 : memref<128x128xf32, #tpu.memory_space<vmem>>) target(%dma_start3A_82 : memref<10240x128xf32, #tpu.memory_space<vmem_shared>>) offsets(%dma_start3A_79 : memref<128xi32, #tpu.memory_space<vmem>>) semaphore(%arg10 : memref<!tpu.dma_semaphore, #tpu.memory_space<semaphore_mem>>) {add = true}
      %dma_start3A_83 = arith.constant 3 : i32
      %dma_start3A_84 = arith.constant 0 : i32
      %dma_start3A_85 = tpu.memref_slice %arg5[%dma_start3A_83, %dma_start3A_84] : memref<88x128xi32, #tpu.memory_space<vmem>> -> memref<1x128xi32, #tpu.memory_space<vmem>>
      %dma_start3A_86 = tpu.memref_squeeze %dma_start3A_85 : memref<1x128xi32, #tpu.memory_space<vmem>> -> memref<128xi32, #tpu.memory_space<vmem>>
      %dma_start3A_87 = arith.constant 0 : i32
      %dma_start3A_88 = arith.constant 0 : i32
      %dma_start3A_89 = tpu.memref_slice %arg7[%dma_start3A_87, %dma_start3A_88] : memref<10240x128xf32, #tpu.memory_space<vmem_shared>> -> memref<10240x128xf32, #tpu.memory_space<vmem_shared>>
      tpu.enqueue_indirect_dma source(%arg6 : memref<128x128xf32, #tpu.memory_space<vmem>>) target(%dma_start3A_89 : memref<10240x128xf32, #tpu.memory_space<vmem_shared>>) offsets(%dma_start3A_86 : memref<128xi32, #tpu.memory_space<vmem>>) semaphore(%arg11 : memref<!tpu.dma_semaphore, #tpu.memory_space<semaphore_mem>>) {add = true}
      %dma_start3A_90 = arith.constant 4 : i32
      %dma_start3A_91 = arith.constant 0 : i32
      %dma_start3A_92 = tpu.memref_slice %arg5[%dma_start3A_90, %dma_start3A_91] : memref<88x128xi32, #tpu.memory_space<vmem>> -> memref<1x128xi32, #tpu.memory_space<vmem>>
      %dma_start3A_93 = tpu.memref_squeeze %dma_start3A_92 : memref<1x128xi32, #tpu.memory_space<vmem>> -> memref<128xi32, #tpu.memory_space<vmem>>
      %dma_start3A_94 = arith.constant 0 : i32
      %dma_start3A_95 = arith.constant 0 : i32
      %dma_start3A_96 = tpu.memref_slice %arg7[%dma_start3A_94, %dma_start3A_95] : memref<10240x128xf32, #tpu.memory_space<vmem_shared>> -> memref<10240x128xf32, #tpu.memory_space<vmem_shared>>
      tpu.enqueue_indirect_dma source(%arg6 : memref<128x128xf32, #tpu.memory_space<vmem>>) target(%dma_start3A_96 : memref<10240x128xf32, #tpu.memory_space<vmem_shared>>) offsets(%dma_start3A_93 : memref<128xi32, #tpu.memory_space<vmem>>) semaphore(%arg12 : memref<!tpu.dma_semaphore, #tpu.memory_space<semaphore_mem>>) {add = true}
      %dma_start3A_97 = arith.constant 5 : i32
      %dma_start3A_98 = arith.constant 0 : i32
      %dma_start3A_99 = tpu.memref_slice %arg5[%dma_start3A_97, %dma_start3A_98] : memref<88x128xi32, #tpu.memory_space<vmem>> -> memref<1x128xi32, #tpu.memory_space<vmem>>
      %dma_start3A_100 = tpu.memref_squeeze %dma_start3A_99 : memref<1x128xi32, #tpu.memory_space<vmem>> -> memref<128xi32, #tpu.memory_space<vmem>>
      %dma_start3A_101 = arith.constant 0 : i32
      %dma_start3A_102 = arith.constant 0 : i32
      %dma_start3A_103 = tpu.memref_slice %arg7[%dma_start3A_101, %dma_start3A_102] : memref<10240x128xf32, #tpu.memory_space<vmem_shared>> -> memref<10240x128xf32, #tpu.memory_space<vmem_shared>>
      tpu.enqueue_indirect_dma source(%arg6 : memref<128x128xf32, #tpu.memory_space<vmem>>) target(%dma_start3A_103 : memref<10240x128xf32, #tpu.memory_space<vmem_shared>>) offsets(%dma_start3A_100 : memref<128xi32, #tpu.memory_space<vmem>>) semaphore(%arg13 : memref<!tpu.dma_semaphore, #tpu.memory_space<semaphore_mem>>) {add = true}
      %dma_start3A_104 = arith.constant 6 : i32
      %dma_start3A_105 = arith.constant 0 : i32
      %dma_start3A_106 = tpu.memref_slice %arg5[%dma_start3A_104, %dma_start3A_105] : memref<88x128xi32, #tpu.memory_space<vmem>> -> memref<1x128xi32, #tpu.memory_space<vmem>>
      %dma_start3A_107 = tpu.memref_squeeze %dma_start3A_106 : memref<1x128xi32, #tpu.memory_space<vmem>> -> memref<128xi32, #tpu.memory_space<vmem>>
      %dma_start3A_108 = arith.constant 0 : i32
      %dma_start3A_109 = arith.constant 0 : i32
      %dma_start3A_110 = tpu.memref_slice %arg7[%dma_start3A_108, %dma_start3A_109] : memref<10240x128xf32, #tpu.memory_space<vmem_shared>> -> memref<10240x128xf32, #tpu.memory_space<vmem_shared>>
      tpu.enqueue_indirect_dma source(%arg6 : memref<128x128xf32, #tpu.memory_space<vmem>>) target(%dma_start3A_110 : memref<10240x128xf32, #tpu.memory_space<vmem_shared>>) offsets(%dma_start3A_107 : memref<128xi32, #tpu.memory_space<vmem>>) semaphore(%arg14 : memref<!tpu.dma_semaphore, #tpu.memory_space<semaphore_mem>>) {add = true}
      %dma_start3A_111 = arith.constant 7 : i32
      %dma_start3A_112 = arith.constant 0 : i32
      %dma_start3A_113 = tpu.memref_slice %arg5[%dma_start3A_111, %dma_start3A_112] : memref<88x128xi32, #tpu.memory_space<vmem>> -> memref<1x128xi32, #tpu.memory_space<vmem>>
      %dma_start3A_114 = tpu.memref_squeeze %dma_start3A_113 : memref<1x128xi32, #tpu.memory_space<vmem>> -> memref<128xi32, #tpu.memory_space<vmem>>
      %dma_start3A_115 = arith.constant 0 : i32
      %dma_start3A_116 = arith.constant 0 : i32
      %dma_start3A_117 = tpu.memref_slice %arg7[%dma_start3A_115, %dma_start3A_116] : memref<10240x128xf32, #tpu.memory_space<vmem_shared>> -> memref<10240x128xf32, #tpu.memory_space<vmem_shared>>
      tpu.enqueue_indirect_dma source(%arg6 : memref<128x128xf32, #tpu.memory_space<vmem>>) target(%dma_start3A_117 : memref<10240x128xf32, #tpu.memory_space<vmem_shared>>) offsets(%dma_start3A_114 : memref<128xi32, #tpu.memory_space<vmem>>) semaphore(%arg15 : memref<!tpu.dma_semaphore, #tpu.memory_space<semaphore_mem>>) {add = true}
      %scan3A_118 = arith.constant 0 : i32
      %scan3A_119 = arith.constant 0 : i32
      %scan3A_120 = arith.constant 9 : i32
      %scan3A_121 = arith.addi %scan3A_119, %scan3A_120 : i32
      %scan3A_122 = arith.constant 1 : i32
      %scan3A_123 = scf.for %scan3A_125 = %scan3A_119 to %scan3A_121 step %scan3A_122 iter_args(%scan3A_126 = %scan3A_118) -> (i32)  : i32 {
        %mul3A_127 = arith.constant 8 : i32
        %mul3A_128 = arith.muli %scan3A_125, %mul3A_127 : i32
        %add3A_129 = arith.constant 0 : i32
        %add3A_130 = arith.addi %mul3A_128, %add3A_129 : i32
        %dma_wait3A = arith.constant 0 : i32
        %dma_wait3A_131 = tpu.memref_slice %arg5[%add3A_130, %dma_wait3A] : memref<88x128xi32, #tpu.memory_space<vmem>> -> memref<1x128xi32, #tpu.memory_space<vmem>>
        %dma_wait3A_132 = tpu.memref_squeeze %dma_wait3A_131 : memref<1x128xi32, #tpu.memory_space<vmem>> -> memref<128xi32, #tpu.memory_space<vmem>>
        %dma_wait3A_133 = arith.constant 0 : i32
        %dma_wait3A_134 = arith.constant 0 : i32
        %dma_wait3A_135 = tpu.memref_slice %arg7[%dma_wait3A_133, %dma_wait3A_134] : memref<10240x128xf32, #tpu.memory_space<vmem_shared>> -> memref<10240x128xf32, #tpu.memory_space<vmem_shared>>
        tpu.wait_indirect_dma semaphore(%arg8 : memref<!tpu.dma_semaphore, #tpu.memory_space<semaphore_mem>>) src(%arg6 : memref<128x128xf32, #tpu.memory_space<vmem>>) dst(%dma_wait3A_135 : memref<10240x128xf32, #tpu.memory_space<vmem_shared>>)
        %add3A_136 = arith.constant 1 : i32
        %add3A_137 = arith.addi %scan3A_125, %add3A_136 : i32
        %lt3A = arith.constant 9 : i32
        %lt3A_138 = arith.cmpi slt, %add3A_137, %lt3A : i32
        %convert_element_type3A_139 = arith.extui %lt3A_138 : i1 to i32
        %cond3A_140 = arith.constant 0 : i32
        %cond3A_141 = arith.cmpi ne, %convert_element_type3A_139, %cond3A_140 : i32
        scf.if %cond3A_141 {
          %add3A_262 = arith.constant 1 : i32
          %add3A_263 = arith.addi %scan3A_125, %add3A_262 : i32
          %mul3A_264 = arith.constant 8 : i32
          %mul3A_265 = arith.muli %add3A_263, %mul3A_264 : i32
          %add3A_266 = arith.constant 0 : i32
          %add3A_267 = arith.addi %mul3A_265, %add3A_266 : i32
          %dma_start3A_268 = arith.constant 0 : i32
          %dma_start3A_269 = tpu.memref_slice %arg5[%add3A_267, %dma_start3A_268] : memref<88x128xi32, #tpu.memory_space<vmem>> -> memref<1x128xi32, #tpu.memory_space<vmem>>
          %dma_start3A_270 = tpu.memref_squeeze %dma_start3A_269 : memref<1x128xi32, #tpu.memory_space<vmem>> -> memref<128xi32, #tpu.memory_space<vmem>>
          %dma_start3A_271 = arith.constant 0 : i32
          %dma_start3A_272 = arith.constant 0 : i32
          %dma_start3A_273 = tpu.memref_slice %arg7[%dma_start3A_271, %dma_start3A_272] : memref<10240x128xf32, #tpu.memory_space<vmem_shared>> -> memref<10240x128xf32, #tpu.memory_space<vmem_shared>>
          tpu.enqueue_indirect_dma source(%arg6 : memref<128x128xf32, #tpu.memory_space<vmem>>) target(%dma_start3A_273 : memref<10240x128xf32, #tpu.memory_space<vmem_shared>>) offsets(%dma_start3A_270 : memref<128xi32, #tpu.memory_space<vmem>>) semaphore(%arg8 : memref<!tpu.dma_semaphore, #tpu.memory_space<semaphore_mem>>) {add = true}
        } else {
        }
        %mul3A_142 = arith.constant 8 : i32
        %mul3A_143 = arith.muli %scan3A_125, %mul3A_142 : i32
        %add3A_144 = arith.constant 1 : i32
        %add3A_145 = arith.addi %mul3A_143, %add3A_144 : i32
        %dma_wait3A_146 = arith.constant 0 : i32
        %dma_wait3A_147 = tpu.memref_slice %arg5[%add3A_145, %dma_wait3A_146] : memref<88x128xi32, #tpu.memory_space<vmem>> -> memref<1x128xi32, #tpu.memory_space<vmem>>
        %dma_wait3A_148 = tpu.memref_squeeze %dma_wait3A_147 : memref<1x128xi32, #tpu.memory_space<vmem>> -> memref<128xi32, #tpu.memory_space<vmem>>
        %dma_wait3A_149 = arith.constant 0 : i32
        %dma_wait3A_150 = arith.constant 0 : i32
        %dma_wait3A_151 = tpu.memref_slice %arg7[%dma_wait3A_149, %dma_wait3A_150] : memref<10240x128xf32, #tpu.memory_space<vmem_shared>> -> memref<10240x128xf32, #tpu.memory_space<vmem_shared>>
        tpu.wait_indirect_dma semaphore(%arg9 : memref<!tpu.dma_semaphore, #tpu.memory_space<semaphore_mem>>) src(%arg6 : memref<128x128xf32, #tpu.memory_space<vmem>>) dst(%dma_wait3A_151 : memref<10240x128xf32, #tpu.memory_space<vmem_shared>>)
        %add3A_152 = arith.constant 1 : i32
        %add3A_153 = arith.addi %scan3A_125, %add3A_152 : i32
        %lt3A_154 = arith.constant 9 : i32
        %lt3A_155 = arith.cmpi slt, %add3A_153, %lt3A_154 : i32
        %convert_element_type3A_156 = arith.extui %lt3A_155 : i1 to i32
        %cond3A_157 = arith.constant 0 : i32
        %cond3A_158 = arith.cmpi ne, %convert_element_type3A_156, %cond3A_157 : i32
        scf.if %cond3A_158 {
          %add3A_262 = arith.constant 1 : i32
          %add3A_263 = arith.addi %scan3A_125, %add3A_262 : i32
          %mul3A_264 = arith.constant 8 : i32
          %mul3A_265 = arith.muli %add3A_263, %mul3A_264 : i32
          %add3A_266 = arith.constant 1 : i32
          %add3A_267 = arith.addi %mul3A_265, %add3A_266 : i32
          %dma_start3A_268 = arith.constant 0 : i32
          %dma_start3A_269 = tpu.memref_slice %arg5[%add3A_267, %dma_start3A_268] : memref<88x128xi32, #tpu.memory_space<vmem>> -> memref<1x128xi32, #tpu.memory_space<vmem>>
          %dma_start3A_270 = tpu.memref_squeeze %dma_start3A_269 : memref<1x128xi32, #tpu.memory_space<vmem>> -> memref<128xi32, #tpu.memory_space<vmem>>
          %dma_start3A_271 = arith.constant 0 : i32
          %dma_start3A_272 = arith.constant 0 : i32
          %dma_start3A_273 = tpu.memref_slice %arg7[%dma_start3A_271, %dma_start3A_272] : memref<10240x128xf32, #tpu.memory_space<vmem_shared>> -> memref<10240x128xf32, #tpu.memory_space<vmem_shared>>
          tpu.enqueue_indirect_dma source(%arg6 : memref<128x128xf32, #tpu.memory_space<vmem>>) target(%dma_start3A_273 : memref<10240x128xf32, #tpu.memory_space<vmem_shared>>) offsets(%dma_start3A_270 : memref<128xi32, #tpu.memory_space<vmem>>) semaphore(%arg9 : memref<!tpu.dma_semaphore, #tpu.memory_space<semaphore_mem>>) {add = true}
        } else {
        }
        %mul3A_159 = arith.constant 8 : i32
        %mul3A_160 = arith.muli %scan3A_125, %mul3A_159 : i32
        %add3A_161 = arith.constant 2 : i32
        %add3A_162 = arith.addi %mul3A_160, %add3A_161 : i32
        %dma_wait3A_163 = arith.constant 0 : i32
        %dma_wait3A_164 = tpu.memref_slice %arg5[%add3A_162, %dma_wait3A_163] : memref<88x128xi32, #tpu.memory_space<vmem>> -> memref<1x128xi32, #tpu.memory_space<vmem>>
        %dma_wait3A_165 = tpu.memref_squeeze %dma_wait3A_164 : memref<1x128xi32, #tpu.memory_space<vmem>> -> memref<128xi32, #tpu.memory_space<vmem>>
        %dma_wait3A_166 = arith.constant 0 : i32
        %dma_wait3A_167 = arith.constant 0 : i32
        %dma_wait3A_168 = tpu.memref_slice %arg7[%dma_wait3A_166, %dma_wait3A_167] : memref<10240x128xf32, #tpu.memory_space<vmem_shared>> -> memref<10240x128xf32, #tpu.memory_space<vmem_shared>>
        tpu.wait_indirect_dma semaphore(%arg10 : memref<!tpu.dma_semaphore, #tpu.memory_space<semaphore_mem>>) src(%arg6 : memref<128x128xf32, #tpu.memory_space<vmem>>) dst(%dma_wait3A_168 : memref<10240x128xf32, #tpu.memory_space<vmem_shared>>)
        %add3A_169 = arith.constant 1 : i32
        %add3A_170 = arith.addi %scan3A_125, %add3A_169 : i32
        %lt3A_171 = arith.constant 9 : i32
        %lt3A_172 = arith.cmpi slt, %add3A_170, %lt3A_171 : i32
        %convert_element_type3A_173 = arith.extui %lt3A_172 : i1 to i32
        %cond3A_174 = arith.constant 0 : i32
        %cond3A_175 = arith.cmpi ne, %convert_element_type3A_173, %cond3A_174 : i32
        scf.if %cond3A_175 {
          %add3A_262 = arith.constant 1 : i32
          %add3A_263 = arith.addi %scan3A_125, %add3A_262 : i32
          %mul3A_264 = arith.constant 8 : i32
          %mul3A_265 = arith.muli %add3A_263, %mul3A_264 : i32
          %add3A_266 = arith.constant 2 : i32
          %add3A_267 = arith.addi %mul3A_265, %add3A_266 : i32
          %dma_start3A_268 = arith.constant 0 : i32
          %dma_start3A_269 = tpu.memref_slice %arg5[%add3A_267, %dma_start3A_268] : memref<88x128xi32, #tpu.memory_space<vmem>> -> memref<1x128xi32, #tpu.memory_space<vmem>>
          %dma_start3A_270 = tpu.memref_squeeze %dma_start3A_269 : memref<1x128xi32, #tpu.memory_space<vmem>> -> memref<128xi32, #tpu.memory_space<vmem>>
          %dma_start3A_271 = arith.constant 0 : i32
          %dma_start3A_272 = arith.constant 0 : i32
          %dma_start3A_273 = tpu.memref_slice %arg7[%dma_start3A_271, %dma_start3A_272] : memref<10240x128xf32, #tpu.memory_space<vmem_shared>> -> memref<10240x128xf32, #tpu.memory_space<vmem_shared>>
          tpu.enqueue_indirect_dma source(%arg6 : memref<128x128xf32, #tpu.memory_space<vmem>>) target(%dma_start3A_273 : memref<10240x128xf32, #tpu.memory_space<vmem_shared>>) offsets(%dma_start3A_270 : memref<128xi32, #tpu.memory_space<vmem>>) semaphore(%arg10 : memref<!tpu.dma_semaphore, #tpu.memory_space<semaphore_mem>>) {add = true}
        } else {
        }
        %mul3A_176 = arith.constant 8 : i32
        %mul3A_177 = arith.muli %scan3A_125, %mul3A_176 : i32
        %add3A_178 = arith.constant 3 : i32
        %add3A_179 = arith.addi %mul3A_177, %add3A_178 : i32
        %dma_wait3A_180 = arith.constant 0 : i32
        %dma_wait3A_181 = tpu.memref_slice %arg5[%add3A_179, %dma_wait3A_180] : memref<88x128xi32, #tpu.memory_space<vmem>> -> memref<1x128xi32, #tpu.memory_space<vmem>>
        %dma_wait3A_182 = tpu.memref_squeeze %dma_wait3A_181 : memref<1x128xi32, #tpu.memory_space<vmem>> -> memref<128xi32, #tpu.memory_space<vmem>>
        %dma_wait3A_183 = arith.constant 0 : i32
        %dma_wait3A_184 = arith.constant 0 : i32
        %dma_wait3A_185 = tpu.memref_slice %arg7[%dma_wait3A_183, %dma_wait3A_184] : memref<10240x128xf32, #tpu.memory_space<vmem_shared>> -> memref<10240x128xf32, #tpu.memory_space<vmem_shared>>
        tpu.wait_indirect_dma semaphore(%arg11 : memref<!tpu.dma_semaphore, #tpu.memory_space<semaphore_mem>>) src(%arg6 : memref<128x128xf32, #tpu.memory_space<vmem>>) dst(%dma_wait3A_185 : memref<10240x128xf32, #tpu.memory_space<vmem_shared>>)
        %add3A_186 = arith.constant 1 : i32
        %add3A_187 = arith.addi %scan3A_125, %add3A_186 : i32
        %lt3A_188 = arith.constant 9 : i32
        %lt3A_189 = arith.cmpi slt, %add3A_187, %lt3A_188 : i32
        %convert_element_type3A_190 = arith.extui %lt3A_189 : i1 to i32
        %cond3A_191 = arith.constant 0 : i32
        %cond3A_192 = arith.cmpi ne, %convert_element_type3A_190, %cond3A_191 : i32
        scf.if %cond3A_192 {
          %add3A_262 = arith.constant 1 : i32
          %add3A_263 = arith.addi %scan3A_125, %add3A_262 : i32
          %mul3A_264 = arith.constant 8 : i32
          %mul3A_265 = arith.muli %add3A_263, %mul3A_264 : i32
          %add3A_266 = arith.constant 3 : i32
          %add3A_267 = arith.addi %mul3A_265, %add3A_266 : i32
          %dma_start3A_268 = arith.constant 0 : i32
          %dma_start3A_269 = tpu.memref_slice %arg5[%add3A_267, %dma_start3A_268] : memref<88x128xi32, #tpu.memory_space<vmem>> -> memref<1x128xi32, #tpu.memory_space<vmem>>
          %dma_start3A_270 = tpu.memref_squeeze %dma_start3A_269 : memref<1x128xi32, #tpu.memory_space<vmem>> -> memref<128xi32, #tpu.memory_space<vmem>>
          %dma_start3A_271 = arith.constant 0 : i32
          %dma_start3A_272 = arith.constant 0 : i32
          %dma_start3A_273 = tpu.memref_slice %arg7[%dma_start3A_271, %dma_start3A_272] : memref<10240x128xf32, #tpu.memory_space<vmem_shared>> -> memref<10240x128xf32, #tpu.memory_space<vmem_shared>>
          tpu.enqueue_indirect_dma source(%arg6 : memref<128x128xf32, #tpu.memory_space<vmem>>) target(%dma_start3A_273 : memref<10240x128xf32, #tpu.memory_space<vmem_shared>>) offsets(%dma_start3A_270 : memref<128xi32, #tpu.memory_space<vmem>>) semaphore(%arg11 : memref<!tpu.dma_semaphore, #tpu.memory_space<semaphore_mem>>) {add = true}
        } else {
        }
        %mul3A_193 = arith.constant 8 : i32
        %mul3A_194 = arith.muli %scan3A_125, %mul3A_193 : i32
        %add3A_195 = arith.constant 4 : i32
        %add3A_196 = arith.addi %mul3A_194, %add3A_195 : i32
        %dma_wait3A_197 = arith.constant 0 : i32
        %dma_wait3A_198 = tpu.memref_slice %arg5[%add3A_196, %dma_wait3A_197] : memref<88x128xi32, #tpu.memory_space<vmem>> -> memref<1x128xi32, #tpu.memory_space<vmem>>
        %dma_wait3A_199 = tpu.memref_squeeze %dma_wait3A_198 : memref<1x128xi32, #tpu.memory_space<vmem>> -> memref<128xi32, #tpu.memory_space<vmem>>
        %dma_wait3A_200 = arith.constant 0 : i32
        %dma_wait3A_201 = arith.constant 0 : i32
        %dma_wait3A_202 = tpu.memref_slice %arg7[%dma_wait3A_200, %dma_wait3A_201] : memref<10240x128xf32, #tpu.memory_space<vmem_shared>> -> memref<10240x128xf32, #tpu.memory_space<vmem_shared>>
        tpu.wait_indirect_dma semaphore(%arg12 : memref<!tpu.dma_semaphore, #tpu.memory_space<semaphore_mem>>) src(%arg6 : memref<128x128xf32, #tpu.memory_space<vmem>>) dst(%dma_wait3A_202 : memref<10240x128xf32, #tpu.memory_space<vmem_shared>>)
        %add3A_203 = arith.constant 1 : i32
        %add3A_204 = arith.addi %scan3A_125, %add3A_203 : i32
        %lt3A_205 = arith.constant 9 : i32
        %lt3A_206 = arith.cmpi slt, %add3A_204, %lt3A_205 : i32
        %convert_element_type3A_207 = arith.extui %lt3A_206 : i1 to i32
        %cond3A_208 = arith.constant 0 : i32
        %cond3A_209 = arith.cmpi ne, %convert_element_type3A_207, %cond3A_208 : i32
        scf.if %cond3A_209 {
          %add3A_262 = arith.constant 1 : i32
          %add3A_263 = arith.addi %scan3A_125, %add3A_262 : i32
          %mul3A_264 = arith.constant 8 : i32
          %mul3A_265 = arith.muli %add3A_263, %mul3A_264 : i32
          %add3A_266 = arith.constant 4 : i32
          %add3A_267 = arith.addi %mul3A_265, %add3A_266 : i32
          %dma_start3A_268 = arith.constant 0 : i32
          %dma_start3A_269 = tpu.memref_slice %arg5[%add3A_267, %dma_start3A_268] : memref<88x128xi32, #tpu.memory_space<vmem>> -> memref<1x128xi32, #tpu.memory_space<vmem>>
          %dma_start3A_270 = tpu.memref_squeeze %dma_start3A_269 : memref<1x128xi32, #tpu.memory_space<vmem>> -> memref<128xi32, #tpu.memory_space<vmem>>
          %dma_start3A_271 = arith.constant 0 : i32
          %dma_start3A_272 = arith.constant 0 : i32
          %dma_start3A_273 = tpu.memref_slice %arg7[%dma_start3A_271, %dma_start3A_272] : memref<10240x128xf32, #tpu.memory_space<vmem_shared>> -> memref<10240x128xf32, #tpu.memory_space<vmem_shared>>
          tpu.enqueue_indirect_dma source(%arg6 : memref<128x128xf32, #tpu.memory_space<vmem>>) target(%dma_start3A_273 : memref<10240x128xf32, #tpu.memory_space<vmem_shared>>) offsets(%dma_start3A_270 : memref<128xi32, #tpu.memory_space<vmem>>) semaphore(%arg12 : memref<!tpu.dma_semaphore, #tpu.memory_space<semaphore_mem>>) {add = true}
        } else {
        }
        %mul3A_210 = arith.constant 8 : i32
        %mul3A_211 = arith.muli %scan3A_125, %mul3A_210 : i32
        %add3A_212 = arith.constant 5 : i32
        %add3A_213 = arith.addi %mul3A_211, %add3A_212 : i32
        %dma_wait3A_214 = arith.constant 0 : i32
        %dma_wait3A_215 = tpu.memref_slice %arg5[%add3A_213, %dma_wait3A_214] : memref<88x128xi32, #tpu.memory_space<vmem>> -> memref<1x128xi32, #tpu.memory_space<vmem>>
        %dma_wait3A_216 = tpu.memref_squeeze %dma_wait3A_215 : memref<1x128xi32, #tpu.memory_space<vmem>> -> memref<128xi32, #tpu.memory_space<vmem>>
        %dma_wait3A_217 = arith.constant 0 : i32
        %dma_wait3A_218 = arith.constant 0 : i32
        %dma_wait3A_219 = tpu.memref_slice %arg7[%dma_wait3A_217, %dma_wait3A_218] : memref<10240x128xf32, #tpu.memory_space<vmem_shared>> -> memref<10240x128xf32, #tpu.memory_space<vmem_shared>>
        tpu.wait_indirect_dma semaphore(%arg13 : memref<!tpu.dma_semaphore, #tpu.memory_space<semaphore_mem>>) src(%arg6 : memref<128x128xf32, #tpu.memory_space<vmem>>) dst(%dma_wait3A_219 : memref<10240x128xf32, #tpu.memory_space<vmem_shared>>)
        %add3A_220 = arith.constant 1 : i32
        %add3A_221 = arith.addi %scan3A_125, %add3A_220 : i32
        %lt3A_222 = arith.constant 9 : i32
        %lt3A_223 = arith.cmpi slt, %add3A_221, %lt3A_222 : i32
        %convert_element_type3A_224 = arith.extui %lt3A_223 : i1 to i32
        %cond3A_225 = arith.constant 0 : i32
        %cond3A_226 = arith.cmpi ne, %convert_element_type3A_224, %cond3A_225 : i32
        scf.if %cond3A_226 {
          %add3A_262 = arith.constant 1 : i32
          %add3A_263 = arith.addi %scan3A_125, %add3A_262 : i32
          %mul3A_264 = arith.constant 8 : i32
          %mul3A_265 = arith.muli %add3A_263, %mul3A_264 : i32
          %add3A_266 = arith.constant 5 : i32
          %add3A_267 = arith.addi %mul3A_265, %add3A_266 : i32
          %dma_start3A_268 = arith.constant 0 : i32
          %dma_start3A_269 = tpu.memref_slice %arg5[%add3A_267, %dma_start3A_268] : memref<88x128xi32, #tpu.memory_space<vmem>> -> memref<1x128xi32, #tpu.memory_space<vmem>>
          %dma_start3A_270 = tpu.memref_squeeze %dma_start3A_269 : memref<1x128xi32, #tpu.memory_space<vmem>> -> memref<128xi32, #tpu.memory_space<vmem>>
          %dma_start3A_271 = arith.constant 0 : i32
          %dma_start3A_272 = arith.constant 0 : i32
          %dma_start3A_273 = tpu.memref_slice %arg7[%dma_start3A_271, %dma_start3A_272] : memref<10240x128xf32, #tpu.memory_space<vmem_shared>> -> memref<10240x128xf32, #tpu.memory_space<vmem_shared>>
          tpu.enqueue_indirect_dma source(%arg6 : memref<128x128xf32, #tpu.memory_space<vmem>>) target(%dma_start3A_273 : memref<10240x128xf32, #tpu.memory_space<vmem_shared>>) offsets(%dma_start3A_270 : memref<128xi32, #tpu.memory_space<vmem>>) semaphore(%arg13 : memref<!tpu.dma_semaphore, #tpu.memory_space<semaphore_mem>>) {add = true}
        } else {
        }
        %mul3A_227 = arith.constant 8 : i32
        %mul3A_228 = arith.muli %scan3A_125, %mul3A_227 : i32
        %add3A_229 = arith.constant 6 : i32
        %add3A_230 = arith.addi %mul3A_228, %add3A_229 : i32
        %dma_wait3A_231 = arith.constant 0 : i32
        %dma_wait3A_232 = tpu.memref_slice %arg5[%add3A_230, %dma_wait3A_231] : memref<88x128xi32, #tpu.memory_space<vmem>> -> memref<1x128xi32, #tpu.memory_space<vmem>>
        %dma_wait3A_233 = tpu.memref_squeeze %dma_wait3A_232 : memref<1x128xi32, #tpu.memory_space<vmem>> -> memref<128xi32, #tpu.memory_space<vmem>>
        %dma_wait3A_234 = arith.constant 0 : i32
        %dma_wait3A_235 = arith.constant 0 : i32
        %dma_wait3A_236 = tpu.memref_slice %arg7[%dma_wait3A_234, %dma_wait3A_235] : memref<10240x128xf32, #tpu.memory_space<vmem_shared>> -> memref<10240x128xf32, #tpu.memory_space<vmem_shared>>
        tpu.wait_indirect_dma semaphore(%arg14 : memref<!tpu.dma_semaphore, #tpu.memory_space<semaphore_mem>>) src(%arg6 : memref<128x128xf32, #tpu.memory_space<vmem>>) dst(%dma_wait3A_236 : memref<10240x128xf32, #tpu.memory_space<vmem_shared>>)
        %add3A_237 = arith.constant 1 : i32
        %add3A_238 = arith.addi %scan3A_125, %add3A_237 : i32
        %lt3A_239 = arith.constant 9 : i32
        %lt3A_240 = arith.cmpi slt, %add3A_238, %lt3A_239 : i32
        %convert_element_type3A_241 = arith.extui %lt3A_240 : i1 to i32
        %cond3A_242 = arith.constant 0 : i32
        %cond3A_243 = arith.cmpi ne, %convert_element_type3A_241, %cond3A_242 : i32
        scf.if %cond3A_243 {
          %add3A_262 = arith.constant 1 : i32
          %add3A_263 = arith.addi %scan3A_125, %add3A_262 : i32
          %mul3A_264 = arith.constant 8 : i32
          %mul3A_265 = arith.muli %add3A_263, %mul3A_264 : i32
          %add3A_266 = arith.constant 6 : i32
          %add3A_267 = arith.addi %mul3A_265, %add3A_266 : i32
          %dma_start3A_268 = arith.constant 0 : i32
          %dma_start3A_269 = tpu.memref_slice %arg5[%add3A_267, %dma_start3A_268] : memref<88x128xi32, #tpu.memory_space<vmem>> -> memref<1x128xi32, #tpu.memory_space<vmem>>
          %dma_start3A_270 = tpu.memref_squeeze %dma_start3A_269 : memref<1x128xi32, #tpu.memory_space<vmem>> -> memref<128xi32, #tpu.memory_space<vmem>>
          %dma_start3A_271 = arith.constant 0 : i32
          %dma_start3A_272 = arith.constant 0 : i32
          %dma_start3A_273 = tpu.memref_slice %arg7[%dma_start3A_271, %dma_start3A_272] : memref<10240x128xf32, #tpu.memory_space<vmem_shared>> -> memref<10240x128xf32, #tpu.memory_space<vmem_shared>>
          tpu.enqueue_indirect_dma source(%arg6 : memref<128x128xf32, #tpu.memory_space<vmem>>) target(%dma_start3A_273 : memref<10240x128xf32, #tpu.memory_space<vmem_shared>>) offsets(%dma_start3A_270 : memref<128xi32, #tpu.memory_space<vmem>>) semaphore(%arg14 : memref<!tpu.dma_semaphore, #tpu.memory_space<semaphore_mem>>) {add = true}
        } else {
        }
        %mul3A_244 = arith.constant 8 : i32
        %mul3A_245 = arith.muli %scan3A_125, %mul3A_244 : i32
        %add3A_246 = arith.constant 7 : i32
        %add3A_247 = arith.addi %mul3A_245, %add3A_246 : i32
        %dma_wait3A_248 = arith.constant 0 : i32
        %dma_wait3A_249 = tpu.memref_slice %arg5[%add3A_247, %dma_wait3A_248] : memref<88x128xi32, #tpu.memory_space<vmem>> -> memref<1x128xi32, #tpu.memory_space<vmem>>
        %dma_wait3A_250 = tpu.memref_squeeze %dma_wait3A_249 : memref<1x128xi32, #tpu.memory_space<vmem>> -> memref<128xi32, #tpu.memory_space<vmem>>
        %dma_wait3A_251 = arith.constant 0 : i32
        %dma_wait3A_252 = arith.constant 0 : i32
        %dma_wait3A_253 = tpu.memref_slice %arg7[%dma_wait3A_251, %dma_wait3A_252] : memref<10240x128xf32, #tpu.memory_space<vmem_shared>> -> memref<10240x128xf32, #tpu.memory_space<vmem_shared>>
        tpu.wait_indirect_dma semaphore(%arg15 : memref<!tpu.dma_semaphore, #tpu.memory_space<semaphore_mem>>) src(%arg6 : memref<128x128xf32, #tpu.memory_space<vmem>>) dst(%dma_wait3A_253 : memref<10240x128xf32, #tpu.memory_space<vmem_shared>>)
        %add3A_254 = arith.constant 1 : i32
        %add3A_255 = arith.addi %scan3A_125, %add3A_254 : i32
        %lt3A_256 = arith.constant 9 : i32
        %lt3A_257 = arith.cmpi slt, %add3A_255, %lt3A_256 : i32
        %convert_element_type3A_258 = arith.extui %lt3A_257 : i1 to i32
        %cond3A_259 = arith.constant 0 : i32
        %cond3A_260 = arith.cmpi ne, %convert_element_type3A_258, %cond3A_259 : i32
        scf.if %cond3A_260 {
          %add3A_262 = arith.constant 1 : i32
          %add3A_263 = arith.addi %scan3A_125, %add3A_262 : i32
          %mul3A_264 = arith.constant 8 : i32
          %mul3A_265 = arith.muli %add3A_263, %mul3A_264 : i32
          %add3A_266 = arith.constant 7 : i32
          %add3A_267 = arith.addi %mul3A_265, %add3A_266 : i32
          %dma_start3A_268 = arith.constant 0 : i32
          %dma_start3A_269 = tpu.memref_slice %arg5[%add3A_267, %dma_start3A_268] : memref<88x128xi32, #tpu.memory_space<vmem>> -> memref<1x128xi32, #tpu.memory_space<vmem>>
          %dma_start3A_270 = tpu.memref_squeeze %dma_start3A_269 : memref<1x128xi32, #tpu.memory_space<vmem>> -> memref<128xi32, #tpu.memory_space<vmem>>
          %dma_start3A_271 = arith.constant 0 : i32
          %dma_start3A_272 = arith.constant 0 : i32
          %dma_start3A_273 = tpu.memref_slice %arg7[%dma_start3A_271, %dma_start3A_272] : memref<10240x128xf32, #tpu.memory_space<vmem_shared>> -> memref<10240x128xf32, #tpu.memory_space<vmem_shared>>
          tpu.enqueue_indirect_dma source(%arg6 : memref<128x128xf32, #tpu.memory_space<vmem>>) target(%dma_start3A_273 : memref<10240x128xf32, #tpu.memory_space<vmem_shared>>) offsets(%dma_start3A_270 : memref<128xi32, #tpu.memory_space<vmem>>) semaphore(%arg15 : memref<!tpu.dma_semaphore, #tpu.memory_space<semaphore_mem>>) {add = true}
        } else {
        }
        %scan3A_261 = arith.constant 0 : i32
        scf.yield %scan3A_261 : i32
      }
      %scan3A_124 = arith.constant 9 : i32
    } else {
    }
    %barrier3A_58 = arith.constant 0 : index
    tpu.barrier barrier_id(%barrier3A_58)
    %mul3A_59 = arith.constant 640 : i32
    %mul3A_60 = arith.muli %arg1, %mul3A_59 : i32
    %mul3A_61 = arith.constant 640 : i32
    %mul3A_62 = arith.muli %arg1, %mul3A_61 : i32
    "tpu.region"() ({
      %run_scoped3A = tpu.sem_alloc : memref<!tpu.dma_semaphore, #tpu.memory_space<semaphore_mem>>
      %dma_start3A = arith.constant 0 : i32
      %dma_start3A_63 = arith.constant 0 : i32
      %dma_start3A_64 = tpu.memref_slice %arg4[%arg0, %dma_start3A, %dma_start3A_63] : memref<2x10240x128xf32, #tpu.memory_space<hbm>> -> memref<1x10240x128xf32, #tpu.memory_space<hbm>>
      %dma_start3A_65 = tpu.memref_squeeze %dma_start3A_64 : memref<1x10240x128xf32, #tpu.memory_space<hbm>> -> memref<10240x128xf32, #tpu.memory_space<hbm>>
      %dma_start3A_66 = arith.constant 0 : i32
      %dma_start3A_67 = tpu.memref_slice %dma_start3A_65[%mul3A_62, %dma_start3A_66] : memref<10240x128xf32, #tpu.memory_space<hbm>> -> memref<640x128xf32, #tpu.memory_space<hbm>>
      %dma_start3A_68 = arith.constant 0 : i32
      %dma_start3A_69 = tpu.memref_slice %arg7[%mul3A_60, %dma_start3A_68] : memref<10240x128xf32, #tpu.memory_space<vmem_shared>> -> memref<640x128xf32, #tpu.memory_space<vmem_shared>>
      tpu.enqueue_dma source(%dma_start3A_69 : memref<640x128xf32, #tpu.memory_space<vmem_shared>>) target(%dma_start3A_67 : memref<640x128xf32, #tpu.memory_space<hbm>>) target_semaphore(%run_scoped3A : memref<!tpu.dma_semaphore, #tpu.memory_space<semaphore_mem>>)
      %dma_wait3A = arith.constant 0 : i32
      %dma_wait3A_70 = arith.constant 0 : i32
      %dma_wait3A_71 = tpu.memref_slice %arg4[%arg0, %dma_wait3A, %dma_wait3A_70] : memref<2x10240x128xf32, #tpu.memory_space<hbm>> -> memref<1x10240x128xf32, #tpu.memory_space<hbm>>
      %dma_wait3A_72 = tpu.memref_squeeze %dma_wait3A_71 : memref<1x10240x128xf32, #tpu.memory_space<hbm>> -> memref<10240x128xf32, #tpu.memory_space<hbm>>
      %dma_wait3A_73 = arith.constant 0 : i32
      %dma_wait3A_74 = tpu.memref_slice %dma_wait3A_72[%mul3A_62, %dma_wait3A_73] : memref<10240x128xf32, #tpu.memory_space<hbm>> -> memref<640x128xf32, #tpu.memory_space<hbm>>
      %dma_wait3A_75 = arith.constant 0 : i32
      %dma_wait3A_76 = tpu.memref_slice %arg7[%mul3A_60, %dma_wait3A_75] : memref<10240x128xf32, #tpu.memory_space<vmem_shared>> -> memref<640x128xf32, #tpu.memory_space<vmem_shared>>
      tpu.wait_dma2 semaphore(%run_scoped3A : memref<!tpu.dma_semaphore, #tpu.memory_space<semaphore_mem>>) src(%dma_wait3A_76 : memref<640x128xf32, #tpu.memory_space<vmem_shared>>) dst(%dma_wait3A_74 : memref<640x128xf32, #tpu.memory_space<hbm>>)
      tpu.yield
    }) : () -> ()
    return
  }
}

#map = affine_map<(d0, d1) -> (0, 0)>
#map1 = affine_map<(d0, d1) -> (0, 0, 0)>
module attributes {stable_mosaic.version = 14 : i64} {
  func.func @_scatter_kernel(%arg0: i32, %arg1: i32, %arg2: memref<10000x128xf32, #tpu.memory_space<hbm>>, %arg3: memref<16x144x128xi32, #tpu.memory_space<hbm>>, %arg4: memref<16x144x128xi32, #tpu.memory_space<hbm>>, %arg5: memref<16x16x128xi32, #tpu.memory_space<hbm>>, %arg6: memref<16x16x128xi32, #tpu.memory_space<hbm>>, %arg7: memref<2x10240x128xf32, #tpu.memory_space<hbm>>, %arg8: memref<2x24x128xi32, #tpu.memory_space<vmem>>, %arg9: memref<2x24x128xi32, #tpu.memory_space<vmem>>, %arg10: memref<128x128xf32, #tpu.memory_space<vmem>>, %arg11: memref<128x128xf32, #tpu.memory_space<vmem>>, %arg12: memref<!tpu.dma_semaphore, #tpu.memory_space<semaphore_mem>>, %arg13: memref<!tpu.dma_semaphore, #tpu.memory_space<semaphore_mem>>, %arg14: memref<!tpu.dma_semaphore, #tpu.memory_space<semaphore_mem>>, %arg15: memref<!tpu.dma_semaphore, #tpu.memory_space<semaphore_mem>>, %arg16: memref<!tpu.dma_semaphore, #tpu.memory_space<semaphore_mem>>, %arg17: memref<!tpu.dma_semaphore, #tpu.memory_space<semaphore_mem>>, %arg18: memref<10240x128xf32, #tpu.memory_space<vmem_shared>>) attributes {dimension_semantics = [#tpu.dimension_semantics<core_parallel>, #tpu.dimension_semantics<subcore_parallel>], iteration_bounds = array<i64: 2, 16>, scalar_prefetch = 0 : i64, scratch_operands = 11 : i64, tpu.core_type = #tpu.core_type<sc_vector_subcore>, window_params = [{transform_indices = #map}, {transform_indices = #map1}, {transform_indices = #map1}, {transform_indices = #map1}, {transform_indices = #map1}, {transform_indices = #map1}]} {
    %eq3A = arith.constant 0 : i32
    %eq3A_0 = arith.cmpi eq, %arg0, %eq3A : i32
    %convert_element_type3A = arith.extui %eq3A_0 : i1 to i32
    %cond3A = arith.constant 0 : i32
    %cond3A_1 = arith.cmpi ne, %convert_element_type3A, %cond3A : i32
    scf.if %cond3A_1 {
      %dma_start3A = arith.constant 0 : i32
      %dma_start3A_46 = arith.constant 0 : i32
      %dma_start3A_47 = arith.constant 0 : i32
      %dma_start3A_48 = tpu.memref_slice %arg8[%dma_start3A, %dma_start3A_46, %dma_start3A_47] : memref<2x24x128xi32, #tpu.memory_space<vmem>> -> memref<1x24x128xi32, #tpu.memory_space<vmem>>
      %dma_start3A_49 = tpu.memref_squeeze %dma_start3A_48 : memref<1x24x128xi32, #tpu.memory_space<vmem>> -> memref<24x128xi32, #tpu.memory_space<vmem>>
      %dma_start3A_50 = arith.constant 0 : i32
      %dma_start3A_51 = arith.constant 0 : i32
      %dma_start3A_52 = tpu.memref_slice %dma_start3A_49[%dma_start3A_50, %dma_start3A_51] : memref<24x128xi32, #tpu.memory_space<vmem>> -> memref<24x128xi32, #tpu.memory_space<vmem>>
      %dma_start3A_53 = arith.constant 0 : i32
      %dma_start3A_54 = arith.constant 0 : i32
      %dma_start3A_55 = tpu.memref_slice %arg3[%arg1, %dma_start3A_53, %dma_start3A_54] : memref<16x144x128xi32, #tpu.memory_space<hbm>> -> memref<1x144x128xi32, #tpu.memory_space<hbm>>
      %dma_start3A_56 = tpu.memref_squeeze %dma_start3A_55 : memref<1x144x128xi32, #tpu.memory_space<hbm>> -> memref<144x128xi32, #tpu.memory_space<hbm>>
      %dma_start3A_57 = arith.constant 0 : i32
      %dma_start3A_58 = arith.constant 0 : i32
      %dma_start3A_59 = tpu.memref_slice %dma_start3A_56[%dma_start3A_57, %dma_start3A_58] : memref<144x128xi32, #tpu.memory_space<hbm>> -> memref<24x128xi32, #tpu.memory_space<hbm>>
      %dma_start3A_60 = arith.constant 0 : i32
      %dma_start3A_61 = arith.constant 0 : i32
      %dma_start3A_62 = tpu.memref_slice %arg8[%dma_start3A, %dma_start3A_60, %dma_start3A_61] : memref<2x24x128xi32, #tpu.memory_space<vmem>> -> memref<1x24x128xi32, #tpu.memory_space<vmem>>
      %dma_start3A_63 = tpu.memref_squeeze %dma_start3A_62 : memref<1x24x128xi32, #tpu.memory_space<vmem>> -> memref<24x128xi32, #tpu.memory_space<vmem>>
      %dma_start3A_64 = arith.constant 0 : i32
      %dma_start3A_65 = arith.constant 0 : i32
      %dma_start3A_66 = tpu.memref_slice %dma_start3A_63[%dma_start3A_64, %dma_start3A_65] : memref<24x128xi32, #tpu.memory_space<vmem>> -> memref<24x128xi32, #tpu.memory_space<vmem>>
      %dma_start3A_67 = arith.constant 0 : i32
      %dma_start3A_68 = arith.constant 0 : i32
      %dma_start3A_69 = tpu.memref_slice %arg3[%arg1, %dma_start3A_67, %dma_start3A_68] : memref<16x144x128xi32, #tpu.memory_space<hbm>> -> memref<1x144x128xi32, #tpu.memory_space<hbm>>
      %dma_start3A_70 = tpu.memref_squeeze %dma_start3A_69 : memref<1x144x128xi32, #tpu.memory_space<hbm>> -> memref<144x128xi32, #tpu.memory_space<hbm>>
      %dma_start3A_71 = arith.constant 0 : i32
      %dma_start3A_72 = arith.constant 0 : i32
      %dma_start3A_73 = tpu.memref_slice %dma_start3A_70[%dma_start3A_71, %dma_start3A_72] : memref<144x128xi32, #tpu.memory_space<hbm>> -> memref<24x128xi32, #tpu.memory_space<hbm>>
      tpu.enqueue_dma source(%dma_start3A_73 : memref<24x128xi32, #tpu.memory_space<hbm>>) target(%dma_start3A_66 : memref<24x128xi32, #tpu.memory_space<vmem>>) target_semaphore(%arg12 : memref<!tpu.dma_semaphore, #tpu.memory_space<semaphore_mem>>)
      %dma_start3A_74 = arith.constant 0 : i32
      %dma_start3A_75 = arith.constant 0 : i32
      %dma_start3A_76 = arith.constant 0 : i32
      %dma_start3A_77 = tpu.memref_slice %arg9[%dma_start3A_74, %dma_start3A_75, %dma_start3A_76] : memref<2x24x128xi32, #tpu.memory_space<vmem>> -> memref<1x24x128xi32, #tpu.memory_space<vmem>>
      %dma_start3A_78 = tpu.memref_squeeze %dma_start3A_77 : memref<1x24x128xi32, #tpu.memory_space<vmem>> -> memref<24x128xi32, #tpu.memory_space<vmem>>
      %dma_start3A_79 = arith.constant 0 : i32
      %dma_start3A_80 = arith.constant 0 : i32
      %dma_start3A_81 = tpu.memref_slice %dma_start3A_78[%dma_start3A_79, %dma_start3A_80] : memref<24x128xi32, #tpu.memory_space<vmem>> -> memref<24x128xi32, #tpu.memory_space<vmem>>
      %dma_start3A_82 = arith.constant 0 : i32
      %dma_start3A_83 = arith.constant 0 : i32
      %dma_start3A_84 = tpu.memref_slice %arg4[%arg1, %dma_start3A_82, %dma_start3A_83] : memref<16x144x128xi32, #tpu.memory_space<hbm>> -> memref<1x144x128xi32, #tpu.memory_space<hbm>>
      %dma_start3A_85 = tpu.memref_squeeze %dma_start3A_84 : memref<1x144x128xi32, #tpu.memory_space<hbm>> -> memref<144x128xi32, #tpu.memory_space<hbm>>
      %dma_start3A_86 = arith.constant 0 : i32
      %dma_start3A_87 = arith.constant 0 : i32
      %dma_start3A_88 = tpu.memref_slice %dma_start3A_85[%dma_start3A_86, %dma_start3A_87] : memref<144x128xi32, #tpu.memory_space<hbm>> -> memref<24x128xi32, #tpu.memory_space<hbm>>
      %dma_start3A_89 = arith.constant 0 : i32
      %dma_start3A_90 = arith.constant 0 : i32
      %dma_start3A_91 = tpu.memref_slice %arg9[%dma_start3A_74, %dma_start3A_89, %dma_start3A_90] : memref<2x24x128xi32, #tpu.memory_space<vmem>> -> memref<1x24x128xi32, #tpu.memory_space<vmem>>
      %dma_start3A_92 = tpu.memref_squeeze %dma_start3A_91 : memref<1x24x128xi32, #tpu.memory_space<vmem>> -> memref<24x128xi32, #tpu.memory_space<vmem>>
      %dma_start3A_93 = arith.constant 0 : i32
      %dma_start3A_94 = arith.constant 0 : i32
      %dma_start3A_95 = tpu.memref_slice %dma_start3A_92[%dma_start3A_93, %dma_start3A_94] : memref<24x128xi32, #tpu.memory_space<vmem>> -> memref<24x128xi32, #tpu.memory_space<vmem>>
      %dma_start3A_96 = arith.constant 0 : i32
      %dma_start3A_97 = arith.constant 0 : i32
      %dma_start3A_98 = tpu.memref_slice %arg4[%arg1, %dma_start3A_96, %dma_start3A_97] : memref<16x144x128xi32, #tpu.memory_space<hbm>> -> memref<1x144x128xi32, #tpu.memory_space<hbm>>
      %dma_start3A_99 = tpu.memref_squeeze %dma_start3A_98 : memref<1x144x128xi32, #tpu.memory_space<hbm>> -> memref<144x128xi32, #tpu.memory_space<hbm>>
      %dma_start3A_100 = arith.constant 0 : i32
      %dma_start3A_101 = arith.constant 0 : i32
      %dma_start3A_102 = tpu.memref_slice %dma_start3A_99[%dma_start3A_100, %dma_start3A_101] : memref<144x128xi32, #tpu.memory_space<hbm>> -> memref<24x128xi32, #tpu.memory_space<hbm>>
      tpu.enqueue_dma source(%dma_start3A_102 : memref<24x128xi32, #tpu.memory_space<hbm>>) target(%dma_start3A_95 : memref<24x128xi32, #tpu.memory_space<vmem>>) target_semaphore(%arg13 : memref<!tpu.dma_semaphore, #tpu.memory_space<semaphore_mem>>)
    } else {
    }
    %eq3A_2 = arith.constant 1 : i32
    %eq3A_3 = arith.cmpi eq, %arg0, %eq3A_2 : i32
    %convert_element_type3A_4 = arith.extui %eq3A_3 : i1 to i32
    %cond3A_5 = arith.constant 0 : i32
    %cond3A_6 = arith.cmpi ne, %convert_element_type3A_4, %cond3A_5 : i32
    scf.if %cond3A_6 {
      %dma_start3A = arith.constant 0 : i32
      %dma_start3A_46 = arith.constant 0 : i32
      %dma_start3A_47 = arith.constant 0 : i32
      %dma_start3A_48 = tpu.memref_slice %arg8[%dma_start3A, %dma_start3A_46, %dma_start3A_47] : memref<2x24x128xi32, #tpu.memory_space<vmem>> -> memref<1x24x128xi32, #tpu.memory_space<vmem>>
      %dma_start3A_49 = tpu.memref_squeeze %dma_start3A_48 : memref<1x24x128xi32, #tpu.memory_space<vmem>> -> memref<24x128xi32, #tpu.memory_space<vmem>>
      %dma_start3A_50 = arith.constant 0 : i32
      %dma_start3A_51 = arith.constant 0 : i32
      %dma_start3A_52 = tpu.memref_slice %dma_start3A_49[%dma_start3A_50, %dma_start3A_51] : memref<24x128xi32, #tpu.memory_space<vmem>> -> memref<16x128xi32, #tpu.memory_space<vmem>>
      %dma_start3A_53 = arith.constant 0 : i32
      %dma_start3A_54 = arith.constant 0 : i32
      %dma_start3A_55 = tpu.memref_slice %arg5[%arg1, %dma_start3A_53, %dma_start3A_54] : memref<16x16x128xi32, #tpu.memory_space<hbm>> -> memref<1x16x128xi32, #tpu.memory_space<hbm>>
      %dma_start3A_56 = tpu.memref_squeeze %dma_start3A_55 : memref<1x16x128xi32, #tpu.memory_space<hbm>> -> memref<16x128xi32, #tpu.memory_space<hbm>>
      %dma_start3A_57 = arith.constant 0 : i32
      %dma_start3A_58 = arith.constant 0 : i32
      %dma_start3A_59 = tpu.memref_slice %dma_start3A_56[%dma_start3A_57, %dma_start3A_58] : memref<16x128xi32, #tpu.memory_space<hbm>> -> memref<16x128xi32, #tpu.memory_space<hbm>>
      %dma_start3A_60 = arith.constant 0 : i32
      %dma_start3A_61 = arith.constant 0 : i32
      %dma_start3A_62 = tpu.memref_slice %arg8[%dma_start3A, %dma_start3A_60, %dma_start3A_61] : memref<2x24x128xi32, #tpu.memory_space<vmem>> -> memref<1x24x128xi32, #tpu.memory_space<vmem>>
      %dma_start3A_63 = tpu.memref_squeeze %dma_start3A_62 : memref<1x24x128xi32, #tpu.memory_space<vmem>> -> memref<24x128xi32, #tpu.memory_space<vmem>>
      %dma_start3A_64 = arith.constant 0 : i32
      %dma_start3A_65 = arith.constant 0 : i32
      %dma_start3A_66 = tpu.memref_slice %dma_start3A_63[%dma_start3A_64, %dma_start3A_65] : memref<24x128xi32, #tpu.memory_space<vmem>> -> memref<16x128xi32, #tpu.memory_space<vmem>>
      %dma_start3A_67 = arith.constant 0 : i32
      %dma_start3A_68 = arith.constant 0 : i32
      %dma_start3A_69 = tpu.memref_slice %arg5[%arg1, %dma_start3A_67, %dma_start3A_68] : memref<16x16x128xi32, #tpu.memory_space<hbm>> -> memref<1x16x128xi32, #tpu.memory_space<hbm>>
      %dma_start3A_70 = tpu.memref_squeeze %dma_start3A_69 : memref<1x16x128xi32, #tpu.memory_space<hbm>> -> memref<16x128xi32, #tpu.memory_space<hbm>>
      %dma_start3A_71 = arith.constant 0 : i32
      %dma_start3A_72 = arith.constant 0 : i32
      %dma_start3A_73 = tpu.memref_slice %dma_start3A_70[%dma_start3A_71, %dma_start3A_72] : memref<16x128xi32, #tpu.memory_space<hbm>> -> memref<16x128xi32, #tpu.memory_space<hbm>>
      tpu.enqueue_dma source(%dma_start3A_73 : memref<16x128xi32, #tpu.memory_space<hbm>>) target(%dma_start3A_66 : memref<16x128xi32, #tpu.memory_space<vmem>>) target_semaphore(%arg12 : memref<!tpu.dma_semaphore, #tpu.memory_space<semaphore_mem>>)
      %dma_start3A_74 = arith.constant 0 : i32
      %dma_start3A_75 = arith.constant 0 : i32
      %dma_start3A_76 = arith.constant 0 : i32
      %dma_start3A_77 = tpu.memref_slice %arg9[%dma_start3A_74, %dma_start3A_75, %dma_start3A_76] : memref<2x24x128xi32, #tpu.memory_space<vmem>> -> memref<1x24x128xi32, #tpu.memory_space<vmem>>
      %dma_start3A_78 = tpu.memref_squeeze %dma_start3A_77 : memref<1x24x128xi32, #tpu.memory_space<vmem>> -> memref<24x128xi32, #tpu.memory_space<vmem>>
      %dma_start3A_79 = arith.constant 0 : i32
      %dma_start3A_80 = arith.constant 0 : i32
      %dma_start3A_81 = tpu.memref_slice %dma_start3A_78[%dma_start3A_79, %dma_start3A_80] : memref<24x128xi32, #tpu.memory_space<vmem>> -> memref<16x128xi32, #tpu.memory_space<vmem>>
      %dma_start3A_82 = arith.constant 0 : i32
      %dma_start3A_83 = arith.constant 0 : i32
      %dma_start3A_84 = tpu.memref_slice %arg6[%arg1, %dma_start3A_82, %dma_start3A_83] : memref<16x16x128xi32, #tpu.memory_space<hbm>> -> memref<1x16x128xi32, #tpu.memory_space<hbm>>
      %dma_start3A_85 = tpu.memref_squeeze %dma_start3A_84 : memref<1x16x128xi32, #tpu.memory_space<hbm>> -> memref<16x128xi32, #tpu.memory_space<hbm>>
      %dma_start3A_86 = arith.constant 0 : i32
      %dma_start3A_87 = arith.constant 0 : i32
      %dma_start3A_88 = tpu.memref_slice %dma_start3A_85[%dma_start3A_86, %dma_start3A_87] : memref<16x128xi32, #tpu.memory_space<hbm>> -> memref<16x128xi32, #tpu.memory_space<hbm>>
      %dma_start3A_89 = arith.constant 0 : i32
      %dma_start3A_90 = arith.constant 0 : i32
      %dma_start3A_91 = tpu.memref_slice %arg9[%dma_start3A_74, %dma_start3A_89, %dma_start3A_90] : memref<2x24x128xi32, #tpu.memory_space<vmem>> -> memref<1x24x128xi32, #tpu.memory_space<vmem>>
      %dma_start3A_92 = tpu.memref_squeeze %dma_start3A_91 : memref<1x24x128xi32, #tpu.memory_space<vmem>> -> memref<24x128xi32, #tpu.memory_space<vmem>>
      %dma_start3A_93 = arith.constant 0 : i32
      %dma_start3A_94 = arith.constant 0 : i32
      %dma_start3A_95 = tpu.memref_slice %dma_start3A_92[%dma_start3A_93, %dma_start3A_94] : memref<24x128xi32, #tpu.memory_space<vmem>> -> memref<16x128xi32, #tpu.memory_space<vmem>>
      %dma_start3A_96 = arith.constant 0 : i32
      %dma_start3A_97 = arith.constant 0 : i32
      %dma_start3A_98 = tpu.memref_slice %arg6[%arg1, %dma_start3A_96, %dma_start3A_97] : memref<16x16x128xi32, #tpu.memory_space<hbm>> -> memref<1x16x128xi32, #tpu.memory_space<hbm>>
      %dma_start3A_99 = tpu.memref_squeeze %dma_start3A_98 : memref<1x16x128xi32, #tpu.memory_space<hbm>> -> memref<16x128xi32, #tpu.memory_space<hbm>>
      %dma_start3A_100 = arith.constant 0 : i32
      %dma_start3A_101 = arith.constant 0 : i32
      %dma_start3A_102 = tpu.memref_slice %dma_start3A_99[%dma_start3A_100, %dma_start3A_101] : memref<16x128xi32, #tpu.memory_space<hbm>> -> memref<16x128xi32, #tpu.memory_space<hbm>>
      tpu.enqueue_dma source(%dma_start3A_102 : memref<16x128xi32, #tpu.memory_space<hbm>>) target(%dma_start3A_95 : memref<16x128xi32, #tpu.memory_space<vmem>>) target_semaphore(%arg13 : memref<!tpu.dma_semaphore, #tpu.memory_space<semaphore_mem>>)
    } else {
    }
    %scan3A = arith.constant 0 : i32
    %scan3A_7 = arith.constant 0 : i32
    %scan3A_8 = arith.constant 128 : i32
    %scan3A_9 = arith.addi %scan3A_7, %scan3A_8 : i32
    %scan3A_10 = arith.constant 1 : i32
    %scan3A_11 = scf.for %scan3A_46 = %scan3A_7 to %scan3A_9 step %scan3A_10 iter_args(%scan3A_47 = %scan3A) -> (i32)  : i32 {
      %broadcast_in_dim3A = arith.constant 0.000000e+00 : f32
      %broadcast_in_dim3A_48 = vector.broadcast %broadcast_in_dim3A : f32 to vector<16xf32>
      %swap3A = arith.index_cast %scan3A_46 : i32 to index
      %swap3A_49 = arith.constant 0 : index
      %swap3A_50 = tpu.vector_load %arg10[%swap3A, %swap3A_49] {strides = array<i32>} : memref<128x128xf32, #tpu.memory_space<vmem>>, vector<1x16xf32>,
      %swap3A_51 = vector.shape_cast %swap3A_50 : vector<1x16xf32> to vector<16xf32>
      %swap3A_52 = vector.shape_cast %broadcast_in_dim3A_48 : vector<16xf32> to vector<1x16xf32>
      tpu.vector_store %arg10[%swap3A, %swap3A_49], %swap3A_52 {strides = array<i32>} : memref<128x128xf32, #tpu.memory_space<vmem>>, vector<1x16xf32>,
      %broadcast_in_dim3A_53 = arith.constant 0.000000e+00 : f32
      %broadcast_in_dim3A_54 = vector.broadcast %broadcast_in_dim3A_53 : f32 to vector<16xf32>
      %swap3A_55 = arith.index_cast %scan3A_46 : i32 to index
      %swap3A_56 = arith.constant 16 : index
      %swap3A_57 = tpu.vector_load %arg10[%swap3A_55, %swap3A_56] {strides = array<i32>} : memref<128x128xf32, #tpu.memory_space<vmem>>, vector<1x16xf32>,
      %swap3A_58 = vector.shape_cast %swap3A_57 : vector<1x16xf32> to vector<16xf32>
      %swap3A_59 = vector.shape_cast %broadcast_in_dim3A_54 : vector<16xf32> to vector<1x16xf32>
      tpu.vector_store %arg10[%swap3A_55, %swap3A_56], %swap3A_59 {strides = array<i32>} : memref<128x128xf32, #tpu.memory_space<vmem>>, vector<1x16xf32>,
      %broadcast_in_dim3A_60 = arith.constant 0.000000e+00 : f32
      %broadcast_in_dim3A_61 = vector.broadcast %broadcast_in_dim3A_60 : f32 to vector<16xf32>
      %swap3A_62 = arith.index_cast %scan3A_46 : i32 to index
      %swap3A_63 = arith.constant 32 : index
      %swap3A_64 = tpu.vector_load %arg10[%swap3A_62, %swap3A_63] {strides = array<i32>} : memref<128x128xf32, #tpu.memory_space<vmem>>, vector<1x16xf32>,
      %swap3A_65 = vector.shape_cast %swap3A_64 : vector<1x16xf32> to vector<16xf32>
      %swap3A_66 = vector.shape_cast %broadcast_in_dim3A_61 : vector<16xf32> to vector<1x16xf32>
      tpu.vector_store %arg10[%swap3A_62, %swap3A_63], %swap3A_66 {strides = array<i32>} : memref<128x128xf32, #tpu.memory_space<vmem>>, vector<1x16xf32>,
      %broadcast_in_dim3A_67 = arith.constant 0.000000e+00 : f32
      %broadcast_in_dim3A_68 = vector.broadcast %broadcast_in_dim3A_67 : f32 to vector<16xf32>
      %swap3A_69 = arith.index_cast %scan3A_46 : i32 to index
      %swap3A_70 = arith.constant 48 : index
      %swap3A_71 = tpu.vector_load %arg10[%swap3A_69, %swap3A_70] {strides = array<i32>} : memref<128x128xf32, #tpu.memory_space<vmem>>, vector<1x16xf32>,
      %swap3A_72 = vector.shape_cast %swap3A_71 : vector<1x16xf32> to vector<16xf32>
      %swap3A_73 = vector.shape_cast %broadcast_in_dim3A_68 : vector<16xf32> to vector<1x16xf32>
      tpu.vector_store %arg10[%swap3A_69, %swap3A_70], %swap3A_73 {strides = array<i32>} : memref<128x128xf32, #tpu.memory_space<vmem>>, vector<1x16xf32>,
      %broadcast_in_dim3A_74 = arith.constant 0.000000e+00 : f32
      %broadcast_in_dim3A_75 = vector.broadcast %broadcast_in_dim3A_74 : f32 to vector<16xf32>
      %swap3A_76 = arith.index_cast %scan3A_46 : i32 to index
      %swap3A_77 = arith.constant 64 : index
      %swap3A_78 = tpu.vector_load %arg10[%swap3A_76, %swap3A_77] {strides = array<i32>} : memref<128x128xf32, #tpu.memory_space<vmem>>, vector<1x16xf32>,
      %swap3A_79 = vector.shape_cast %swap3A_78 : vector<1x16xf32> to vector<16xf32>
      %swap3A_80 = vector.shape_cast %broadcast_in_dim3A_75 : vector<16xf32> to vector<1x16xf32>
      tpu.vector_store %arg10[%swap3A_76, %swap3A_77], %swap3A_80 {strides = array<i32>} : memref<128x128xf32, #tpu.memory_space<vmem>>, vector<1x16xf32>,
      %broadcast_in_dim3A_81 = arith.constant 0.000000e+00 : f32
      %broadcast_in_dim3A_82 = vector.broadcast %broadcast_in_dim3A_81 : f32 to vector<16xf32>
      %swap3A_83 = arith.index_cast %scan3A_46 : i32 to index
      %swap3A_84 = arith.constant 80 : index
      %swap3A_85 = tpu.vector_load %arg10[%swap3A_83, %swap3A_84] {strides = array<i32>} : memref<128x128xf32, #tpu.memory_space<vmem>>, vector<1x16xf32>,
      %swap3A_86 = vector.shape_cast %swap3A_85 : vector<1x16xf32> to vector<16xf32>
      %swap3A_87 = vector.shape_cast %broadcast_in_dim3A_82 : vector<16xf32> to vector<1x16xf32>
      tpu.vector_store %arg10[%swap3A_83, %swap3A_84], %swap3A_87 {strides = array<i32>} : memref<128x128xf32, #tpu.memory_space<vmem>>, vector<1x16xf32>,
      %broadcast_in_dim3A_88 = arith.constant 0.000000e+00 : f32
      %broadcast_in_dim3A_89 = vector.broadcast %broadcast_in_dim3A_88 : f32 to vector<16xf32>
      %swap3A_90 = arith.index_cast %scan3A_46 : i32 to index
      %swap3A_91 = arith.constant 96 : index
      %swap3A_92 = tpu.vector_load %arg10[%swap3A_90, %swap3A_91] {strides = array<i32>} : memref<128x128xf32, #tpu.memory_space<vmem>>, vector<1x16xf32>,
      %swap3A_93 = vector.shape_cast %swap3A_92 : vector<1x16xf32> to vector<16xf32>
      %swap3A_94 = vector.shape_cast %broadcast_in_dim3A_89 : vector<16xf32> to vector<1x16xf32>
      tpu.vector_store %arg10[%swap3A_90, %swap3A_91], %swap3A_94 {strides = array<i32>} : memref<128x128xf32, #tpu.memory_space<vmem>>, vector<1x16xf32>,
      %broadcast_in_dim3A_95 = arith.constant 0.000000e+00 : f32
      %broadcast_in_dim3A_96 = vector.broadcast %broadcast_in_dim3A_95 : f32 to vector<16xf32>
      %swap3A_97 = arith.index_cast %scan3A_46 : i32 to index
      %swap3A_98 = arith.constant 112 : index
      %swap3A_99 = tpu.vector_load %arg10[%swap3A_97, %swap3A_98] {strides = array<i32>} : memref<128x128xf32, #tpu.memory_space<vmem>>, vector<1x16xf32>,
      %swap3A_100 = vector.shape_cast %swap3A_99 : vector<1x16xf32> to vector<16xf32>
      %swap3A_101 = vector.shape_cast %broadcast_in_dim3A_96 : vector<16xf32> to vector<1x16xf32>
      tpu.vector_store %arg10[%swap3A_97, %swap3A_98], %swap3A_101 {strides = array<i32>} : memref<128x128xf32, #tpu.memory_space<vmem>>, vector<1x16xf32>,
      %scan3A_102 = arith.constant 0 : i32
      scf.yield %scan3A_102 : i32
    }
    %scan3A_12 = arith.constant 128 : i32
    %mul3A = arith.constant 640 : i32
    %mul3A_13 = arith.muli %arg1, %mul3A : i32
    %add3A = arith.constant 0 : i32
    %add3A_14 = arith.addi %mul3A_13, %add3A : i32
    "tpu.region"() ({
      %run_scoped3A = tpu.sem_alloc : memref<!tpu.dma_semaphore, #tpu.memory_space<semaphore_mem>>
      %dma_start3A = arith.constant 0 : i32
      %dma_start3A_46 = tpu.memref_slice %arg18[%add3A_14, %dma_start3A] : memref<10240x128xf32, #tpu.memory_space<vmem_shared>> -> memref<128x128xf32, #tpu.memory_space<vmem_shared>>
      %dma_start3A_47 = arith.constant 0 : i32
      %dma_start3A_48 = tpu.memref_slice %arg18[%add3A_14, %dma_start3A_47] : memref<10240x128xf32, #tpu.memory_space<vmem_shared>> -> memref<128x128xf32, #tpu.memory_space<vmem_shared>>
      tpu.enqueue_dma source(%arg10 : memref<128x128xf32, #tpu.memory_space<vmem>>) target(%dma_start3A_48 : memref<128x128xf32, #tpu.memory_space<vmem_shared>>) target_semaphore(%run_scoped3A : memref<!tpu.dma_semaphore, #tpu.memory_space<semaphore_mem>>)
      %dma_wait3A = arith.constant 0 : i32
      %dma_wait3A_49 = tpu.memref_slice %arg18[%add3A_14, %dma_wait3A] : memref<10240x128xf32, #tpu.memory_space<vmem_shared>> -> memref<128x128xf32, #tpu.memory_space<vmem_shared>>
      %dma_wait3A_50 = arith.constant 0 : i32
      %dma_wait3A_51 = tpu.memref_slice %arg18[%add3A_14, %dma_wait3A_50] : memref<10240x128xf32, #tpu.memory_space<vmem_shared>> -> memref<128x128xf32, #tpu.memory_space<vmem_shared>>
      tpu.wait_dma2 semaphore(%run_scoped3A : memref<!tpu.dma_semaphore, #tpu.memory_space<semaphore_mem>>) src(%arg10 : memref<128x128xf32, #tpu.memory_space<vmem>>) dst(%dma_wait3A_51 : memref<128x128xf32, #tpu.memory_space<vmem_shared>>)
      tpu.yield
    }) : () -> ()
    %mul3A_15 = arith.constant 640 : i32
    %mul3A_16 = arith.muli %arg1, %mul3A_15 : i32
    %add3A_17 = arith.constant 128 : i32
    %add3A_18 = arith.addi %mul3A_16, %add3A_17 : i32
    "tpu.region"() ({
      %run_scoped3A = tpu.sem_alloc : memref<!tpu.dma_semaphore, #tpu.memory_space<semaphore_mem>>
      %dma_start3A = arith.constant 0 : i32
      %dma_start3A_46 = tpu.memref_slice %arg18[%add3A_18, %dma_start3A] : memref<10240x128xf32, #tpu.memory_space<vmem_shared>> -> memref<128x128xf32, #tpu.memory_space<vmem_shared>>
      %dma_start3A_47 = arith.constant 0 : i32
      %dma_start3A_48 = tpu.memref_slice %arg18[%add3A_18, %dma_start3A_47] : memref<10240x128xf32, #tpu.memory_space<vmem_shared>> -> memref<128x128xf32, #tpu.memory_space<vmem_shared>>
      tpu.enqueue_dma source(%arg10 : memref<128x128xf32, #tpu.memory_space<vmem>>) target(%dma_start3A_48 : memref<128x128xf32, #tpu.memory_space<vmem_shared>>) target_semaphore(%run_scoped3A : memref<!tpu.dma_semaphore, #tpu.memory_space<semaphore_mem>>)
      %dma_wait3A = arith.constant 0 : i32
      %dma_wait3A_49 = tpu.memref_slice %arg18[%add3A_18, %dma_wait3A] : memref<10240x128xf32, #tpu.memory_space<vmem_shared>> -> memref<128x128xf32, #tpu.memory_space<vmem_shared>>
      %dma_wait3A_50 = arith.constant 0 : i32
      %dma_wait3A_51 = tpu.memref_slice %arg18[%add3A_18, %dma_wait3A_50] : memref<10240x128xf32, #tpu.memory_space<vmem_shared>> -> memref<128x128xf32, #tpu.memory_space<vmem_shared>>
      tpu.wait_dma2 semaphore(%run_scoped3A : memref<!tpu.dma_semaphore, #tpu.memory_space<semaphore_mem>>) src(%arg10 : memref<128x128xf32, #tpu.memory_space<vmem>>) dst(%dma_wait3A_51 : memref<128x128xf32, #tpu.memory_space<vmem_shared>>)
      tpu.yield
    }) : () -> ()
    %mul3A_19 = arith.constant 640 : i32
    %mul3A_20 = arith.muli %arg1, %mul3A_19 : i32
    %add3A_21 = arith.constant 256 : i32
    %add3A_22 = arith.addi %mul3A_20, %add3A_21 : i32
    "tpu.region"() ({
      %run_scoped3A = tpu.sem_alloc : memref<!tpu.dma_semaphore, #tpu.memory_space<semaphore_mem>>
      %dma_start3A = arith.constant 0 : i32
      %dma_start3A_46 = tpu.memref_slice %arg18[%add3A_22, %dma_start3A] : memref<10240x128xf32, #tpu.memory_space<vmem_shared>> -> memref<128x128xf32, #tpu.memory_space<vmem_shared>>
      %dma_start3A_47 = arith.constant 0 : i32
      %dma_start3A_48 = tpu.memref_slice %arg18[%add3A_22, %dma_start3A_47] : memref<10240x128xf32, #tpu.memory_space<vmem_shared>> -> memref<128x128xf32, #tpu.memory_space<vmem_shared>>
      tpu.enqueue_dma source(%arg10 : memref<128x128xf32, #tpu.memory_space<vmem>>) target(%dma_start3A_48 : memref<128x128xf32, #tpu.memory_space<vmem_shared>>) target_semaphore(%run_scoped3A : memref<!tpu.dma_semaphore, #tpu.memory_space<semaphore_mem>>)
      %dma_wait3A = arith.constant 0 : i32
      %dma_wait3A_49 = tpu.memref_slice %arg18[%add3A_22, %dma_wait3A] : memref<10240x128xf32, #tpu.memory_space<vmem_shared>> -> memref<128x128xf32, #tpu.memory_space<vmem_shared>>
      %dma_wait3A_50 = arith.constant 0 : i32
      %dma_wait3A_51 = tpu.memref_slice %arg18[%add3A_22, %dma_wait3A_50] : memref<10240x128xf32, #tpu.memory_space<vmem_shared>> -> memref<128x128xf32, #tpu.memory_space<vmem_shared>>
      tpu.wait_dma2 semaphore(%run_scoped3A : memref<!tpu.dma_semaphore, #tpu.memory_space<semaphore_mem>>) src(%arg10 : memref<128x128xf32, #tpu.memory_space<vmem>>) dst(%dma_wait3A_51 : memref<128x128xf32, #tpu.memory_space<vmem_shared>>)
      tpu.yield
    }) : () -> ()
    %mul3A_23 = arith.constant 640 : i32
    %mul3A_24 = arith.muli %arg1, %mul3A_23 : i32
    %add3A_25 = arith.constant 384 : i32
    %add3A_26 = arith.addi %mul3A_24, %add3A_25 : i32
    "tpu.region"() ({
      %run_scoped3A = tpu.sem_alloc : memref<!tpu.dma_semaphore, #tpu.memory_space<semaphore_mem>>
      %dma_start3A = arith.constant 0 : i32
      %dma_start3A_46 = tpu.memref_slice %arg18[%add3A_26, %dma_start3A] : memref<10240x128xf32, #tpu.memory_space<vmem_shared>> -> memref<128x128xf32, #tpu.memory_space<vmem_shared>>
      %dma_start3A_47 = arith.constant 0 : i32
      %dma_start3A_48 = tpu.memref_slice %arg18[%add3A_26, %dma_start3A_47] : memref<10240x128xf32, #tpu.memory_space<vmem_shared>> -> memref<128x128xf32, #tpu.memory_space<vmem_shared>>
      tpu.enqueue_dma source(%arg10 : memref<128x128xf32, #tpu.memory_space<vmem>>) target(%dma_start3A_48 : memref<128x128xf32, #tpu.memory_space<vmem_shared>>) target_semaphore(%run_scoped3A : memref<!tpu.dma_semaphore, #tpu.memory_space<semaphore_mem>>)
      %dma_wait3A = arith.constant 0 : i32
      %dma_wait3A_49 = tpu.memref_slice %arg18[%add3A_26, %dma_wait3A] : memref<10240x128xf32, #tpu.memory_space<vmem_shared>> -> memref<128x128xf32, #tpu.memory_space<vmem_shared>>
      %dma_wait3A_50 = arith.constant 0 : i32
      %dma_wait3A_51 = tpu.memref_slice %arg18[%add3A_26, %dma_wait3A_50] : memref<10240x128xf32, #tpu.memory_space<vmem_shared>> -> memref<128x128xf32, #tpu.memory_space<vmem_shared>>
      tpu.wait_dma2 semaphore(%run_scoped3A : memref<!tpu.dma_semaphore, #tpu.memory_space<semaphore_mem>>) src(%arg10 : memref<128x128xf32, #tpu.memory_space<vmem>>) dst(%dma_wait3A_51 : memref<128x128xf32, #tpu.memory_space<vmem_shared>>)
      tpu.yield
    }) : () -> ()
    %mul3A_27 = arith.constant 640 : i32
    %mul3A_28 = arith.muli %arg1, %mul3A_27 : i32
    %add3A_29 = arith.constant 512 : i32
    %add3A_30 = arith.addi %mul3A_28, %add3A_29 : i32
    "tpu.region"() ({
      %run_scoped3A = tpu.sem_alloc : memref<!tpu.dma_semaphore, #tpu.memory_space<semaphore_mem>>
      %dma_start3A = arith.constant 0 : i32
      %dma_start3A_46 = tpu.memref_slice %arg18[%add3A_30, %dma_start3A] : memref<10240x128xf32, #tpu.memory_space<vmem_shared>> -> memref<128x128xf32, #tpu.memory_space<vmem_shared>>
      %dma_start3A_47 = arith.constant 0 : i32
      %dma_start3A_48 = tpu.memref_slice %arg18[%add3A_30, %dma_start3A_47] : memref<10240x128xf32, #tpu.memory_space<vmem_shared>> -> memref<128x128xf32, #tpu.memory_space<vmem_shared>>
      tpu.enqueue_dma source(%arg10 : memref<128x128xf32, #tpu.memory_space<vmem>>) target(%dma_start3A_48 : memref<128x128xf32, #tpu.memory_space<vmem_shared>>) target_semaphore(%run_scoped3A : memref<!tpu.dma_semaphore, #tpu.memory_space<semaphore_mem>>)
      %dma_wait3A = arith.constant 0 : i32
      %dma_wait3A_49 = tpu.memref_slice %arg18[%add3A_30, %dma_wait3A] : memref<10240x128xf32, #tpu.memory_space<vmem_shared>> -> memref<128x128xf32, #tpu.memory_space<vmem_shared>>
      %dma_wait3A_50 = arith.constant 0 : i32
      %dma_wait3A_51 = tpu.memref_slice %arg18[%add3A_30, %dma_wait3A_50] : memref<10240x128xf32, #tpu.memory_space<vmem_shared>> -> memref<128x128xf32, #tpu.memory_space<vmem_shared>>
      tpu.wait_dma2 semaphore(%run_scoped3A : memref<!tpu.dma_semaphore, #tpu.memory_space<semaphore_mem>>) src(%arg10 : memref<128x128xf32, #tpu.memory_space<vmem>>) dst(%dma_wait3A_51 : memref<128x128xf32, #tpu.memory_space<vmem_shared>>)
      tpu.yield
    }) : () -> ()
    %barrier3A = arith.constant 0 : index
    tpu.barrier barrier_id(%barrier3A)
    %eq3A_31 = arith.constant 0 : i32
    %eq3A_32 = arith.cmpi eq, %arg0, %eq3A_31 : i32
    %convert_element_type3A_33 = arith.extui %eq3A_32 : i1 to i32
    %cond3A_34 = arith.constant 0 : i32
    %cond3A_35 = arith.cmpi ne, %convert_element_type3A_33, %cond3A_34 : i32
    scf.if %cond3A_35 {
      %dma_wait3A = arith.constant 0 : i32
      %dma_wait3A_46 = arith.constant 0 : i32
      %dma_wait3A_47 = arith.constant 0 : i32
      %dma_wait3A_48 = tpu.memref_slice %arg8[%dma_wait3A, %dma_wait3A_46, %dma_wait3A_47] : memref<2x24x128xi32, #tpu.memory_space<vmem>> -> memref<1x24x128xi32, #tpu.memory_space<vmem>>
      %dma_wait3A_49 = tpu.memref_squeeze %dma_wait3A_48 : memref<1x24x128xi32, #tpu.memory_space<vmem>> -> memref<24x128xi32, #tpu.memory_space<vmem>>
      %dma_wait3A_50 = arith.constant 0 : i32
      %dma_wait3A_51 = arith.constant 0 : i32
      %dma_wait3A_52 = tpu.memref_slice %dma_wait3A_49[%dma_wait3A_50, %dma_wait3A_51] : memref<24x128xi32, #tpu.memory_space<vmem>> -> memref<24x128xi32, #tpu.memory_space<vmem>>
      %dma_wait3A_53 = arith.constant 0 : i32
      %dma_wait3A_54 = arith.constant 0 : i32
      %dma_wait3A_55 = tpu.memref_slice %arg3[%arg1, %dma_wait3A_53, %dma_wait3A_54] : memref<16x144x128xi32, #tpu.memory_space<hbm>> -> memref<1x144x128xi32, #tpu.memory_space<hbm>>
      %dma_wait3A_56 = tpu.memref_squeeze %dma_wait3A_55 : memref<1x144x128xi32, #tpu.memory_space<hbm>> -> memref<144x128xi32, #tpu.memory_space<hbm>>
      %dma_wait3A_57 = arith.constant 0 : i32
      %dma_wait3A_58 = arith.constant 0 : i32
      %dma_wait3A_59 = tpu.memref_slice %dma_wait3A_56[%dma_wait3A_57, %dma_wait3A_58] : memref<144x128xi32, #tpu.memory_space<hbm>> -> memref<24x128xi32, #tpu.memory_space<hbm>>
      %dma_wait3A_60 = arith.constant 0 : i32
      %dma_wait3A_61 = arith.constant 0 : i32
      %dma_wait3A_62 = tpu.memref_slice %arg8[%dma_wait3A, %dma_wait3A_60, %dma_wait3A_61] : memref<2x24x128xi32, #tpu.memory_space<vmem>> -> memref<1x24x128xi32, #tpu.memory_space<vmem>>
      %dma_wait3A_63 = tpu.memref_squeeze %dma_wait3A_62 : memref<1x24x128xi32, #tpu.memory_space<vmem>> -> memref<24x128xi32, #tpu.memory_space<vmem>>
      %dma_wait3A_64 = arith.constant 0 : i32
      %dma_wait3A_65 = arith.constant 0 : i32
      %dma_wait3A_66 = tpu.memref_slice %dma_wait3A_63[%dma_wait3A_64, %dma_wait3A_65] : memref<24x128xi32, #tpu.memory_space<vmem>> -> memref<24x128xi32, #tpu.memory_space<vmem>>
      %dma_wait3A_67 = arith.constant 0 : i32
      %dma_wait3A_68 = arith.constant 0 : i32
      %dma_wait3A_69 = tpu.memref_slice %arg3[%arg1, %dma_wait3A_67, %dma_wait3A_68] : memref<16x144x128xi32, #tpu.memory_space<hbm>> -> memref<1x144x128xi32, #tpu.memory_space<hbm>>
      %dma_wait3A_70 = tpu.memref_squeeze %dma_wait3A_69 : memref<1x144x128xi32, #tpu.memory_space<hbm>> -> memref<144x128xi32, #tpu.memory_space<hbm>>
      %dma_wait3A_71 = arith.constant 0 : i32
      %dma_wait3A_72 = arith.constant 0 : i32
      %dma_wait3A_73 = tpu.memref_slice %dma_wait3A_70[%dma_wait3A_71, %dma_wait3A_72] : memref<144x128xi32, #tpu.memory_space<hbm>> -> memref<24x128xi32, #tpu.memory_space<hbm>>
      tpu.wait_dma2 semaphore(%arg12 : memref<!tpu.dma_semaphore, #tpu.memory_space<semaphore_mem>>) src(%dma_wait3A_73 : memref<24x128xi32, #tpu.memory_space<hbm>>) dst(%dma_wait3A_66 : memref<24x128xi32, #tpu.memory_space<vmem>>)
      %dma_wait3A_74 = arith.constant 0 : i32
      %dma_wait3A_75 = arith.constant 0 : i32
      %dma_wait3A_76 = arith.constant 0 : i32
      %dma_wait3A_77 = tpu.memref_slice %arg9[%dma_wait3A_74, %dma_wait3A_75, %dma_wait3A_76] : memref<2x24x128xi32, #tpu.memory_space<vmem>> -> memref<1x24x128xi32, #tpu.memory_space<vmem>>
      %dma_wait3A_78 = tpu.memref_squeeze %dma_wait3A_77 : memref<1x24x128xi32, #tpu.memory_space<vmem>> -> memref<24x128xi32, #tpu.memory_space<vmem>>
      %dma_wait3A_79 = arith.constant 0 : i32
      %dma_wait3A_80 = arith.constant 0 : i32
      %dma_wait3A_81 = tpu.memref_slice %dma_wait3A_78[%dma_wait3A_79, %dma_wait3A_80] : memref<24x128xi32, #tpu.memory_space<vmem>> -> memref<24x128xi32, #tpu.memory_space<vmem>>
      %dma_wait3A_82 = arith.constant 0 : i32
      %dma_wait3A_83 = arith.constant 0 : i32
      %dma_wait3A_84 = tpu.memref_slice %arg4[%arg1, %dma_wait3A_82, %dma_wait3A_83] : memref<16x144x128xi32, #tpu.memory_space<hbm>> -> memref<1x144x128xi32, #tpu.memory_space<hbm>>
      %dma_wait3A_85 = tpu.memref_squeeze %dma_wait3A_84 : memref<1x144x128xi32, #tpu.memory_space<hbm>> -> memref<144x128xi32, #tpu.memory_space<hbm>>
      %dma_wait3A_86 = arith.constant 0 : i32
      %dma_wait3A_87 = arith.constant 0 : i32
      %dma_wait3A_88 = tpu.memref_slice %dma_wait3A_85[%dma_wait3A_86, %dma_wait3A_87] : memref<144x128xi32, #tpu.memory_space<hbm>> -> memref<24x128xi32, #tpu.memory_space<hbm>>
      %dma_wait3A_89 = arith.constant 0 : i32
      %dma_wait3A_90 = arith.constant 0 : i32
      %dma_wait3A_91 = tpu.memref_slice %arg9[%dma_wait3A_74, %dma_wait3A_89, %dma_wait3A_90] : memref<2x24x128xi32, #tpu.memory_space<vmem>> -> memref<1x24x128xi32, #tpu.memory_space<vmem>>
      %dma_wait3A_92 = tpu.memref_squeeze %dma_wait3A_91 : memref<1x24x128xi32, #tpu.memory_space<vmem>> -> memref<24x128xi32, #tpu.memory_space<vmem>>
      %dma_wait3A_93 = arith.constant 0 : i32
      %dma_wait3A_94 = arith.constant 0 : i32
      %dma_wait3A_95 = tpu.memref_slice %dma_wait3A_92[%dma_wait3A_93, %dma_wait3A_94] : memref<24x128xi32, #tpu.memory_space<vmem>> -> memref<24x128xi32, #tpu.memory_space<vmem>>
      %dma_wait3A_96 = arith.constant 0 : i32
      %dma_wait3A_97 = arith.constant 0 : i32
      %dma_wait3A_98 = tpu.memref_slice %arg4[%arg1, %dma_wait3A_96, %dma_wait3A_97] : memref<16x144x128xi32, #tpu.memory_space<hbm>> -> memref<1x144x128xi32, #tpu.memory_space<hbm>>
      %dma_wait3A_99 = tpu.memref_squeeze %dma_wait3A_98 : memref<1x144x128xi32, #tpu.memory_space<hbm>> -> memref<144x128xi32, #tpu.memory_space<hbm>>
      %dma_wait3A_100 = arith.constant 0 : i32
      %dma_wait3A_101 = arith.constant 0 : i32
      %dma_wait3A_102 = tpu.memref_slice %dma_wait3A_99[%dma_wait3A_100, %dma_wait3A_101] : memref<144x128xi32, #tpu.memory_space<hbm>> -> memref<24x128xi32, #tpu.memory_space<hbm>>
      tpu.wait_dma2 semaphore(%arg13 : memref<!tpu.dma_semaphore, #tpu.memory_space<semaphore_mem>>) src(%dma_wait3A_102 : memref<24x128xi32, #tpu.memory_space<hbm>>) dst(%dma_wait3A_95 : memref<24x128xi32, #tpu.memory_space<vmem>>)
      %dma_start3A = arith.constant 0 : i32
      %dma_start3A_103 = arith.constant 0 : i32
      %dma_start3A_104 = arith.constant 0 : i32
      %dma_start3A_105 = tpu.memref_slice %arg8[%dma_start3A, %dma_start3A_103, %dma_start3A_104] : memref<2x24x128xi32, #tpu.memory_space<vmem>> -> memref<1x1x128xi32, #tpu.memory_space<vmem>>
      %dma_start3A_106 = tpu.memref_squeeze %dma_start3A_105 : memref<1x1x128xi32, #tpu.memory_space<vmem>> -> memref<128xi32, #tpu.memory_space<vmem>>
      %dma_start3A_107 = arith.constant 0 : i32
      %dma_start3A_108 = arith.constant 0 : i32
      %dma_start3A_109 = tpu.memref_slice %arg2[%dma_start3A_107, %dma_start3A_108] : memref<10000x128xf32, #tpu.memory_space<hbm>> -> memref<10000x128xf32, #tpu.memory_space<hbm>>
      tpu.enqueue_indirect_dma source(%dma_start3A_109 : memref<10000x128xf32, #tpu.memory_space<hbm>>) target(%arg10 : memref<128x128xf32, #tpu.memory_space<vmem>>) offsets(%dma_start3A_106 : memref<128xi32, #tpu.memory_space<vmem>>) semaphore(%arg14 : memref<!tpu.dma_semaphore, #tpu.memory_space<semaphore_mem>>)
      %dma_start3A_110 = arith.constant 0 : i32
      %dma_start3A_111 = arith.constant 1 : i32
      %dma_start3A_112 = arith.constant 0 : i32
      %dma_start3A_113 = tpu.memref_slice %arg8[%dma_start3A_110, %dma_start3A_111, %dma_start3A_112] : memref<2x24x128xi32, #tpu.memory_space<vmem>> -> memref<1x1x128xi32, #tpu.memory_space<vmem>>
      %dma_start3A_114 = tpu.memref_squeeze %dma_start3A_113 : memref<1x1x128xi32, #tpu.memory_space<vmem>> -> memref<128xi32, #tpu.memory_space<vmem>>
      %dma_start3A_115 = arith.constant 0 : i32
      %dma_start3A_116 = arith.constant 0 : i32
      %dma_start3A_117 = tpu.memref_slice %arg2[%dma_start3A_115, %dma_start3A_116] : memref<10000x128xf32, #tpu.memory_space<hbm>> -> memref<10000x128xf32, #tpu.memory_space<hbm>>
      tpu.enqueue_indirect_dma source(%dma_start3A_117 : memref<10000x128xf32, #tpu.memory_space<hbm>>) target(%arg11 : memref<128x128xf32, #tpu.memory_space<vmem>>) offsets(%dma_start3A_114 : memref<128xi32, #tpu.memory_space<vmem>>) semaphore(%arg15 : memref<!tpu.dma_semaphore, #tpu.memory_space<semaphore_mem>>)
      %scan3A_118 = arith.constant 0 : i32
      %scan3A_119 = arith.constant 0 : i32
      %scan3A_120 = arith.constant 72 : i32
      %scan3A_121 = arith.addi %scan3A_119, %scan3A_120 : i32
      %scan3A_122 = arith.constant 1 : i32
      %scan3A_123 = scf.for %scan3A_125 = %scan3A_119 to %scan3A_121 step %scan3A_122 iter_args(%scan3A_126 = %scan3A_118) -> (i32)  : i32 {
        %mul3A_127 = arith.constant 2 : i32
        %mul3A_128 = arith.muli %scan3A_125, %mul3A_127 : i32
        %jit3A = arith.constant 24 : i32
        %div3A = arith.divsi %mul3A_128, %jit3A : i32
        %sign3A = arith.constant 0 : i32
        %sign3A_129 = arith.cmpi sgt, %mul3A_128, %sign3A : i32
        %sign3A_130 = arith.extui %sign3A_129 : i1 to i32
        %sign3A_131 = arith.constant 0 : i32
        %sign3A_132 = arith.cmpi slt, %mul3A_128, %sign3A_131 : i32
        %sign3A_133 = arith.extui %sign3A_132 : i1 to i32
        %sign3A_134 = arith.subi %sign3A_130, %sign3A_133 : i32
        %sign3A_135 = arith.constant 0 : i32
        %sign3A_136 = arith.cmpi sgt, %jit3A, %sign3A_135 : i32
        %sign3A_137 = arith.extui %sign3A_136 : i1 to i32
        %sign3A_138 = arith.constant 0 : i32
        %sign3A_139 = arith.cmpi slt, %jit3A, %sign3A_138 : i32
        %sign3A_140 = arith.extui %sign3A_139 : i1 to i32
        %sign3A_141 = arith.subi %sign3A_137, %sign3A_140 : i32
        %ne3A = arith.cmpi ne, %sign3A_134, %sign3A_141 : i32
        %rem3A = arith.remsi %mul3A_128, %jit3A : i32
        %ne3A_142 = arith.constant 0 : i32
        %ne3A_143 = arith.cmpi ne, %rem3A, %ne3A_142 : i32
        %and3A = arith.andi %ne3A, %ne3A_143 : i1
        %sub3A = arith.constant 1 : i32
        %sub3A_144 = arith.subi %div3A, %sub3A : i32
        %select_n3A = arith.select %and3A, %sub3A_144, %div3A : i32
        %rem3A_145 = arith.constant 24 : i32
        %rem3A_146 = arith.remsi %mul3A_128, %rem3A_145 : i32
        %rem3A_147 = arith.constant 2 : i32
        %rem3A_148 = arith.remsi %select_n3A, %rem3A_147 : i32
        %eq3A_149 = arith.constant 0 : i32
        %eq3A_150 = arith.cmpi eq, %rem3A_146, %eq3A_149 : i32
        %add3A_151 = arith.constant 1 : i32
        %add3A_152 = arith.addi %select_n3A, %add3A_151 : i32
        %lt3A = arith.constant 6 : i32
        %lt3A_153 = arith.cmpi slt, %add3A_152, %lt3A : i32
        %and3A_154 = arith.andi %eq3A_150, %lt3A_153 : i1
        %convert_element_type3A_155 = arith.extui %and3A_154 : i1 to i32
        %cond3A_156 = arith.constant 0 : i32
        %cond3A_157 = arith.cmpi ne, %convert_element_type3A_155, %cond3A_156 : i32
        scf.if %cond3A_157 {
          %add3A_231 = arith.constant 1 : i32
          %add3A_232 = arith.addi %select_n3A, %add3A_231 : i32
          %add3A_233 = arith.constant 1 : i32
          %add3A_234 = arith.addi %select_n3A, %add3A_233 : i32
          %rem3A_235 = arith.constant 2 : i32
          %rem3A_236 = arith.remsi %add3A_234, %rem3A_235 : i32
          %mul3A_237 = arith.constant 24 : i32
          %mul3A_238 = arith.muli %add3A_232, %mul3A_237 : i32
          %dma_start3A_239 = arith.constant 0 : i32
          %dma_start3A_240 = arith.constant 0 : i32
          %dma_start3A_241 = tpu.memref_slice %arg8[%rem3A_236, %dma_start3A_239, %dma_start3A_240] : memref<2x24x128xi32, #tpu.memory_space<vmem>> -> memref<1x24x128xi32, #tpu.memory_space<vmem>>
          %dma_start3A_242 = tpu.memref_squeeze %dma_start3A_241 : memref<1x24x128xi32, #tpu.memory_space<vmem>> -> memref<24x128xi32, #tpu.memory_space<vmem>>
          %dma_start3A_243 = arith.constant 0 : i32
          %dma_start3A_244 = arith.constant 0 : i32
          %dma_start3A_245 = tpu.memref_slice %dma_start3A_242[%dma_start3A_243, %dma_start3A_244] : memref<24x128xi32, #tpu.memory_space<vmem>> -> memref<24x128xi32, #tpu.memory_space<vmem>>
          %dma_start3A_246 = arith.constant 0 : i32
          %dma_start3A_247 = arith.constant 0 : i32
          %dma_start3A_248 = tpu.memref_slice %arg3[%arg1, %dma_start3A_246, %dma_start3A_247] : memref<16x144x128xi32, #tpu.memory_space<hbm>> -> memref<1x144x128xi32, #tpu.memory_space<hbm>>
          %dma_start3A_249 = tpu.memref_squeeze %dma_start3A_248 : memref<1x144x128xi32, #tpu.memory_space<hbm>> -> memref<144x128xi32, #tpu.memory_space<hbm>>
          %dma_start3A_250 = arith.constant 0 : i32
          %dma_start3A_251 = tpu.memref_slice %dma_start3A_249[%mul3A_238, %dma_start3A_250] : memref<144x128xi32, #tpu.memory_space<hbm>> -> memref<24x128xi32, #tpu.memory_space<hbm>>
          %dma_start3A_252 = arith.constant 0 : i32
          %dma_start3A_253 = arith.constant 0 : i32
          %dma_start3A_254 = tpu.memref_slice %arg8[%rem3A_236, %dma_start3A_252, %dma_start3A_253] : memref<2x24x128xi32, #tpu.memory_space<vmem>> -> memref<1x24x128xi32, #tpu.memory_space<vmem>>
          %dma_start3A_255 = tpu.memref_squeeze %dma_start3A_254 : memref<1x24x128xi32, #tpu.memory_space<vmem>> -> memref<24x128xi32, #tpu.memory_space<vmem>>
          %dma_start3A_256 = arith.constant 0 : i32
          %dma_start3A_257 = arith.constant 0 : i32
          %dma_start3A_258 = tpu.memref_slice %dma_start3A_255[%dma_start3A_256, %dma_start3A_257] : memref<24x128xi32, #tpu.memory_space<vmem>> -> memref<24x128xi32, #tpu.memory_space<vmem>>
          %dma_start3A_259 = arith.constant 0 : i32
          %dma_start3A_260 = arith.constant 0 : i32
          %dma_start3A_261 = tpu.memref_slice %arg3[%arg1, %dma_start3A_259, %dma_start3A_260] : memref<16x144x128xi32, #tpu.memory_space<hbm>> -> memref<1x144x128xi32, #tpu.memory_space<hbm>>
          %dma_start3A_262 = tpu.memref_squeeze %dma_start3A_261 : memref<1x144x128xi32, #tpu.memory_space<hbm>> -> memref<144x128xi32, #tpu.memory_space<hbm>>
          %dma_start3A_263 = arith.constant 0 : i32
          %dma_start3A_264 = tpu.memref_slice %dma_start3A_262[%mul3A_238, %dma_start3A_263] : memref<144x128xi32, #tpu.memory_space<hbm>> -> memref<24x128xi32, #tpu.memory_space<hbm>>
          tpu.enqueue_dma source(%dma_start3A_264 : memref<24x128xi32, #tpu.memory_space<hbm>>) target(%dma_start3A_258 : memref<24x128xi32, #tpu.memory_space<vmem>>) target_semaphore(%arg12 : memref<!tpu.dma_semaphore, #tpu.memory_space<semaphore_mem>>)
          %mul3A_265 = arith.constant 24 : i32
          %mul3A_266 = arith.muli %add3A_232, %mul3A_265 : i32
          %dma_start3A_267 = arith.constant 0 : i32
          %dma_start3A_268 = arith.constant 0 : i32
          %dma_start3A_269 = tpu.memref_slice %arg9[%rem3A_236, %dma_start3A_267, %dma_start3A_268] : memref<2x24x128xi32, #tpu.memory_space<vmem>> -> memref<1x24x128xi32, #tpu.memory_space<vmem>>
          %dma_start3A_270 = tpu.memref_squeeze %dma_start3A_269 : memref<1x24x128xi32, #tpu.memory_space<vmem>> -> memref<24x128xi32, #tpu.memory_space<vmem>>
          %dma_start3A_271 = arith.constant 0 : i32
          %dma_start3A_272 = arith.constant 0 : i32
          %dma_start3A_273 = tpu.memref_slice %dma_start3A_270[%dma_start3A_271, %dma_start3A_272] : memref<24x128xi32, #tpu.memory_space<vmem>> -> memref<24x128xi32, #tpu.memory_space<vmem>>
          %dma_start3A_274 = arith.constant 0 : i32
          %dma_start3A_275 = arith.constant 0 : i32
          %dma_start3A_276 = tpu.memref_slice %arg4[%arg1, %dma_start3A_274, %dma_start3A_275] : memref<16x144x128xi32, #tpu.memory_space<hbm>> -> memref<1x144x128xi32, #tpu.memory_space<hbm>>
          %dma_start3A_277 = tpu.memref_squeeze %dma_start3A_276 : memref<1x144x128xi32, #tpu.memory_space<hbm>> -> memref<144x128xi32, #tpu.memory_space<hbm>>
          %dma_start3A_278 = arith.constant 0 : i32
          %dma_start3A_279 = tpu.memref_slice %dma_start3A_277[%mul3A_266, %dma_start3A_278] : memref<144x128xi32, #tpu.memory_space<hbm>> -> memref<24x128xi32, #tpu.memory_space<hbm>>
          %dma_start3A_280 = arith.constant 0 : i32
          %dma_start3A_281 = arith.constant 0 : i32
          %dma_start3A_282 = tpu.memref_slice %arg9[%rem3A_236, %dma_start3A_280, %dma_start3A_281] : memref<2x24x128xi32, #tpu.memory_space<vmem>> -> memref<1x24x128xi32, #tpu.memory_space<vmem>>
          %dma_start3A_283 = tpu.memref_squeeze %dma_start3A_282 : memref<1x24x128xi32, #tpu.memory_space<vmem>> -> memref<24x128xi32, #tpu.memory_space<vmem>>
          %dma_start3A_284 = arith.constant 0 : i32
          %dma_start3A_285 = arith.constant 0 : i32
          %dma_start3A_286 = tpu.memref_slice %dma_start3A_283[%dma_start3A_284, %dma_start3A_285] : memref<24x128xi32, #tpu.memory_space<vmem>> -> memref<24x128xi32, #tpu.memory_space<vmem>>
          %dma_start3A_287 = arith.constant 0 : i32
          %dma_start3A_288 = arith.constant 0 : i32
          %dma_start3A_289 = tpu.memref_slice %arg4[%arg1, %dma_start3A_287, %dma_start3A_288] : memref<16x144x128xi32, #tpu.memory_space<hbm>> -> memref<1x144x128xi32, #tpu.memory_space<hbm>>
          %dma_start3A_290 = tpu.memref_squeeze %dma_start3A_289 : memref<1x144x128xi32, #tpu.memory_space<hbm>> -> memref<144x128xi32, #tpu.memory_space<hbm>>
          %dma_start3A_291 = arith.constant 0 : i32
          %dma_start3A_292 = tpu.memref_slice %dma_start3A_290[%mul3A_266, %dma_start3A_291] : memref<144x128xi32, #tpu.memory_space<hbm>> -> memref<24x128xi32, #tpu.memory_space<hbm>>
          tpu.enqueue_dma source(%dma_start3A_292 : memref<24x128xi32, #tpu.memory_space<hbm>>) target(%dma_start3A_286 : memref<24x128xi32, #tpu.memory_space<vmem>>) target_semaphore(%arg13 : memref<!tpu.dma_semaphore, #tpu.memory_space<semaphore_mem>>)
        } else {
        }
        %eq3A_158 = arith.constant 22 : i32
        %eq3A_159 = arith.cmpi eq, %rem3A_146, %eq3A_158 : i32
        %add3A_160 = arith.constant 1 : i32
        %add3A_161 = arith.addi %select_n3A, %add3A_160 : i32
        %lt3A_162 = arith.constant 6 : i32
        %lt3A_163 = arith.cmpi slt, %add3A_161, %lt3A_162 : i32
        %and3A_164 = arith.andi %eq3A_159, %lt3A_163 : i1
        %convert_element_type3A_165 = arith.extui %and3A_164 : i1 to i32
        %cond3A_166 = arith.constant 0 : i32
        %cond3A_167 = arith.cmpi ne, %convert_element_type3A_165, %cond3A_166 : i32
        scf.if %cond3A_167 {
          %add3A_231 = arith.constant 1 : i32
          %add3A_232 = arith.addi %select_n3A, %add3A_231 : i32
          %add3A_233 = arith.constant 1 : i32
          %add3A_234 = arith.addi %select_n3A, %add3A_233 : i32
          %rem3A_235 = arith.constant 2 : i32
          %rem3A_236 = arith.remsi %add3A_234, %rem3A_235 : i32
          %mul3A_237 = arith.constant 24 : i32
          %mul3A_238 = arith.muli %add3A_232, %mul3A_237 : i32
          %dma_wait3A_239 = arith.constant 0 : i32
          %dma_wait3A_240 = arith.constant 0 : i32
          %dma_wait3A_241 = tpu.memref_slice %arg8[%rem3A_236, %dma_wait3A_239, %dma_wait3A_240] : memref<2x24x128xi32, #tpu.memory_space<vmem>> -> memref<1x24x128xi32, #tpu.memory_space<vmem>>
          %dma_wait3A_242 = tpu.memref_squeeze %dma_wait3A_241 : memref<1x24x128xi32, #tpu.memory_space<vmem>> -> memref<24x128xi32, #tpu.memory_space<vmem>>
          %dma_wait3A_243 = arith.constant 0 : i32
          %dma_wait3A_244 = arith.constant 0 : i32
          %dma_wait3A_245 = tpu.memref_slice %dma_wait3A_242[%dma_wait3A_243, %dma_wait3A_244] : memref<24x128xi32, #tpu.memory_space<vmem>> -> memref<24x128xi32, #tpu.memory_space<vmem>>
          %dma_wait3A_246 = arith.constant 0 : i32
          %dma_wait3A_247 = arith.constant 0 : i32
          %dma_wait3A_248 = tpu.memref_slice %arg3[%arg1, %dma_wait3A_246, %dma_wait3A_247] : memref<16x144x128xi32, #tpu.memory_space<hbm>> -> memref<1x144x128xi32, #tpu.memory_space<hbm>>
          %dma_wait3A_249 = tpu.memref_squeeze %dma_wait3A_248 : memref<1x144x128xi32, #tpu.memory_space<hbm>> -> memref<144x128xi32, #tpu.memory_space<hbm>>
          %dma_wait3A_250 = arith.constant 0 : i32
          %dma_wait3A_251 = tpu.memref_slice %dma_wait3A_249[%mul3A_238, %dma_wait3A_250] : memref<144x128xi32, #tpu.memory_space<hbm>> -> memref<24x128xi32, #tpu.memory_space<hbm>>
          %dma_wait3A_252 = arith.constant 0 : i32
          %dma_wait3A_253 = arith.constant 0 : i32
          %dma_wait3A_254 = tpu.memref_slice %arg8[%rem3A_236, %dma_wait3A_252, %dma_wait3A_253] : memref<2x24x128xi32, #tpu.memory_space<vmem>> -> memref<1x24x128xi32, #tpu.memory_space<vmem>>
          %dma_wait3A_255 = tpu.memref_squeeze %dma_wait3A_254 : memref<1x24x128xi32, #tpu.memory_space<vmem>> -> memref<24x128xi32, #tpu.memory_space<vmem>>
          %dma_wait3A_256 = arith.constant 0 : i32
          %dma_wait3A_257 = arith.constant 0 : i32
          %dma_wait3A_258 = tpu.memref_slice %dma_wait3A_255[%dma_wait3A_256, %dma_wait3A_257] : memref<24x128xi32, #tpu.memory_space<vmem>> -> memref<24x128xi32, #tpu.memory_space<vmem>>
          %dma_wait3A_259 = arith.constant 0 : i32
          %dma_wait3A_260 = arith.constant 0 : i32
          %dma_wait3A_261 = tpu.memref_slice %arg3[%arg1, %dma_wait3A_259, %dma_wait3A_260] : memref<16x144x128xi32, #tpu.memory_space<hbm>> -> memref<1x144x128xi32, #tpu.memory_space<hbm>>
          %dma_wait3A_262 = tpu.memref_squeeze %dma_wait3A_261 : memref<1x144x128xi32, #tpu.memory_space<hbm>> -> memref<144x128xi32, #tpu.memory_space<hbm>>
          %dma_wait3A_263 = arith.constant 0 : i32
          %dma_wait3A_264 = tpu.memref_slice %dma_wait3A_262[%mul3A_238, %dma_wait3A_263] : memref<144x128xi32, #tpu.memory_space<hbm>> -> memref<24x128xi32, #tpu.memory_space<hbm>>
          tpu.wait_dma2 semaphore(%arg12 : memref<!tpu.dma_semaphore, #tpu.memory_space<semaphore_mem>>) src(%dma_wait3A_264 : memref<24x128xi32, #tpu.memory_space<hbm>>) dst(%dma_wait3A_258 : memref<24x128xi32, #tpu.memory_space<vmem>>)
          %mul3A_265 = arith.constant 24 : i32
          %mul3A_266 = arith.muli %add3A_232, %mul3A_265 : i32
          %dma_wait3A_267 = arith.constant 0 : i32
          %dma_wait3A_268 = arith.constant 0 : i32
          %dma_wait3A_269 = tpu.memref_slice %arg9[%rem3A_236, %dma_wait3A_267, %dma_wait3A_268] : memref<2x24x128xi32, #tpu.memory_space<vmem>> -> memref<1x24x128xi32, #tpu.memory_space<vmem>>
          %dma_wait3A_270 = tpu.memref_squeeze %dma_wait3A_269 : memref<1x24x128xi32, #tpu.memory_space<vmem>> -> memref<24x128xi32, #tpu.memory_space<vmem>>
          %dma_wait3A_271 = arith.constant 0 : i32
          %dma_wait3A_272 = arith.constant 0 : i32
          %dma_wait3A_273 = tpu.memref_slice %dma_wait3A_270[%dma_wait3A_271, %dma_wait3A_272] : memref<24x128xi32, #tpu.memory_space<vmem>> -> memref<24x128xi32, #tpu.memory_space<vmem>>
          %dma_wait3A_274 = arith.constant 0 : i32
          %dma_wait3A_275 = arith.constant 0 : i32
          %dma_wait3A_276 = tpu.memref_slice %arg4[%arg1, %dma_wait3A_274, %dma_wait3A_275] : memref<16x144x128xi32, #tpu.memory_space<hbm>> -> memref<1x144x128xi32, #tpu.memory_space<hbm>>
          %dma_wait3A_277 = tpu.memref_squeeze %dma_wait3A_276 : memref<1x144x128xi32, #tpu.memory_space<hbm>> -> memref<144x128xi32, #tpu.memory_space<hbm>>
          %dma_wait3A_278 = arith.constant 0 : i32
          %dma_wait3A_279 = tpu.memref_slice %dma_wait3A_277[%mul3A_266, %dma_wait3A_278] : memref<144x128xi32, #tpu.memory_space<hbm>> -> memref<24x128xi32, #tpu.memory_space<hbm>>
          %dma_wait3A_280 = arith.constant 0 : i32
          %dma_wait3A_281 = arith.constant 0 : i32
          %dma_wait3A_282 = tpu.memref_slice %arg9[%rem3A_236, %dma_wait3A_280, %dma_wait3A_281] : memref<2x24x128xi32, #tpu.memory_space<vmem>> -> memref<1x24x128xi32, #tpu.memory_space<vmem>>
          %dma_wait3A_283 = tpu.memref_squeeze %dma_wait3A_282 : memref<1x24x128xi32, #tpu.memory_space<vmem>> -> memref<24x128xi32, #tpu.memory_space<vmem>>
          %dma_wait3A_284 = arith.constant 0 : i32
          %dma_wait3A_285 = arith.constant 0 : i32
          %dma_wait3A_286 = tpu.memref_slice %dma_wait3A_283[%dma_wait3A_284, %dma_wait3A_285] : memref<24x128xi32, #tpu.memory_space<vmem>> -> memref<24x128xi32, #tpu.memory_space<vmem>>
          %dma_wait3A_287 = arith.constant 0 : i32
          %dma_wait3A_288 = arith.constant 0 : i32
          %dma_wait3A_289 = tpu.memref_slice %arg4[%arg1, %dma_wait3A_287, %dma_wait3A_288] : memref<16x144x128xi32, #tpu.memory_space<hbm>> -> memref<1x144x128xi32, #tpu.memory_space<hbm>>
          %dma_wait3A_290 = tpu.memref_squeeze %dma_wait3A_289 : memref<1x144x128xi32, #tpu.memory_space<hbm>> -> memref<144x128xi32, #tpu.memory_space<hbm>>
          %dma_wait3A_291 = arith.constant 0 : i32
          %dma_wait3A_292 = tpu.memref_slice %dma_wait3A_290[%mul3A_266, %dma_wait3A_291] : memref<144x128xi32, #tpu.memory_space<hbm>> -> memref<24x128xi32, #tpu.memory_space<hbm>>
          tpu.wait_dma2 semaphore(%arg13 : memref<!tpu.dma_semaphore, #tpu.memory_space<semaphore_mem>>) src(%dma_wait3A_292 : memref<24x128xi32, #tpu.memory_space<hbm>>) dst(%dma_wait3A_286 : memref<24x128xi32, #tpu.memory_space<vmem>>)
        } else {
        }
        %add3A_168 = arith.constant 0 : i32
        %add3A_169 = arith.addi %rem3A_146, %add3A_168 : i32
        %dma_wait3A_170 = arith.constant 0 : i32
        %dma_wait3A_171 = tpu.memref_slice %arg8[%rem3A_148, %add3A_169, %dma_wait3A_170] : memref<2x24x128xi32, #tpu.memory_space<vmem>> -> memref<1x1x128xi32, #tpu.memory_space<vmem>>
        %dma_wait3A_172 = tpu.memref_squeeze %dma_wait3A_171 : memref<1x1x128xi32, #tpu.memory_space<vmem>> -> memref<128xi32, #tpu.memory_space<vmem>>
        %dma_wait3A_173 = arith.constant 0 : i32
        %dma_wait3A_174 = arith.constant 0 : i32
        %dma_wait3A_175 = tpu.memref_slice %arg2[%dma_wait3A_173, %dma_wait3A_174] : memref<10000x128xf32, #tpu.memory_space<hbm>> -> memref<10000x128xf32, #tpu.memory_space<hbm>>
        tpu.wait_indirect_dma semaphore(%arg14 : memref<!tpu.dma_semaphore, #tpu.memory_space<semaphore_mem>>) src(%dma_wait3A_175 : memref<10000x128xf32, #tpu.memory_space<hbm>>) dst(%arg10 : memref<128x128xf32, #tpu.memory_space<vmem>>)
        %add3A_176 = arith.constant 0 : i32
        %add3A_177 = arith.addi %rem3A_146, %add3A_176 : i32
        %dma_start3A_178 = arith.constant 0 : i32
        %dma_start3A_179 = tpu.memref_slice %arg9[%rem3A_148, %add3A_177, %dma_start3A_178] : memref<2x24x128xi32, #tpu.memory_space<vmem>> -> memref<1x1x128xi32, #tpu.memory_space<vmem>>
        %dma_start3A_180 = tpu.memref_squeeze %dma_start3A_179 : memref<1x1x128xi32, #tpu.memory_space<vmem>> -> memref<128xi32, #tpu.memory_space<vmem>>
        %dma_start3A_181 = arith.constant 0 : i32
        %dma_start3A_182 = arith.constant 0 : i32
        %dma_start3A_183 = tpu.memref_slice %arg18[%dma_start3A_181, %dma_start3A_182] : memref<10240x128xf32, #tpu.memory_space<vmem_shared>> -> memref<10240x128xf32, #tpu.memory_space<vmem_shared>>
        tpu.enqueue_indirect_dma source(%arg10 : memref<128x128xf32, #tpu.memory_space<vmem>>) target(%dma_start3A_183 : memref<10240x128xf32, #tpu.memory_space<vmem_shared>>) offsets(%dma_start3A_180 : memref<128xi32, #tpu.memory_space<vmem>>) semaphore(%arg16 : memref<!tpu.dma_semaphore, #tpu.memory_space<semaphore_mem>>) {add = true}
        %add3A_184 = arith.constant 1 : i32
        %add3A_185 = arith.addi %rem3A_146, %add3A_184 : i32
        %dma_wait3A_186 = arith.constant 0 : i32
        %dma_wait3A_187 = tpu.memref_slice %arg8[%rem3A_148, %add3A_185, %dma_wait3A_186] : memref<2x24x128xi32, #tpu.memory_space<vmem>> -> memref<1x1x128xi32, #tpu.memory_space<vmem>>
        %dma_wait3A_188 = tpu.memref_squeeze %dma_wait3A_187 : memref<1x1x128xi32, #tpu.memory_space<vmem>> -> memref<128xi32, #tpu.memory_space<vmem>>
        %dma_wait3A_189 = arith.constant 0 : i32
        %dma_wait3A_190 = arith.constant 0 : i32
        %dma_wait3A_191 = tpu.memref_slice %arg2[%dma_wait3A_189, %dma_wait3A_190] : memref<10000x128xf32, #tpu.memory_space<hbm>> -> memref<10000x128xf32, #tpu.memory_space<hbm>>
        tpu.wait_indirect_dma semaphore(%arg15 : memref<!tpu.dma_semaphore, #tpu.memory_space<semaphore_mem>>) src(%dma_wait3A_191 : memref<10000x128xf32, #tpu.memory_space<hbm>>) dst(%arg11 : memref<128x128xf32, #tpu.memory_space<vmem>>)
        %add3A_192 = arith.constant 1 : i32
        %add3A_193 = arith.addi %rem3A_146, %add3A_192 : i32
        %dma_start3A_194 = arith.constant 0 : i32
        %dma_start3A_195 = tpu.memref_slice %arg9[%rem3A_148, %add3A_193, %dma_start3A_194] : memref<2x24x128xi32, #tpu.memory_space<vmem>> -> memref<1x1x128xi32, #tpu.memory_space<vmem>>
        %dma_start3A_196 = tpu.memref_squeeze %dma_start3A_195 : memref<1x1x128xi32, #tpu.memory_space<vmem>> -> memref<128xi32, #tpu.memory_space<vmem>>
        %dma_start3A_197 = arith.constant 0 : i32
        %dma_start3A_198 = arith.constant 0 : i32
        %dma_start3A_199 = tpu.memref_slice %arg18[%dma_start3A_197, %dma_start3A_198] : memref<10240x128xf32, #tpu.memory_space<vmem_shared>> -> memref<10240x128xf32, #tpu.memory_space<vmem_shared>>
        tpu.enqueue_indirect_dma source(%arg11 : memref<128x128xf32, #tpu.memory_space<vmem>>) target(%dma_start3A_199 : memref<10240x128xf32, #tpu.memory_space<vmem_shared>>) offsets(%dma_start3A_196 : memref<128xi32, #tpu.memory_space<vmem>>) semaphore(%arg17 : memref<!tpu.dma_semaphore, #tpu.memory_space<semaphore_mem>>) {add = true}
        %dma_wait3A_200 = arith.constant 0 : i32
        %dma_wait3A_201 = tpu.memref_slice %arg9[%rem3A_148, %add3A_177, %dma_wait3A_200] : memref<2x24x128xi32, #tpu.memory_space<vmem>> -> memref<1x1x128xi32, #tpu.memory_space<vmem>>
        %dma_wait3A_202 = tpu.memref_squeeze %dma_wait3A_201 : memref<1x1x128xi32, #tpu.memory_space<vmem>> -> memref<128xi32, #tpu.memory_space<vmem>>
        %dma_wait3A_203 = arith.constant 0 : i32
        %dma_wait3A_204 = arith.constant 0 : i32
        %dma_wait3A_205 = tpu.memref_slice %arg18[%dma_wait3A_203, %dma_wait3A_204] : memref<10240x128xf32, #tpu.memory_space<vmem_shared>> -> memref<10240x128xf32, #tpu.memory_space<vmem_shared>>
        tpu.wait_indirect_dma semaphore(%arg16 : memref<!tpu.dma_semaphore, #tpu.memory_space<semaphore_mem>>) src(%arg10 : memref<128x128xf32, #tpu.memory_space<vmem>>) dst(%dma_wait3A_205 : memref<10240x128xf32, #tpu.memory_space<vmem_shared>>)
        %add3A_206 = arith.constant 0 : i32
        %add3A_207 = arith.addi %mul3A_128, %add3A_206 : i32
        %add3A_208 = arith.constant 2 : i32
        %add3A_209 = arith.addi %add3A_207, %add3A_208 : i32
        %lt3A_210 = arith.constant 144 : i32
        %lt3A_211 = arith.cmpi slt, %add3A_209, %lt3A_210 : i32
        %convert_element_type3A_212 = arith.extui %lt3A_211 : i1 to i32
        %cond3A_213 = arith.constant 0 : i32
        %cond3A_214 = arith.cmpi ne, %convert_element_type3A_212, %cond3A_213 : i32
        scf.if %cond3A_214 {
          %jit3A_231 = arith.constant 24 : i32
          %div3A_232 = arith.divsi %add3A_209, %jit3A_231 : i32
          %sign3A_233 = arith.constant 0 : i32
          %sign3A_234 = arith.cmpi sgt, %add3A_209, %sign3A_233 : i32
          %sign3A_235 = arith.extui %sign3A_234 : i1 to i32
          %sign3A_236 = arith.constant 0 : i32
          %sign3A_237 = arith.cmpi slt, %add3A_209, %sign3A_236 : i32
          %sign3A_238 = arith.extui %sign3A_237 : i1 to i32
          %sign3A_239 = arith.subi %sign3A_235, %sign3A_238 : i32
          %sign3A_240 = arith.constant 0 : i32
          %sign3A_241 = arith.cmpi sgt, %jit3A_231, %sign3A_240 : i32
          %sign3A_242 = arith.extui %sign3A_241 : i1 to i32
          %sign3A_243 = arith.constant 0 : i32
          %sign3A_244 = arith.cmpi slt, %jit3A_231, %sign3A_243 : i32
          %sign3A_245 = arith.extui %sign3A_244 : i1 to i32
          %sign3A_246 = arith.subi %sign3A_242, %sign3A_245 : i32
          %ne3A_247 = arith.cmpi ne, %sign3A_239, %sign3A_246 : i32
          %rem3A_248 = arith.remsi %add3A_209, %jit3A_231 : i32
          %ne3A_249 = arith.constant 0 : i32
          %ne3A_250 = arith.cmpi ne, %rem3A_248, %ne3A_249 : i32
          %and3A_251 = arith.andi %ne3A_247, %ne3A_250 : i1
          %sub3A_252 = arith.constant 1 : i32
          %sub3A_253 = arith.subi %div3A_232, %sub3A_252 : i32
          %select_n3A_254 = arith.select %and3A_251, %sub3A_253, %div3A_232 : i32
          %rem3A_255 = arith.constant 2 : i32
          %rem3A_256 = arith.remsi %select_n3A_254, %rem3A_255 : i32
          %rem3A_257 = arith.constant 24 : i32
          %rem3A_258 = arith.remsi %add3A_209, %rem3A_257 : i32
          %dma_start3A_259 = arith.constant 0 : i32
          %dma_start3A_260 = tpu.memref_slice %arg8[%rem3A_256, %rem3A_258, %dma_start3A_259] : memref<2x24x128xi32, #tpu.memory_space<vmem>> -> memref<1x1x128xi32, #tpu.memory_space<vmem>>
          %dma_start3A_261 = tpu.memref_squeeze %dma_start3A_260 : memref<1x1x128xi32, #tpu.memory_space<vmem>> -> memref<128xi32, #tpu.memory_space<vmem>>
          %dma_start3A_262 = arith.constant 0 : i32
          %dma_start3A_263 = arith.constant 0 : i32
          %dma_start3A_264 = tpu.memref_slice %arg2[%dma_start3A_262, %dma_start3A_263] : memref<10000x128xf32, #tpu.memory_space<hbm>> -> memref<10000x128xf32, #tpu.memory_space<hbm>>
          tpu.enqueue_indirect_dma source(%dma_start3A_264 : memref<10000x128xf32, #tpu.memory_space<hbm>>) target(%arg10 : memref<128x128xf32, #tpu.memory_space<vmem>>) offsets(%dma_start3A_261 : memref<128xi32, #tpu.memory_space<vmem>>) semaphore(%arg14 : memref<!tpu.dma_semaphore, #tpu.memory_space<semaphore_mem>>)
        } else {
        }
        %dma_wait3A_215 = arith.constant 0 : i32
        %dma_wait3A_216 = tpu.memref_slice %arg9[%rem3A_148, %add3A_193, %dma_wait3A_215] : memref<2x24x128xi32, #tpu.memory_space<vmem>> -> memref<1x1x128xi32, #tpu.memory_space<vmem>>
        %dma_wait3A_217 = tpu.memref_squeeze %dma_wait3A_216 : memref<1x1x128xi32, #tpu.memory_space<vmem>> -> memref<128xi32, #tpu.memory_space<vmem>>
        %dma_wait3A_218 = arith.constant 0 : i32
        %dma_wait3A_219 = arith.constant 0 : i32
        %dma_wait3A_220 = tpu.memref_slice %arg18[%dma_wait3A_218, %dma_wait3A_219] : memref<10240x128xf32, #tpu.memory_space<vmem_shared>> -> memref<10240x128xf32, #tpu.memory_space<vmem_shared>>
        tpu.wait_indirect_dma semaphore(%arg17 : memref<!tpu.dma_semaphore, #tpu.memory_space<semaphore_mem>>) src(%arg11 : memref<128x128xf32, #tpu.memory_space<vmem>>) dst(%dma_wait3A_220 : memref<10240x128xf32, #tpu.memory_space<vmem_shared>>)
        %add3A_221 = arith.constant 1 : i32
        %add3A_222 = arith.addi %mul3A_128, %add3A_221 : i32
        %add3A_223 = arith.constant 2 : i32
        %add3A_224 = arith.addi %add3A_222, %add3A_223 : i32
        %lt3A_225 = arith.constant 144 : i32
        %lt3A_226 = arith.cmpi slt, %add3A_224, %lt3A_225 : i32
        %convert_element_type3A_227 = arith.extui %lt3A_226 : i1 to i32
        %cond3A_228 = arith.constant 0 : i32
        %cond3A_229 = arith.cmpi ne, %convert_element_type3A_227, %cond3A_228 : i32
        scf.if %cond3A_229 {
          %jit3A_231 = arith.constant 24 : i32
          %div3A_232 = arith.divsi %add3A_224, %jit3A_231 : i32
          %sign3A_233 = arith.constant 0 : i32
          %sign3A_234 = arith.cmpi sgt, %add3A_224, %sign3A_233 : i32
          %sign3A_235 = arith.extui %sign3A_234 : i1 to i32
          %sign3A_236 = arith.constant 0 : i32
          %sign3A_237 = arith.cmpi slt, %add3A_224, %sign3A_236 : i32
          %sign3A_238 = arith.extui %sign3A_237 : i1 to i32
          %sign3A_239 = arith.subi %sign3A_235, %sign3A_238 : i32
          %sign3A_240 = arith.constant 0 : i32
          %sign3A_241 = arith.cmpi sgt, %jit3A_231, %sign3A_240 : i32
          %sign3A_242 = arith.extui %sign3A_241 : i1 to i32
          %sign3A_243 = arith.constant 0 : i32
          %sign3A_244 = arith.cmpi slt, %jit3A_231, %sign3A_243 : i32
          %sign3A_245 = arith.extui %sign3A_244 : i1 to i32
          %sign3A_246 = arith.subi %sign3A_242, %sign3A_245 : i32
          %ne3A_247 = arith.cmpi ne, %sign3A_239, %sign3A_246 : i32
          %rem3A_248 = arith.remsi %add3A_224, %jit3A_231 : i32
          %ne3A_249 = arith.constant 0 : i32
          %ne3A_250 = arith.cmpi ne, %rem3A_248, %ne3A_249 : i32
          %and3A_251 = arith.andi %ne3A_247, %ne3A_250 : i1
          %sub3A_252 = arith.constant 1 : i32
          %sub3A_253 = arith.subi %div3A_232, %sub3A_252 : i32
          %select_n3A_254 = arith.select %and3A_251, %sub3A_253, %div3A_232 : i32
          %rem3A_255 = arith.constant 2 : i32
          %rem3A_256 = arith.remsi %select_n3A_254, %rem3A_255 : i32
          %rem3A_257 = arith.constant 24 : i32
          %rem3A_258 = arith.remsi %add3A_224, %rem3A_257 : i32
          %dma_start3A_259 = arith.constant 0 : i32
          %dma_start3A_260 = tpu.memref_slice %arg8[%rem3A_256, %rem3A_258, %dma_start3A_259] : memref<2x24x128xi32, #tpu.memory_space<vmem>> -> memref<1x1x128xi32, #tpu.memory_space<vmem>>
          %dma_start3A_261 = tpu.memref_squeeze %dma_start3A_260 : memref<1x1x128xi32, #tpu.memory_space<vmem>> -> memref<128xi32, #tpu.memory_space<vmem>>
          %dma_start3A_262 = arith.constant 0 : i32
          %dma_start3A_263 = arith.constant 0 : i32
          %dma_start3A_264 = tpu.memref_slice %arg2[%dma_start3A_262, %dma_start3A_263] : memref<10000x128xf32, #tpu.memory_space<hbm>> -> memref<10000x128xf32, #tpu.memory_space<hbm>>
          tpu.enqueue_indirect_dma source(%dma_start3A_264 : memref<10000x128xf32, #tpu.memory_space<hbm>>) target(%arg11 : memref<128x128xf32, #tpu.memory_space<vmem>>) offsets(%dma_start3A_261 : memref<128xi32, #tpu.memory_space<vmem>>) semaphore(%arg15 : memref<!tpu.dma_semaphore, #tpu.memory_space<semaphore_mem>>)
        } else {
        }
        %scan3A_230 = arith.constant 0 : i32
        scf.yield %scan3A_230 : i32
      }
      %scan3A_124 = arith.constant 72 : i32
    } else {
    }
    %eq3A_36 = arith.constant 1 : i32
    %eq3A_37 = arith.cmpi eq, %arg0, %eq3A_36 : i32
    %convert_element_type3A_38 = arith.extui %eq3A_37 : i1 to i32
    %cond3A_39 = arith.constant 0 : i32
    %cond3A_40 = arith.cmpi ne, %convert_element_type3A_38, %cond3A_39 : i32
    scf.if %cond3A_40 {
      %dma_wait3A = arith.constant 0 : i32
      %dma_wait3A_46 = arith.constant 0 : i32
      %dma_wait3A_47 = arith.constant 0 : i32
      %dma_wait3A_48 = tpu.memref_slice %arg8[%dma_wait3A, %dma_wait3A_46, %dma_wait3A_47] : memref<2x24x128xi32, #tpu.memory_space<vmem>> -> memref<1x24x128xi32, #tpu.memory_space<vmem>>
      %dma_wait3A_49 = tpu.memref_squeeze %dma_wait3A_48 : memref<1x24x128xi32, #tpu.memory_space<vmem>> -> memref<24x128xi32, #tpu.memory_space<vmem>>
      %dma_wait3A_50 = arith.constant 0 : i32
      %dma_wait3A_51 = arith.constant 0 : i32
      %dma_wait3A_52 = tpu.memref_slice %dma_wait3A_49[%dma_wait3A_50, %dma_wait3A_51] : memref<24x128xi32, #tpu.memory_space<vmem>> -> memref<16x128xi32, #tpu.memory_space<vmem>>
      %dma_wait3A_53 = arith.constant 0 : i32
      %dma_wait3A_54 = arith.constant 0 : i32
      %dma_wait3A_55 = tpu.memref_slice %arg5[%arg1, %dma_wait3A_53, %dma_wait3A_54] : memref<16x16x128xi32, #tpu.memory_space<hbm>> -> memref<1x16x128xi32, #tpu.memory_space<hbm>>
      %dma_wait3A_56 = tpu.memref_squeeze %dma_wait3A_55 : memref<1x16x128xi32, #tpu.memory_space<hbm>> -> memref<16x128xi32, #tpu.memory_space<hbm>>
      %dma_wait3A_57 = arith.constant 0 : i32
      %dma_wait3A_58 = arith.constant 0 : i32
      %dma_wait3A_59 = tpu.memref_slice %dma_wait3A_56[%dma_wait3A_57, %dma_wait3A_58] : memref<16x128xi32, #tpu.memory_space<hbm>> -> memref<16x128xi32, #tpu.memory_space<hbm>>
      %dma_wait3A_60 = arith.constant 0 : i32
      %dma_wait3A_61 = arith.constant 0 : i32
      %dma_wait3A_62 = tpu.memref_slice %arg8[%dma_wait3A, %dma_wait3A_60, %dma_wait3A_61] : memref<2x24x128xi32, #tpu.memory_space<vmem>> -> memref<1x24x128xi32, #tpu.memory_space<vmem>>
      %dma_wait3A_63 = tpu.memref_squeeze %dma_wait3A_62 : memref<1x24x128xi32, #tpu.memory_space<vmem>> -> memref<24x128xi32, #tpu.memory_space<vmem>>
      %dma_wait3A_64 = arith.constant 0 : i32
      %dma_wait3A_65 = arith.constant 0 : i32
      %dma_wait3A_66 = tpu.memref_slice %dma_wait3A_63[%dma_wait3A_64, %dma_wait3A_65] : memref<24x128xi32, #tpu.memory_space<vmem>> -> memref<16x128xi32, #tpu.memory_space<vmem>>
      %dma_wait3A_67 = arith.constant 0 : i32
      %dma_wait3A_68 = arith.constant 0 : i32
      %dma_wait3A_69 = tpu.memref_slice %arg5[%arg1, %dma_wait3A_67, %dma_wait3A_68] : memref<16x16x128xi32, #tpu.memory_space<hbm>> -> memref<1x16x128xi32, #tpu.memory_space<hbm>>
      %dma_wait3A_70 = tpu.memref_squeeze %dma_wait3A_69 : memref<1x16x128xi32, #tpu.memory_space<hbm>> -> memref<16x128xi32, #tpu.memory_space<hbm>>
      %dma_wait3A_71 = arith.constant 0 : i32
      %dma_wait3A_72 = arith.constant 0 : i32
      %dma_wait3A_73 = tpu.memref_slice %dma_wait3A_70[%dma_wait3A_71, %dma_wait3A_72] : memref<16x128xi32, #tpu.memory_space<hbm>> -> memref<16x128xi32, #tpu.memory_space<hbm>>
      tpu.wait_dma2 semaphore(%arg12 : memref<!tpu.dma_semaphore, #tpu.memory_space<semaphore_mem>>) src(%dma_wait3A_73 : memref<16x128xi32, #tpu.memory_space<hbm>>) dst(%dma_wait3A_66 : memref<16x128xi32, #tpu.memory_space<vmem>>)
      %dma_wait3A_74 = arith.constant 0 : i32
      %dma_wait3A_75 = arith.constant 0 : i32
      %dma_wait3A_76 = arith.constant 0 : i32
      %dma_wait3A_77 = tpu.memref_slice %arg9[%dma_wait3A_74, %dma_wait3A_75, %dma_wait3A_76] : memref<2x24x128xi32, #tpu.memory_space<vmem>> -> memref<1x24x128xi32, #tpu.memory_space<vmem>>
      %dma_wait3A_78 = tpu.memref_squeeze %dma_wait3A_77 : memref<1x24x128xi32, #tpu.memory_space<vmem>> -> memref<24x128xi32, #tpu.memory_space<vmem>>
      %dma_wait3A_79 = arith.constant 0 : i32
      %dma_wait3A_80 = arith.constant 0 : i32
      %dma_wait3A_81 = tpu.memref_slice %dma_wait3A_78[%dma_wait3A_79, %dma_wait3A_80] : memref<24x128xi32, #tpu.memory_space<vmem>> -> memref<16x128xi32, #tpu.memory_space<vmem>>
      %dma_wait3A_82 = arith.constant 0 : i32
      %dma_wait3A_83 = arith.constant 0 : i32
      %dma_wait3A_84 = tpu.memref_slice %arg6[%arg1, %dma_wait3A_82, %dma_wait3A_83] : memref<16x16x128xi32, #tpu.memory_space<hbm>> -> memref<1x16x128xi32, #tpu.memory_space<hbm>>
      %dma_wait3A_85 = tpu.memref_squeeze %dma_wait3A_84 : memref<1x16x128xi32, #tpu.memory_space<hbm>> -> memref<16x128xi32, #tpu.memory_space<hbm>>
      %dma_wait3A_86 = arith.constant 0 : i32
      %dma_wait3A_87 = arith.constant 0 : i32
      %dma_wait3A_88 = tpu.memref_slice %dma_wait3A_85[%dma_wait3A_86, %dma_wait3A_87] : memref<16x128xi32, #tpu.memory_space<hbm>> -> memref<16x128xi32, #tpu.memory_space<hbm>>
      %dma_wait3A_89 = arith.constant 0 : i32
      %dma_wait3A_90 = arith.constant 0 : i32
      %dma_wait3A_91 = tpu.memref_slice %arg9[%dma_wait3A_74, %dma_wait3A_89, %dma_wait3A_90] : memref<2x24x128xi32, #tpu.memory_space<vmem>> -> memref<1x24x128xi32, #tpu.memory_space<vmem>>
      %dma_wait3A_92 = tpu.memref_squeeze %dma_wait3A_91 : memref<1x24x128xi32, #tpu.memory_space<vmem>> -> memref<24x128xi32, #tpu.memory_space<vmem>>
      %dma_wait3A_93 = arith.constant 0 : i32
      %dma_wait3A_94 = arith.constant 0 : i32
      %dma_wait3A_95 = tpu.memref_slice %dma_wait3A_92[%dma_wait3A_93, %dma_wait3A_94] : memref<24x128xi32, #tpu.memory_space<vmem>> -> memref<16x128xi32, #tpu.memory_space<vmem>>
      %dma_wait3A_96 = arith.constant 0 : i32
      %dma_wait3A_97 = arith.constant 0 : i32
      %dma_wait3A_98 = tpu.memref_slice %arg6[%arg1, %dma_wait3A_96, %dma_wait3A_97] : memref<16x16x128xi32, #tpu.memory_space<hbm>> -> memref<1x16x128xi32, #tpu.memory_space<hbm>>
      %dma_wait3A_99 = tpu.memref_squeeze %dma_wait3A_98 : memref<1x16x128xi32, #tpu.memory_space<hbm>> -> memref<16x128xi32, #tpu.memory_space<hbm>>
      %dma_wait3A_100 = arith.constant 0 : i32
      %dma_wait3A_101 = arith.constant 0 : i32
      %dma_wait3A_102 = tpu.memref_slice %dma_wait3A_99[%dma_wait3A_100, %dma_wait3A_101] : memref<16x128xi32, #tpu.memory_space<hbm>> -> memref<16x128xi32, #tpu.memory_space<hbm>>
      tpu.wait_dma2 semaphore(%arg13 : memref<!tpu.dma_semaphore, #tpu.memory_space<semaphore_mem>>) src(%dma_wait3A_102 : memref<16x128xi32, #tpu.memory_space<hbm>>) dst(%dma_wait3A_95 : memref<16x128xi32, #tpu.memory_space<vmem>>)
      %dma_start3A = arith.constant 0 : i32
      %dma_start3A_103 = arith.constant 0 : i32
      %dma_start3A_104 = arith.constant 0 : i32
      %dma_start3A_105 = tpu.memref_slice %arg8[%dma_start3A, %dma_start3A_103, %dma_start3A_104] : memref<2x24x128xi32, #tpu.memory_space<vmem>> -> memref<1x1x128xi32, #tpu.memory_space<vmem>>
      %dma_start3A_106 = tpu.memref_squeeze %dma_start3A_105 : memref<1x1x128xi32, #tpu.memory_space<vmem>> -> memref<128xi32, #tpu.memory_space<vmem>>
      %dma_start3A_107 = arith.constant 0 : i32
      %dma_start3A_108 = arith.constant 0 : i32
      %dma_start3A_109 = tpu.memref_slice %arg2[%dma_start3A_107, %dma_start3A_108] : memref<10000x128xf32, #tpu.memory_space<hbm>> -> memref<10000x128xf32, #tpu.memory_space<hbm>>
      tpu.enqueue_indirect_dma source(%dma_start3A_109 : memref<10000x128xf32, #tpu.memory_space<hbm>>) target(%arg10 : memref<128x128xf32, #tpu.memory_space<vmem>>) offsets(%dma_start3A_106 : memref<128xi32, #tpu.memory_space<vmem>>) semaphore(%arg14 : memref<!tpu.dma_semaphore, #tpu.memory_space<semaphore_mem>>)
      %dma_start3A_110 = arith.constant 0 : i32
      %dma_start3A_111 = arith.constant 1 : i32
      %dma_start3A_112 = arith.constant 0 : i32
      %dma_start3A_113 = tpu.memref_slice %arg8[%dma_start3A_110, %dma_start3A_111, %dma_start3A_112] : memref<2x24x128xi32, #tpu.memory_space<vmem>> -> memref<1x1x128xi32, #tpu.memory_space<vmem>>
      %dma_start3A_114 = tpu.memref_squeeze %dma_start3A_113 : memref<1x1x128xi32, #tpu.memory_space<vmem>> -> memref<128xi32, #tpu.memory_space<vmem>>
      %dma_start3A_115 = arith.constant 0 : i32
      %dma_start3A_116 = arith.constant 0 : i32
      %dma_start3A_117 = tpu.memref_slice %arg2[%dma_start3A_115, %dma_start3A_116] : memref<10000x128xf32, #tpu.memory_space<hbm>> -> memref<10000x128xf32, #tpu.memory_space<hbm>>
      tpu.enqueue_indirect_dma source(%dma_start3A_117 : memref<10000x128xf32, #tpu.memory_space<hbm>>) target(%arg11 : memref<128x128xf32, #tpu.memory_space<vmem>>) offsets(%dma_start3A_114 : memref<128xi32, #tpu.memory_space<vmem>>) semaphore(%arg15 : memref<!tpu.dma_semaphore, #tpu.memory_space<semaphore_mem>>)
      %scan3A_118 = arith.constant 0 : i32
      %scan3A_119 = arith.constant 0 : i32
      %scan3A_120 = arith.constant 8 : i32
      %scan3A_121 = arith.addi %scan3A_119, %scan3A_120 : i32
      %scan3A_122 = arith.constant 1 : i32
      %scan3A_123 = scf.for %scan3A_125 = %scan3A_119 to %scan3A_121 step %scan3A_122 iter_args(%scan3A_126 = %scan3A_118) -> (i32)  : i32 {
        %mul3A_127 = arith.constant 2 : i32
        %mul3A_128 = arith.muli %scan3A_125, %mul3A_127 : i32
        %jit3A = arith.constant 16 : i32
        %div3A = arith.divsi %mul3A_128, %jit3A : i32
        %sign3A = arith.constant 0 : i32
        %sign3A_129 = arith.cmpi sgt, %mul3A_128, %sign3A : i32
        %sign3A_130 = arith.extui %sign3A_129 : i1 to i32
        %sign3A_131 = arith.constant 0 : i32
        %sign3A_132 = arith.cmpi slt, %mul3A_128, %sign3A_131 : i32
        %sign3A_133 = arith.extui %sign3A_132 : i1 to i32
        %sign3A_134 = arith.subi %sign3A_130, %sign3A_133 : i32
        %sign3A_135 = arith.constant 0 : i32
        %sign3A_136 = arith.cmpi sgt, %jit3A, %sign3A_135 : i32
        %sign3A_137 = arith.extui %sign3A_136 : i1 to i32
        %sign3A_138 = arith.constant 0 : i32
        %sign3A_139 = arith.cmpi slt, %jit3A, %sign3A_138 : i32
        %sign3A_140 = arith.extui %sign3A_139 : i1 to i32
        %sign3A_141 = arith.subi %sign3A_137, %sign3A_140 : i32
        %ne3A = arith.cmpi ne, %sign3A_134, %sign3A_141 : i32
        %rem3A = arith.remsi %mul3A_128, %jit3A : i32
        %ne3A_142 = arith.constant 0 : i32
        %ne3A_143 = arith.cmpi ne, %rem3A, %ne3A_142 : i32
        %and3A = arith.andi %ne3A, %ne3A_143 : i1
        %sub3A = arith.constant 1 : i32
        %sub3A_144 = arith.subi %div3A, %sub3A : i32
        %select_n3A = arith.select %and3A, %sub3A_144, %div3A : i32
        %rem3A_145 = arith.constant 16 : i32
        %rem3A_146 = arith.remsi %mul3A_128, %rem3A_145 : i32
        %rem3A_147 = arith.constant 2 : i32
        %rem3A_148 = arith.remsi %select_n3A, %rem3A_147 : i32
        %eq3A_149 = arith.constant 0 : i32
        %eq3A_150 = arith.cmpi eq, %rem3A_146, %eq3A_149 : i32
        %add3A_151 = arith.constant 1 : i32
        %add3A_152 = arith.addi %select_n3A, %add3A_151 : i32
        %lt3A = arith.constant 1 : i32
        %lt3A_153 = arith.cmpi slt, %add3A_152, %lt3A : i32
        %and3A_154 = arith.andi %eq3A_150, %lt3A_153 : i1
        %convert_element_type3A_155 = arith.extui %and3A_154 : i1 to i32
        %cond3A_156 = arith.constant 0 : i32
        %cond3A_157 = arith.cmpi ne, %convert_element_type3A_155, %cond3A_156 : i32
        scf.if %cond3A_157 {
          %add3A_231 = arith.constant 1 : i32
          %add3A_232 = arith.addi %select_n3A, %add3A_231 : i32
          %add3A_233 = arith.constant 1 : i32
          %add3A_234 = arith.addi %select_n3A, %add3A_233 : i32
          %rem3A_235 = arith.constant 2 : i32
          %rem3A_236 = arith.remsi %add3A_234, %rem3A_235 : i32
          %mul3A_237 = arith.constant 16 : i32
          %mul3A_238 = arith.muli %add3A_232, %mul3A_237 : i32
          %dma_start3A_239 = arith.constant 0 : i32
          %dma_start3A_240 = arith.constant 0 : i32
          %dma_start3A_241 = tpu.memref_slice %arg8[%rem3A_236, %dma_start3A_239, %dma_start3A_240] : memref<2x24x128xi32, #tpu.memory_space<vmem>> -> memref<1x24x128xi32, #tpu.memory_space<vmem>>
          %dma_start3A_242 = tpu.memref_squeeze %dma_start3A_241 : memref<1x24x128xi32, #tpu.memory_space<vmem>> -> memref<24x128xi32, #tpu.memory_space<vmem>>
          %dma_start3A_243 = arith.constant 0 : i32
          %dma_start3A_244 = arith.constant 0 : i32
          %dma_start3A_245 = tpu.memref_slice %dma_start3A_242[%dma_start3A_243, %dma_start3A_244] : memref<24x128xi32, #tpu.memory_space<vmem>> -> memref<16x128xi32, #tpu.memory_space<vmem>>
          %dma_start3A_246 = arith.constant 0 : i32
          %dma_start3A_247 = arith.constant 0 : i32
          %dma_start3A_248 = tpu.memref_slice %arg5[%arg1, %dma_start3A_246, %dma_start3A_247] : memref<16x16x128xi32, #tpu.memory_space<hbm>> -> memref<1x16x128xi32, #tpu.memory_space<hbm>>
          %dma_start3A_249 = tpu.memref_squeeze %dma_start3A_248 : memref<1x16x128xi32, #tpu.memory_space<hbm>> -> memref<16x128xi32, #tpu.memory_space<hbm>>
          %dma_start3A_250 = arith.constant 0 : i32
          %dma_start3A_251 = tpu.memref_slice %dma_start3A_249[%mul3A_238, %dma_start3A_250] : memref<16x128xi32, #tpu.memory_space<hbm>> -> memref<16x128xi32, #tpu.memory_space<hbm>>
          %dma_start3A_252 = arith.constant 0 : i32
          %dma_start3A_253 = arith.constant 0 : i32
          %dma_start3A_254 = tpu.memref_slice %arg8[%rem3A_236, %dma_start3A_252, %dma_start3A_253] : memref<2x24x128xi32, #tpu.memory_space<vmem>> -> memref<1x24x128xi32, #tpu.memory_space<vmem>>
          %dma_start3A_255 = tpu.memref_squeeze %dma_start3A_254 : memref<1x24x128xi32, #tpu.memory_space<vmem>> -> memref<24x128xi32, #tpu.memory_space<vmem>>
          %dma_start3A_256 = arith.constant 0 : i32
          %dma_start3A_257 = arith.constant 0 : i32
          %dma_start3A_258 = tpu.memref_slice %dma_start3A_255[%dma_start3A_256, %dma_start3A_257] : memref<24x128xi32, #tpu.memory_space<vmem>> -> memref<16x128xi32, #tpu.memory_space<vmem>>
          %dma_start3A_259 = arith.constant 0 : i32
          %dma_start3A_260 = arith.constant 0 : i32
          %dma_start3A_261 = tpu.memref_slice %arg5[%arg1, %dma_start3A_259, %dma_start3A_260] : memref<16x16x128xi32, #tpu.memory_space<hbm>> -> memref<1x16x128xi32, #tpu.memory_space<hbm>>
          %dma_start3A_262 = tpu.memref_squeeze %dma_start3A_261 : memref<1x16x128xi32, #tpu.memory_space<hbm>> -> memref<16x128xi32, #tpu.memory_space<hbm>>
          %dma_start3A_263 = arith.constant 0 : i32
          %dma_start3A_264 = tpu.memref_slice %dma_start3A_262[%mul3A_238, %dma_start3A_263] : memref<16x128xi32, #tpu.memory_space<hbm>> -> memref<16x128xi32, #tpu.memory_space<hbm>>
          tpu.enqueue_dma source(%dma_start3A_264 : memref<16x128xi32, #tpu.memory_space<hbm>>) target(%dma_start3A_258 : memref<16x128xi32, #tpu.memory_space<vmem>>) target_semaphore(%arg12 : memref<!tpu.dma_semaphore, #tpu.memory_space<semaphore_mem>>)
          %mul3A_265 = arith.constant 16 : i32
          %mul3A_266 = arith.muli %add3A_232, %mul3A_265 : i32
          %dma_start3A_267 = arith.constant 0 : i32
          %dma_start3A_268 = arith.constant 0 : i32
          %dma_start3A_269 = tpu.memref_slice %arg9[%rem3A_236, %dma_start3A_267, %dma_start3A_268] : memref<2x24x128xi32, #tpu.memory_space<vmem>> -> memref<1x24x128xi32, #tpu.memory_space<vmem>>
          %dma_start3A_270 = tpu.memref_squeeze %dma_start3A_269 : memref<1x24x128xi32, #tpu.memory_space<vmem>> -> memref<24x128xi32, #tpu.memory_space<vmem>>
          %dma_start3A_271 = arith.constant 0 : i32
          %dma_start3A_272 = arith.constant 0 : i32
          %dma_start3A_273 = tpu.memref_slice %dma_start3A_270[%dma_start3A_271, %dma_start3A_272] : memref<24x128xi32, #tpu.memory_space<vmem>> -> memref<16x128xi32, #tpu.memory_space<vmem>>
          %dma_start3A_274 = arith.constant 0 : i32
          %dma_start3A_275 = arith.constant 0 : i32
          %dma_start3A_276 = tpu.memref_slice %arg6[%arg1, %dma_start3A_274, %dma_start3A_275] : memref<16x16x128xi32, #tpu.memory_space<hbm>> -> memref<1x16x128xi32, #tpu.memory_space<hbm>>
          %dma_start3A_277 = tpu.memref_squeeze %dma_start3A_276 : memref<1x16x128xi32, #tpu.memory_space<hbm>> -> memref<16x128xi32, #tpu.memory_space<hbm>>
          %dma_start3A_278 = arith.constant 0 : i32
          %dma_start3A_279 = tpu.memref_slice %dma_start3A_277[%mul3A_266, %dma_start3A_278] : memref<16x128xi32, #tpu.memory_space<hbm>> -> memref<16x128xi32, #tpu.memory_space<hbm>>
          %dma_start3A_280 = arith.constant 0 : i32
          %dma_start3A_281 = arith.constant 0 : i32
          %dma_start3A_282 = tpu.memref_slice %arg9[%rem3A_236, %dma_start3A_280, %dma_start3A_281] : memref<2x24x128xi32, #tpu.memory_space<vmem>> -> memref<1x24x128xi32, #tpu.memory_space<vmem>>
          %dma_start3A_283 = tpu.memref_squeeze %dma_start3A_282 : memref<1x24x128xi32, #tpu.memory_space<vmem>> -> memref<24x128xi32, #tpu.memory_space<vmem>>
          %dma_start3A_284 = arith.constant 0 : i32
          %dma_start3A_285 = arith.constant 0 : i32
          %dma_start3A_286 = tpu.memref_slice %dma_start3A_283[%dma_start3A_284, %dma_start3A_285] : memref<24x128xi32, #tpu.memory_space<vmem>> -> memref<16x128xi32, #tpu.memory_space<vmem>>
          %dma_start3A_287 = arith.constant 0 : i32
          %dma_start3A_288 = arith.constant 0 : i32
          %dma_start3A_289 = tpu.memref_slice %arg6[%arg1, %dma_start3A_287, %dma_start3A_288] : memref<16x16x128xi32, #tpu.memory_space<hbm>> -> memref<1x16x128xi32, #tpu.memory_space<hbm>>
          %dma_start3A_290 = tpu.memref_squeeze %dma_start3A_289 : memref<1x16x128xi32, #tpu.memory_space<hbm>> -> memref<16x128xi32, #tpu.memory_space<hbm>>
          %dma_start3A_291 = arith.constant 0 : i32
          %dma_start3A_292 = tpu.memref_slice %dma_start3A_290[%mul3A_266, %dma_start3A_291] : memref<16x128xi32, #tpu.memory_space<hbm>> -> memref<16x128xi32, #tpu.memory_space<hbm>>
          tpu.enqueue_dma source(%dma_start3A_292 : memref<16x128xi32, #tpu.memory_space<hbm>>) target(%dma_start3A_286 : memref<16x128xi32, #tpu.memory_space<vmem>>) target_semaphore(%arg13 : memref<!tpu.dma_semaphore, #tpu.memory_space<semaphore_mem>>)
        } else {
        }
        %eq3A_158 = arith.constant 14 : i32
        %eq3A_159 = arith.cmpi eq, %rem3A_146, %eq3A_158 : i32
        %add3A_160 = arith.constant 1 : i32
        %add3A_161 = arith.addi %select_n3A, %add3A_160 : i32
        %lt3A_162 = arith.constant 1 : i32
        %lt3A_163 = arith.cmpi slt, %add3A_161, %lt3A_162 : i32
        %and3A_164 = arith.andi %eq3A_159, %lt3A_163 : i1
        %convert_element_type3A_165 = arith.extui %and3A_164 : i1 to i32
        %cond3A_166 = arith.constant 0 : i32
        %cond3A_167 = arith.cmpi ne, %convert_element_type3A_165, %cond3A_166 : i32
        scf.if %cond3A_167 {
          %add3A_231 = arith.constant 1 : i32
          %add3A_232 = arith.addi %select_n3A, %add3A_231 : i32
          %add3A_233 = arith.constant 1 : i32
          %add3A_234 = arith.addi %select_n3A, %add3A_233 : i32
          %rem3A_235 = arith.constant 2 : i32
          %rem3A_236 = arith.remsi %add3A_234, %rem3A_235 : i32
          %mul3A_237 = arith.constant 16 : i32
          %mul3A_238 = arith.muli %add3A_232, %mul3A_237 : i32
          %dma_wait3A_239 = arith.constant 0 : i32
          %dma_wait3A_240 = arith.constant 0 : i32
          %dma_wait3A_241 = tpu.memref_slice %arg8[%rem3A_236, %dma_wait3A_239, %dma_wait3A_240] : memref<2x24x128xi32, #tpu.memory_space<vmem>> -> memref<1x24x128xi32, #tpu.memory_space<vmem>>
          %dma_wait3A_242 = tpu.memref_squeeze %dma_wait3A_241 : memref<1x24x128xi32, #tpu.memory_space<vmem>> -> memref<24x128xi32, #tpu.memory_space<vmem>>
          %dma_wait3A_243 = arith.constant 0 : i32
          %dma_wait3A_244 = arith.constant 0 : i32
          %dma_wait3A_245 = tpu.memref_slice %dma_wait3A_242[%dma_wait3A_243, %dma_wait3A_244] : memref<24x128xi32, #tpu.memory_space<vmem>> -> memref<16x128xi32, #tpu.memory_space<vmem>>
          %dma_wait3A_246 = arith.constant 0 : i32
          %dma_wait3A_247 = arith.constant 0 : i32
          %dma_wait3A_248 = tpu.memref_slice %arg5[%arg1, %dma_wait3A_246, %dma_wait3A_247] : memref<16x16x128xi32, #tpu.memory_space<hbm>> -> memref<1x16x128xi32, #tpu.memory_space<hbm>>
          %dma_wait3A_249 = tpu.memref_squeeze %dma_wait3A_248 : memref<1x16x128xi32, #tpu.memory_space<hbm>> -> memref<16x128xi32, #tpu.memory_space<hbm>>
          %dma_wait3A_250 = arith.constant 0 : i32
          %dma_wait3A_251 = tpu.memref_slice %dma_wait3A_249[%mul3A_238, %dma_wait3A_250] : memref<16x128xi32, #tpu.memory_space<hbm>> -> memref<16x128xi32, #tpu.memory_space<hbm>>
          %dma_wait3A_252 = arith.constant 0 : i32
          %dma_wait3A_253 = arith.constant 0 : i32
          %dma_wait3A_254 = tpu.memref_slice %arg8[%rem3A_236, %dma_wait3A_252, %dma_wait3A_253] : memref<2x24x128xi32, #tpu.memory_space<vmem>> -> memref<1x24x128xi32, #tpu.memory_space<vmem>>
          %dma_wait3A_255 = tpu.memref_squeeze %dma_wait3A_254 : memref<1x24x128xi32, #tpu.memory_space<vmem>> -> memref<24x128xi32, #tpu.memory_space<vmem>>
          %dma_wait3A_256 = arith.constant 0 : i32
          %dma_wait3A_257 = arith.constant 0 : i32
          %dma_wait3A_258 = tpu.memref_slice %dma_wait3A_255[%dma_wait3A_256, %dma_wait3A_257] : memref<24x128xi32, #tpu.memory_space<vmem>> -> memref<16x128xi32, #tpu.memory_space<vmem>>
          %dma_wait3A_259 = arith.constant 0 : i32
          %dma_wait3A_260 = arith.constant 0 : i32
          %dma_wait3A_261 = tpu.memref_slice %arg5[%arg1, %dma_wait3A_259, %dma_wait3A_260] : memref<16x16x128xi32, #tpu.memory_space<hbm>> -> memref<1x16x128xi32, #tpu.memory_space<hbm>>
          %dma_wait3A_262 = tpu.memref_squeeze %dma_wait3A_261 : memref<1x16x128xi32, #tpu.memory_space<hbm>> -> memref<16x128xi32, #tpu.memory_space<hbm>>
          %dma_wait3A_263 = arith.constant 0 : i32
          %dma_wait3A_264 = tpu.memref_slice %dma_wait3A_262[%mul3A_238, %dma_wait3A_263] : memref<16x128xi32, #tpu.memory_space<hbm>> -> memref<16x128xi32, #tpu.memory_space<hbm>>
          tpu.wait_dma2 semaphore(%arg12 : memref<!tpu.dma_semaphore, #tpu.memory_space<semaphore_mem>>) src(%dma_wait3A_264 : memref<16x128xi32, #tpu.memory_space<hbm>>) dst(%dma_wait3A_258 : memref<16x128xi32, #tpu.memory_space<vmem>>)
          %mul3A_265 = arith.constant 16 : i32
          %mul3A_266 = arith.muli %add3A_232, %mul3A_265 : i32
          %dma_wait3A_267 = arith.constant 0 : i32
          %dma_wait3A_268 = arith.constant 0 : i32
          %dma_wait3A_269 = tpu.memref_slice %arg9[%rem3A_236, %dma_wait3A_267, %dma_wait3A_268] : memref<2x24x128xi32, #tpu.memory_space<vmem>> -> memref<1x24x128xi32, #tpu.memory_space<vmem>>
          %dma_wait3A_270 = tpu.memref_squeeze %dma_wait3A_269 : memref<1x24x128xi32, #tpu.memory_space<vmem>> -> memref<24x128xi32, #tpu.memory_space<vmem>>
          %dma_wait3A_271 = arith.constant 0 : i32
          %dma_wait3A_272 = arith.constant 0 : i32
          %dma_wait3A_273 = tpu.memref_slice %dma_wait3A_270[%dma_wait3A_271, %dma_wait3A_272] : memref<24x128xi32, #tpu.memory_space<vmem>> -> memref<16x128xi32, #tpu.memory_space<vmem>>
          %dma_wait3A_274 = arith.constant 0 : i32
          %dma_wait3A_275 = arith.constant 0 : i32
          %dma_wait3A_276 = tpu.memref_slice %arg6[%arg1, %dma_wait3A_274, %dma_wait3A_275] : memref<16x16x128xi32, #tpu.memory_space<hbm>> -> memref<1x16x128xi32, #tpu.memory_space<hbm>>
          %dma_wait3A_277 = tpu.memref_squeeze %dma_wait3A_276 : memref<1x16x128xi32, #tpu.memory_space<hbm>> -> memref<16x128xi32, #tpu.memory_space<hbm>>
          %dma_wait3A_278 = arith.constant 0 : i32
          %dma_wait3A_279 = tpu.memref_slice %dma_wait3A_277[%mul3A_266, %dma_wait3A_278] : memref<16x128xi32, #tpu.memory_space<hbm>> -> memref<16x128xi32, #tpu.memory_space<hbm>>
          %dma_wait3A_280 = arith.constant 0 : i32
          %dma_wait3A_281 = arith.constant 0 : i32
          %dma_wait3A_282 = tpu.memref_slice %arg9[%rem3A_236, %dma_wait3A_280, %dma_wait3A_281] : memref<2x24x128xi32, #tpu.memory_space<vmem>> -> memref<1x24x128xi32, #tpu.memory_space<vmem>>
          %dma_wait3A_283 = tpu.memref_squeeze %dma_wait3A_282 : memref<1x24x128xi32, #tpu.memory_space<vmem>> -> memref<24x128xi32, #tpu.memory_space<vmem>>
          %dma_wait3A_284 = arith.constant 0 : i32
          %dma_wait3A_285 = arith.constant 0 : i32
          %dma_wait3A_286 = tpu.memref_slice %dma_wait3A_283[%dma_wait3A_284, %dma_wait3A_285] : memref<24x128xi32, #tpu.memory_space<vmem>> -> memref<16x128xi32, #tpu.memory_space<vmem>>
          %dma_wait3A_287 = arith.constant 0 : i32
          %dma_wait3A_288 = arith.constant 0 : i32
          %dma_wait3A_289 = tpu.memref_slice %arg6[%arg1, %dma_wait3A_287, %dma_wait3A_288] : memref<16x16x128xi32, #tpu.memory_space<hbm>> -> memref<1x16x128xi32, #tpu.memory_space<hbm>>
          %dma_wait3A_290 = tpu.memref_squeeze %dma_wait3A_289 : memref<1x16x128xi32, #tpu.memory_space<hbm>> -> memref<16x128xi32, #tpu.memory_space<hbm>>
          %dma_wait3A_291 = arith.constant 0 : i32
          %dma_wait3A_292 = tpu.memref_slice %dma_wait3A_290[%mul3A_266, %dma_wait3A_291] : memref<16x128xi32, #tpu.memory_space<hbm>> -> memref<16x128xi32, #tpu.memory_space<hbm>>
          tpu.wait_dma2 semaphore(%arg13 : memref<!tpu.dma_semaphore, #tpu.memory_space<semaphore_mem>>) src(%dma_wait3A_292 : memref<16x128xi32, #tpu.memory_space<hbm>>) dst(%dma_wait3A_286 : memref<16x128xi32, #tpu.memory_space<vmem>>)
        } else {
        }
        %add3A_168 = arith.constant 0 : i32
        %add3A_169 = arith.addi %rem3A_146, %add3A_168 : i32
        %dma_wait3A_170 = arith.constant 0 : i32
        %dma_wait3A_171 = tpu.memref_slice %arg8[%rem3A_148, %add3A_169, %dma_wait3A_170] : memref<2x24x128xi32, #tpu.memory_space<vmem>> -> memref<1x1x128xi32, #tpu.memory_space<vmem>>
        %dma_wait3A_172 = tpu.memref_squeeze %dma_wait3A_171 : memref<1x1x128xi32, #tpu.memory_space<vmem>> -> memref<128xi32, #tpu.memory_space<vmem>>
        %dma_wait3A_173 = arith.constant 0 : i32
        %dma_wait3A_174 = arith.constant 0 : i32
        %dma_wait3A_175 = tpu.memref_slice %arg2[%dma_wait3A_173, %dma_wait3A_174] : memref<10000x128xf32, #tpu.memory_space<hbm>> -> memref<10000x128xf32, #tpu.memory_space<hbm>>
        tpu.wait_indirect_dma semaphore(%arg14 : memref<!tpu.dma_semaphore, #tpu.memory_space<semaphore_mem>>) src(%dma_wait3A_175 : memref<10000x128xf32, #tpu.memory_space<hbm>>) dst(%arg10 : memref<128x128xf32, #tpu.memory_space<vmem>>)
        %add3A_176 = arith.constant 0 : i32
        %add3A_177 = arith.addi %rem3A_146, %add3A_176 : i32
        %dma_start3A_178 = arith.constant 0 : i32
        %dma_start3A_179 = tpu.memref_slice %arg9[%rem3A_148, %add3A_177, %dma_start3A_178] : memref<2x24x128xi32, #tpu.memory_space<vmem>> -> memref<1x1x128xi32, #tpu.memory_space<vmem>>
        %dma_start3A_180 = tpu.memref_squeeze %dma_start3A_179 : memref<1x1x128xi32, #tpu.memory_space<vmem>> -> memref<128xi32, #tpu.memory_space<vmem>>
        %dma_start3A_181 = arith.constant 0 : i32
        %dma_start3A_182 = arith.constant 0 : i32
        %dma_start3A_183 = tpu.memref_slice %arg18[%dma_start3A_181, %dma_start3A_182] : memref<10240x128xf32, #tpu.memory_space<vmem_shared>> -> memref<10240x128xf32, #tpu.memory_space<vmem_shared>>
        tpu.enqueue_indirect_dma source(%arg10 : memref<128x128xf32, #tpu.memory_space<vmem>>) target(%dma_start3A_183 : memref<10240x128xf32, #tpu.memory_space<vmem_shared>>) offsets(%dma_start3A_180 : memref<128xi32, #tpu.memory_space<vmem>>) semaphore(%arg16 : memref<!tpu.dma_semaphore, #tpu.memory_space<semaphore_mem>>) {add = true}
        %add3A_184 = arith.constant 1 : i32
        %add3A_185 = arith.addi %rem3A_146, %add3A_184 : i32
        %dma_wait3A_186 = arith.constant 0 : i32
        %dma_wait3A_187 = tpu.memref_slice %arg8[%rem3A_148, %add3A_185, %dma_wait3A_186] : memref<2x24x128xi32, #tpu.memory_space<vmem>> -> memref<1x1x128xi32, #tpu.memory_space<vmem>>
        %dma_wait3A_188 = tpu.memref_squeeze %dma_wait3A_187 : memref<1x1x128xi32, #tpu.memory_space<vmem>> -> memref<128xi32, #tpu.memory_space<vmem>>
        %dma_wait3A_189 = arith.constant 0 : i32
        %dma_wait3A_190 = arith.constant 0 : i32
        %dma_wait3A_191 = tpu.memref_slice %arg2[%dma_wait3A_189, %dma_wait3A_190] : memref<10000x128xf32, #tpu.memory_space<hbm>> -> memref<10000x128xf32, #tpu.memory_space<hbm>>
        tpu.wait_indirect_dma semaphore(%arg15 : memref<!tpu.dma_semaphore, #tpu.memory_space<semaphore_mem>>) src(%dma_wait3A_191 : memref<10000x128xf32, #tpu.memory_space<hbm>>) dst(%arg11 : memref<128x128xf32, #tpu.memory_space<vmem>>)
        %add3A_192 = arith.constant 1 : i32
        %add3A_193 = arith.addi %rem3A_146, %add3A_192 : i32
        %dma_start3A_194 = arith.constant 0 : i32
        %dma_start3A_195 = tpu.memref_slice %arg9[%rem3A_148, %add3A_193, %dma_start3A_194] : memref<2x24x128xi32, #tpu.memory_space<vmem>> -> memref<1x1x128xi32, #tpu.memory_space<vmem>>
        %dma_start3A_196 = tpu.memref_squeeze %dma_start3A_195 : memref<1x1x128xi32, #tpu.memory_space<vmem>> -> memref<128xi32, #tpu.memory_space<vmem>>
        %dma_start3A_197 = arith.constant 0 : i32
        %dma_start3A_198 = arith.constant 0 : i32
        %dma_start3A_199 = tpu.memref_slice %arg18[%dma_start3A_197, %dma_start3A_198] : memref<10240x128xf32, #tpu.memory_space<vmem_shared>> -> memref<10240x128xf32, #tpu.memory_space<vmem_shared>>
        tpu.enqueue_indirect_dma source(%arg11 : memref<128x128xf32, #tpu.memory_space<vmem>>) target(%dma_start3A_199 : memref<10240x128xf32, #tpu.memory_space<vmem_shared>>) offsets(%dma_start3A_196 : memref<128xi32, #tpu.memory_space<vmem>>) semaphore(%arg17 : memref<!tpu.dma_semaphore, #tpu.memory_space<semaphore_mem>>) {add = true}
        %dma_wait3A_200 = arith.constant 0 : i32
        %dma_wait3A_201 = tpu.memref_slice %arg9[%rem3A_148, %add3A_177, %dma_wait3A_200] : memref<2x24x128xi32, #tpu.memory_space<vmem>> -> memref<1x1x128xi32, #tpu.memory_space<vmem>>
        %dma_wait3A_202 = tpu.memref_squeeze %dma_wait3A_201 : memref<1x1x128xi32, #tpu.memory_space<vmem>> -> memref<128xi32, #tpu.memory_space<vmem>>
        %dma_wait3A_203 = arith.constant 0 : i32
        %dma_wait3A_204 = arith.constant 0 : i32
        %dma_wait3A_205 = tpu.memref_slice %arg18[%dma_wait3A_203, %dma_wait3A_204] : memref<10240x128xf32, #tpu.memory_space<vmem_shared>> -> memref<10240x128xf32, #tpu.memory_space<vmem_shared>>
        tpu.wait_indirect_dma semaphore(%arg16 : memref<!tpu.dma_semaphore, #tpu.memory_space<semaphore_mem>>) src(%arg10 : memref<128x128xf32, #tpu.memory_space<vmem>>) dst(%dma_wait3A_205 : memref<10240x128xf32, #tpu.memory_space<vmem_shared>>)
        %add3A_206 = arith.constant 0 : i32
        %add3A_207 = arith.addi %mul3A_128, %add3A_206 : i32
        %add3A_208 = arith.constant 2 : i32
        %add3A_209 = arith.addi %add3A_207, %add3A_208 : i32
        %lt3A_210 = arith.constant 16 : i32
        %lt3A_211 = arith.cmpi slt, %add3A_209, %lt3A_210 : i32
        %convert_element_type3A_212 = arith.extui %lt3A_211 : i1 to i32
        %cond3A_213 = arith.constant 0 : i32
        %cond3A_214 = arith.cmpi ne, %convert_element_type3A_212, %cond3A_213 : i32
        scf.if %cond3A_214 {
          %jit3A_231 = arith.constant 16 : i32
          %div3A_232 = arith.divsi %add3A_209, %jit3A_231 : i32
          %sign3A_233 = arith.constant 0 : i32
          %sign3A_234 = arith.cmpi sgt, %add3A_209, %sign3A_233 : i32
          %sign3A_235 = arith.extui %sign3A_234 : i1 to i32
          %sign3A_236 = arith.constant 0 : i32
          %sign3A_237 = arith.cmpi slt, %add3A_209, %sign3A_236 : i32
          %sign3A_238 = arith.extui %sign3A_237 : i1 to i32
          %sign3A_239 = arith.subi %sign3A_235, %sign3A_238 : i32
          %sign3A_240 = arith.constant 0 : i32
          %sign3A_241 = arith.cmpi sgt, %jit3A_231, %sign3A_240 : i32
          %sign3A_242 = arith.extui %sign3A_241 : i1 to i32
          %sign3A_243 = arith.constant 0 : i32
          %sign3A_244 = arith.cmpi slt, %jit3A_231, %sign3A_243 : i32
          %sign3A_245 = arith.extui %sign3A_244 : i1 to i32
          %sign3A_246 = arith.subi %sign3A_242, %sign3A_245 : i32
          %ne3A_247 = arith.cmpi ne, %sign3A_239, %sign3A_246 : i32
          %rem3A_248 = arith.remsi %add3A_209, %jit3A_231 : i32
          %ne3A_249 = arith.constant 0 : i32
          %ne3A_250 = arith.cmpi ne, %rem3A_248, %ne3A_249 : i32
          %and3A_251 = arith.andi %ne3A_247, %ne3A_250 : i1
          %sub3A_252 = arith.constant 1 : i32
          %sub3A_253 = arith.subi %div3A_232, %sub3A_252 : i32
          %select_n3A_254 = arith.select %and3A_251, %sub3A_253, %div3A_232 : i32
          %rem3A_255 = arith.constant 2 : i32
          %rem3A_256 = arith.remsi %select_n3A_254, %rem3A_255 : i32
          %rem3A_257 = arith.constant 16 : i32
          %rem3A_258 = arith.remsi %add3A_209, %rem3A_257 : i32
          %dma_start3A_259 = arith.constant 0 : i32
          %dma_start3A_260 = tpu.memref_slice %arg8[%rem3A_256, %rem3A_258, %dma_start3A_259] : memref<2x24x128xi32, #tpu.memory_space<vmem>> -> memref<1x1x128xi32, #tpu.memory_space<vmem>>
          %dma_start3A_261 = tpu.memref_squeeze %dma_start3A_260 : memref<1x1x128xi32, #tpu.memory_space<vmem>> -> memref<128xi32, #tpu.memory_space<vmem>>
          %dma_start3A_262 = arith.constant 0 : i32
          %dma_start3A_263 = arith.constant 0 : i32
          %dma_start3A_264 = tpu.memref_slice %arg2[%dma_start3A_262, %dma_start3A_263] : memref<10000x128xf32, #tpu.memory_space<hbm>> -> memref<10000x128xf32, #tpu.memory_space<hbm>>
          tpu.enqueue_indirect_dma source(%dma_start3A_264 : memref<10000x128xf32, #tpu.memory_space<hbm>>) target(%arg10 : memref<128x128xf32, #tpu.memory_space<vmem>>) offsets(%dma_start3A_261 : memref<128xi32, #tpu.memory_space<vmem>>) semaphore(%arg14 : memref<!tpu.dma_semaphore, #tpu.memory_space<semaphore_mem>>)
        } else {
        }
        %dma_wait3A_215 = arith.constant 0 : i32
        %dma_wait3A_216 = tpu.memref_slice %arg9[%rem3A_148, %add3A_193, %dma_wait3A_215] : memref<2x24x128xi32, #tpu.memory_space<vmem>> -> memref<1x1x128xi32, #tpu.memory_space<vmem>>
        %dma_wait3A_217 = tpu.memref_squeeze %dma_wait3A_216 : memref<1x1x128xi32, #tpu.memory_space<vmem>> -> memref<128xi32, #tpu.memory_space<vmem>>
        %dma_wait3A_218 = arith.constant 0 : i32
        %dma_wait3A_219 = arith.constant 0 : i32
        %dma_wait3A_220 = tpu.memref_slice %arg18[%dma_wait3A_218, %dma_wait3A_219] : memref<10240x128xf32, #tpu.memory_space<vmem_shared>> -> memref<10240x128xf32, #tpu.memory_space<vmem_shared>>
        tpu.wait_indirect_dma semaphore(%arg17 : memref<!tpu.dma_semaphore, #tpu.memory_space<semaphore_mem>>) src(%arg11 : memref<128x128xf32, #tpu.memory_space<vmem>>) dst(%dma_wait3A_220 : memref<10240x128xf32, #tpu.memory_space<vmem_shared>>)
        %add3A_221 = arith.constant 1 : i32
        %add3A_222 = arith.addi %mul3A_128, %add3A_221 : i32
        %add3A_223 = arith.constant 2 : i32
        %add3A_224 = arith.addi %add3A_222, %add3A_223 : i32
        %lt3A_225 = arith.constant 16 : i32
        %lt3A_226 = arith.cmpi slt, %add3A_224, %lt3A_225 : i32
        %convert_element_type3A_227 = arith.extui %lt3A_226 : i1 to i32
        %cond3A_228 = arith.constant 0 : i32
        %cond3A_229 = arith.cmpi ne, %convert_element_type3A_227, %cond3A_228 : i32
        scf.if %cond3A_229 {
          %jit3A_231 = arith.constant 16 : i32
          %div3A_232 = arith.divsi %add3A_224, %jit3A_231 : i32
          %sign3A_233 = arith.constant 0 : i32
          %sign3A_234 = arith.cmpi sgt, %add3A_224, %sign3A_233 : i32
          %sign3A_235 = arith.extui %sign3A_234 : i1 to i32
          %sign3A_236 = arith.constant 0 : i32
          %sign3A_237 = arith.cmpi slt, %add3A_224, %sign3A_236 : i32
          %sign3A_238 = arith.extui %sign3A_237 : i1 to i32
          %sign3A_239 = arith.subi %sign3A_235, %sign3A_238 : i32
          %sign3A_240 = arith.constant 0 : i32
          %sign3A_241 = arith.cmpi sgt, %jit3A_231, %sign3A_240 : i32
          %sign3A_242 = arith.extui %sign3A_241 : i1 to i32
          %sign3A_243 = arith.constant 0 : i32
          %sign3A_244 = arith.cmpi slt, %jit3A_231, %sign3A_243 : i32
          %sign3A_245 = arith.extui %sign3A_244 : i1 to i32
          %sign3A_246 = arith.subi %sign3A_242, %sign3A_245 : i32
          %ne3A_247 = arith.cmpi ne, %sign3A_239, %sign3A_246 : i32
          %rem3A_248 = arith.remsi %add3A_224, %jit3A_231 : i32
          %ne3A_249 = arith.constant 0 : i32
          %ne3A_250 = arith.cmpi ne, %rem3A_248, %ne3A_249 : i32
          %and3A_251 = arith.andi %ne3A_247, %ne3A_250 : i1
          %sub3A_252 = arith.constant 1 : i32
          %sub3A_253 = arith.subi %div3A_232, %sub3A_252 : i32
          %select_n3A_254 = arith.select %and3A_251, %sub3A_253, %div3A_232 : i32
          %rem3A_255 = arith.constant 2 : i32
          %rem3A_256 = arith.remsi %select_n3A_254, %rem3A_255 : i32
          %rem3A_257 = arith.constant 16 : i32
          %rem3A_258 = arith.remsi %add3A_224, %rem3A_257 : i32
          %dma_start3A_259 = arith.constant 0 : i32
          %dma_start3A_260 = tpu.memref_slice %arg8[%rem3A_256, %rem3A_258, %dma_start3A_259] : memref<2x24x128xi32, #tpu.memory_space<vmem>> -> memref<1x1x128xi32, #tpu.memory_space<vmem>>
          %dma_start3A_261 = tpu.memref_squeeze %dma_start3A_260 : memref<1x1x128xi32, #tpu.memory_space<vmem>> -> memref<128xi32, #tpu.memory_space<vmem>>
          %dma_start3A_262 = arith.constant 0 : i32
          %dma_start3A_263 = arith.constant 0 : i32
          %dma_start3A_264 = tpu.memref_slice %arg2[%dma_start3A_262, %dma_start3A_263] : memref<10000x128xf32, #tpu.memory_space<hbm>> -> memref<10000x128xf32, #tpu.memory_space<hbm>>
          tpu.enqueue_indirect_dma source(%dma_start3A_264 : memref<10000x128xf32, #tpu.memory_space<hbm>>) target(%arg11 : memref<128x128xf32, #tpu.memory_space<vmem>>) offsets(%dma_start3A_261 : memref<128xi32, #tpu.memory_space<vmem>>) semaphore(%arg15 : memref<!tpu.dma_semaphore, #tpu.memory_space<semaphore_mem>>)
        } else {
        }
        %scan3A_230 = arith.constant 0 : i32
        scf.yield %scan3A_230 : i32
      }
      %scan3A_124 = arith.constant 8 : i32
    } else {
    }
    %barrier3A_41 = arith.constant 0 : index
    tpu.barrier barrier_id(%barrier3A_41)
    %mul3A_42 = arith.constant 640 : i32
    %mul3A_43 = arith.muli %arg1, %mul3A_42 : i32
    %mul3A_44 = arith.constant 640 : i32
    %mul3A_45 = arith.muli %arg1, %mul3A_44 : i32
    "tpu.region"() ({
      %run_scoped3A = tpu.sem_alloc : memref<!tpu.dma_semaphore, #tpu.memory_space<semaphore_mem>>
      %dma_start3A = arith.constant 0 : i32
      %dma_start3A_46 = arith.constant 0 : i32
      %dma_start3A_47 = tpu.memref_slice %arg7[%arg0, %dma_start3A, %dma_start3A_46] : memref<2x10240x128xf32, #tpu.memory_space<hbm>> -> memref<1x10240x128xf32, #tpu.memory_space<hbm>>
      %dma_start3A_48 = tpu.memref_squeeze %dma_start3A_47 : memref<1x10240x128xf32, #tpu.memory_space<hbm>> -> memref<10240x128xf32, #tpu.memory_space<hbm>>
      %dma_start3A_49 = arith.constant 0 : i32
      %dma_start3A_50 = tpu.memref_slice %dma_start3A_48[%mul3A_45, %dma_start3A_49] : memref<10240x128xf32, #tpu.memory_space<hbm>> -> memref<640x128xf32, #tpu.memory_space<hbm>>
      %dma_start3A_51 = arith.constant 0 : i32
      %dma_start3A_52 = tpu.memref_slice %arg18[%mul3A_43, %dma_start3A_51] : memref<10240x128xf32, #tpu.memory_space<vmem_shared>> -> memref<640x128xf32, #tpu.memory_space<vmem_shared>>
      tpu.enqueue_dma source(%dma_start3A_52 : memref<640x128xf32, #tpu.memory_space<vmem_shared>>) target(%dma_start3A_50 : memref<640x128xf32, #tpu.memory_space<hbm>>) target_semaphore(%run_scoped3A : memref<!tpu.dma_semaphore, #tpu.memory_space<semaphore_mem>>)
      %dma_wait3A = arith.constant 0 : i32
      %dma_wait3A_53 = arith.constant 0 : i32
      %dma_wait3A_54 = tpu.memref_slice %arg7[%arg0, %dma_wait3A, %dma_wait3A_53] : memref<2x10240x128xf32, #tpu.memory_space<hbm>> -> memref<1x10240x128xf32, #tpu.memory_space<hbm>>
      %dma_wait3A_55 = tpu.memref_squeeze %dma_wait3A_54 : memref<1x10240x128xf32, #tpu.memory_space<hbm>> -> memref<10240x128xf32, #tpu.memory_space<hbm>>
      %dma_wait3A_56 = arith.constant 0 : i32
      %dma_wait3A_57 = tpu.memref_slice %dma_wait3A_55[%mul3A_45, %dma_wait3A_56] : memref<10240x128xf32, #tpu.memory_space<hbm>> -> memref<640x128xf32, #tpu.memory_space<hbm>>
      %dma_wait3A_58 = arith.constant 0 : i32
      %dma_wait3A_59 = tpu.memref_slice %arg18[%mul3A_43, %dma_wait3A_58] : memref<10240x128xf32, #tpu.memory_space<vmem_shared>> -> memref<640x128xf32, #tpu.memory_space<vmem_shared>>
      tpu.wait_dma2 semaphore(%run_scoped3A : memref<!tpu.dma_semaphore, #tpu.memory_space<semaphore_mem>>) src(%dma_wait3A_59 : memref<640x128xf32, #tpu.memory_space<vmem_shared>>) dst(%dma_wait3A_57 : memref<640x128xf32, #tpu.memory_space<hbm>>)
      tpu.yield
    }) : () -> ()
    return
  }
}

module attributes {stable_mosaic.version = 14 : i64} {
  func.func @_pre_body(%arg0: i32, %arg1: memref<400x128xf32, #tpu.memory_space<vmem>>, %arg2: memref<128x128xf32, #tpu.memory_space<vmem>>, %arg3: memref<2x400x128xf32, #tpu.memory_space<vmem>>, %arg4: memref<400x128xf32, #tpu.memory_space<vmem>>, %arg5: memref<400x128xf32, #tpu.memory_space<vmem>>) attributes {dimension_semantics = [#tpu.dimension_semantics<arbitrary>], iteration_bounds = array<i64: 25>, scalar_prefetch = 0 : i64, scratch_operands = 0 : i64, tpu.core_type = #tpu.core_type<tc>, window_params = [{transform_indices = @transform_0, window_bounds = array<i64: 400, 128>}, {pipeline_mode = #tpu.pipeline_mode<synchronous>, transform_indices = @transform_1, window_bounds = array<i64: 128, 128>}, {transform_indices = @transform_2, window_bounds = array<i64: 2, 400, 128>}, {transform_indices = @transform_3, window_bounds = array<i64: 400, 128>}, {transform_indices = @transform_4, window_bounds = array<i64: 400, 128>}]} {
    %get3A = arith.constant 0 : index
    %get3A_0 = arith.constant 0 : index
    %get3A_1 = vector.load %arg1[%get3A, %get3A_0] : memref<400x128xf32, #tpu.memory_space<vmem>>, vector<400x128xf32>
    %get3A_2 = arith.constant 0 : index
    %get3A_3 = arith.constant 0 : index
    %get3A_4 = vector.load %arg2[%get3A_2, %get3A_3] : memref<128x128xf32, #tpu.memory_space<vmem>>, vector<128x128xf32>
    %dot_general3A = arith.constant dense<0.000000e+00> : vector<400x128xf32>
    %dot_general3A_5 = tpu.matmul %get3A_1, %get3A_4, %dot_general3A {dimension_numbers = #tpu.dot_dimension_numbers<[1], [0], [0], [1], [0, 0, 1, 1], [], []>, transpose_lhs_hint = false} : vector<400x128xf32>, vector<128x128xf32>, vector<400x128xf32> -> vector<400x128xf32>
    %get3A_6 = arith.constant 0 : index
    %get3A_7 = arith.constant 0 : index
    %get3A_8 = arith.constant 0 : index
    %get3A_9 = vector.load %arg3[%get3A_6, %get3A_7, %get3A_8] : memref<2x400x128xf32, #tpu.memory_space<vmem>>, vector<1x400x128xf32>
    %get3A_10 = vector.shape_cast %get3A_9 : vector<1x400x128xf32> to vector<400x128xf32>
    %get3A_11 = arith.constant 1 : index
    %get3A_12 = arith.constant 0 : index
    %get3A_13 = arith.constant 0 : index
    %get3A_14 = vector.load %arg3[%get3A_11, %get3A_12, %get3A_13] : memref<2x400x128xf32, #tpu.memory_space<vmem>>, vector<1x400x128xf32>
    %get3A_15 = vector.shape_cast %get3A_14 : vector<1x400x128xf32> to vector<400x128xf32>
    %add3A = arith.addf %get3A_10, %get3A_15 : vector<400x128xf32>
    %add3A_16 = arith.constant 1.000000e+00 : f32
    %add3A_17 = vector.broadcast %add3A_16 : f32 to vector<400x128xf32>
    %add3A_18 = arith.addf %add3A, %add3A_17 : vector<400x128xf32>
    %rsqrt3A = math.rsqrt %add3A_18 : vector<400x128xf32>
    %swap3A = arith.constant 0 : index
    %swap3A_19 = arith.constant 0 : index
    %swap3A_20 = vector.load %arg4[%swap3A, %swap3A_19] : memref<400x128xf32, #tpu.memory_space<vmem>>, vector<400x128xf32>
    tpu.vector_store %arg4[%swap3A, %swap3A_19], %dot_general3A_5 {strides = array<i32>} : memref<400x128xf32, #tpu.memory_space<vmem>>, vector<400x128xf32>,
    %mul3A = arith.mulf %dot_general3A_5, %rsqrt3A : vector<400x128xf32>
    %swap3A_21 = arith.constant 0 : index
    %swap3A_22 = arith.constant 0 : index
    %swap3A_23 = vector.load %arg5[%swap3A_21, %swap3A_22] : memref<400x128xf32, #tpu.memory_space<vmem>>, vector<400x128xf32>
    tpu.vector_store %arg5[%swap3A_21, %swap3A_22], %mul3A {strides = array<i32>} : memref<400x128xf32, #tpu.memory_space<vmem>>, vector<400x128xf32>,
    return
  }
  func.func @transform_0(%arg0: i32) -> (i32, i32) {
    %c0_i32 = arith.constant 0 : i32
    %c0_i32_0 = arith.constant 0 : i32
    return %arg0, %c0_i32 : i32, i32
  }
  func.func @transform_1(%arg0: i32) -> (i32, i32) {
    %c0_i32 = arith.constant 0 : i32
    %c0_i32_0 = arith.constant 0 : i32
    %c0_i32_1 = arith.constant 0 : i32
    return %c0_i32, %c0_i32_0 : i32, i32
  }
  func.func @transform_2(%arg0: i32) -> (i32, i32, i32) {
    %c0_i32 = arith.constant 0 : i32
    %c0_i32_0 = arith.constant 0 : i32
    %c0_i32_1 = arith.constant 0 : i32
    return %c0_i32, %arg0, %c0_i32_0 : i32, i32, i32
  }
  func.func @transform_3(%arg0: i32) -> (i32, i32) {
    %c0_i32 = arith.constant 0 : i32
    %c0_i32_0 = arith.constant 0 : i32
    return %arg0, %c0_i32 : i32, i32
  }
  func.func @transform_4(%arg0: i32) -> (i32, i32) {
    %c0_i32 = arith.constant 0 : i32
    %c0_i32_0 = arith.constant 0 : i32
    return %arg0, %c0_i32 : i32, i32
  }
}

module attributes {stable_mosaic.version = 14 : i64} {
  func.func @_mid_body(%arg0: i32, %arg1: memref<2x400x128xf32, #tpu.memory_space<vmem>>, %arg2: memref<400x128xf32, #tpu.memory_space<vmem>>, %arg3: memref<2x400x128xf32, #tpu.memory_space<vmem>>, %arg4: memref<1x128xf32, #tpu.memory_space<vmem>>, %arg5: memref<1x128xf32, #tpu.memory_space<vmem>>, %arg6: memref<1x128xf32, #tpu.memory_space<vmem>>, %arg7: memref<128x128xf32, #tpu.memory_space<vmem>>, %arg8: memref<400x128xf32, #tpu.memory_space<vmem>>, %arg9: memref<400x128xf32, #tpu.memory_space<vmem>>) attributes {dimension_semantics = [#tpu.dimension_semantics<arbitrary>], iteration_bounds = array<i64: 25>, scalar_prefetch = 0 : i64, scratch_operands = 0 : i64, tpu.core_type = #tpu.core_type<tc>, window_params = [{transform_indices = @transform_0, window_bounds = array<i64: 2, 400, 128>}, {transform_indices = @transform_1, window_bounds = array<i64: 400, 128>}, {transform_indices = @transform_2, window_bounds = array<i64: 2, 400, 128>}, {pipeline_mode = #tpu.pipeline_mode<synchronous>, transform_indices = @transform_3, window_bounds = array<i64: 1, 128>}, {pipeline_mode = #tpu.pipeline_mode<synchronous>, transform_indices = @transform_4, window_bounds = array<i64: 1, 128>}, {pipeline_mode = #tpu.pipeline_mode<synchronous>, transform_indices = @transform_5, window_bounds = array<i64: 1, 128>}, {pipeline_mode = #tpu.pipeline_mode<synchronous>, transform_indices = @transform_6, window_bounds = array<i64: 128, 128>}, {transform_indices = @transform_7, window_bounds = array<i64: 400, 128>}, {transform_indices = @transform_8, window_bounds = array<i64: 400, 128>}]} {
    %get3A = arith.constant 0 : index
    %get3A_0 = arith.constant 0 : index
    %get3A_1 = arith.constant 0 : index
    %get3A_2 = vector.load %arg3[%get3A, %get3A_0, %get3A_1] : memref<2x400x128xf32, #tpu.memory_space<vmem>>, vector<1x400x128xf32>
    %get3A_3 = vector.shape_cast %get3A_2 : vector<1x400x128xf32> to vector<400x128xf32>
    %get3A_4 = arith.constant 1 : index
    %get3A_5 = arith.constant 0 : index
    %get3A_6 = arith.constant 0 : index
    %get3A_7 = vector.load %arg3[%get3A_4, %get3A_5, %get3A_6] : memref<2x400x128xf32, #tpu.memory_space<vmem>>, vector<1x400x128xf32>
    %get3A_8 = vector.shape_cast %get3A_7 : vector<1x400x128xf32> to vector<400x128xf32>
    %add3A = arith.addf %get3A_3, %get3A_8 : vector<400x128xf32>
    %add3A_9 = arith.constant 1.000000e+00 : f32
    %add3A_10 = vector.broadcast %add3A_9 : f32 to vector<400x128xf32>
    %add3A_11 = arith.addf %add3A, %add3A_10 : vector<400x128xf32>
    %rsqrt3A = math.rsqrt %add3A_11 : vector<400x128xf32>
    %get3A_12 = arith.constant 0 : index
    %get3A_13 = arith.constant 0 : index
    %get3A_14 = arith.constant 0 : index
    %get3A_15 = vector.load %arg1[%get3A_12, %get3A_13, %get3A_14] : memref<2x400x128xf32, #tpu.memory_space<vmem>>, vector<1x400x128xf32>
    %get3A_16 = vector.shape_cast %get3A_15 : vector<1x400x128xf32> to vector<400x128xf32>
    %get3A_17 = arith.constant 1 : index
    %get3A_18 = arith.constant 0 : index
    %get3A_19 = arith.constant 0 : index
    %get3A_20 = vector.load %arg1[%get3A_17, %get3A_18, %get3A_19] : memref<2x400x128xf32, #tpu.memory_space<vmem>>, vector<1x400x128xf32>
    %get3A_21 = vector.shape_cast %get3A_20 : vector<1x400x128xf32> to vector<400x128xf32>
    %add3A_22 = arith.addf %get3A_16, %get3A_21 : vector<400x128xf32>
    %mul3A = arith.mulf %add3A_22, %rsqrt3A : vector<400x128xf32>
    %get3A_23 = arith.constant 0 : index
    %get3A_24 = arith.constant 0 : index
    %get3A_25 = vector.load %arg2[%get3A_23, %get3A_24] : memref<400x128xf32, #tpu.memory_space<vmem>>, vector<400x128xf32>
    %div3A = arith.divf %get3A_25, %add3A_11 : vector<400x128xf32>
    %add3A_26 = arith.addf %mul3A, %div3A : vector<400x128xf32>
    %get3A_27 = arith.constant 0 : index
    %get3A_28 = arith.constant 0 : index
    %get3A_29 = vector.load %arg4[%get3A_27, %get3A_28] : memref<1x128xf32, #tpu.memory_space<vmem>>, vector<1x128xf32>
    %add3A_30 = vector.broadcast %get3A_29 : vector<1x128xf32> to vector<400x128xf32>
    %add3A_31 = arith.addf %add3A_26, %add3A_30 : vector<400x128xf32>
    %get3A_32 = arith.constant 0 : index
    %get3A_33 = arith.constant 0 : index
    %get3A_34 = vector.load %arg5[%get3A_32, %get3A_33] : memref<1x128xf32, #tpu.memory_space<vmem>>, vector<1x128xf32>
    %get3A_35 = arith.constant 0 : index
    %get3A_36 = arith.constant 0 : index
    %get3A_37 = vector.load %arg6[%get3A_35, %get3A_36] : memref<1x128xf32, #tpu.memory_space<vmem>>, vector<1x128xf32>
    %reduce_sum3A = arith.constant dense<0.000000e+00> : vector<400xf32>
    %reduce_sum3A_38 = vector.multi_reduction <add>, %add3A_31, %reduce_sum3A [1] : vector<400x128xf32> to vector<400xf32>
    %broadcast_in_dim3A = vector.shape_cast %reduce_sum3A_38 : vector<400xf32> to vector<400x1xf32>
    %div3A_39 = arith.constant 1.280000e+02 : f32
    %div3A_40 = vector.broadcast %div3A_39 : f32 to vector<400x1xf32>
    %div3A_41 = arith.divf %broadcast_in_dim3A, %div3A_40 : vector<400x1xf32>
    %sub3A = vector.broadcast %div3A_41 : vector<400x1xf32> to vector<400x128xf32>
    %sub3A_42 = arith.subf %add3A_31, %sub3A : vector<400x128xf32>
    %integer_pow3A = arith.mulf %sub3A_42, %sub3A_42 : vector<400x128xf32>
    %reduce_sum3A_43 = arith.constant dense<0.000000e+00> : vector<400xf32>
    %reduce_sum3A_44 = vector.multi_reduction <add>, %integer_pow3A, %reduce_sum3A_43 [1] : vector<400x128xf32> to vector<400xf32>
    %broadcast_in_dim3A_45 = vector.shape_cast %reduce_sum3A_44 : vector<400xf32> to vector<400x1xf32>
    %div3A_46 = arith.constant 1.280000e+02 : f32
    %div3A_47 = vector.broadcast %div3A_46 : f32 to vector<400x1xf32>
    %div3A_48 = arith.divf %broadcast_in_dim3A_45, %div3A_47 : vector<400x1xf32>
    %sub3A_49 = vector.broadcast %div3A_41 : vector<400x1xf32> to vector<400x128xf32>
    %sub3A_50 = arith.subf %add3A_31, %sub3A_49 : vector<400x128xf32>
    %add3A_51 = arith.constant 9.99999974E-6 : f32
    %add3A_52 = vector.broadcast %add3A_51 : f32 to vector<400x1xf32>
    %add3A_53 = arith.addf %div3A_48, %add3A_52 : vector<400x1xf32>
    %rsqrt3A_54 = math.rsqrt %add3A_53 : vector<400x1xf32>
    %mul3A_55 = vector.broadcast %rsqrt3A_54 : vector<400x1xf32> to vector<400x128xf32>
    %mul3A_56 = arith.mulf %sub3A_50, %mul3A_55 : vector<400x128xf32>
    %mul3A_57 = vector.broadcast %get3A_34 : vector<1x128xf32> to vector<400x128xf32>
    %mul3A_58 = arith.mulf %mul3A_56, %mul3A_57 : vector<400x128xf32>
    %add3A_59 = vector.broadcast %get3A_37 : vector<1x128xf32> to vector<400x128xf32>
    %add3A_60 = arith.addf %mul3A_58, %add3A_59 : vector<400x128xf32>
    %max3A = arith.constant 0.000000e+00 : f32
    %max3A_61 = vector.broadcast %max3A : f32 to vector<400x128xf32>
    %max3A_62 = arith.maximumf %add3A_60, %max3A_61 : vector<400x128xf32>
    %get3A_63 = arith.constant 0 : index
    %get3A_64 = arith.constant 0 : index
    %get3A_65 = vector.load %arg7[%get3A_63, %get3A_64] : memref<128x128xf32, #tpu.memory_space<vmem>>, vector<128x128xf32>
    %dot_general3A = arith.constant dense<0.000000e+00> : vector<400x128xf32>
    %dot_general3A_66 = tpu.matmul %max3A_62, %get3A_65, %dot_general3A {dimension_numbers = #tpu.dot_dimension_numbers<[1], [0], [0], [1], [0, 0, 1, 1], [], []>, transpose_lhs_hint = false} : vector<400x128xf32>, vector<128x128xf32>, vector<400x128xf32> -> vector<400x128xf32>
    %swap3A = arith.constant 0 : index
    %swap3A_67 = arith.constant 0 : index
    %swap3A_68 = vector.load %arg8[%swap3A, %swap3A_67] : memref<400x128xf32, #tpu.memory_space<vmem>>, vector<400x128xf32>
    tpu.vector_store %arg8[%swap3A, %swap3A_67], %dot_general3A_66 {strides = array<i32>} : memref<400x128xf32, #tpu.memory_space<vmem>>, vector<400x128xf32>,
    %mul3A_69 = arith.mulf %dot_general3A_66, %rsqrt3A : vector<400x128xf32>
    %swap3A_70 = arith.constant 0 : index
    %swap3A_71 = arith.constant 0 : index
    %swap3A_72 = vector.load %arg9[%swap3A_70, %swap3A_71] : memref<400x128xf32, #tpu.memory_space<vmem>>, vector<400x128xf32>
    tpu.vector_store %arg9[%swap3A_70, %swap3A_71], %mul3A_69 {strides = array<i32>} : memref<400x128xf32, #tpu.memory_space<vmem>>, vector<400x128xf32>,
    return
  }
  func.func @transform_0(%arg0: i32) -> (i32, i32, i32) {
    %c0_i32 = arith.constant 0 : i32
    %c0_i32_0 = arith.constant 0 : i32
    %c0_i32_1 = arith.constant 0 : i32
    return %c0_i32, %arg0, %c0_i32_0 : i32, i32, i32
  }
  func.func @transform_1(%arg0: i32) -> (i32, i32) {
    %c0_i32 = arith.constant 0 : i32
    %c0_i32_0 = arith.constant 0 : i32
    return %arg0, %c0_i32 : i32, i32
  }
  func.func @transform_2(%arg0: i32) -> (i32, i32, i32) {
    %c0_i32 = arith.constant 0 : i32
    %c0_i32_0 = arith.constant 0 : i32
    %c0_i32_1 = arith.constant 0 : i32
    return %c0_i32, %arg0, %c0_i32_0 : i32, i32, i32
  }
  func.func @transform_3(%arg0: i32) -> (i32, i32) {
    %c0_i32 = arith.constant 0 : i32
    %c0_i32_0 = arith.constant 0 : i32
    %c0_i32_1 = arith.constant 0 : i32
    return %c0_i32, %c0_i32_0 : i32, i32
  }
  func.func @transform_4(%arg0: i32) -> (i32, i32) {
    %c0_i32 = arith.constant 0 : i32
    %c0_i32_0 = arith.constant 0 : i32
    %c0_i32_1 = arith.constant 0 : i32
    return %c0_i32, %c0_i32_0 : i32, i32
  }
  func.func @transform_5(%arg0: i32) -> (i32, i32) {
    %c0_i32 = arith.constant 0 : i32
    %c0_i32_0 = arith.constant 0 : i32
    %c0_i32_1 = arith.constant 0 : i32
    return %c0_i32, %c0_i32_0 : i32, i32
  }
  func.func @transform_6(%arg0: i32) -> (i32, i32) {
    %c0_i32 = arith.constant 0 : i32
    %c0_i32_0 = arith.constant 0 : i32
    %c0_i32_1 = arith.constant 0 : i32
    return %c0_i32, %c0_i32_0 : i32, i32
  }
  func.func @transform_7(%arg0: i32) -> (i32, i32) {
    %c0_i32 = arith.constant 0 : i32
    %c0_i32_0 = arith.constant 0 : i32
    return %arg0, %c0_i32 : i32, i32
  }
  func.func @transform_8(%arg0: i32) -> (i32, i32) {
    %c0_i32 = arith.constant 0 : i32
    %c0_i32_0 = arith.constant 0 : i32
    return %arg0, %c0_i32 : i32, i32
  }
}

module attributes {stable_mosaic.version = 14 : i64} {
  func.func @_post_body(%arg0: i32, %arg1: memref<2x400x128xf32, #tpu.memory_space<vmem>>, %arg2: memref<400x128xf32, #tpu.memory_space<vmem>>, %arg3: memref<2x400x128xf32, #tpu.memory_space<vmem>>, %arg4: memref<1x128xf32, #tpu.memory_space<vmem>>, %arg5: memref<1x128xf32, #tpu.memory_space<vmem>>, %arg6: memref<1x128xf32, #tpu.memory_space<vmem>>, %arg7: memref<400x128xf32, #tpu.memory_space<vmem>>) attributes {dimension_semantics = [#tpu.dimension_semantics<arbitrary>], iteration_bounds = array<i64: 25>, scalar_prefetch = 0 : i64, scratch_operands = 0 : i64, tpu.core_type = #tpu.core_type<tc>, window_params = [{transform_indices = @transform_0, window_bounds = array<i64: 2, 400, 128>}, {transform_indices = @transform_1, window_bounds = array<i64: 400, 128>}, {transform_indices = @transform_2, window_bounds = array<i64: 2, 400, 128>}, {pipeline_mode = #tpu.pipeline_mode<synchronous>, transform_indices = @transform_3, window_bounds = array<i64: 1, 128>}, {pipeline_mode = #tpu.pipeline_mode<synchronous>, transform_indices = @transform_4, window_bounds = array<i64: 1, 128>}, {pipeline_mode = #tpu.pipeline_mode<synchronous>, transform_indices = @transform_5, window_bounds = array<i64: 1, 128>}, {transform_indices = @transform_6, window_bounds = array<i64: 400, 128>}]} {
    %get3A = arith.constant 0 : index
    %get3A_0 = arith.constant 0 : index
    %get3A_1 = arith.constant 0 : index
    %get3A_2 = vector.load %arg3[%get3A, %get3A_0, %get3A_1] : memref<2x400x128xf32, #tpu.memory_space<vmem>>, vector<1x400x128xf32>
    %get3A_3 = vector.shape_cast %get3A_2 : vector<1x400x128xf32> to vector<400x128xf32>
    %get3A_4 = arith.constant 1 : index
    %get3A_5 = arith.constant 0 : index
    %get3A_6 = arith.constant 0 : index
    %get3A_7 = vector.load %arg3[%get3A_4, %get3A_5, %get3A_6] : memref<2x400x128xf32, #tpu.memory_space<vmem>>, vector<1x400x128xf32>
    %get3A_8 = vector.shape_cast %get3A_7 : vector<1x400x128xf32> to vector<400x128xf32>
    %add3A = arith.addf %get3A_3, %get3A_8 : vector<400x128xf32>
    %add3A_9 = arith.constant 1.000000e+00 : f32
    %add3A_10 = vector.broadcast %add3A_9 : f32 to vector<400x128xf32>
    %add3A_11 = arith.addf %add3A, %add3A_10 : vector<400x128xf32>
    %rsqrt3A = math.rsqrt %add3A_11 : vector<400x128xf32>
    %get3A_12 = arith.constant 0 : index
    %get3A_13 = arith.constant 0 : index
    %get3A_14 = arith.constant 0 : index
    %get3A_15 = vector.load %arg1[%get3A_12, %get3A_13, %get3A_14] : memref<2x400x128xf32, #tpu.memory_space<vmem>>, vector<1x400x128xf32>
    %get3A_16 = vector.shape_cast %get3A_15 : vector<1x400x128xf32> to vector<400x128xf32>
    %get3A_17 = arith.constant 1 : index
    %get3A_18 = arith.constant 0 : index
    %get3A_19 = arith.constant 0 : index
    %get3A_20 = vector.load %arg1[%get3A_17, %get3A_18, %get3A_19] : memref<2x400x128xf32, #tpu.memory_space<vmem>>, vector<1x400x128xf32>
    %get3A_21 = vector.shape_cast %get3A_20 : vector<1x400x128xf32> to vector<400x128xf32>
    %add3A_22 = arith.addf %get3A_16, %get3A_21 : vector<400x128xf32>
    %mul3A = arith.mulf %add3A_22, %rsqrt3A : vector<400x128xf32>
    %get3A_23 = arith.constant 0 : index
    %get3A_24 = arith.constant 0 : index
    %get3A_25 = vector.load %arg2[%get3A_23, %get3A_24] : memref<400x128xf32, #tpu.memory_space<vmem>>, vector<400x128xf32>
    %div3A = arith.divf %get3A_25, %add3A_11 : vector<400x128xf32>
    %add3A_26 = arith.addf %mul3A, %div3A : vector<400x128xf32>
    %get3A_27 = arith.constant 0 : index
    %get3A_28 = arith.constant 0 : index
    %get3A_29 = vector.load %arg4[%get3A_27, %get3A_28] : memref<1x128xf32, #tpu.memory_space<vmem>>, vector<1x128xf32>
    %add3A_30 = vector.broadcast %get3A_29 : vector<1x128xf32> to vector<400x128xf32>
    %add3A_31 = arith.addf %add3A_26, %add3A_30 : vector<400x128xf32>
    %get3A_32 = arith.constant 0 : index
    %get3A_33 = arith.constant 0 : index
    %get3A_34 = vector.load %arg5[%get3A_32, %get3A_33] : memref<1x128xf32, #tpu.memory_space<vmem>>, vector<1x128xf32>
    %get3A_35 = arith.constant 0 : index
    %get3A_36 = arith.constant 0 : index
    %get3A_37 = vector.load %arg6[%get3A_35, %get3A_36] : memref<1x128xf32, #tpu.memory_space<vmem>>, vector<1x128xf32>
    %reduce_sum3A = arith.constant dense<0.000000e+00> : vector<400xf32>
    %reduce_sum3A_38 = vector.multi_reduction <add>, %add3A_31, %reduce_sum3A [1] : vector<400x128xf32> to vector<400xf32>
    %broadcast_in_dim3A = vector.shape_cast %reduce_sum3A_38 : vector<400xf32> to vector<400x1xf32>
    %div3A_39 = arith.constant 1.280000e+02 : f32
    %div3A_40 = vector.broadcast %div3A_39 : f32 to vector<400x1xf32>
    %div3A_41 = arith.divf %broadcast_in_dim3A, %div3A_40 : vector<400x1xf32>
    %sub3A = vector.broadcast %div3A_41 : vector<400x1xf32> to vector<400x128xf32>
    %sub3A_42 = arith.subf %add3A_31, %sub3A : vector<400x128xf32>
    %integer_pow3A = arith.mulf %sub3A_42, %sub3A_42 : vector<400x128xf32>
    %reduce_sum3A_43 = arith.constant dense<0.000000e+00> : vector<400xf32>
    %reduce_sum3A_44 = vector.multi_reduction <add>, %integer_pow3A, %reduce_sum3A_43 [1] : vector<400x128xf32> to vector<400xf32>
    %broadcast_in_dim3A_45 = vector.shape_cast %reduce_sum3A_44 : vector<400xf32> to vector<400x1xf32>
    %div3A_46 = arith.constant 1.280000e+02 : f32
    %div3A_47 = vector.broadcast %div3A_46 : f32 to vector<400x1xf32>
    %div3A_48 = arith.divf %broadcast_in_dim3A_45, %div3A_47 : vector<400x1xf32>
    %sub3A_49 = vector.broadcast %div3A_41 : vector<400x1xf32> to vector<400x128xf32>
    %sub3A_50 = arith.subf %add3A_31, %sub3A_49 : vector<400x128xf32>
    %add3A_51 = arith.constant 9.99999974E-6 : f32
    %add3A_52 = vector.broadcast %add3A_51 : f32 to vector<400x1xf32>
    %add3A_53 = arith.addf %div3A_48, %add3A_52 : vector<400x1xf32>
    %rsqrt3A_54 = math.rsqrt %add3A_53 : vector<400x1xf32>
    %mul3A_55 = vector.broadcast %rsqrt3A_54 : vector<400x1xf32> to vector<400x128xf32>
    %mul3A_56 = arith.mulf %sub3A_50, %mul3A_55 : vector<400x128xf32>
    %mul3A_57 = vector.broadcast %get3A_34 : vector<1x128xf32> to vector<400x128xf32>
    %mul3A_58 = arith.mulf %mul3A_56, %mul3A_57 : vector<400x128xf32>
    %add3A_59 = vector.broadcast %get3A_37 : vector<1x128xf32> to vector<400x128xf32>
    %add3A_60 = arith.addf %mul3A_58, %add3A_59 : vector<400x128xf32>
    %max3A = arith.constant 0.000000e+00 : f32
    %max3A_61 = vector.broadcast %max3A : f32 to vector<400x128xf32>
    %max3A_62 = arith.maximumf %add3A_60, %max3A_61 : vector<400x128xf32>
    %swap3A = arith.constant 0 : index
    %swap3A_63 = arith.constant 0 : index
    %swap3A_64 = vector.load %arg7[%swap3A, %swap3A_63] : memref<400x128xf32, #tpu.memory_space<vmem>>, vector<400x128xf32>
    tpu.vector_store %arg7[%swap3A, %swap3A_63], %max3A_62 {strides = array<i32>} : memref<400x128xf32, #tpu.memory_space<vmem>>, vector<400x128xf32>,
    return
  }
  func.func @transform_0(%arg0: i32) -> (i32, i32, i32) {
    %c0_i32 = arith.constant 0 : i32
    %c0_i32_0 = arith.constant 0 : i32
    %c0_i32_1 = arith.constant 0 : i32
    return %c0_i32, %arg0, %c0_i32_0 : i32, i32, i32
  }
  func.func @transform_1(%arg0: i32) -> (i32, i32) {
    %c0_i32 = arith.constant 0 : i32
    %c0_i32_0 = arith.constant 0 : i32
    return %arg0, %c0_i32 : i32, i32
  }
  func.func @transform_2(%arg0: i32) -> (i32, i32, i32) {
    %c0_i32 = arith.constant 0 : i32
    %c0_i32_0 = arith.constant 0 : i32
    %c0_i32_1 = arith.constant 0 : i32
    return %c0_i32, %arg0, %c0_i32_0 : i32, i32, i32
  }
  func.func @transform_3(%arg0: i32) -> (i32, i32) {
    %c0_i32 = arith.constant 0 : i32
    %c0_i32_0 = arith.constant 0 : i32
    %c0_i32_1 = arith.constant 0 : i32
    return %c0_i32, %c0_i32_0 : i32, i32
  }
  func.func @transform_4(%arg0: i32) -> (i32, i32) {
    %c0_i32 = arith.constant 0 : i32
    %c0_i32_0 = arith.constant 0 : i32
    %c0_i32_1 = arith.constant 0 : i32
    return %c0_i32, %c0_i32_0 : i32, i32
  }
  func.func @transform_5(%arg0: i32) -> (i32, i32) {
    %c0_i32 = arith.constant 0 : i32
    %c0_i32_0 = arith.constant 0 : i32
    %c0_i32_1 = arith.constant 0 : i32
    return %c0_i32, %c0_i32_0 : i32, i32
  }
  func.func @transform_6(%arg0: i32) -> (i32, i32) {
    %c0_i32 = arith.constant 0 : i32
    %c0_i32_0 = arith.constant 0 : i32
    return %arg0, %c0_i32 : i32, i32
  }
}

</mosaic_0001>

<sc_bundles>
// kernel: kernel.11.cloned.1.call-start
scs
__scs_entry_jumppad:
0x0: {  	(pc) =	sbr.rel $0x88, $3  }
0x1: {  	(tag) =	ssettag $0x0;
	lr =	simm.s32 $0x1  }
0x2: {  	[smem:$0x3F97] =	sst lr;
	_ =	strace $0xD0000000  }
0x3: {  	_ = 	snop  }
0x4: {  	_ = 	snop  }
0x5: {  	_ = 	snop  }
0x6: {  	_ = 	snop  }
0x7: {  	_ = 	snop  }
__scs_overlays_trampoline_lowered:
0x8: {  	[smem:$0x3FA6] =	sst s0  }
0x9: {  	[smem:$0x3FA7] =	sst s1  }
0xa: {  	[smem:$0x3FA8] =	sst s2  }
0xb: {  	[smem:$0x3FA9] =	sst s3  }
0xc: {  	[smem:$0x3FAA] =	sst s4  }
0xd: {  	[smem:$0x3FAB] =	sst s5  }
0xe: {  	[smem:$0x3FAC] =	sst s6  }
0xf: {  	[smem:$0x3FAD] =	sst s7  }
0x10: {  	[smem:$0x3FAE] =	sst s8  }
0x11: {  	[smem:$0x3FAF] =	sst s9;
	s0 =	simm.s32 @!p0 $0x0  }
0x12: {  	s1 =	sld [smem:$0x3F95];
	s0 =	simm.s32 @p0 $0x1  }
0x13: {  	[smem:$0x3FB0] =	sst s0;
	s0 =	simm.s32 @!p1 $0x0  }
0x14: {  	s2 =	sld [smem:$0x3F94];
	s0 =	simm.s32 @p1 $0x1  }
0x15: {  	[smem:$0x3FB1] =	sst s0;
	s0 =	simm.s32 @!p2 $0x0  }
0x16: {  	s3 =	sld [smem:$0x3FDB];
	s0 =	simm.s32 @p2 $0x1  }
0x17: {  	s4 =	simm.s32 $0x1BF5;
	[smem:$0x3FB3] =	sst s0  }
0x18: {  	s0 =	sld [smem:$0x3F96];
	_ =	swait.ge [sflag:s4], $0x0  }
0x19: {  	s7 =	sld [smem:$0x3F97]  }
0x1a: {  	s8 =	sadd.s32 $0xFFFFE003, lr  }
0x1b: {  	s9 =	sadd.s32 $0xFFFFFEF7, lr;
	s5 =	simm.s32 $0xFFFFFFFF;
	p2 =	slt.u32 s8, $0xFFFFF086  }
0x1c: {  	p1 =	slt.u32 s9, $0xF7A;
	s5 =	simm.s32 @!p2 $0x0  }
0x1d: {  	s5 =	simm.s32 @p1 $0x1;
	p0 =	seq.s32 s7, s2  }
0x1e: {  	s7 =	smul.u32 @!p0 $0xF7A, s2;
	p2 =	seq.s32 @!p0 s5, $0x0  }
0x1f: {  	s9 =	smul.u32 $0xF7A, s1;
	s8 =	simm.s32 @!p0 $0x1BF5;
	p2 =	por !p2, p0  }
0x20: {  	[sflag:s8] =	ssyncset.s32 @!p0 $0xFFFFF086;
	s6 =	sadd.s32 @!p0 s3, s7;
	s7 =	simm.s32 @!p0 $0x108  }
0x21: {  	s3 =	sadd.s32 s3, s9;
	s6 =	sadd.s32 @!p0 $0x88, s6;
	s7 =	simm.s32 @p2 $0x1082  }
0x22: {  	[simem:s7], [sflag:s8] =	dma.local @!p0 [hbm:s6], $0xF7A  }
0x23: {  	s9 =	sor.u32 $0xD0000000, s2;
	s6 =	simm.s32 $0x108;
	_ =	swait.ge @!p0 [sflag:s8], $0x0  }
0x24: {  	s3 =	sadd.s32 $0x88, s3;
	s6 =	simm.s32 @!p1 $0x1082;
	[sflag:s4] =	ssyncset.s32 $0xFFFFF086  }
0x25: {  	[simem:s6], [sflag:s4] =	dma.local [hbm:s3], $0xF7A  }
0x26: {  	[smem:$0x3F97] =	sst s1;
	(tag) =	ssettag s2;
	_ =	strace s9  }
0x27: {  	s1 =	sld [smem:$0x3FA7]  }
0x28: {  	s2 =	sld [smem:$0x3FA8]  }
0x29: {  	s4 =	sld [smem:$0x3FAA]  }
0x2a: {  	p0 =	seq.s32 s5, $0x0;
	s5 =	sld [smem:$0x3FAB]  }
0x2b: {  	s6 =	sld [smem:$0x3FAC]  }
0x2c: {  	s7 =	sld [smem:$0x3FAD]  }
0x2d: {  	s3 =	simm.s32 $0x108;
	s8 =	sld [smem:$0x3FAE]  }
0x2e: {  	s3 =	simm.s32 @!p0 $0x1082;
	s9 =	sld [smem:$0x3FAF]  }
0x2f: {  	lr =	sadd.s32 s0, s3;
	s0 =	sld [smem:$0x3FA6]  }
0x30: {  	s3 =	sld [smem:$0x3FA9]  }
0x31: {  	[smem:$0x3FB2] =	sst s10  }
0x32: {  	s10 =	sld [smem:$0x3FB0];
	_ =	sdelay $0x3  }
0x33: {  	p0 =	seq.s32 s10, $0x1;
	s10 =	sld [smem:$0x3FB2];
	_ =	sdelay $0x3  }
0x34: {  	[smem:$0x3FB2] =	sst s10  }
0x35: {  	s10 =	sld [smem:$0x3FB1];
	_ =	sdelay $0x3  }
0x36: {  	p1 =	seq.s32 s10, $0x1;
	s10 =	sld [smem:$0x3FB2];
	_ =	sdelay $0x3  }
0x37: {  	[smem:$0x3FB2] =	sst s10  }
0x38: {  	s10 =	sld [smem:$0x3FB3]  }
0x39: {  	_ = 	snop;
	(pc) =	sbr.ind lr, $3  }
0x3a: {  	_ = 	snop  }
0x3b: {  	_ = 	snop  }
0x3c: {  	p2 =	seq.s32 s10, $0x1;
	s10 =	sld [smem:$0x3FB2]  }
0x3d: {  	_ =	shalt  }
0x3e: {  	_ =	shalt  }
0x3f: {  	_ =	shalt  }
0x40: {  	_ =	shalt  }
0x41: {  	_ =	shalt  }
0x42: {  	_ =	shalt  }
0x43: {  	_ =	shalt  }
0x44: {  	_ =	shalt  }
0x45: {  	_ =	shalt  }
0x46: {  	_ =	shalt  }
0x47: {  	_ =	shalt  }
0x48: {  	_ =	shalt  }
0x49: {  	_ =	shalt  }
0x4a: {  	_ =	shalt  }
0x4b: {  	_ =	shalt  }
0x4c: {  	_ =	shalt  }
0x4d: {  	_ =	shalt  }
0x4e: {  	_ =	shalt  }
0x4f: {  	_ =	shalt  }
0x50: {  	_ =	shalt  }
0x51: {  	_ =	shalt  }
0x52: {  	_ =	shalt  }
0x53: {  	_ =	shalt  }
0x54: {  	_ =	shalt  }
0x55: {  	_ =	shalt  }
0x56: {  	_ =	shalt  }
0x57: {  	_ =	shalt  }
0x58: {  	_ =	shalt  }
0x59: {  	_ =	shalt  }
0x5a: {  	_ =	shalt  }
0x5b: {  	_ =	shalt  }
0x5c: {  	_ =	shalt  }
0x5d: {  	_ =	shalt  }
0x5e: {  	_ =	shalt  }
0x5f: {  	_ =	shalt  }
0x60: {  	_ =	shalt  }
0x61: {  	_ =	shalt  }
0x62: {  	_ =	shalt  }
0x63: {  	_ =	shalt  }
0x64: {  	_ =	shalt  }
0x65: {  	_ =	shalt  }
0x66: {  	_ =	shalt  }
0x67: {  	_ =	shalt  }
0x68: {  	_ =	shalt  }
0x69: {  	_ =	shalt  }
0x6a: {  	_ =	shalt  }
0x6b: {  	_ =	shalt  }
0x6c: {  	_ =	shalt  }
0x6d: {  	_ =	shalt  }
0x6e: {  	_ =	shalt  }
0x6f: {  	_ =	shalt  }
0x70: {  	_ =	shalt  }
0x71: {  	_ =	shalt  }
0x72: {  	_ =	shalt  }
0x73: {  	_ =	shalt  }
0x74: {  	_ =	shalt  }
0x75: {  	_ =	shalt  }
0x76: {  	_ =	shalt  }
0x77: {  	_ =	shalt  }
0x78: {  	_ =	shalt  }
0x79: {  	_ =	shalt  }
0x7a: {  	_ =	shalt  }
0x7b: {  	_ =	shalt  }
0x7c: {  	_ =	shalt  }
0x7d: {  	_ =	shalt  }
0x7e: {  	_ =	shalt  }
0x7f: {  	_ =	shalt  }
0x80: {  	_ =	shalt  }
0x81: {  	_ =	shalt  }
0x82: {  	_ =	shalt  }
0x83: {  	_ =	shalt  }
0x84: {  	_ =	shalt  }
0x85: {  	_ =	shalt  }
0x86: {  	_ =	shalt  }
0x87: {  	_ =	shalt  }
.Lfunc_end0:
.L_simem_size_0:
called_computation.1_lowered:
.L_overlay_start_0:
0x88: {  	s2 =	sld [smem:$0x3FD9]  }
0x89: {  	s3 =	sld [smem:$0x3FFE];
	_ =	sdelay $0x1  }
0x8a: {  	s1 =	srdreg.scid  }
0x8b: {  	s0 =	sand.u32 $0x1, s1  }
0x8c: {  	s17 =	sshll.u32 s0, $0xA;
	s2 =	sadd.s32 s3, s2  }
0x8d: {  	s2 =	sadd.s32 s2, s17  }
0x8e: {  	[smem:$0x3FBE] =	sst s2  }
0x8f: {  	_ = 	snop  }
0x90: {  	s2 =	sld [smem:$0x3FD0];
	(tm) =	ssettm $0x1  }
0x91: {  	s18 =	sld [smem:$0x3FFB];
	_ =	sdelay $0x3  }
0x92: {  	_ =	strace s18  }
0x93: {  	s3 =	sld [smem:$0x3FFC];
	_ =	sdelay $0x3  }
0x94: {  	_ =	strace s3  }
0x95: {  	s3 =	sld [smem:$0x3FFD];
	_ =	sdelay $0x3  }
0x96: {  	_ =	strace s3  }
0x97: {  	_ =	strace $0x8FFFFFFF  }
0x98: {  	s19 =	sld [smem:$0x3FDB];
	_ =	sdelay $0x1  }
0x99: {  	s4 =	simm.s32 $_scs_section_size  }
0x9a: {  	s5 =	simm.s32 $_size__tile_overlayer_lowered;
	s6 =	simm.s32 $_tile_overlayer_lowered  }
0x9b: {  	s22 =	simm.s32 $0x1BFF;
	s21 =	sshll.u32 s6, $0x1;
	s3 =	sadd.s32 s4, s19  }
0x9c: {  	s7 =	simm.s32 $0x0;
	s20 =	sshll.u32 s5, $0x1;
	s5 =	sadd.s32 s21, s3  }
0x9d: {  	[timem:s7], [sflag:s22] =	dma.local [hbm:s5], s20  }
0x9e: {  	_ =	swait.ge [sflag:s22], s20  }
0x9f: {  	s4 =	ssub.s32 $0x0, s20;
	[sflag:s22] =	ssyncset.done $0x0  }
0xa0: {  	[sflag:s22] =	ssyncadd.s32 s4;
	_ =	sdelay $0x1  }
0xa1: {  	s23 =	simm.s32 $0x1B8B  }
0xa2: {  	_ =	swait.ge [sflag:s23], $0x1  }
0xa3: {  	[sflag:s23] =	ssyncset.done $0x0  }
0xa4: {  	s25 =	simm.s32 $0x1B8E;
	s24 =	sld [smem:$0x3FFE];
	[sflag:s23] =	ssyncadd.s32 $0xFFFFFFFF  }
0xa5: {  	s26 =	simm.s32 $execute0_lowered;
	[smem:$0x3FD2] =	sst s25  }
0xa6: {  	s5 =	sshll.u32 s26, $0x1;
	_ =	strace $0x80000049;
	[dreg:$0x1] =	wrdreg $0xFFFFFFFF  }
0xa7: {  	s28 =	simm.s32 $_size_execute0_lowered;
	s3 =	sadd.s32 s3, s5;
	[dreg:$0x0] =	wrdreg $0x0  }
0xa8: {  	s5 =	sshll.u32 s28, $0x1;
	[dreg:$0x2] =	wrdreg s3  }
0xa9: {  	[dreg:$0x3] =	wrdreg s5  }
0xaa: {  	[dreg:$0x4] =	wrdreg $0xC0  }
0xab: {  	_ =	task [dreg:s7], $0x5FFFF  }
0xac: {  	[dreg:$0x1] =	wrdreg $0xFFFFFFFF  }
0xad: {  	[dreg:$0x0] =	wrdreg $0x60  }
0xae: {  	[dreg:$0x2] =	wrdreg s2  }
0xaf: {  	[dreg:$0x3] =	wrdreg s24  }
0xb0: {  	[dreg:$0x4] =	wrdreg $0xB0000  }
0xb1: {  	[dreg:$0x5] =	wrdreg $0x9  }
0xb2: {  	_ =	task.clear_ibuf [dreg:s7], $0x6FFFF;
	_ =	strace $0x90000049  }
0xb3: {  	s29 =	simm.s32 $0x9;
	_ =	strace $0x8000004B  }
0xb4: {  	_ =	swait.ge [sflag:s29], $0x1  }
0xb5: {  	[sflag:s29] =	ssyncadd.s32 $0xFFFFFFFF  }
0xb6: {  	_ =	strace $0x9000004B  }
0xb7: {  	_ =	sfence  }
0xb8: {  	s30 =	sld [smem:$0x0];
	_ =	sdelay $0x2  }
0xb9: {  	s31 =	sshll.u32 s1, $0xD;
	s1 =	sshrl.u32 s1, $0x2  }
0xba: {  	s3 =	sand.u32 $0x4000, s31;
	s1 =	sadd.s32 s1, s30  }
0xbb: {  	s0 =	sor.u32 s3, s0;
	s1 =	sshll.u32 s1, $0x11  }
0xbc: {  	s0 =	sor.u32 s1, s0  }
0xbd: {  	s0 =	sadd.s32 $0x8F2B, s0  }
0xbe: {  	[sflag:s0] =	ssyncadd.remote.s32 $0x1  }
0xbf: {  	_ =	sfence.sel $0xFFFF  }
0xc0: {  	[dreg:$0x0] =	wrdreg $0xFFFFFFFF;
	(pc) =	sbr.abs _section_cstart, $3  }
0xc1: {  	[dreg:$0x1] =	wrdreg $0xFFFFFFFF  }
0xc2: {  	_ =	task.clear_ibuf [dreg:s7], $0x2FFFF;
	_ =	strace $0x9FFFFFFF  }
0xc3: {  	(tm) =	ssettm $0x7FFFFFFF  }
tec
execute0_lowered:
.L_overlay_start_1:
0x0: {  	(tag) =	ssettag $0x1  }
0x1: {  	s2 =	rddreg [dreg:$0x0]  }
0x2: {  	s0 =	rddreg [dreg:$0x1]  }
0x3: {  	s3 =	rddreg [dreg:$0x2];
	s1 =	stileid.u32;
	s4 =	simm.s32 $0x0  }
0x4: {  	s6 =	srdreg.scid;
	s16 =	simm.s32 $0x7;
	s17 =	simm.s32 $0x1  }
0x5: {  	s18 =	simm.s32 $0x2;
	s19 =	simm.s32 $0x80;
	s20 =	simm.s32 $0x7000  }
0x6: {  	s21 =	simm.s32 $0x3;
	s22 =	simm.s32 $0x4;
	s23 =	simm.s32 $0x5  }
0x7: {  	s25 =	simm.s32 $0x6;
	s26 =	simm.s32 $0x0;
	s5 =	smul.u32 $0x900, s1  }
0x8: {  	[smem:$0x7FF] =	sst s4;
	s15 =	sand.u32 $0x1, s6;
	s8 =	smul.u32 $0x50000, s1  }
0x9: {  	s29 =	sshll.u32 s1, $0x8;
	s24 =	smul.u32 $0x2800, s1;
	_ =	strace $0x8000004A  }
0xa: {  	s28 =	smul.u32 $0x28000, s15;
	s7 =	ssub.s32 $0x2, s15;
	s6 =	sadd.s32 s29, s0  }
0xb: {  	p0 =	sne.s32 s15, $0x0;
	s15 =	simm.s32 $0x3000;
	s9 =	sadd.s32 s5, s0  }
0xc: {  	s30 =	sshrl.u32 s7, $0x1;
	s31 =	sadd.s32 $0x57200, s6;
	s8 =	sshrl.u32 s8, $0x2  }
.Ltmp0:
0xd: {  	s6 =	sadd.s32 $0x58200, s6;
	s0 =	sadd.s32 s28, s0;
	(pc) =	sbr.rel .LBB2_1-.Ltmp0, $4  }
0xe: {  	s14 =	ssub.s32 s7, s30;
	[dreg:$0x4] =	wrdreg s31;
	s8 =	sadd.s32 s8, s3  }
0xf: {  	s7 =	sadd.s32 $0x62200, s9;
	s9 =	sadd.s32 $0x59200, s9;
	s10 =	sadd.s32 $0x4000, s8  }
0x10: {  	s11 =	sadd.s32 $0x8000, s8;
	s12 =	sadd.s32 $0xC000, s8;
	s0 =	sadd.s32 $0x6B200, s0  }
0x11: {  	v0 =	vimm.f32 $0.0e+00;
	s13 =	sadd.s32 $0x10000, s8;
	s14 =	smax.u32 s14, $0x1;
	s24 =	sadd.s32 s24, s0  }
.LBB2_10:
0x12: {  	_ =	swait.ge [sflag:s17], $0x800  }
0x13: {  	[sflag:s17] =	ssyncset.done $0x0  }
0x14: {  	[sflag:s17] =	ssyncadd.s32 $0xFFFFF800  }
0x15: {  	_ =	swait.ge [sflag:s18], $0x800  }
0x16: {  	[sflag:s18] =	ssyncset.done $0x0  }
0x17: {  	[sflag:s18] =	ssyncadd.s32 $0xFFFFF800  }
0x18: {  	[tilespmem:s15], [sflag:$0x3] =	stream.indirect.gather [hbm4b:s2+s19], $0x80, s4, s19, $0xb8;
	[tilespmem:$0x1F000] =	vst v63  }
0x19: {  	_ = 	snop  }
0x1a: {  	[tilespmem:s20], [sflag:$0x4] =	stream.indirect.gather [hbm4b:s2+s19], $0x80, s19, s19, $0xb8;
	[tilespmem:$0x1F000] =	vst v63  }
0x1b: {  	_ =	swait.ge [sflag:s21], $0x4000  }
0x1c: {  	[sflag:s21] =	ssyncset.done $0x0  }
0x1d: {  	s0 =	simm.s32 $0x1800;
	[sflag:s21] =	ssyncadd.s32 $0xFFFFC000  }
0x1e: {  	[spmem:s3] =	stream.indirect.scatter.add.f32 [tilespmem:s15], [sflag:$0x5], $0x80, s0, s19, $0xb8;
	[tilespmem:$0x1F000] =	vst v63  }
0x1f: {  	_ =	swait.ge [sflag:s22], $0x4000  }
0x20: {  	[sflag:s22] =	ssyncset.done $0x0  }
0x21: {  	s5 =	simm.s32 $0x1880;
	[sflag:s22] =	ssyncadd.s32 $0xFFFFC000  }
0x22: {  	[spmem:s3] =	stream.indirect.scatter.add.f32 [tilespmem:s20], [sflag:$0x6], $0x80, s5, s19, $0xb8;
	[tilespmem:$0x1F000] =	vst v63  }
0x23: {  	_ =	swait.ge [sflag:s23], $0x4000  }
0x24: {  	[sflag:s23] =	ssyncset.done $0x0  }
0x25: {  	s28 =	simm.s32 $0x100;
	[sflag:s23] =	ssyncadd.s32 $0xFFFFC000  }
0x26: {  	[tilespmem:s15], [sflag:$0x3] =	stream.indirect.gather [hbm4b:s2+s19], $0x80, s28, s19, $0xb8;
	[tilespmem:$0x1F000] =	vst v63  }
0x27: {  	_ =	swait.ge [sflag:s25], $0x4000  }
0x28: {  	[sflag:s25] =	ssyncset.done $0x0  }
0x29: {  	s29 =	simm.s32 $0x180;
	[sflag:s25] =	ssyncadd.s32 $0xFFFFC000  }
0x2a: {  	[tilespmem:s20], [sflag:$0x4] =	stream.indirect.gather [hbm4b:s2+s19], $0x80, s29, s19, $0xb8;
	[tilespmem:$0x1F000] =	vst v63  }
0x2b: {  	_ =	swait.ge [sflag:s21], $0x4000  }
0x2c: {  	[sflag:s21] =	ssyncset.done $0x0  }
0x2d: {  	s30 =	simm.s32 $0x1900;
	[sflag:s21] =	ssyncadd.s32 $0xFFFFC000  }
0x2e: {  	[spmem:s3] =	stream.indirect.scatter.add.f32 [tilespmem:s15], [sflag:$0x5], $0x80, s30, s19, $0xb8;
	[tilespmem:$0x1F000] =	vst v63  }
0x2f: {  	_ =	swait.ge [sflag:s22], $0x4000  }
0x30: {  	[sflag:s22] =	ssyncset.done $0x0  }
0x31: {  	s31 =	simm.s32 $0x1980;
	[sflag:s22] =	ssyncadd.s32 $0xFFFFC000  }
0x32: {  	[spmem:s3] =	stream.indirect.scatter.add.f32 [tilespmem:s20], [sflag:$0x6], $0x80, s31, s19, $0xb8;
	[tilespmem:$0x1F000] =	vst v63  }
0x33: {  	_ =	swait.ge [sflag:s23], $0x4000  }
0x34: {  	[sflag:s23] =	ssyncset.done $0x0  }
0x35: {  	s1 =	simm.s32 $0x200;
	[sflag:s23] =	ssyncadd.s32 $0xFFFFC000  }
0x36: {  	[tilespmem:s15], [sflag:$0x3] =	stream.indirect.gather [hbm4b:s2+s19], $0x80, s1, s19, $0xb8;
	[tilespmem:$0x1F000] =	vst v63  }
0x37: {  	_ =	swait.ge [sflag:s25], $0x4000  }
0x38: {  	[sflag:s25] =	ssyncset.done $0x0  }
0x39: {  	s5 =	simm.s32 $0x280;
	[sflag:s25] =	ssyncadd.s32 $0xFFFFC000  }
0x3a: {  	[tilespmem:s20], [sflag:$0x4] =	stream.indirect.gather [hbm4b:s2+s19], $0x80, s5, s19, $0xb8;
	[tilespmem:$0x1F000] =	vst v63  }
0x3b: {  	_ =	swait.ge [sflag:s21], $0x4000  }
0x3c: {  	[sflag:s21] =	ssyncset.done $0x0  }
0x3d: {  	s28 =	simm.s32 $0x1A00;
	[sflag:s21] =	ssyncadd.s32 $0xFFFFC000  }
0x3e: {  	[spmem:s3] =	stream.indirect.scatter.add.f32 [tilespmem:s15], [sflag:$0x5], $0x80, s28, s19, $0xb8;
	[tilespmem:$0x1F000] =	vst v63  }
0x3f: {  	_ =	swait.ge [sflag:s22], $0x4000  }
0x40: {  	[sflag:s22] =	ssyncset.done $0x0  }
0x41: {  	s29 =	simm.s32 $0x1A80;
	[sflag:s22] =	ssyncadd.s32 $0xFFFFC000  }
0x42: {  	[spmem:s3] =	stream.indirect.scatter.add.f32 [tilespmem:s20], [sflag:$0x6], $0x80, s29, s19, $0xb8;
	[tilespmem:$0x1F000] =	vst v63  }
0x43: {  	_ =	swait.ge [sflag:s23], $0x4000  }
0x44: {  	[sflag:s23] =	ssyncset.done $0x0  }
0x45: {  	s30 =	simm.s32 $0x300;
	[sflag:s23] =	ssyncadd.s32 $0xFFFFC000  }
0x46: {  	[tilespmem:s15], [sflag:$0x3] =	stream.indirect.gather [hbm4b:s2+s19], $0x80, s30, s19, $0xb8;
	[tilespmem:$0x1F000] =	vst v63  }
0x47: {  	_ =	swait.ge [sflag:s25], $0x4000  }
0x48: {  	[sflag:s25] =	ssyncset.done $0x0  }
0x49: {  	s31 =	simm.s32 $0x380;
	[sflag:s25] =	ssyncadd.s32 $0xFFFFC000  }
0x4a: {  	[tilespmem:s20], [sflag:$0x4] =	stream.indirect.gather [hbm4b:s2+s19], $0x80, s31, s19, $0xb8;
	[tilespmem:$0x1F000] =	vst v63  }
0x4b: {  	_ =	swait.ge [sflag:s21], $0x4000  }
0x4c: {  	[sflag:s21] =	ssyncset.done $0x0  }
0x4d: {  	s1 =	simm.s32 $0x1B00;
	[sflag:s21] =	ssyncadd.s32 $0xFFFFC000  }
0x4e: {  	[spmem:s3] =	stream.indirect.scatter.add.f32 [tilespmem:s15], [sflag:$0x5], $0x80, s1, s19, $0xb8;
	[tilespmem:$0x1F000] =	vst v63  }
0x4f: {  	_ =	swait.ge [sflag:s22], $0x4000  }
0x50: {  	[sflag:s22] =	ssyncset.done $0x0  }
0x51: {  	s5 =	simm.s32 $0x1B80;
	[sflag:s22] =	ssyncadd.s32 $0xFFFFC000  }
0x52: {  	[spmem:s3] =	stream.indirect.scatter.add.f32 [tilespmem:s20], [sflag:$0x6], $0x80, s5, s19, $0xb8;
	[tilespmem:$0x1F000] =	vst v63  }
0x53: {  	_ =	swait.ge [sflag:s23], $0x4000  }
0x54: {  	[sflag:s23] =	ssyncset.done $0x0  }
0x55: {  	s28 =	simm.s32 $0x400;
	[sflag:s23] =	ssyncadd.s32 $0xFFFFC000  }
0x56: {  	[tilespmem:s15], [sflag:$0x3] =	stream.indirect.gather [hbm4b:s2+s19], $0x80, s28, s19, $0xb8;
	[tilespmem:$0x1F000] =	vst v63  }
0x57: {  	_ =	swait.ge [sflag:s25], $0x4000  }
0x58: {  	[sflag:s25] =	ssyncset.done $0x0  }
0x59: {  	s29 =	simm.s32 $0x480;
	[sflag:s25] =	ssyncadd.s32 $0xFFFFC000  }
0x5a: {  	[tilespmem:s20], [sflag:$0x4] =	stream.indirect.gather [hbm4b:s2+s19], $0x80, s29, s19, $0xb8;
	[tilespmem:$0x1F000] =	vst v63  }
0x5b: {  	_ =	swait.ge [sflag:s21], $0x4000  }
0x5c: {  	[sflag:s21] =	ssyncset.done $0x0  }
0x5d: {  	s30 =	simm.s32 $0x1C00;
	[sflag:s21] =	ssyncadd.s32 $0xFFFFC000  }
0x5e: {  	[spmem:s3] =	stream.indirect.scatter.add.f32 [tilespmem:s15], [sflag:$0x5], $0x80, s30, s19, $0xb8;
	[tilespmem:$0x1F000] =	vst v63  }
0x5f: {  	_ =	swait.ge [sflag:s22], $0x4000  }
0x60: {  	[sflag:s22] =	ssyncset.done $0x0  }
0x61: {  	s31 =	simm.s32 $0x1C80;
	[sflag:s22] =	ssyncadd.s32 $0xFFFFC000  }
0x62: {  	[spmem:s3] =	stream.indirect.scatter.add.f32 [tilespmem:s20], [sflag:$0x6], $0x80, s31, s19, $0xb8;
	[tilespmem:$0x1F000] =	vst v63  }
0x63: {  	_ =	swait.ge [sflag:s23], $0x4000  }
0x64: {  	[sflag:s23] =	ssyncset.done $0x0  }
0x65: {  	s1 =	simm.s32 $0x500;
	[sflag:s23] =	ssyncadd.s32 $0xFFFFC000  }
0x66: {  	[tilespmem:s15], [sflag:$0x3] =	stream.indirect.gather [hbm4b:s2+s19], $0x80, s1, s19, $0xb8;
	[tilespmem:$0x1F000] =	vst v63  }
0x67: {  	_ =	swait.ge [sflag:s25], $0x4000  }
0x68: {  	[sflag:s25] =	ssyncset.done $0x0  }
0x69: {  	s5 =	simm.s32 $0x580;
	[sflag:s25] =	ssyncadd.s32 $0xFFFFC000  }
0x6a: {  	[tilespmem:s20], [sflag:$0x4] =	stream.indirect.gather [hbm4b:s2+s19], $0x80, s5, s19, $0xb8;
	[tilespmem:$0x1F000] =	vst v63  }
0x6b: {  	_ =	swait.ge [sflag:s21], $0x4000  }
0x6c: {  	[sflag:s21] =	ssyncset.done $0x0  }
0x6d: {  	s28 =	simm.s32 $0x1D00;
	[sflag:s21] =	ssyncadd.s32 $0xFFFFC000  }
0x6e: {  	[spmem:s3] =	stream.indirect.scatter.add.f32 [tilespmem:s15], [sflag:$0x5], $0x80, s28, s19, $0xb8;
	[tilespmem:$0x1F000] =	vst v63  }
0x6f: {  	_ =	swait.ge [sflag:s22], $0x4000  }
0x70: {  	[sflag:s22] =	ssyncset.done $0x0  }
0x71: {  	s29 =	simm.s32 $0x1D80;
	[sflag:s22] =	ssyncadd.s32 $0xFFFFC000  }
0x72: {  	[spmem:s3] =	stream.indirect.scatter.add.f32 [tilespmem:s20], [sflag:$0x6], $0x80, s29, s19, $0xb8;
	[tilespmem:$0x1F000] =	vst v63  }
0x73: {  	_ =	swait.ge [sflag:s23], $0x4000  }
0x74: {  	[sflag:s23] =	ssyncset.done $0x0  }
0x75: {  	s30 =	simm.s32 $0x600;
	[sflag:s23] =	ssyncadd.s32 $0xFFFFC000  }
0x76: {  	[tilespmem:s15], [sflag:$0x3] =	stream.indirect.gather [hbm4b:s2+s19], $0x80, s30, s19, $0xb8;
	[tilespmem:$0x1F000] =	vst v63  }
0x77: {  	_ =	swait.ge [sflag:s25], $0x4000  }
0x78: {  	[sflag:s25] =	ssyncset.done $0x0  }
0x79: {  	s31 =	simm.s32 $0x680;
	[sflag:s25] =	ssyncadd.s32 $0xFFFFC000  }
0x7a: {  	[tilespmem:s20], [sflag:$0x4] =	stream.indirect.gather [hbm4b:s2+s19], $0x80, s31, s19, $0xb8;
	[tilespmem:$0x1F000] =	vst v63  }
0x7b: {  	_ =	swait.ge [sflag:s21], $0x4000  }
0x7c: {  	[sflag:s21] =	ssyncset.done $0x0  }
0x7d: {  	s1 =	simm.s32 $0x1E00;
	[sflag:s21] =	ssyncadd.s32 $0xFFFFC000  }
0x7e: {  	[spmem:s3] =	stream.indirect.scatter.add.f32 [tilespmem:s15], [sflag:$0x5], $0x80, s1, s19, $0xb8;
	[tilespmem:$0x1F000] =	vst v63  }
0x7f: {  	_ =	swait.ge [sflag:s22], $0x4000  }
0x80: {  	[sflag:s22] =	ssyncset.done $0x0  }
0x81: {  	s5 =	simm.s32 $0x1E80;
	[sflag:s22] =	ssyncadd.s32 $0xFFFFC000  }
0x82: {  	[spmem:s3] =	stream.indirect.scatter.add.f32 [tilespmem:s20], [sflag:$0x6], $0x80, s5, s19, $0xb8;
	[tilespmem:$0x1F000] =	vst v63  }
0x83: {  	_ =	swait.ge [sflag:s23], $0x4000  }
0x84: {  	[sflag:s23] =	ssyncset.done $0x0  }
0x85: {  	s28 =	simm.s32 $0x700;
	[sflag:s23] =	ssyncadd.s32 $0xFFFFC000  }
0x86: {  	[tilespmem:s15], [sflag:$0x3] =	stream.indirect.gather [hbm4b:s2+s19], $0x80, s28, s19, $0xb8;
	[tilespmem:$0x1F000] =	vst v63  }
0x87: {  	_ =	swait.ge [sflag:s25], $0x4000  }
0x88: {  	[sflag:s25] =	ssyncset.done $0x0  }
0x89: {  	s29 =	simm.s32 $0x780;
	[sflag:s25] =	ssyncadd.s32 $0xFFFFC000  }
0x8a: {  	[tilespmem:s20], [sflag:$0x4] =	stream.indirect.gather [hbm4b:s2+s19], $0x80, s29, s19, $0xb8;
	[tilespmem:$0x1F000] =	vst v63  }
0x8b: {  	_ =	swait.ge [sflag:s21], $0x4000  }
0x8c: {  	[sflag:s21] =	ssyncset.done $0x0  }
0x8d: {  	s30 =	simm.s32 $0x1F00;
	[sflag:s21] =	ssyncadd.s32 $0xFFFFC000  }
0x8e: {  	[spmem:s3] =	stream.indirect.scatter.add.f32 [tilespmem:s15], [sflag:$0x5], $0x80, s30, s19, $0xb8;
	[tilespmem:$0x1F000] =	vst v63  }
0x8f: {  	_ =	swait.ge [sflag:s22], $0x4000  }
0x90: {  	[sflag:s22] =	ssyncset.done $0x0  }
0x91: {  	s31 =	simm.s32 $0x1F80;
	[sflag:s22] =	ssyncadd.s32 $0xFFFFC000  }
0x92: {  	[spmem:s3] =	stream.indirect.scatter.add.f32 [tilespmem:s20], [sflag:$0x6], $0x80, s31, s19, $0xb8;
	[tilespmem:$0x1F000] =	vst v63  }
0x93: {  	_ =	swait.ge [sflag:s23], $0x4000  }
0x94: {  	[sflag:s23] =	ssyncset.done $0x0  }
0x95: {  	[sflag:s23] =	ssyncadd.s32 $0xFFFFC000  }
.LBB2_11:
0x96: {  	_ =	swait.ge [sflag:s25], $0x4000;
	s0 =	stileid.u32  }
0x97: {  	s1 =	sshrl.u32 s8, $0x3;
	s26 =	sadd.s32 $0x1, s26;
	[sflag:s25] =	ssyncset.done $0x0  }
0x98: {  	s0 =	sshll.u32 s0, $0x6;
	p1 =	sne.s32 s26, s14;
	[sflag:s25] =	ssyncadd.s32 $0xFFFFC000  }
.Ltmp1:
0x99: {  	s0 =	sor.u32 $0x1C07, s0;
	[bflag:$0x0] =	sbarrier.arrive $0xFFFF;
	(pc) =	sbr.rel @!p1 .LBB2_12-.Ltmp1, $4  }
0x9a: {  	[hbm:s24], [sflag:s0] =	dma.local [spmem:s1], $0x2800  }
0x9b: {  	_ =	swait.ge [sflag:s16], $0x2800  }
0x9c: {  	[sflag:s16] =	ssyncset.done $0x0  }
0x9d: {  	[sflag:s16] =	ssyncadd.s32 $0xFFFFD800  }
.LBB2_1:
0x9e: {  	s0 =	simm.s32 @p0 $0x0;
	s1 =	rddreg [dreg:$0x4]  }
0x9f: {  	[tilespmem:s0], [sflag:$0x1] =	stream.linear.gather @p0 [hbm4b:s1+s0], $0x800, $0x38;
	[tilespmem:$0x1F000] =	vst v63  }
0xa0: {  	s28 =	simm.s32 @p0 $0x1800  }
0xa1: {  	[tilespmem:s28], [sflag:$0x2] =	stream.linear.gather @p0 [hbm4b:s6+s0], $0x800, $0x38;
	[tilespmem:$0x1F000] =	vst v63  }
0xa2: {  	s0 =	simm.s32 @!p0 $0x0  }
0xa3: {  	[tilespmem:s0], [sflag:$0x1] =	stream.linear.gather @!p0 [hbm4b:s7+s0], $0xC00, $0x38;
	[tilespmem:$0x1F000] =	vst v63  }
0xa4: {  	s28 =	simm.s32 @!p0 $0x1800  }
0xa5: {  	[tilespmem:s28], [sflag:$0x2] =	stream.linear.gather @!p0 [hbm4b:s9+s0], $0xC00, $0x38;
	[tilespmem:$0x1F000] =	vst v63  }
0xa6: {  	s29 =	simm.s32 $0x200;
	s28 =	simm.s32 $0x0  }
.LBB2_2:
0xa7: {  	p1 =	sne.s32 s29, $0xFE00;
	[tilespmem:s28+$0x3070] =	vst v0  }
0xa8: {  	[tilespmem:s28+$0x3000] =	vst v0  }
0xa9: {  	[tilespmem:s28+$0x3010] =	vst v0  }
.Ltmp2:
0xaa: {  	[tilespmem:s28+$0x3020] =	vst v0;
	(pc) =	sbr.rel @p1 .LBB2_2-.Ltmp2, $4  }
0xab: {  	[tilespmem:s28+$0x3030] =	vst v0  }
0xac: {  	[tilespmem:s28+$0x3040] =	vst v0  }
0xad: {  	[tilespmem:s28+$0x3050] =	vst v0  }
0xae: {  	[tilespmem:s28+$0x3060] =	vst v0;
	s28 =	sshra.s32 s29, $0x2;
	s29 =	sadd.s32 $0x200, s29  }
0xaf: {  	[tilespmem:s28+$0x3070] =	vst v0  }
0xb0: {  	[tilespmem:s28+$0x3000] =	vst v0  }
0xb1: {  	[tilespmem:s28+$0x3010] =	vst v0  }
0xb2: {  	[tilespmem:s28+$0x3020] =	vst v0  }
0xb3: {  	[tilespmem:s28+$0x3030] =	vst v0  }
0xb4: {  	[tilespmem:s28+$0x3040] =	vst v0  }
0xb5: {  	[tilespmem:s28+$0x3050] =	vst v0  }
0xb6: {  	[tilespmem:s28+$0x3060] =	vst v0  }
0xb7: {  	[spmem:s8] =	stream.linear.scatter [tilespmem:s15], [sflag:$0x7], $0x4000, $0x38;
	[tilespmem:$0x1F000] =	vst v63  }
0xb8: {  	_ =	swait.ge [sflag:s16], $0x4000  }
0xb9: {  	[sflag:s16] =	ssyncset.done $0x0  }
0xba: {  	[sflag:s16] =	ssyncadd.s32 $0xFFFFC000  }
0xbb: {  	[spmem:s10] =	stream.linear.scatter [tilespmem:s15], [sflag:$0x7], $0x4000, $0x38;
	[tilespmem:$0x1F000] =	vst v63  }
0xbc: {  	_ =	swait.ge [sflag:s16], $0x4000  }
0xbd: {  	[sflag:s16] =	ssyncset.done $0x0  }
0xbe: {  	[sflag:s16] =	ssyncadd.s32 $0xFFFFC000  }
0xbf: {  	[spmem:s11] =	stream.linear.scatter [tilespmem:s15], [sflag:$0x7], $0x4000, $0x38;
	[tilespmem:$0x1F000] =	vst v63  }
0xc0: {  	_ =	swait.ge [sflag:s16], $0x4000  }
0xc1: {  	[sflag:s16] =	ssyncset.done $0x0  }
0xc2: {  	[sflag:s16] =	ssyncadd.s32 $0xFFFFC000  }
0xc3: {  	[spmem:s12] =	stream.linear.scatter [tilespmem:s15], [sflag:$0x7], $0x4000, $0x38;
	[tilespmem:$0x1F000] =	vst v63  }
0xc4: {  	_ =	swait.ge [sflag:s16], $0x4000  }
0xc5: {  	[sflag:s16] =	ssyncset.done $0x0  }
0xc6: {  	[sflag:s16] =	ssyncadd.s32 $0xFFFFC000  }
0xc7: {  	[spmem:s13] =	stream.linear.scatter [tilespmem:s15], [sflag:$0x7], $0x4000, $0x38;
	[tilespmem:$0x1F000] =	vst v63  }
.Ltmp3:
0xc8: {  	_ =	swait.ge [sflag:s16], $0x4000;
	(pc) =	sbr.rel @p0 .LBB2_10-.Ltmp3, $3  }
0xc9: {  	[sflag:s16] =	ssyncset.done $0x0  }
0xca: {  	[sflag:s16] =	ssyncadd.s32 $0xFFFFC000  }
0xcb: {  	[bflag:$0x0] =	sbarrier.arrive $0xFFFF;
	_ =	sdelay $0x1  }
0xcc: {  	_ =	swait.ge [sflag:s17], $0xC00  }
0xcd: {  	[sflag:s17] =	ssyncset.done $0x0  }
0xce: {  	[sflag:s17] =	ssyncadd.s32 $0xFFFFF400  }
0xcf: {  	_ =	swait.ge [sflag:s18], $0xC00  }
0xd0: {  	[sflag:s18] =	ssyncset.done $0x0  }
0xd1: {  	s28 =	simm.s32 $0x0;
	[sflag:s18] =	ssyncadd.s32 $0xFFFFF400  }
0xd2: {  	[tilespmem:s15], [sflag:$0x3] =	stream.indirect.gather [hbm4b:s2+s19], $0x80, s28, s19, $0xb8;
	[tilespmem:$0x1F000] =	vst v63  }
0xd3: {  	_ = 	snop  }
0xd4: {  	[tilespmem:s20], [sflag:$0x4] =	stream.indirect.gather [hbm4b:s2+s19], $0x80, s19, s19, $0xb8;
	[tilespmem:$0x1F000] =	vst v63  }
.LBB2_5:
0xd5: {  	s29 =	sshll.u32 s28, $0x1  }
0xd6: {  	s0 =	sand.u32 $0xFE, s29  }
0xd7: {  	s0 =	smul.u32 $0xAB, s0;
	_ =	sdelay $0x1  }
0xd8: {  	s0 =	sshrl.u32 s0, $0xC  }
0xd9: {  	s0 =	smul.u32 $0x18, s0;
	_ =	sdelay $0x1  }
0xda: {  	p1 =	sgt.u32 s28, $0x3B;
	s30 =	ssub.s32 s29, s0  }
0xdb: {  	s0 =	sand.u32 @!p1 $0xFF, s30  }
0xdc: {  	p2 =	sne.s32 @!p1 s0, $0x0  }
0xdd: {  	p2 =	por p1, p2  }
.Ltmp4:
0xde: {  	_ = 	snop;
	(pc) =	sbr.rel @p2 .LBB2_7-.Ltmp4, $3  }
0xdf: {  	s31 =	sand.u32 $0xFF, s28  }
0xe0: {  	s31 =	smul.u32 $0xAB, s31;
	_ =	sdelay $0x1  }
0xe1: {  	s31 =	sshrl.u32 s31, $0xB  }
0xe2: {  	s0 =	sadd.s32 $0x1, s31  }
0xe3: {  	s1 =	sand.u32 $0x1, s0;
	s0 =	smul.u32 $0x180, s0  }
.Ltmp5:
0xe4: {  	p1 =	seq.s32 s1, $0x1;
	s1 =	simm.s32 $0xC00;
	(pc) =	sbr.rel .LBB2_8-.Ltmp5, $4  }
0xe5: {  	s1 =	simm.s32 @!p1 $0x0;
	s5 =	sadd.s32 s0, s7  }
0xe6: {  	[tilespmem:s1], [sflag:$0x1] =	stream.linear.gather [hbm4b:s5+s4], $0xC00, $0x38;
	[tilespmem:$0x1F000] =	vst v63  }
0xe7: {  	s0 =	sadd.s32 s0, s9;
	s1 =	sadd.s32 $0x1800, s1  }
0xe8: {  	[tilespmem:s1], [sflag:$0x2] =	stream.linear.gather [hbm4b:s0+s4], $0xC00, $0x38;
	[tilespmem:$0x1F000] =	vst v63  }
.LBB2_7:
0xe9: {  	p2 =	sne.s32 @!p1 s0, $0x16  }
0xea: {  	p1 =	por p2, p1  }
0xeb: {  	s0 =	simm.s32 @!p1 $0x1  }
0xec: {  	_ =	swait.ge @!p1 [sflag:s0], $0xC00  }
0xed: {  	[sflag:s0] =	ssyncset.done @!p1 $0x0  }
0xee: {  	[sflag:s0] =	ssyncadd.s32 @!p1 $0xFFFFF400;
	s0 =	simm.s32 @!p1 $0x2  }
0xef: {  	_ =	swait.ge @!p1 [sflag:s0], $0xC00  }
0xf0: {  	[sflag:s0] =	ssyncset.done @!p1 $0x0  }
0xf1: {  	[sflag:s0] =	ssyncadd.s32 @!p1 $0xFFFFF400  }
.LBB2_8:
0xf2: {  	s0 =	sand.u32 $0x1, s31  }
0xf3: {  	s1 =	sand.u32 $0xFE, s30;
	p1 =	seq.s32 s0, $0x1;
	s0 =	simm.s32 $0xC00  }
0xf4: {  	_ =	swait.ge [sflag:s21], $0x4000;
	s1 =	sshll.u32 s1, $0x7;
	s0 =	simm.s32 @!p1 $0x0  }
0xf5: {  	[sflag:s21] =	ssyncset.done $0x0;
	s0 =	sadd.s32 s1, s0  }
0xf6: {  	[sflag:s21] =	ssyncadd.s32 $0xFFFFC000;
	s1 =	sadd.s32 $0x1800, s0  }
0xf7: {  	[spmem:s3] =	stream.indirect.scatter.add.f32 [tilespmem:s15], [sflag:$0x5], $0x80, s1, s19, $0xb8;
	[tilespmem:$0x1F000] =	vst v63  }
0xf8: {  	_ =	swait.ge [sflag:s22], $0x4000  }
0xf9: {  	p1 =	seq.s32 s28, $0x47;
	[sflag:s22] =	ssyncset.done $0x0  }
.Ltmp6:
0xfa: {  	s0 =	sadd.s32 $0x1880, s0;
	[sflag:s22] =	ssyncadd.s32 $0xFFFFC000;
	(pc) =	sbr.rel @p1 .LBB2_11-.Ltmp6, $4  }
0xfb: {  	[spmem:s3] =	stream.indirect.scatter.add.f32 [tilespmem:s20], [sflag:$0x6], $0x80, s0, s19, $0xb8;
	[tilespmem:$0x1F000] =	vst v63  }
0xfc: {  	_ =	swait.ge [sflag:s23], $0x4000  }
0xfd: {  	[sflag:s23] =	ssyncset.done $0x0  }
0xfe: {  	[sflag:s23] =	ssyncadd.s32 $0xFFFFC000  }
0xff: {  	s0 =	sadd.s32 $0x2, s29  }
0x100: {  	s1 =	sand.u32 $0xFF, s0  }
0x101: {  	s29 =	sadd.s32 $0x3, s29;
	s1 =	smul.u32 $0xAB, s1  }
0x102: {  	s30 =	sand.u32 $0xFF, s29  }
0x103: {  	s30 =	smul.u32 $0xAB, s30;
	s1 =	sshrl.u32 s1, $0xC  }
0x104: {  	s5 =	smul.u32 $0x18, s1  }
0x105: {  	s1 =	sand.u32 $0x1, s1  }
0x106: {  	p1 =	seq.s32 s1, $0x1;
	s0 =	ssub.s32 s0, s5;
	s5 =	sshrl.u32 s30, $0xC  }
0x107: {  	s1 =	simm.s32 $0xC00;
	s0 =	sand.u32 $0xFF, s0;
	s31 =	smul.u32 $0x18, s5  }
0x108: {  	s1 =	simm.s32 @!p1 $0x0;
	s0 =	sshll.u32 s0, $0x7  }
0x109: {  	s0 =	sadd.s32 s0, s1;
	s30 =	ssub.s32 s29, s31  }
0x10a: {  	[tilespmem:s15], [sflag:$0x3] =	stream.indirect.gather [hbm4b:s2+s19], $0x80, s0, s19, $0xb8;
	[tilespmem:$0x1F000] =	vst v63  }
.Ltmp7:
0x10b: {  	s31 =	sand.u32 $0x1, s5;
	s1 =	simm.s32 $0xC00;
	(pc) =	sbr.rel .LBB2_5-.Ltmp7, $4  }
0x10c: {  	s0 =	sand.u32 $0xFF, s30;
	p1 =	seq.s32 s31, $0x1;
	_ =	swait.ge [sflag:s25], $0x4000  }
0x10d: {  	s1 =	simm.s32 @!p1 $0x0;
	s0 =	sshll.u32 s0, $0x7;
	[sflag:s25] =	ssyncset.done $0x0  }
0x10e: {  	s28 =	sadd.s32 $0x1, s28;
	s0 =	sadd.s32 s0, s1;
	[sflag:s25] =	ssyncadd.s32 $0xFFFFC000  }
0x10f: {  	[tilespmem:s20], [sflag:$0x4] =	stream.indirect.gather [hbm4b:s2+s19], $0x80, s0, s19, $0xb8;
	[tilespmem:$0x1F000] =	vst v63  }
.LBB2_12:
0x110: {  	_ =	sfence.sel $0x180000  }
0x111: {  	[bflag:$0x0] =	sbarrier.arrive $0xFFFF  }
0x112: {  	_ =	strace $0x9000004A  }
0x113: {  	s0 =	stileid.u32;
	[bflag:$0x2] =	sbarrier.arrive $0xFFFF  }
0x114: {  	p0 =	sne.s32 s0, $0x0;
	s0 =	rddreg [dreg:$0x3]  }
0x115: {  	s0 =	sadd.s32 @!p0 $0x100000, s0  }
0x116: {  	[sflag:s0] =	ssyncadd.tile.s32 @!p0 $0x1;
	_ =	shalt  }
.Lfunc_end2:
_tile_overlayer_lowered:
.L_overlay_start_2:
0x117: {  	(tag) =	ssettag $0x2  }
0x118: {  	s0 =	rddreg [dreg:$0x0];
	s2 =	stileid.u32  }
0x119: {  	s1 =	rddreg [dreg:$0x1];
	p0 =	sne.s32 s2, $0x0  }
0x11a: {  	s3 =	rddreg [dreg:$0x2];
	[bflag:$0x3] =	sbarrier.arrive $0xFFFF;
	s2 =	simm.s32 @!p0 $0x1C07  }
0x11b: {  	[timem:s3], [sflag:s2] =	dma.local @!p0 [hbm:s0], s1  }
0x11c: {  	s0 =	simm.s32 @!p0 $0x7  }
0x11d: {  	_ =	swait.ge @!p0 [sflag:s0], s1  }
0x11e: {  	s1 =	ssub.s32 @!p0 $0x0, s1;
	[sflag:s0] =	ssyncset.done @!p0 $0x0  }
0x11f: {  	[sflag:s0] =	ssyncadd.s32 @!p0 s1  }
0x120: {  	[bflag:$0x3] =	sbarrier.arrive $0xFFFF  }
0x121: {  	_ =	shalt  }

// kernel: kernel.14.cloned.1.call-start
scs
__scs_entry_jumppad:
0x0: {  	(pc) =	sbr.rel $0x88, $3  }
0x1: {  	(tag) =	ssettag $0x0;
	lr =	simm.s32 $0x1  }
0x2: {  	[smem:$0x3F97] =	sst lr;
	_ =	strace $0xD0000000  }
0x3: {  	_ = 	snop  }
0x4: {  	_ = 	snop  }
0x5: {  	_ = 	snop  }
0x6: {  	_ = 	snop  }
0x7: {  	_ = 	snop  }
__scs_overlays_trampoline_lowered:
0x8: {  	[smem:$0x3FA6] =	sst s0  }
0x9: {  	[smem:$0x3FA7] =	sst s1  }
0xa: {  	[smem:$0x3FA8] =	sst s2  }
0xb: {  	[smem:$0x3FA9] =	sst s3  }
0xc: {  	[smem:$0x3FAA] =	sst s4  }
0xd: {  	[smem:$0x3FAB] =	sst s5  }
0xe: {  	[smem:$0x3FAC] =	sst s6  }
0xf: {  	[smem:$0x3FAD] =	sst s7  }
0x10: {  	[smem:$0x3FAE] =	sst s8  }
0x11: {  	[smem:$0x3FAF] =	sst s9;
	s0 =	simm.s32 @!p0 $0x0  }
0x12: {  	s1 =	sld [smem:$0x3F95];
	s0 =	simm.s32 @p0 $0x1  }
0x13: {  	[smem:$0x3FB0] =	sst s0;
	s0 =	simm.s32 @!p1 $0x0  }
0x14: {  	s2 =	sld [smem:$0x3F94];
	s0 =	simm.s32 @p1 $0x1  }
0x15: {  	[smem:$0x3FB1] =	sst s0;
	s0 =	simm.s32 @!p2 $0x0  }
0x16: {  	s3 =	sld [smem:$0x3FDB];
	s0 =	simm.s32 @p2 $0x1  }
0x17: {  	s4 =	simm.s32 $0x1BF5;
	[smem:$0x3FB3] =	sst s0  }
0x18: {  	s0 =	sld [smem:$0x3F96];
	_ =	swait.ge [sflag:s4], $0x0  }
0x19: {  	s7 =	sld [smem:$0x3F97]  }
0x1a: {  	s8 =	sadd.s32 $0xFFFFE003, lr  }
0x1b: {  	s9 =	sadd.s32 $0xFFFFFEF7, lr;
	s5 =	simm.s32 $0xFFFFFFFF;
	p2 =	slt.u32 s8, $0xFFFFF086  }
0x1c: {  	p1 =	slt.u32 s9, $0xF7A;
	s5 =	simm.s32 @!p2 $0x0  }
0x1d: {  	s5 =	simm.s32 @p1 $0x1;
	p0 =	seq.s32 s7, s2  }
0x1e: {  	s7 =	smul.u32 @!p0 $0xF7A, s2;
	p2 =	seq.s32 @!p0 s5, $0x0  }
0x1f: {  	s9 =	smul.u32 $0xF7A, s1;
	s8 =	simm.s32 @!p0 $0x1BF5;
	p2 =	por !p2, p0  }
0x20: {  	[sflag:s8] =	ssyncset.s32 @!p0 $0xFFFFF086;
	s6 =	sadd.s32 @!p0 s3, s7;
	s7 =	simm.s32 @!p0 $0x108  }
0x21: {  	s3 =	sadd.s32 s3, s9;
	s6 =	sadd.s32 @!p0 $0x88, s6;
	s7 =	simm.s32 @p2 $0x1082  }
0x22: {  	[simem:s7], [sflag:s8] =	dma.local @!p0 [hbm:s6], $0xF7A  }
0x23: {  	s9 =	sor.u32 $0xD0000000, s2;
	s6 =	simm.s32 $0x108;
	_ =	swait.ge @!p0 [sflag:s8], $0x0  }
0x24: {  	s3 =	sadd.s32 $0x88, s3;
	s6 =	simm.s32 @!p1 $0x1082;
	[sflag:s4] =	ssyncset.s32 $0xFFFFF086  }
0x25: {  	[simem:s6], [sflag:s4] =	dma.local [hbm:s3], $0xF7A  }
0x26: {  	[smem:$0x3F97] =	sst s1;
	(tag) =	ssettag s2;
	_ =	strace s9  }
0x27: {  	s1 =	sld [smem:$0x3FA7]  }
0x28: {  	s2 =	sld [smem:$0x3FA8]  }
0x29: {  	s4 =	sld [smem:$0x3FAA]  }
0x2a: {  	p0 =	seq.s32 s5, $0x0;
	s5 =	sld [smem:$0x3FAB]  }
0x2b: {  	s6 =	sld [smem:$0x3FAC]  }
0x2c: {  	s7 =	sld [smem:$0x3FAD]  }
0x2d: {  	s3 =	simm.s32 $0x108;
	s8 =	sld [smem:$0x3FAE]  }
0x2e: {  	s3 =	simm.s32 @!p0 $0x1082;
	s9 =	sld [smem:$0x3FAF]  }
0x2f: {  	lr =	sadd.s32 s0, s3;
	s0 =	sld [smem:$0x3FA6]  }
0x30: {  	s3 =	sld [smem:$0x3FA9]  }
0x31: {  	[smem:$0x3FB2] =	sst s10  }
0x32: {  	s10 =	sld [smem:$0x3FB0];
	_ =	sdelay $0x3  }
0x33: {  	p0 =	seq.s32 s10, $0x1;
	s10 =	sld [smem:$0x3FB2];
	_ =	sdelay $0x3  }
0x34: {  	[smem:$0x3FB2] =	sst s10  }
0x35: {  	s10 =	sld [smem:$0x3FB1];
	_ =	sdelay $0x3  }
0x36: {  	p1 =	seq.s32 s10, $0x1;
	s10 =	sld [smem:$0x3FB2];
	_ =	sdelay $0x3  }
0x37: {  	[smem:$0x3FB2] =	sst s10  }
0x38: {  	s10 =	sld [smem:$0x3FB3]  }
0x39: {  	_ = 	snop;
	(pc) =	sbr.ind lr, $3  }
0x3a: {  	_ = 	snop  }
0x3b: {  	_ = 	snop  }
0x3c: {  	p2 =	seq.s32 s10, $0x1;
	s10 =	sld [smem:$0x3FB2]  }
0x3d: {  	_ =	shalt  }
0x3e: {  	_ =	shalt  }
0x3f: {  	_ =	shalt  }
0x40: {  	_ =	shalt  }
0x41: {  	_ =	shalt  }
0x42: {  	_ =	shalt  }
0x43: {  	_ =	shalt  }
0x44: {  	_ =	shalt  }
0x45: {  	_ =	shalt  }
0x46: {  	_ =	shalt  }
0x47: {  	_ =	shalt  }
0x48: {  	_ =	shalt  }
0x49: {  	_ =	shalt  }
0x4a: {  	_ =	shalt  }
0x4b: {  	_ =	shalt  }
0x4c: {  	_ =	shalt  }
0x4d: {  	_ =	shalt  }
0x4e: {  	_ =	shalt  }
0x4f: {  	_ =	shalt  }
0x50: {  	_ =	shalt  }
0x51: {  	_ =	shalt  }
0x52: {  	_ =	shalt  }
0x53: {  	_ =	shalt  }
0x54: {  	_ =	shalt  }
0x55: {  	_ =	shalt  }
0x56: {  	_ =	shalt  }
0x57: {  	_ =	shalt  }
0x58: {  	_ =	shalt  }
0x59: {  	_ =	shalt  }
0x5a: {  	_ =	shalt  }
0x5b: {  	_ =	shalt  }
0x5c: {  	_ =	shalt  }
0x5d: {  	_ =	shalt  }
0x5e: {  	_ =	shalt  }
0x5f: {  	_ =	shalt  }
0x60: {  	_ =	shalt  }
0x61: {  	_ =	shalt  }
0x62: {  	_ =	shalt  }
0x63: {  	_ =	shalt  }
0x64: {  	_ =	shalt  }
0x65: {  	_ =	shalt  }
0x66: {  	_ =	shalt  }
0x67: {  	_ =	shalt  }
0x68: {  	_ =	shalt  }
0x69: {  	_ =	shalt  }
0x6a: {  	_ =	shalt  }
0x6b: {  	_ =	shalt  }
0x6c: {  	_ =	shalt  }
0x6d: {  	_ =	shalt  }
0x6e: {  	_ =	shalt  }
0x6f: {  	_ =	shalt  }
0x70: {  	_ =	shalt  }
0x71: {  	_ =	shalt  }
0x72: {  	_ =	shalt  }
0x73: {  	_ =	shalt  }
0x74: {  	_ =	shalt  }
0x75: {  	_ =	shalt  }
0x76: {  	_ =	shalt  }
0x77: {  	_ =	shalt  }
0x78: {  	_ =	shalt  }
0x79: {  	_ =	shalt  }
0x7a: {  	_ =	shalt  }
0x7b: {  	_ =	shalt  }
0x7c: {  	_ =	shalt  }
0x7d: {  	_ =	shalt  }
0x7e: {  	_ =	shalt  }
0x7f: {  	_ =	shalt  }
0x80: {  	_ =	shalt  }
0x81: {  	_ =	shalt  }
0x82: {  	_ =	shalt  }
0x83: {  	_ =	shalt  }
0x84: {  	_ =	shalt  }
0x85: {  	_ =	shalt  }
0x86: {  	_ =	shalt  }
0x87: {  	_ =	shalt  }
.Lfunc_end0:
.L_simem_size_0:
called_computation.2_lowered:
.L_overlay_start_0:
0x88: {  	s2 =	sld [smem:$0x3FD9]  }
0x89: {  	s3 =	sld [smem:$0x3FFE];
	_ =	sdelay $0x1  }
0x8a: {  	s1 =	srdreg.scid  }
0x8b: {  	s0 =	sand.u32 $0x1, s1  }
0x8c: {  	s17 =	sshll.u32 s0, $0xA;
	s2 =	sadd.s32 s3, s2  }
0x8d: {  	s2 =	sadd.s32 s2, s17  }
0x8e: {  	[smem:$0x3FBE] =	sst s2  }
0x8f: {  	_ = 	snop  }
0x90: {  	s2 =	sld [smem:$0x3FD0];
	(tm) =	ssettm $0x1  }
0x91: {  	s18 =	sld [smem:$0x3FFB];
	_ =	sdelay $0x3  }
0x92: {  	_ =	strace s18  }
0x93: {  	s3 =	sld [smem:$0x3FFC];
	_ =	sdelay $0x3  }
0x94: {  	_ =	strace s3  }
0x95: {  	s3 =	sld [smem:$0x3FFD];
	_ =	sdelay $0x3  }
0x96: {  	_ =	strace s3  }
0x97: {  	_ =	strace $0x8FFFFFFF  }
0x98: {  	s19 =	sld [smem:$0x3FDB];
	_ =	sdelay $0x1  }
0x99: {  	s4 =	simm.s32 $_scs_section_size  }
0x9a: {  	s5 =	simm.s32 $_size__tile_overlayer_lowered;
	s6 =	simm.s32 $_tile_overlayer_lowered  }
0x9b: {  	s22 =	simm.s32 $0x1BFF;
	s21 =	sshll.u32 s6, $0x1;
	s3 =	sadd.s32 s4, s19  }
0x9c: {  	s7 =	simm.s32 $0x0;
	s20 =	sshll.u32 s5, $0x1;
	s5 =	sadd.s32 s21, s3  }
0x9d: {  	[timem:s7], [sflag:s22] =	dma.local [hbm:s5], s20  }
0x9e: {  	_ =	swait.ge [sflag:s22], s20  }
0x9f: {  	s4 =	ssub.s32 $0x0, s20;
	[sflag:s22] =	ssyncset.done $0x0  }
0xa0: {  	[sflag:s22] =	ssyncadd.s32 s4;
	_ =	sdelay $0x1  }
0xa1: {  	s23 =	simm.s32 $0x1B8B  }
0xa2: {  	_ =	swait.ge [sflag:s23], $0x1  }
0xa3: {  	[sflag:s23] =	ssyncset.done $0x0  }
0xa4: {  	s25 =	simm.s32 $0x1B8E;
	s24 =	sld [smem:$0x3FFE];
	[sflag:s23] =	ssyncadd.s32 $0xFFFFFFFF  }
0xa5: {  	s26 =	simm.s32 $execute0_lowered;
	[smem:$0x3FD2] =	sst s25  }
0xa6: {  	s5 =	sshll.u32 s26, $0x1;
	_ =	strace $0x8000004C;
	[dreg:$0x1] =	wrdreg $0xFFFFFFFF  }
0xa7: {  	s28 =	simm.s32 $_size_execute0_lowered;
	s3 =	sadd.s32 s3, s5;
	[dreg:$0x0] =	wrdreg $0x0  }
0xa8: {  	s5 =	sshll.u32 s28, $0x1;
	[dreg:$0x2] =	wrdreg s3  }
0xa9: {  	[dreg:$0x3] =	wrdreg s5  }
0xaa: {  	[dreg:$0x4] =	wrdreg $0xC0  }
0xab: {  	_ =	task [dreg:s7], $0x5FFFF  }
0xac: {  	[dreg:$0x1] =	wrdreg $0xFFFFFFFF  }
0xad: {  	[dreg:$0x0] =	wrdreg $0x60  }
0xae: {  	[dreg:$0x2] =	wrdreg s2  }
0xaf: {  	[dreg:$0x3] =	wrdreg s24  }
0xb0: {  	[dreg:$0x4] =	wrdreg $0xB0000  }
0xb1: {  	[dreg:$0x5] =	wrdreg $0x9  }
0xb2: {  	_ =	task.clear_ibuf [dreg:s7], $0x6FFFF;
	_ =	strace $0x9000004C  }
0xb3: {  	s29 =	simm.s32 $0x9;
	_ =	strace $0x8000004E  }
0xb4: {  	_ =	swait.ge [sflag:s29], $0x1  }
0xb5: {  	[sflag:s29] =	ssyncadd.s32 $0xFFFFFFFF  }
0xb6: {  	_ =	strace $0x9000004E  }
0xb7: {  	_ =	sfence  }
0xb8: {  	s30 =	sld [smem:$0x0];
	_ =	sdelay $0x2  }
0xb9: {  	s31 =	sshll.u32 s1, $0xD;
	s1 =	sshrl.u32 s1, $0x2  }
0xba: {  	s3 =	sand.u32 $0x4000, s31;
	s1 =	sadd.s32 s1, s30  }
0xbb: {  	s0 =	sor.u32 s3, s0;
	s1 =	sshll.u32 s1, $0x11  }
0xbc: {  	s0 =	sor.u32 s1, s0  }
0xbd: {  	s0 =	sadd.s32 $0x8F2B, s0  }
0xbe: {  	[sflag:s0] =	ssyncadd.remote.s32 $0x1  }
0xbf: {  	_ =	sfence.sel $0xFFFF  }
0xc0: {  	[dreg:$0x0] =	wrdreg $0xFFFFFFFF;
	(pc) =	sbr.abs _section_cstart, $3  }
0xc1: {  	[dreg:$0x1] =	wrdreg $0xFFFFFFFF  }
0xc2: {  	_ =	task.clear_ibuf [dreg:s7], $0x2FFFF;
	_ =	strace $0x9FFFFFFF  }
0xc3: {  	(tm) =	ssettm $0x7FFFFFFF  }
tec
execute0_lowered:
.L_overlay_start_1:
0x0: {  	(tag) =	ssettag $0x1  }
0x1: {  	s2 =	rddreg [dreg:$0x0]  }
0x2: {  	s0 =	rddreg [dreg:$0x1]  }
0x3: {  	s3 =	rddreg [dreg:$0x2];
	s1 =	stileid.u32;
	s4 =	simm.s32 $0x0  }
0x4: {  	s6 =	srdreg.scid;
	s16 =	simm.s32 $0x7;
	s17 =	simm.s32 $0x1  }
0x5: {  	s18 =	simm.s32 $0x2;
	s19 =	simm.s32 $0x80;
	s20 =	simm.s32 $0x7000  }
0x6: {  	s21 =	simm.s32 $0x3;
	s22 =	simm.s32 $0x4;
	s23 =	simm.s32 $0x5  }
0x7: {  	s25 =	simm.s32 $0x6;
	s26 =	simm.s32 $0x0;
	s5 =	smul.u32 $0x900, s1  }
0x8: {  	[smem:$0x7FF] =	sst s4;
	s15 =	sand.u32 $0x1, s6;
	s8 =	smul.u32 $0x50000, s1  }
0x9: {  	s29 =	sshll.u32 s1, $0x8;
	s24 =	smul.u32 $0x2800, s1;
	_ =	strace $0x8000004D  }
0xa: {  	s28 =	smul.u32 $0x28000, s15;
	s7 =	ssub.s32 $0x2, s15;
	s6 =	sadd.s32 s29, s0  }
0xb: {  	p0 =	sne.s32 s15, $0x0;
	s15 =	simm.s32 $0x3000;
	s9 =	sadd.s32 s5, s0  }
0xc: {  	s30 =	sshrl.u32 s7, $0x1;
	s31 =	sadd.s32 $0x57200, s6;
	s8 =	sshrl.u32 s8, $0x2  }
.Ltmp0:
0xd: {  	s6 =	sadd.s32 $0x58200, s6;
	s0 =	sadd.s32 s28, s0;
	(pc) =	sbr.rel .LBB2_1-.Ltmp0, $4  }
0xe: {  	s14 =	ssub.s32 s7, s30;
	[dreg:$0x4] =	wrdreg s31;
	s8 =	sadd.s32 s8, s3  }
0xf: {  	s7 =	sadd.s32 $0x62200, s9;
	s9 =	sadd.s32 $0x59200, s9;
	s10 =	sadd.s32 $0x4000, s8  }
0x10: {  	s11 =	sadd.s32 $0x8000, s8;
	s12 =	sadd.s32 $0xC000, s8;
	s0 =	sadd.s32 $0x6B200, s0  }
0x11: {  	v0 =	vimm.f32 $0.0e+00;
	s13 =	sadd.s32 $0x10000, s8;
	s14 =	smax.u32 s14, $0x1;
	s24 =	sadd.s32 s24, s0  }
.LBB2_10:
0x12: {  	_ =	swait.ge [sflag:s17], $0x800  }
0x13: {  	[sflag:s17] =	ssyncset.done $0x0  }
0x14: {  	[sflag:s17] =	ssyncadd.s32 $0xFFFFF800  }
0x15: {  	_ =	swait.ge [sflag:s18], $0x800  }
0x16: {  	[sflag:s18] =	ssyncset.done $0x0  }
0x17: {  	[sflag:s18] =	ssyncadd.s32 $0xFFFFF800  }
0x18: {  	[tilespmem:s15], [sflag:$0x3] =	stream.indirect.gather [hbm4b:s2+s19], $0x80, s4, s19, $0xb8;
	[tilespmem:$0x1F000] =	vst v63  }
0x19: {  	_ = 	snop  }
0x1a: {  	[tilespmem:s20], [sflag:$0x4] =	stream.indirect.gather [hbm4b:s2+s19], $0x80, s19, s19, $0xb8;
	[tilespmem:$0x1F000] =	vst v63  }
0x1b: {  	_ =	swait.ge [sflag:s21], $0x4000  }
0x1c: {  	[sflag:s21] =	ssyncset.done $0x0  }
0x1d: {  	s0 =	simm.s32 $0x1800;
	[sflag:s21] =	ssyncadd.s32 $0xFFFFC000  }
0x1e: {  	[spmem:s3] =	stream.indirect.scatter.add.f32 [tilespmem:s15], [sflag:$0x5], $0x80, s0, s19, $0xb8;
	[tilespmem:$0x1F000] =	vst v63  }
0x1f: {  	_ =	swait.ge [sflag:s22], $0x4000  }
0x20: {  	[sflag:s22] =	ssyncset.done $0x0  }
0x21: {  	s5 =	simm.s32 $0x1880;
	[sflag:s22] =	ssyncadd.s32 $0xFFFFC000  }
0x22: {  	[spmem:s3] =	stream.indirect.scatter.add.f32 [tilespmem:s20], [sflag:$0x6], $0x80, s5, s19, $0xb8;
	[tilespmem:$0x1F000] =	vst v63  }
0x23: {  	_ =	swait.ge [sflag:s23], $0x4000  }
0x24: {  	[sflag:s23] =	ssyncset.done $0x0  }
0x25: {  	s28 =	simm.s32 $0x100;
	[sflag:s23] =	ssyncadd.s32 $0xFFFFC000  }
0x26: {  	[tilespmem:s15], [sflag:$0x3] =	stream.indirect.gather [hbm4b:s2+s19], $0x80, s28, s19, $0xb8;
	[tilespmem:$0x1F000] =	vst v63  }
0x27: {  	_ =	swait.ge [sflag:s25], $0x4000  }
0x28: {  	[sflag:s25] =	ssyncset.done $0x0  }
0x29: {  	s29 =	simm.s32 $0x180;
	[sflag:s25] =	ssyncadd.s32 $0xFFFFC000  }
0x2a: {  	[tilespmem:s20], [sflag:$0x4] =	stream.indirect.gather [hbm4b:s2+s19], $0x80, s29, s19, $0xb8;
	[tilespmem:$0x1F000] =	vst v63  }
0x2b: {  	_ =	swait.ge [sflag:s21], $0x4000  }
0x2c: {  	[sflag:s21] =	ssyncset.done $0x0  }
0x2d: {  	s30 =	simm.s32 $0x1900;
	[sflag:s21] =	ssyncadd.s32 $0xFFFFC000  }
0x2e: {  	[spmem:s3] =	stream.indirect.scatter.add.f32 [tilespmem:s15], [sflag:$0x5], $0x80, s30, s19, $0xb8;
	[tilespmem:$0x1F000] =	vst v63  }
0x2f: {  	_ =	swait.ge [sflag:s22], $0x4000  }
0x30: {  	[sflag:s22] =	ssyncset.done $0x0  }
0x31: {  	s31 =	simm.s32 $0x1980;
	[sflag:s22] =	ssyncadd.s32 $0xFFFFC000  }
0x32: {  	[spmem:s3] =	stream.indirect.scatter.add.f32 [tilespmem:s20], [sflag:$0x6], $0x80, s31, s19, $0xb8;
	[tilespmem:$0x1F000] =	vst v63  }
0x33: {  	_ =	swait.ge [sflag:s23], $0x4000  }
0x34: {  	[sflag:s23] =	ssyncset.done $0x0  }
0x35: {  	s1 =	simm.s32 $0x200;
	[sflag:s23] =	ssyncadd.s32 $0xFFFFC000  }
0x36: {  	[tilespmem:s15], [sflag:$0x3] =	stream.indirect.gather [hbm4b:s2+s19], $0x80, s1, s19, $0xb8;
	[tilespmem:$0x1F000] =	vst v63  }
0x37: {  	_ =	swait.ge [sflag:s25], $0x4000  }
0x38: {  	[sflag:s25] =	ssyncset.done $0x0  }
0x39: {  	s5 =	simm.s32 $0x280;
	[sflag:s25] =	ssyncadd.s32 $0xFFFFC000  }
0x3a: {  	[tilespmem:s20], [sflag:$0x4] =	stream.indirect.gather [hbm4b:s2+s19], $0x80, s5, s19, $0xb8;
	[tilespmem:$0x1F000] =	vst v63  }
0x3b: {  	_ =	swait.ge [sflag:s21], $0x4000  }
0x3c: {  	[sflag:s21] =	ssyncset.done $0x0  }
0x3d: {  	s28 =	simm.s32 $0x1A00;
	[sflag:s21] =	ssyncadd.s32 $0xFFFFC000  }
0x3e: {  	[spmem:s3] =	stream.indirect.scatter.add.f32 [tilespmem:s15], [sflag:$0x5], $0x80, s28, s19, $0xb8;
	[tilespmem:$0x1F000] =	vst v63  }
0x3f: {  	_ =	swait.ge [sflag:s22], $0x4000  }
0x40: {  	[sflag:s22] =	ssyncset.done $0x0  }
0x41: {  	s29 =	simm.s32 $0x1A80;
	[sflag:s22] =	ssyncadd.s32 $0xFFFFC000  }
0x42: {  	[spmem:s3] =	stream.indirect.scatter.add.f32 [tilespmem:s20], [sflag:$0x6], $0x80, s29, s19, $0xb8;
	[tilespmem:$0x1F000] =	vst v63  }
0x43: {  	_ =	swait.ge [sflag:s23], $0x4000  }
0x44: {  	[sflag:s23] =	ssyncset.done $0x0  }
0x45: {  	s30 =	simm.s32 $0x300;
	[sflag:s23] =	ssyncadd.s32 $0xFFFFC000  }
0x46: {  	[tilespmem:s15], [sflag:$0x3] =	stream.indirect.gather [hbm4b:s2+s19], $0x80, s30, s19, $0xb8;
	[tilespmem:$0x1F000] =	vst v63  }
0x47: {  	_ =	swait.ge [sflag:s25], $0x4000  }
0x48: {  	[sflag:s25] =	ssyncset.done $0x0  }
0x49: {  	s31 =	simm.s32 $0x380;
	[sflag:s25] =	ssyncadd.s32 $0xFFFFC000  }
0x4a: {  	[tilespmem:s20], [sflag:$0x4] =	stream.indirect.gather [hbm4b:s2+s19], $0x80, s31, s19, $0xb8;
	[tilespmem:$0x1F000] =	vst v63  }
0x4b: {  	_ =	swait.ge [sflag:s21], $0x4000  }
0x4c: {  	[sflag:s21] =	ssyncset.done $0x0  }
0x4d: {  	s1 =	simm.s32 $0x1B00;
	[sflag:s21] =	ssyncadd.s32 $0xFFFFC000  }
0x4e: {  	[spmem:s3] =	stream.indirect.scatter.add.f32 [tilespmem:s15], [sflag:$0x5], $0x80, s1, s19, $0xb8;
	[tilespmem:$0x1F000] =	vst v63  }
0x4f: {  	_ =	swait.ge [sflag:s22], $0x4000  }
0x50: {  	[sflag:s22] =	ssyncset.done $0x0  }
0x51: {  	s5 =	simm.s32 $0x1B80;
	[sflag:s22] =	ssyncadd.s32 $0xFFFFC000  }
0x52: {  	[spmem:s3] =	stream.indirect.scatter.add.f32 [tilespmem:s20], [sflag:$0x6], $0x80, s5, s19, $0xb8;
	[tilespmem:$0x1F000] =	vst v63  }
0x53: {  	_ =	swait.ge [sflag:s23], $0x4000  }
0x54: {  	[sflag:s23] =	ssyncset.done $0x0  }
0x55: {  	s28 =	simm.s32 $0x400;
	[sflag:s23] =	ssyncadd.s32 $0xFFFFC000  }
0x56: {  	[tilespmem:s15], [sflag:$0x3] =	stream.indirect.gather [hbm4b:s2+s19], $0x80, s28, s19, $0xb8;
	[tilespmem:$0x1F000] =	vst v63  }
0x57: {  	_ =	swait.ge [sflag:s25], $0x4000  }
0x58: {  	[sflag:s25] =	ssyncset.done $0x0  }
0x59: {  	s29 =	simm.s32 $0x480;
	[sflag:s25] =	ssyncadd.s32 $0xFFFFC000  }
0x5a: {  	[tilespmem:s20], [sflag:$0x4] =	stream.indirect.gather [hbm4b:s2+s19], $0x80, s29, s19, $0xb8;
	[tilespmem:$0x1F000] =	vst v63  }
0x5b: {  	_ =	swait.ge [sflag:s21], $0x4000  }
0x5c: {  	[sflag:s21] =	ssyncset.done $0x0  }
0x5d: {  	s30 =	simm.s32 $0x1C00;
	[sflag:s21] =	ssyncadd.s32 $0xFFFFC000  }
0x5e: {  	[spmem:s3] =	stream.indirect.scatter.add.f32 [tilespmem:s15], [sflag:$0x5], $0x80, s30, s19, $0xb8;
	[tilespmem:$0x1F000] =	vst v63  }
0x5f: {  	_ =	swait.ge [sflag:s22], $0x4000  }
0x60: {  	[sflag:s22] =	ssyncset.done $0x0  }
0x61: {  	s31 =	simm.s32 $0x1C80;
	[sflag:s22] =	ssyncadd.s32 $0xFFFFC000  }
0x62: {  	[spmem:s3] =	stream.indirect.scatter.add.f32 [tilespmem:s20], [sflag:$0x6], $0x80, s31, s19, $0xb8;
	[tilespmem:$0x1F000] =	vst v63  }
0x63: {  	_ =	swait.ge [sflag:s23], $0x4000  }
0x64: {  	[sflag:s23] =	ssyncset.done $0x0  }
0x65: {  	s1 =	simm.s32 $0x500;
	[sflag:s23] =	ssyncadd.s32 $0xFFFFC000  }
0x66: {  	[tilespmem:s15], [sflag:$0x3] =	stream.indirect.gather [hbm4b:s2+s19], $0x80, s1, s19, $0xb8;
	[tilespmem:$0x1F000] =	vst v63  }
0x67: {  	_ =	swait.ge [sflag:s25], $0x4000  }
0x68: {  	[sflag:s25] =	ssyncset.done $0x0  }
0x69: {  	s5 =	simm.s32 $0x580;
	[sflag:s25] =	ssyncadd.s32 $0xFFFFC000  }
0x6a: {  	[tilespmem:s20], [sflag:$0x4] =	stream.indirect.gather [hbm4b:s2+s19], $0x80, s5, s19, $0xb8;
	[tilespmem:$0x1F000] =	vst v63  }
0x6b: {  	_ =	swait.ge [sflag:s21], $0x4000  }
0x6c: {  	[sflag:s21] =	ssyncset.done $0x0  }
0x6d: {  	s28 =	simm.s32 $0x1D00;
	[sflag:s21] =	ssyncadd.s32 $0xFFFFC000  }
0x6e: {  	[spmem:s3] =	stream.indirect.scatter.add.f32 [tilespmem:s15], [sflag:$0x5], $0x80, s28, s19, $0xb8;
	[tilespmem:$0x1F000] =	vst v63  }
0x6f: {  	_ =	swait.ge [sflag:s22], $0x4000  }
0x70: {  	[sflag:s22] =	ssyncset.done $0x0  }
0x71: {  	s29 =	simm.s32 $0x1D80;
	[sflag:s22] =	ssyncadd.s32 $0xFFFFC000  }
0x72: {  	[spmem:s3] =	stream.indirect.scatter.add.f32 [tilespmem:s20], [sflag:$0x6], $0x80, s29, s19, $0xb8;
	[tilespmem:$0x1F000] =	vst v63  }
0x73: {  	_ =	swait.ge [sflag:s23], $0x4000  }
0x74: {  	[sflag:s23] =	ssyncset.done $0x0  }
0x75: {  	s30 =	simm.s32 $0x600;
	[sflag:s23] =	ssyncadd.s32 $0xFFFFC000  }
0x76: {  	[tilespmem:s15], [sflag:$0x3] =	stream.indirect.gather [hbm4b:s2+s19], $0x80, s30, s19, $0xb8;
	[tilespmem:$0x1F000] =	vst v63  }
0x77: {  	_ =	swait.ge [sflag:s25], $0x4000  }
0x78: {  	[sflag:s25] =	ssyncset.done $0x0  }
0x79: {  	s31 =	simm.s32 $0x680;
	[sflag:s25] =	ssyncadd.s32 $0xFFFFC000  }
0x7a: {  	[tilespmem:s20], [sflag:$0x4] =	stream.indirect.gather [hbm4b:s2+s19], $0x80, s31, s19, $0xb8;
	[tilespmem:$0x1F000] =	vst v63  }
0x7b: {  	_ =	swait.ge [sflag:s21], $0x4000  }
0x7c: {  	[sflag:s21] =	ssyncset.done $0x0  }
0x7d: {  	s1 =	simm.s32 $0x1E00;
	[sflag:s21] =	ssyncadd.s32 $0xFFFFC000  }
0x7e: {  	[spmem:s3] =	stream.indirect.scatter.add.f32 [tilespmem:s15], [sflag:$0x5], $0x80, s1, s19, $0xb8;
	[tilespmem:$0x1F000] =	vst v63  }
0x7f: {  	_ =	swait.ge [sflag:s22], $0x4000  }
0x80: {  	[sflag:s22] =	ssyncset.done $0x0  }
0x81: {  	s5 =	simm.s32 $0x1E80;
	[sflag:s22] =	ssyncadd.s32 $0xFFFFC000  }
0x82: {  	[spmem:s3] =	stream.indirect.scatter.add.f32 [tilespmem:s20], [sflag:$0x6], $0x80, s5, s19, $0xb8;
	[tilespmem:$0x1F000] =	vst v63  }
0x83: {  	_ =	swait.ge [sflag:s23], $0x4000  }
0x84: {  	[sflag:s23] =	ssyncset.done $0x0  }
0x85: {  	s28 =	simm.s32 $0x700;
	[sflag:s23] =	ssyncadd.s32 $0xFFFFC000  }
0x86: {  	[tilespmem:s15], [sflag:$0x3] =	stream.indirect.gather [hbm4b:s2+s19], $0x80, s28, s19, $0xb8;
	[tilespmem:$0x1F000] =	vst v63  }
0x87: {  	_ =	swait.ge [sflag:s25], $0x4000  }
0x88: {  	[sflag:s25] =	ssyncset.done $0x0  }
0x89: {  	s29 =	simm.s32 $0x780;
	[sflag:s25] =	ssyncadd.s32 $0xFFFFC000  }
0x8a: {  	[tilespmem:s20], [sflag:$0x4] =	stream.indirect.gather [hbm4b:s2+s19], $0x80, s29, s19, $0xb8;
	[tilespmem:$0x1F000] =	vst v63  }
0x8b: {  	_ =	swait.ge [sflag:s21], $0x4000  }
0x8c: {  	[sflag:s21] =	ssyncset.done $0x0  }
0x8d: {  	s30 =	simm.s32 $0x1F00;
	[sflag:s21] =	ssyncadd.s32 $0xFFFFC000  }
0x8e: {  	[spmem:s3] =	stream.indirect.scatter.add.f32 [tilespmem:s15], [sflag:$0x5], $0x80, s30, s19, $0xb8;
	[tilespmem:$0x1F000] =	vst v63  }
0x8f: {  	_ =	swait.ge [sflag:s22], $0x4000  }
0x90: {  	[sflag:s22] =	ssyncset.done $0x0  }
0x91: {  	s31 =	simm.s32 $0x1F80;
	[sflag:s22] =	ssyncadd.s32 $0xFFFFC000  }
0x92: {  	[spmem:s3] =	stream.indirect.scatter.add.f32 [tilespmem:s20], [sflag:$0x6], $0x80, s31, s19, $0xb8;
	[tilespmem:$0x1F000] =	vst v63  }
0x93: {  	_ =	swait.ge [sflag:s23], $0x4000  }
0x94: {  	[sflag:s23] =	ssyncset.done $0x0  }
0x95: {  	[sflag:s23] =	ssyncadd.s32 $0xFFFFC000  }
.LBB2_11:
0x96: {  	_ =	swait.ge [sflag:s25], $0x4000;
	s0 =	stileid.u32  }
0x97: {  	s1 =	sshrl.u32 s8, $0x3;
	s26 =	sadd.s32 $0x1, s26;
	[sflag:s25] =	ssyncset.done $0x0  }
0x98: {  	s0 =	sshll.u32 s0, $0x6;
	p1 =	sne.s32 s26, s14;
	[sflag:s25] =	ssyncadd.s32 $0xFFFFC000  }
.Ltmp1:
0x99: {  	s0 =	sor.u32 $0x1C07, s0;
	[bflag:$0x0] =	sbarrier.arrive $0xFFFF;
	(pc) =	sbr.rel @!p1 .LBB2_12-.Ltmp1, $4  }
0x9a: {  	[hbm:s24], [sflag:s0] =	dma.local [spmem:s1], $0x2800  }
0x9b: {  	_ =	swait.ge [sflag:s16], $0x2800  }
0x9c: {  	[sflag:s16] =	ssyncset.done $0x0  }
0x9d: {  	[sflag:s16] =	ssyncadd.s32 $0xFFFFD800  }
.LBB2_1:
0x9e: {  	s0 =	simm.s32 @p0 $0x0;
	s1 =	rddreg [dreg:$0x4]  }
0x9f: {  	[tilespmem:s0], [sflag:$0x1] =	stream.linear.gather @p0 [hbm4b:s1+s0], $0x800, $0x38;
	[tilespmem:$0x1F000] =	vst v63  }
0xa0: {  	s28 =	simm.s32 @p0 $0x1800  }
0xa1: {  	[tilespmem:s28], [sflag:$0x2] =	stream.linear.gather @p0 [hbm4b:s6+s0], $0x800, $0x38;
	[tilespmem:$0x1F000] =	vst v63  }
0xa2: {  	s0 =	simm.s32 @!p0 $0x0  }
0xa3: {  	[tilespmem:s0], [sflag:$0x1] =	stream.linear.gather @!p0 [hbm4b:s7+s0], $0xC00, $0x38;
	[tilespmem:$0x1F000] =	vst v63  }
0xa4: {  	s28 =	simm.s32 @!p0 $0x1800  }
0xa5: {  	[tilespmem:s28], [sflag:$0x2] =	stream.linear.gather @!p0 [hbm4b:s9+s0], $0xC00, $0x38;
	[tilespmem:$0x1F000] =	vst v63  }
0xa6: {  	s29 =	simm.s32 $0x200;
	s28 =	simm.s32 $0x0  }
.LBB2_2:
0xa7: {  	p1 =	sne.s32 s29, $0xFE00;
	[tilespmem:s28+$0x3070] =	vst v0  }
0xa8: {  	[tilespmem:s28+$0x3000] =	vst v0  }
0xa9: {  	[tilespmem:s28+$0x3010] =	vst v0  }
.Ltmp2:
0xaa: {  	[tilespmem:s28+$0x3020] =	vst v0;
	(pc) =	sbr.rel @p1 .LBB2_2-.Ltmp2, $4  }
0xab: {  	[tilespmem:s28+$0x3030] =	vst v0  }
0xac: {  	[tilespmem:s28+$0x3040] =	vst v0  }
0xad: {  	[tilespmem:s28+$0x3050] =	vst v0  }
0xae: {  	[tilespmem:s28+$0x3060] =	vst v0;
	s28 =	sshra.s32 s29, $0x2;
	s29 =	sadd.s32 $0x200, s29  }
0xaf: {  	[tilespmem:s28+$0x3070] =	vst v0  }
0xb0: {  	[tilespmem:s28+$0x3000] =	vst v0  }
0xb1: {  	[tilespmem:s28+$0x3010] =	vst v0  }
0xb2: {  	[tilespmem:s28+$0x3020] =	vst v0  }
0xb3: {  	[tilespmem:s28+$0x3030] =	vst v0  }
0xb4: {  	[tilespmem:s28+$0x3040] =	vst v0  }
0xb5: {  	[tilespmem:s28+$0x3050] =	vst v0  }
0xb6: {  	[tilespmem:s28+$0x3060] =	vst v0  }
0xb7: {  	[spmem:s8] =	stream.linear.scatter [tilespmem:s15], [sflag:$0x7], $0x4000, $0x38;
	[tilespmem:$0x1F000] =	vst v63  }
0xb8: {  	_ =	swait.ge [sflag:s16], $0x4000  }
0xb9: {  	[sflag:s16] =	ssyncset.done $0x0  }
0xba: {  	[sflag:s16] =	ssyncadd.s32 $0xFFFFC000  }
0xbb: {  	[spmem:s10] =	stream.linear.scatter [tilespmem:s15], [sflag:$0x7], $0x4000, $0x38;
	[tilespmem:$0x1F000] =	vst v63  }
0xbc: {  	_ =	swait.ge [sflag:s16], $0x4000  }
0xbd: {  	[sflag:s16] =	ssyncset.done $0x0  }
0xbe: {  	[sflag:s16] =	ssyncadd.s32 $0xFFFFC000  }
0xbf: {  	[spmem:s11] =	stream.linear.scatter [tilespmem:s15], [sflag:$0x7], $0x4000, $0x38;
	[tilespmem:$0x1F000] =	vst v63  }
0xc0: {  	_ =	swait.ge [sflag:s16], $0x4000  }
0xc1: {  	[sflag:s16] =	ssyncset.done $0x0  }
0xc2: {  	[sflag:s16] =	ssyncadd.s32 $0xFFFFC000  }
0xc3: {  	[spmem:s12] =	stream.linear.scatter [tilespmem:s15], [sflag:$0x7], $0x4000, $0x38;
	[tilespmem:$0x1F000] =	vst v63  }
0xc4: {  	_ =	swait.ge [sflag:s16], $0x4000  }
0xc5: {  	[sflag:s16] =	ssyncset.done $0x0  }
0xc6: {  	[sflag:s16] =	ssyncadd.s32 $0xFFFFC000  }
0xc7: {  	[spmem:s13] =	stream.linear.scatter [tilespmem:s15], [sflag:$0x7], $0x4000, $0x38;
	[tilespmem:$0x1F000] =	vst v63  }
.Ltmp3:
0xc8: {  	_ =	swait.ge [sflag:s16], $0x4000;
	(pc) =	sbr.rel @p0 .LBB2_10-.Ltmp3, $3  }
0xc9: {  	[sflag:s16] =	ssyncset.done $0x0  }
0xca: {  	[sflag:s16] =	ssyncadd.s32 $0xFFFFC000  }
0xcb: {  	[bflag:$0x0] =	sbarrier.arrive $0xFFFF;
	_ =	sdelay $0x1  }
0xcc: {  	_ =	swait.ge [sflag:s17], $0xC00  }
0xcd: {  	[sflag:s17] =	ssyncset.done $0x0  }
0xce: {  	[sflag:s17] =	ssyncadd.s32 $0xFFFFF400  }
0xcf: {  	_ =	swait.ge [sflag:s18], $0xC00  }
0xd0: {  	[sflag:s18] =	ssyncset.done $0x0  }
0xd1: {  	s28 =	simm.s32 $0x0;
	[sflag:s18] =	ssyncadd.s32 $0xFFFFF400  }
0xd2: {  	[tilespmem:s15], [sflag:$0x3] =	stream.indirect.gather [hbm4b:s2+s19], $0x80, s28, s19, $0xb8;
	[tilespmem:$0x1F000] =	vst v63  }
0xd3: {  	_ = 	snop  }
0xd4: {  	[tilespmem:s20], [sflag:$0x4] =	stream.indirect.gather [hbm4b:s2+s19], $0x80, s19, s19, $0xb8;
	[tilespmem:$0x1F000] =	vst v63  }
.LBB2_5:
0xd5: {  	s29 =	sshll.u32 s28, $0x1  }
0xd6: {  	s0 =	sand.u32 $0xFE, s29  }
0xd7: {  	s0 =	smul.u32 $0xAB, s0;
	_ =	sdelay $0x1  }
0xd8: {  	s0 =	sshrl.u32 s0, $0xC  }
0xd9: {  	s0 =	smul.u32 $0x18, s0;
	_ =	sdelay $0x1  }
0xda: {  	p1 =	sgt.u32 s28, $0x3B;
	s30 =	ssub.s32 s29, s0  }
0xdb: {  	s0 =	sand.u32 @!p1 $0xFF, s30  }
0xdc: {  	p2 =	sne.s32 @!p1 s0, $0x0  }
0xdd: {  	p2 =	por p1, p2  }
.Ltmp4:
0xde: {  	_ = 	snop;
	(pc) =	sbr.rel @p2 .LBB2_7-.Ltmp4, $3  }
0xdf: {  	s31 =	sand.u32 $0xFF, s28  }
0xe0: {  	s31 =	smul.u32 $0xAB, s31;
	_ =	sdelay $0x1  }
0xe1: {  	s31 =	sshrl.u32 s31, $0xB  }
0xe2: {  	s0 =	sadd.s32 $0x1, s31  }
0xe3: {  	s1 =	sand.u32 $0x1, s0;
	s0 =	smul.u32 $0x180, s0  }
.Ltmp5:
0xe4: {  	p1 =	seq.s32 s1, $0x1;
	s1 =	simm.s32 $0xC00;
	(pc) =	sbr.rel .LBB2_8-.Ltmp5, $4  }
0xe5: {  	s1 =	simm.s32 @!p1 $0x0;
	s5 =	sadd.s32 s0, s7  }
0xe6: {  	[tilespmem:s1], [sflag:$0x1] =	stream.linear.gather [hbm4b:s5+s4], $0xC00, $0x38;
	[tilespmem:$0x1F000] =	vst v63  }
0xe7: {  	s0 =	sadd.s32 s0, s9;
	s1 =	sadd.s32 $0x1800, s1  }
0xe8: {  	[tilespmem:s1], [sflag:$0x2] =	stream.linear.gather [hbm4b:s0+s4], $0xC00, $0x38;
	[tilespmem:$0x1F000] =	vst v63  }
.LBB2_7:
0xe9: {  	p2 =	sne.s32 @!p1 s0, $0x16  }
0xea: {  	p1 =	por p2, p1  }
0xeb: {  	s0 =	simm.s32 @!p1 $0x1  }
0xec: {  	_ =	swait.ge @!p1 [sflag:s0], $0xC00  }
0xed: {  	[sflag:s0] =	ssyncset.done @!p1 $0x0  }
0xee: {  	[sflag:s0] =	ssyncadd.s32 @!p1 $0xFFFFF400;
	s0 =	simm.s32 @!p1 $0x2  }
0xef: {  	_ =	swait.ge @!p1 [sflag:s0], $0xC00  }
0xf0: {  	[sflag:s0] =	ssyncset.done @!p1 $0x0  }
0xf1: {  	[sflag:s0] =	ssyncadd.s32 @!p1 $0xFFFFF400  }
.LBB2_8:
0xf2: {  	s0 =	sand.u32 $0x1, s31  }
0xf3: {  	s1 =	sand.u32 $0xFE, s30;
	p1 =	seq.s32 s0, $0x1;
	s0 =	simm.s32 $0xC00  }
0xf4: {  	_ =	swait.ge [sflag:s21], $0x4000;
	s1 =	sshll.u32 s1, $0x7;
	s0 =	simm.s32 @!p1 $0x0  }
0xf5: {  	[sflag:s21] =	ssyncset.done $0x0;
	s0 =	sadd.s32 s1, s0  }
0xf6: {  	[sflag:s21] =	ssyncadd.s32 $0xFFFFC000;
	s1 =	sadd.s32 $0x1800, s0  }
0xf7: {  	[spmem:s3] =	stream.indirect.scatter.add.f32 [tilespmem:s15], [sflag:$0x5], $0x80, s1, s19, $0xb8;
	[tilespmem:$0x1F000] =	vst v63  }
0xf8: {  	_ =	swait.ge [sflag:s22], $0x4000  }
0xf9: {  	p1 =	seq.s32 s28, $0x47;
	[sflag:s22] =	ssyncset.done $0x0  }
.Ltmp6:
0xfa: {  	s0 =	sadd.s32 $0x1880, s0;
	[sflag:s22] =	ssyncadd.s32 $0xFFFFC000;
	(pc) =	sbr.rel @p1 .LBB2_11-.Ltmp6, $4  }
0xfb: {  	[spmem:s3] =	stream.indirect.scatter.add.f32 [tilespmem:s20], [sflag:$0x6], $0x80, s0, s19, $0xb8;
	[tilespmem:$0x1F000] =	vst v63  }
0xfc: {  	_ =	swait.ge [sflag:s23], $0x4000  }
0xfd: {  	[sflag:s23] =	ssyncset.done $0x0  }
0xfe: {  	[sflag:s23] =	ssyncadd.s32 $0xFFFFC000  }
0xff: {  	s0 =	sadd.s32 $0x2, s29  }
0x100: {  	s1 =	sand.u32 $0xFF, s0  }
0x101: {  	s29 =	sadd.s32 $0x3, s29;
	s1 =	smul.u32 $0xAB, s1  }
0x102: {  	s30 =	sand.u32 $0xFF, s29  }
0x103: {  	s30 =	smul.u32 $0xAB, s30;
	s1 =	sshrl.u32 s1, $0xC  }
0x104: {  	s5 =	smul.u32 $0x18, s1  }
0x105: {  	s1 =	sand.u32 $0x1, s1  }
0x106: {  	p1 =	seq.s32 s1, $0x1;
	s0 =	ssub.s32 s0, s5;
	s5 =	sshrl.u32 s30, $0xC  }
0x107: {  	s1 =	simm.s32 $0xC00;
	s0 =	sand.u32 $0xFF, s0;
	s31 =	smul.u32 $0x18, s5  }
0x108: {  	s1 =	simm.s32 @!p1 $0x0;
	s0 =	sshll.u32 s0, $0x7  }
0x109: {  	s0 =	sadd.s32 s0, s1;
	s30 =	ssub.s32 s29, s31  }
0x10a: {  	[tilespmem:s15], [sflag:$0x3] =	stream.indirect.gather [hbm4b:s2+s19], $0x80, s0, s19, $0xb8;
	[tilespmem:$0x1F000] =	vst v63  }
.Ltmp7:
0x10b: {  	s31 =	sand.u32 $0x1, s5;
	s1 =	simm.s32 $0xC00;
	(pc) =	sbr.rel .LBB2_5-.Ltmp7, $4  }
0x10c: {  	s0 =	sand.u32 $0xFF, s30;
	p1 =	seq.s32 s31, $0x1;
	_ =	swait.ge [sflag:s25], $0x4000  }
0x10d: {  	s1 =	simm.s32 @!p1 $0x0;
	s0 =	sshll.u32 s0, $0x7;
	[sflag:s25] =	ssyncset.done $0x0  }
0x10e: {  	s28 =	sadd.s32 $0x1, s28;
	s0 =	sadd.s32 s0, s1;
	[sflag:s25] =	ssyncadd.s32 $0xFFFFC000  }
0x10f: {  	[tilespmem:s20], [sflag:$0x4] =	stream.indirect.gather [hbm4b:s2+s19], $0x80, s0, s19, $0xb8;
	[tilespmem:$0x1F000] =	vst v63  }
.LBB2_12:
0x110: {  	_ =	sfence.sel $0x180000  }
0x111: {  	[bflag:$0x0] =	sbarrier.arrive $0xFFFF  }
0x112: {  	_ =	strace $0x9000004D  }
0x113: {  	s0 =	stileid.u32;
	[bflag:$0x2] =	sbarrier.arrive $0xFFFF  }
0x114: {  	p0 =	sne.s32 s0, $0x0;
	s0 =	rddreg [dreg:$0x3]  }
0x115: {  	s0 =	sadd.s32 @!p0 $0x100000, s0  }
0x116: {  	[sflag:s0] =	ssyncadd.tile.s32 @!p0 $0x1;
	_ =	shalt  }
.Lfunc_end2:
_tile_overlayer_lowered:
.L_overlay_start_2:
0x117: {  	(tag) =	ssettag $0x2  }
0x118: {  	s0 =	rddreg [dreg:$0x0];
	s2 =	stileid.u32  }
0x119: {  	s1 =	rddreg [dreg:$0x1];
	p0 =	sne.s32 s2, $0x0  }
0x11a: {  	s3 =	rddreg [dreg:$0x2];
	[bflag:$0x3] =	sbarrier.arrive $0xFFFF;
	s2 =	simm.s32 @!p0 $0x1C07  }
0x11b: {  	[timem:s3], [sflag:s2] =	dma.local @!p0 [hbm:s0], s1  }
0x11c: {  	s0 =	simm.s32 @!p0 $0x7  }
0x11d: {  	_ =	swait.ge @!p0 [sflag:s0], s1  }
0x11e: {  	s1 =	ssub.s32 @!p0 $0x0, s1;
	[sflag:s0] =	ssyncset.done @!p0 $0x0  }
0x11f: {  	[sflag:s0] =	ssyncadd.s32 @!p0 s1  }
0x120: {  	[bflag:$0x3] =	sbarrier.arrive $0xFFFF  }
0x121: {  	_ =	shalt  }

// kernel: kernel.8.cloned.1.call-start
scs
__scs_entry_jumppad:
0x0: {  	(pc) =	sbr.rel $0x88, $3  }
0x1: {  	(tag) =	ssettag $0x0;
	lr =	simm.s32 $0x1  }
0x2: {  	[smem:$0x3F97] =	sst lr;
	_ =	strace $0xD0000000  }
0x3: {  	_ = 	snop  }
0x4: {  	_ = 	snop  }
0x5: {  	_ = 	snop  }
0x6: {  	_ = 	snop  }
0x7: {  	_ = 	snop  }
__scs_overlays_trampoline_lowered:
0x8: {  	[smem:$0x3FA6] =	sst s0  }
0x9: {  	[smem:$0x3FA7] =	sst s1  }
0xa: {  	[smem:$0x3FA8] =	sst s2  }
0xb: {  	[smem:$0x3FA9] =	sst s3  }
0xc: {  	[smem:$0x3FAA] =	sst s4  }
0xd: {  	[smem:$0x3FAB] =	sst s5  }
0xe: {  	[smem:$0x3FAC] =	sst s6  }
0xf: {  	[smem:$0x3FAD] =	sst s7  }
0x10: {  	[smem:$0x3FAE] =	sst s8  }
0x11: {  	[smem:$0x3FAF] =	sst s9;
	s0 =	simm.s32 @!p0 $0x0  }
0x12: {  	s1 =	sld [smem:$0x3F95];
	s0 =	simm.s32 @p0 $0x1  }
0x13: {  	[smem:$0x3FB0] =	sst s0;
	s0 =	simm.s32 @!p1 $0x0  }
0x14: {  	s2 =	sld [smem:$0x3F94];
	s0 =	simm.s32 @p1 $0x1  }
0x15: {  	[smem:$0x3FB1] =	sst s0;
	s0 =	simm.s32 @!p2 $0x0  }
0x16: {  	s3 =	sld [smem:$0x3FDB];
	s0 =	simm.s32 @p2 $0x1  }
0x17: {  	s4 =	simm.s32 $0x1BF5;
	[smem:$0x3FB3] =	sst s0  }
0x18: {  	s0 =	sld [smem:$0x3F96];
	_ =	swait.ge [sflag:s4], $0x0  }
0x19: {  	s7 =	sld [smem:$0x3F97]  }
0x1a: {  	s8 =	sadd.s32 $0xFFFFE003, lr  }
0x1b: {  	s9 =	sadd.s32 $0xFFFFFEF7, lr;
	s5 =	simm.s32 $0xFFFFFFFF;
	p2 =	slt.u32 s8, $0xFFFFF086  }
0x1c: {  	p1 =	slt.u32 s9, $0xF7A;
	s5 =	simm.s32 @!p2 $0x0  }
0x1d: {  	s5 =	simm.s32 @p1 $0x1;
	p0 =	seq.s32 s7, s2  }
0x1e: {  	s7 =	smul.u32 @!p0 $0xF7A, s2;
	p2 =	seq.s32 @!p0 s5, $0x0  }
0x1f: {  	s9 =	smul.u32 $0xF7A, s1;
	s8 =	simm.s32 @!p0 $0x1BF5;
	p2 =	por !p2, p0  }
0x20: {  	[sflag:s8] =	ssyncset.s32 @!p0 $0xFFFFF086;
	s6 =	sadd.s32 @!p0 s3, s7;
	s7 =	simm.s32 @!p0 $0x108  }
0x21: {  	s3 =	sadd.s32 s3, s9;
	s6 =	sadd.s32 @!p0 $0x88, s6;
	s7 =	simm.s32 @p2 $0x1082  }
0x22: {  	[simem:s7], [sflag:s8] =	dma.local @!p0 [hbm:s6], $0xF7A  }
0x23: {  	s9 =	sor.u32 $0xD0000000, s2;
	s6 =	simm.s32 $0x108;
	_ =	swait.ge @!p0 [sflag:s8], $0x0  }
0x24: {  	s3 =	sadd.s32 $0x88, s3;
	s6 =	simm.s32 @!p1 $0x1082;
	[sflag:s4] =	ssyncset.s32 $0xFFFFF086  }
0x25: {  	[simem:s6], [sflag:s4] =	dma.local [hbm:s3], $0xF7A  }
0x26: {  	[smem:$0x3F97] =	sst s1;
	(tag) =	ssettag s2;
	_ =	strace s9  }
0x27: {  	s1 =	sld [smem:$0x3FA7]  }
0x28: {  	s2 =	sld [smem:$0x3FA8]  }
0x29: {  	s4 =	sld [smem:$0x3FAA]  }
0x2a: {  	p0 =	seq.s32 s5, $0x0;
	s5 =	sld [smem:$0x3FAB]  }
0x2b: {  	s6 =	sld [smem:$0x3FAC]  }
0x2c: {  	s7 =	sld [smem:$0x3FAD]  }
0x2d: {  	s3 =	simm.s32 $0x108;
	s8 =	sld [smem:$0x3FAE]  }
0x2e: {  	s3 =	simm.s32 @!p0 $0x1082;
	s9 =	sld [smem:$0x3FAF]  }
0x2f: {  	lr =	sadd.s32 s0, s3;
	s0 =	sld [smem:$0x3FA6]  }
0x30: {  	s3 =	sld [smem:$0x3FA9]  }
0x31: {  	[smem:$0x3FB2] =	sst s10  }
0x32: {  	s10 =	sld [smem:$0x3FB0];
	_ =	sdelay $0x3  }
0x33: {  	p0 =	seq.s32 s10, $0x1;
	s10 =	sld [smem:$0x3FB2];
	_ =	sdelay $0x3  }
0x34: {  	[smem:$0x3FB2] =	sst s10  }
0x35: {  	s10 =	sld [smem:$0x3FB1];
	_ =	sdelay $0x3  }
0x36: {  	p1 =	seq.s32 s10, $0x1;
	s10 =	sld [smem:$0x3FB2];
	_ =	sdelay $0x3  }
0x37: {  	[smem:$0x3FB2] =	sst s10  }
0x38: {  	s10 =	sld [smem:$0x3FB3]  }
0x39: {  	_ = 	snop;
	(pc) =	sbr.ind lr, $3  }
0x3a: {  	_ = 	snop  }
0x3b: {  	_ = 	snop  }
0x3c: {  	p2 =	seq.s32 s10, $0x1;
	s10 =	sld [smem:$0x3FB2]  }
0x3d: {  	_ =	shalt  }
0x3e: {  	_ =	shalt  }
0x3f: {  	_ =	shalt  }
0x40: {  	_ =	shalt  }
0x41: {  	_ =	shalt  }
0x42: {  	_ =	shalt  }
0x43: {  	_ =	shalt  }
0x44: {  	_ =	shalt  }
0x45: {  	_ =	shalt  }
0x46: {  	_ =	shalt  }
0x47: {  	_ =	shalt  }
0x48: {  	_ =	shalt  }
0x49: {  	_ =	shalt  }
0x4a: {  	_ =	shalt  }
0x4b: {  	_ =	shalt  }
0x4c: {  	_ =	shalt  }
0x4d: {  	_ =	shalt  }
0x4e: {  	_ =	shalt  }
0x4f: {  	_ =	shalt  }
0x50: {  	_ =	shalt  }
0x51: {  	_ =	shalt  }
0x52: {  	_ =	shalt  }
0x53: {  	_ =	shalt  }
0x54: {  	_ =	shalt  }
0x55: {  	_ =	shalt  }
0x56: {  	_ =	shalt  }
0x57: {  	_ =	shalt  }
0x58: {  	_ =	shalt  }
0x59: {  	_ =	shalt  }
0x5a: {  	_ =	shalt  }
0x5b: {  	_ =	shalt  }
0x5c: {  	_ =	shalt  }
0x5d: {  	_ =	shalt  }
0x5e: {  	_ =	shalt  }
0x5f: {  	_ =	shalt  }
0x60: {  	_ =	shalt  }
0x61: {  	_ =	shalt  }
0x62: {  	_ =	shalt  }
0x63: {  	_ =	shalt  }
0x64: {  	_ =	shalt  }
0x65: {  	_ =	shalt  }
0x66: {  	_ =	shalt  }
0x67: {  	_ =	shalt  }
0x68: {  	_ =	shalt  }
0x69: {  	_ =	shalt  }
0x6a: {  	_ =	shalt  }
0x6b: {  	_ =	shalt  }
0x6c: {  	_ =	shalt  }
0x6d: {  	_ =	shalt  }
0x6e: {  	_ =	shalt  }
0x6f: {  	_ =	shalt  }
0x70: {  	_ =	shalt  }
0x71: {  	_ =	shalt  }
0x72: {  	_ =	shalt  }
0x73: {  	_ =	shalt  }
0x74: {  	_ =	shalt  }
0x75: {  	_ =	shalt  }
0x76: {  	_ =	shalt  }
0x77: {  	_ =	shalt  }
0x78: {  	_ =	shalt  }
0x79: {  	_ =	shalt  }
0x7a: {  	_ =	shalt  }
0x7b: {  	_ =	shalt  }
0x7c: {  	_ =	shalt  }
0x7d: {  	_ =	shalt  }
0x7e: {  	_ =	shalt  }
0x7f: {  	_ =	shalt  }
0x80: {  	_ =	shalt  }
0x81: {  	_ =	shalt  }
0x82: {  	_ =	shalt  }
0x83: {  	_ =	shalt  }
0x84: {  	_ =	shalt  }
0x85: {  	_ =	shalt  }
0x86: {  	_ =	shalt  }
0x87: {  	_ =	shalt  }
.Lfunc_end0:
.L_simem_size_0:
called_computation_lowered:
.L_overlay_start_0:
0x88: {  	s2 =	sld [smem:$0x3FD9]  }
0x89: {  	s3 =	sld [smem:$0x3FFE];
	_ =	sdelay $0x1  }
0x8a: {  	s1 =	srdreg.scid  }
0x8b: {  	s0 =	sand.u32 $0x1, s1  }
0x8c: {  	s17 =	sshll.u32 s0, $0xA;
	s2 =	sadd.s32 s3, s2  }
0x8d: {  	s2 =	sadd.s32 s2, s17  }
0x8e: {  	[smem:$0x3FBE] =	sst s2  }
0x8f: {  	_ = 	snop  }
0x90: {  	s2 =	sld [smem:$0x3FD0];
	(tm) =	ssettm $0x1  }
0x91: {  	s18 =	sld [smem:$0x3FFB];
	_ =	sdelay $0x3  }
0x92: {  	_ =	strace s18  }
0x93: {  	s3 =	sld [smem:$0x3FFC];
	_ =	sdelay $0x3  }
0x94: {  	_ =	strace s3  }
0x95: {  	s3 =	sld [smem:$0x3FFD];
	_ =	sdelay $0x3  }
0x96: {  	_ =	strace s3  }
0x97: {  	_ =	strace $0x8FFFFFFF  }
0x98: {  	s19 =	sld [smem:$0x3FDB];
	_ =	sdelay $0x1  }
0x99: {  	s4 =	simm.s32 $_scs_section_size  }
0x9a: {  	s5 =	simm.s32 $_size__tile_overlayer_lowered;
	s6 =	simm.s32 $_tile_overlayer_lowered  }
0x9b: {  	s22 =	simm.s32 $0x1BFF;
	s21 =	sshll.u32 s6, $0x1;
	s3 =	sadd.s32 s4, s19  }
0x9c: {  	s7 =	simm.s32 $0x0;
	s20 =	sshll.u32 s5, $0x1;
	s5 =	sadd.s32 s21, s3  }
0x9d: {  	[timem:s7], [sflag:s22] =	dma.local [hbm:s5], s20  }
0x9e: {  	_ =	swait.ge [sflag:s22], s20  }
0x9f: {  	s4 =	ssub.s32 $0x0, s20;
	[sflag:s22] =	ssyncset.done $0x0  }
0xa0: {  	[sflag:s22] =	ssyncadd.s32 s4;
	_ =	sdelay $0x1  }
0xa1: {  	s23 =	simm.s32 $0x1B8B  }
0xa2: {  	_ =	swait.ge [sflag:s23], $0x1  }
0xa3: {  	[sflag:s23] =	ssyncset.done $0x0  }
0xa4: {  	s25 =	simm.s32 $0x1B8E;
	s24 =	sld [smem:$0x3FFE];
	[sflag:s23] =	ssyncadd.s32 $0xFFFFFFFF  }
0xa5: {  	s26 =	simm.s32 $execute0_lowered;
	[smem:$0x3FD2] =	sst s25  }
0xa6: {  	s5 =	sshll.u32 s26, $0x1;
	_ =	strace $0x80000046;
	[dreg:$0x1] =	wrdreg $0xFFFFFFFF  }
0xa7: {  	s28 =	simm.s32 $_size_execute0_lowered;
	s3 =	sadd.s32 s3, s5;
	[dreg:$0x0] =	wrdreg $0x0  }
0xa8: {  	s5 =	sshll.u32 s28, $0x1;
	[dreg:$0x2] =	wrdreg s3  }
0xa9: {  	[dreg:$0x3] =	wrdreg s5  }
0xaa: {  	[dreg:$0x4] =	wrdreg $0xC0  }
0xab: {  	_ =	task [dreg:s7], $0x5FFFF  }
0xac: {  	[dreg:$0x1] =	wrdreg $0xFFFFFFFF  }
0xad: {  	[dreg:$0x0] =	wrdreg $0x60  }
0xae: {  	[dreg:$0x2] =	wrdreg s2  }
0xaf: {  	[dreg:$0x3] =	wrdreg s24  }
0xb0: {  	[dreg:$0x4] =	wrdreg $0x6C000  }
0xb1: {  	[dreg:$0x5] =	wrdreg $0x9  }
0xb2: {  	_ =	task.clear_ibuf [dreg:s7], $0x6FFFF;
	_ =	strace $0x90000046  }
0xb3: {  	s29 =	simm.s32 $0x9;
	_ =	strace $0x80000048  }
0xb4: {  	_ =	swait.ge [sflag:s29], $0x1  }
0xb5: {  	[sflag:s29] =	ssyncadd.s32 $0xFFFFFFFF  }
0xb6: {  	_ =	strace $0x90000048  }
0xb7: {  	_ =	sfence  }
0xb8: {  	s30 =	sld [smem:$0x0];
	_ =	sdelay $0x2  }
0xb9: {  	s31 =	sshll.u32 s1, $0xD;
	s1 =	sshrl.u32 s1, $0x2  }
0xba: {  	s3 =	sand.u32 $0x4000, s31;
	s1 =	sadd.s32 s1, s30  }
0xbb: {  	s0 =	sor.u32 s3, s0;
	s1 =	sshll.u32 s1, $0x11  }
0xbc: {  	s0 =	sor.u32 s1, s0  }
0xbd: {  	s0 =	sadd.s32 $0x8F2B, s0  }
0xbe: {  	[sflag:s0] =	ssyncadd.remote.s32 $0x1  }
0xbf: {  	_ =	sfence.sel $0xFFFF  }
0xc0: {  	[dreg:$0x0] =	wrdreg $0xFFFFFFFF;
	(pc) =	sbr.abs _section_cstart, $3  }
0xc1: {  	[dreg:$0x1] =	wrdreg $0xFFFFFFFF  }
0xc2: {  	_ =	task.clear_ibuf [dreg:s7], $0x2FFFF;
	_ =	strace $0x9FFFFFFF  }
0xc3: {  	(tm) =	ssettm $0x7FFFFFFF  }
tec
execute0_lowered:
.L_overlay_start_1:
0x0: {  	(tag) =	ssettag $0x1  }
0x1: {  	s0 =	rddreg [dreg:$0x0]  }
0x2: {  	s4 =	rddreg [dreg:$0x1]  }
0x3: {  	s2 =	rddreg [dreg:$0x2];
	s1 =	stileid.u32  }
0x4: {  	s5 =	srdreg.scid;
	s3 =	simm.s32 $0x0;
	s13 =	simm.s32 $0x9  }
0x5: {  	s15 =	simm.s32 $0x80;
	s17 =	simm.s32 $0x180;
	s18 =	simm.s32 $0x200  }
0x6: {  	s19 =	simm.s32 $0x280;
	s20 =	simm.s32 $0x300;
	s21 =	simm.s32 $0x380  }
0x7: {  	s22 =	simm.s32 $0x2;
	s23 =	simm.s32 $0x3;
	s6 =	smul.u32 $0x480, s1  }
0x8: {  	s25 =	simm.s32 $0x4;
	s28 =	simm.s32 $0x6;
	s8 =	smul.u32 $0x50000, s1  }
0x9: {  	s29 =	simm.s32 $0x7;
	s30 =	simm.s32 $0x8;
	s10 =	smul.u32 $0x580, s1  }
0xa: {  	s14 =	sand.u32 $0x1, s5;
	[smem:$0x7FF] =	sst s3;
	s24 =	smul.u32 $0x2800, s1  }
0xb: {  	s5 =	smul.u32 $0x28000, s14;
	_ =	strace $0x80000047;
	s7 =	ssub.s32 $0x2, s14  }
0xc: {  	p0 =	sne.s32 s14, $0x0;
	p1 =	seq.s32 s14, $0x0;
	s14 =	simm.s32 $0x1  }
0xd: {  	s6 =	sadd.s32 s6, s4;
	s9 =	sshrl.u32 s7, $0x1;
	s26 =	sshrl.u32 s8, $0x2  }
.Ltmp0:
0xe: {  	s11 =	sadd.s32 s5, s4;
	s12 =	ssub.s32 s7, s9;
	(pc) =	sbr.rel .LBB2_1-.Ltmp0, $4  }
0xf: {  	s4 =	sadd.s32 $0x2A00, s6;
	s5 =	sadd.s32 s0, s10;
	s6 =	sadd.s32 s26, s2  }
0x10: {  	s26 =	simm.s32 $0x5;
	s7 =	sadd.s32 $0x4000, s6;
	s8 =	sadd.s32 $0x8000, s6  }
0x11: {  	s9 =	sadd.s32 $0xC000, s6;
	s10 =	sadd.s32 $0x10000, s6;
	s31 =	sadd.s32 $0x7200, s11  }
0x12: {  	v0 =	vimm.f32 $0.0e+00;
	v1 =	vimm.f32 $1.000000000e+00;
	s11 =	smax.u32 s12, $0x1;
	s12 =	simm.s32 $0x2C00;
	s24 =	sadd.s32 s24, s31  }
.LBB2_8:
0x13: {  	[spmem:s2] =	stream.indirect.scatter.add.f32 [tilespmem:s12], [sflag:$0x8], $0x80, s0, s15, $0xb8;
	[tilespmem:$0x1AC00] =	vst v63  }
.LBB2_12:
0x14: {  	_ =	swait.ge [sflag:s14], $0x4000  }
0x15: {  	[sflag:s14] =	ssyncset.done $0x0  }
0x16: {  	[sflag:s14] =	ssyncadd.s32 $0xFFFFC000  }
0x17: {  	_ =	swait.ge [sflag:s22], $0x4000  }
0x18: {  	[sflag:s22] =	ssyncset.done $0x0  }
0x19: {  	[sflag:s22] =	ssyncadd.s32 $0xFFFFC000  }
0x1a: {  	_ =	swait.ge [sflag:s23], $0x4000  }
0x1b: {  	[sflag:s23] =	ssyncset.done $0x0  }
0x1c: {  	[sflag:s23] =	ssyncadd.s32 $0xFFFFC000  }
0x1d: {  	_ =	swait.ge [sflag:s25], $0x4000  }
0x1e: {  	[sflag:s25] =	ssyncset.done $0x0  }
0x1f: {  	[sflag:s25] =	ssyncadd.s32 $0xFFFFC000  }
0x20: {  	_ =	swait.ge [sflag:s26], $0x4000  }
0x21: {  	[sflag:s26] =	ssyncset.done $0x0  }
0x22: {  	[sflag:s26] =	ssyncadd.s32 $0xFFFFC000  }
0x23: {  	_ =	swait.ge [sflag:s28], $0x4000  }
0x24: {  	[sflag:s28] =	ssyncset.done $0x0  }
0x25: {  	[sflag:s28] =	ssyncadd.s32 $0xFFFFC000  }
0x26: {  	_ =	swait.ge [sflag:s29], $0x4000  }
0x27: {  	[sflag:s29] =	ssyncset.done $0x0  }
0x28: {  	[sflag:s29] =	ssyncadd.s32 $0xFFFFC000  }
0x29: {  	_ =	swait.ge [sflag:s30], $0x4000  }
0x2a: {  	s0 =	sshll.u32 s1, $0x6;
	s3 =	sadd.s32 $0x1, s3;
	[sflag:s30] =	ssyncset.done $0x0  }
0x2b: {  	s16 =	sshrl.u32 s6, $0x3;
	p2 =	sne.s32 s3, s11;
	[sflag:s30] =	ssyncadd.s32 $0xFFFFC000  }
.Ltmp1:
0x2c: {  	s0 =	sor.u32 $0x1C09, s0;
	[bflag:$0x0] =	sbarrier.arrive $0xFFFF;
	(pc) =	sbr.rel @!p2 .LBB2_13-.Ltmp1, $4  }
0x2d: {  	[hbm:s24], [sflag:s0] =	dma.local [spmem:s16], $0x2800  }
0x2e: {  	_ =	swait.ge [sflag:s13], $0x2800  }
0x2f: {  	[sflag:s13] =	ssyncset.done $0x0  }
0x30: {  	[sflag:s13] =	ssyncadd.s32 $0xFFFFD800  }
.LBB2_1:
0x31: {  	s0 =	simm.s32 @p0 $0x0  }
0x32: {  	[tilespmem:s0], [sflag:$0x1] =	stream.linear.gather @p0 [hbm4b:s4+s0], $0x2400, $0x38;
	[tilespmem:$0x1AC00] =	vst v63  }
0x33: {  	s0 =	simm.s32 @!p0 $0x0  }
0x34: {  	[tilespmem:s0], [sflag:$0x1] =	stream.linear.gather @!p0 [hbm4b:s5+s0], $0x2C00, $0x38;
	[tilespmem:$0x1AC00] =	vst v63  }
0x35: {  	s31 =	simm.s32 $0x200;
	s0 =	simm.s32 $0x0  }
.LBB2_2:
0x36: {  	p2 =	sne.s32 s31, $0xFE00;
	[tilespmem:s0+$0x2C70] =	vst v0  }
0x37: {  	[tilespmem:s0+$0x2C00] =	vst v0  }
0x38: {  	[tilespmem:s0+$0x2C10] =	vst v0  }
.Ltmp2:
0x39: {  	[tilespmem:s0+$0x2C20] =	vst v0;
	(pc) =	sbr.rel @p2 .LBB2_2-.Ltmp2, $4  }
0x3a: {  	[tilespmem:s0+$0x2C30] =	vst v0  }
0x3b: {  	[tilespmem:s0+$0x2C40] =	vst v0  }
0x3c: {  	[tilespmem:s0+$0x2C50] =	vst v0  }
0x3d: {  	[tilespmem:s0+$0x2C60] =	vst v0;
	s0 =	sshra.s32 s31, $0x2;
	s31 =	sadd.s32 $0x200, s31  }
0x3e: {  	[tilespmem:s0+$0x2C70] =	vst v0  }
0x3f: {  	[tilespmem:s0+$0x2C00] =	vst v0  }
0x40: {  	[tilespmem:s0+$0x2C10] =	vst v0  }
0x41: {  	[tilespmem:s0+$0x2C20] =	vst v0  }
0x42: {  	[tilespmem:s0+$0x2C30] =	vst v0  }
0x43: {  	[tilespmem:s0+$0x2C40] =	vst v0  }
0x44: {  	[tilespmem:s0+$0x2C50] =	vst v0  }
0x45: {  	[tilespmem:s0+$0x2C60] =	vst v0  }
0x46: {  	[spmem:s6] =	stream.linear.scatter [tilespmem:s12], [sflag:$0x9], $0x4000, $0x38;
	[tilespmem:$0x1AC00] =	vst v63  }
0x47: {  	_ =	swait.ge [sflag:s13], $0x4000  }
0x48: {  	[sflag:s13] =	ssyncset.done $0x0  }
0x49: {  	[sflag:s13] =	ssyncadd.s32 $0xFFFFC000  }
0x4a: {  	[spmem:s7] =	stream.linear.scatter [tilespmem:s12], [sflag:$0x9], $0x4000, $0x38;
	[tilespmem:$0x1AC00] =	vst v63  }
0x4b: {  	_ =	swait.ge [sflag:s13], $0x4000  }
0x4c: {  	[sflag:s13] =	ssyncset.done $0x0  }
0x4d: {  	[sflag:s13] =	ssyncadd.s32 $0xFFFFC000  }
0x4e: {  	[spmem:s8] =	stream.linear.scatter [tilespmem:s12], [sflag:$0x9], $0x4000, $0x38;
	[tilespmem:$0x1AC00] =	vst v63  }
0x4f: {  	_ =	swait.ge [sflag:s13], $0x4000  }
0x50: {  	[sflag:s13] =	ssyncset.done $0x0  }
0x51: {  	[sflag:s13] =	ssyncadd.s32 $0xFFFFC000  }
0x52: {  	[spmem:s9] =	stream.linear.scatter [tilespmem:s12], [sflag:$0x9], $0x4000, $0x38;
	[tilespmem:$0x1AC00] =	vst v63  }
0x53: {  	_ =	swait.ge [sflag:s13], $0x4000  }
0x54: {  	[sflag:s13] =	ssyncset.done $0x0  }
0x55: {  	[sflag:s13] =	ssyncadd.s32 $0xFFFFC000  }
0x56: {  	[spmem:s10] =	stream.linear.scatter [tilespmem:s12], [sflag:$0x9], $0x4000, $0x38;
	[tilespmem:$0x1AC00] =	vst v63  }
0x57: {  	_ =	swait.ge [sflag:s13], $0x4000  }
0x58: {  	[sflag:s13] =	ssyncset.done $0x0  }
0x59: {  	s0 =	simm.s32 $0x0;
	s31 =	simm.s32 $0x200;
	[sflag:s13] =	ssyncadd.s32 $0xFFFFC000  }
.LBB2_4:
0x5a: {  	p2 =	sne.s32 s31, $0xFE00;
	[tilespmem:s0+$0x2C70] =	vst v1  }
0x5b: {  	[tilespmem:s0+$0x2C00] =	vst v1  }
0x5c: {  	[tilespmem:s0+$0x2C10] =	vst v1  }
.Ltmp3:
0x5d: {  	[tilespmem:s0+$0x2C20] =	vst v1;
	(pc) =	sbr.rel @p2 .LBB2_4-.Ltmp3, $4  }
0x5e: {  	[tilespmem:s0+$0x2C30] =	vst v1  }
0x5f: {  	[tilespmem:s0+$0x2C40] =	vst v1  }
0x60: {  	[tilespmem:s0+$0x2C50] =	vst v1  }
0x61: {  	[tilespmem:s0+$0x2C60] =	vst v1;
	s0 =	sshra.s32 s31, $0x2;
	s31 =	sadd.s32 $0x200, s31  }
0x62: {  	[tilespmem:s0+$0x2C70] =	vst v1  }
0x63: {  	[tilespmem:s0+$0x2C00] =	vst v1  }
0x64: {  	[tilespmem:s0+$0x2C10] =	vst v1  }
.Ltmp4:
0x65: {  	[tilespmem:s0+$0x2C20] =	vst v1;
	(pc) =	sbr.rel @!p1 .LBB2_6-.Ltmp4, $4  }
0x66: {  	[tilespmem:s0+$0x2C30] =	vst v1  }
0x67: {  	[tilespmem:s0+$0x2C40] =	vst v1  }
0x68: {  	[tilespmem:s0+$0x2C50] =	vst v1  }
0x69: {  	[tilespmem:s0+$0x2C60] =	vst v1  }
0x6a: {  	_ =	swait.ge [sflag:s14], $0x2C00  }
0x6b: {  	[sflag:s14] =	ssyncset.done $0x0  }
0x6c: {  	[sflag:s14] =	ssyncadd.s32 $0xFFFFD400  }
0x6d: {  	s0 =	simm.s32 $0x0;
	[bflag:$0x0] =	sbarrier.arrive $0xFFFF  }
0x6e: {  	[spmem:s2] =	stream.indirect.scatter.add.f32 [tilespmem:s12], [sflag:$0x1], $0x80, s0, s15, $0xb8;
	[tilespmem:$0x1AC00] =	vst v63  }
0x6f: {  	_ = 	snop  }
0x70: {  	[spmem:s2] =	stream.indirect.scatter.add.f32 [tilespmem:s12], [sflag:$0x2], $0x80, s15, s15, $0xb8;
	[tilespmem:$0x1AC00] =	vst v63  }
0x71: {  	s16 =	simm.s32 $0x100  }
0x72: {  	[spmem:s2] =	stream.indirect.scatter.add.f32 [tilespmem:s12], [sflag:$0x3], $0x80, s16, s15, $0xb8;
	[tilespmem:$0x1AC00] =	vst v63  }
0x73: {  	_ = 	snop  }
0x74: {  	[spmem:s2] =	stream.indirect.scatter.add.f32 [tilespmem:s12], [sflag:$0x4], $0x80, s17, s15, $0xb8;
	[tilespmem:$0x1AC00] =	vst v63  }
0x75: {  	_ = 	snop  }
0x76: {  	[spmem:s2] =	stream.indirect.scatter.add.f32 [tilespmem:s12], [sflag:$0x5], $0x80, s18, s15, $0xb8;
	[tilespmem:$0x1AC00] =	vst v63  }
0x77: {  	_ = 	snop  }
0x78: {  	[spmem:s2] =	stream.indirect.scatter.add.f32 [tilespmem:s12], [sflag:$0x6], $0x80, s19, s15, $0xb8;
	[tilespmem:$0x1AC00] =	vst v63  }
0x79: {  	_ = 	snop  }
0x7a: {  	[spmem:s2] =	stream.indirect.scatter.add.f32 [tilespmem:s12], [sflag:$0x7], $0x80, s20, s15, $0xb8;
	[tilespmem:$0x1AC00] =	vst v63  }
0x7b: {  	_ = 	snop  }
0x7c: {  	[spmem:s2] =	stream.indirect.scatter.add.f32 [tilespmem:s12], [sflag:$0x8], $0x80, s21, s15, $0xb8;
	[tilespmem:$0x1AC00] =	vst v63  }
0x7d: {  	_ =	swait.ge [sflag:s14], $0x4000  }
0x7e: {  	[sflag:s14] =	ssyncset.done $0x0  }
0x7f: {  	s16 =	simm.s32 $0x400;
	[sflag:s14] =	ssyncadd.s32 $0xFFFFC000  }
0x80: {  	[spmem:s2] =	stream.indirect.scatter.add.f32 [tilespmem:s12], [sflag:$0x1], $0x80, s16, s15, $0xb8;
	[tilespmem:$0x1AC00] =	vst v63  }
0x81: {  	_ =	swait.ge [sflag:s22], $0x4000  }
0x82: {  	[sflag:s22] =	ssyncset.done $0x0  }
0x83: {  	s16 =	simm.s32 $0x480;
	[sflag:s22] =	ssyncadd.s32 $0xFFFFC000  }
0x84: {  	[spmem:s2] =	stream.indirect.scatter.add.f32 [tilespmem:s12], [sflag:$0x2], $0x80, s16, s15, $0xb8;
	[tilespmem:$0x1AC00] =	vst v63  }
0x85: {  	_ =	swait.ge [sflag:s23], $0x4000  }
0x86: {  	[sflag:s23] =	ssyncset.done $0x0  }
0x87: {  	s16 =	simm.s32 $0x500;
	[sflag:s23] =	ssyncadd.s32 $0xFFFFC000  }
0x88: {  	[spmem:s2] =	stream.indirect.scatter.add.f32 [tilespmem:s12], [sflag:$0x3], $0x80, s16, s15, $0xb8;
	[tilespmem:$0x1AC00] =	vst v63  }
0x89: {  	_ =	swait.ge [sflag:s25], $0x4000  }
0x8a: {  	[sflag:s25] =	ssyncset.done $0x0  }
0x8b: {  	s16 =	simm.s32 $0x580;
	[sflag:s25] =	ssyncadd.s32 $0xFFFFC000  }
0x8c: {  	[spmem:s2] =	stream.indirect.scatter.add.f32 [tilespmem:s12], [sflag:$0x4], $0x80, s16, s15, $0xb8;
	[tilespmem:$0x1AC00] =	vst v63  }
0x8d: {  	_ =	swait.ge [sflag:s26], $0x4000  }
0x8e: {  	[sflag:s26] =	ssyncset.done $0x0  }
0x8f: {  	s16 =	simm.s32 $0x600;
	[sflag:s26] =	ssyncadd.s32 $0xFFFFC000  }
0x90: {  	[spmem:s2] =	stream.indirect.scatter.add.f32 [tilespmem:s12], [sflag:$0x5], $0x80, s16, s15, $0xb8;
	[tilespmem:$0x1AC00] =	vst v63  }
0x91: {  	_ =	swait.ge [sflag:s28], $0x4000  }
0x92: {  	[sflag:s28] =	ssyncset.done $0x0  }
0x93: {  	s16 =	simm.s32 $0x680;
	[sflag:s28] =	ssyncadd.s32 $0xFFFFC000  }
0x94: {  	[spmem:s2] =	stream.indirect.scatter.add.f32 [tilespmem:s12], [sflag:$0x6], $0x80, s16, s15, $0xb8;
	[tilespmem:$0x1AC00] =	vst v63  }
0x95: {  	_ =	swait.ge [sflag:s29], $0x4000  }
0x96: {  	[sflag:s29] =	ssyncset.done $0x0  }
0x97: {  	s16 =	simm.s32 $0x700;
	[sflag:s29] =	ssyncadd.s32 $0xFFFFC000  }
0x98: {  	[spmem:s2] =	stream.indirect.scatter.add.f32 [tilespmem:s12], [sflag:$0x7], $0x80, s16, s15, $0xb8;
	[tilespmem:$0x1AC00] =	vst v63  }
0x99: {  	_ =	swait.ge [sflag:s30], $0x4000  }
0x9a: {  	[sflag:s30] =	ssyncset.done $0x0  }
0x9b: {  	s31 =	simm.s32 $0x1000;
	s0 =	simm.s32 $0x780;
	[sflag:s30] =	ssyncadd.s32 $0xFFFFC000  }
.LBB2_10:
0x9c: {  	[spmem:s2] =	stream.indirect.scatter.add.f32 [tilespmem:s12], [sflag:$0x8], $0x80, s0, s15, $0xb8;
	[tilespmem:$0x1AC00] =	vst v63  }
0x9d: {  	s0 =	smov.u32 s31  }
0x9e: {  	p2 =	seq.s32 s31, $0x9000;
	s31 =	sadd.s32 $0x1000, s31;
	_ =	swait.ge [sflag:s14], $0x4000  }
0x9f: {  	s0 =	sshra.s32 s0, $0x2;
	[sflag:s14] =	ssyncset.done $0x0  }
0xa0: {  	s16 =	sadd.s32 $0x400, s0;
	[sflag:s14] =	ssyncadd.s32 $0xFFFFC000  }
0xa1: {  	[spmem:s2] =	stream.indirect.scatter.add.f32 [tilespmem:s12], [sflag:$0x1], $0x80, s16, s15, $0xb8;
	[tilespmem:$0x1AC00] =	vst v63  }
0xa2: {  	_ =	swait.ge [sflag:s22], $0x4000  }
0xa3: {  	[sflag:s22] =	ssyncset.done $0x0  }
0xa4: {  	s16 =	sadd.s32 $0x480, s0;
	[sflag:s22] =	ssyncadd.s32 $0xFFFFC000  }
0xa5: {  	[spmem:s2] =	stream.indirect.scatter.add.f32 [tilespmem:s12], [sflag:$0x2], $0x80, s16, s15, $0xb8;
	[tilespmem:$0x1AC00] =	vst v63  }
0xa6: {  	_ =	swait.ge [sflag:s23], $0x4000  }
0xa7: {  	[sflag:s23] =	ssyncset.done $0x0  }
0xa8: {  	s16 =	sadd.s32 $0x500, s0;
	[sflag:s23] =	ssyncadd.s32 $0xFFFFC000  }
0xa9: {  	[spmem:s2] =	stream.indirect.scatter.add.f32 [tilespmem:s12], [sflag:$0x3], $0x80, s16, s15, $0xb8;
	[tilespmem:$0x1AC00] =	vst v63  }
0xaa: {  	_ =	swait.ge [sflag:s25], $0x4000  }
0xab: {  	[sflag:s25] =	ssyncset.done $0x0  }
0xac: {  	s16 =	sadd.s32 $0x580, s0;
	[sflag:s25] =	ssyncadd.s32 $0xFFFFC000  }
0xad: {  	[spmem:s2] =	stream.indirect.scatter.add.f32 [tilespmem:s12], [sflag:$0x4], $0x80, s16, s15, $0xb8;
	[tilespmem:$0x1AC00] =	vst v63  }
0xae: {  	_ =	swait.ge [sflag:s26], $0x4000  }
0xaf: {  	[sflag:s26] =	ssyncset.done $0x0  }
0xb0: {  	s16 =	sadd.s32 $0x600, s0;
	[sflag:s26] =	ssyncadd.s32 $0xFFFFC000  }
0xb1: {  	[spmem:s2] =	stream.indirect.scatter.add.f32 [tilespmem:s12], [sflag:$0x5], $0x80, s16, s15, $0xb8;
	[tilespmem:$0x1AC00] =	vst v63  }
0xb2: {  	_ =	swait.ge [sflag:s28], $0x4000  }
0xb3: {  	[sflag:s28] =	ssyncset.done $0x0  }
0xb4: {  	s16 =	sadd.s32 $0x680, s0;
	[sflag:s28] =	ssyncadd.s32 $0xFFFFC000  }
0xb5: {  	[spmem:s2] =	stream.indirect.scatter.add.f32 [tilespmem:s12], [sflag:$0x6], $0x80, s16, s15, $0xb8;
	[tilespmem:$0x1AC00] =	vst v63  }
0xb6: {  	_ =	swait.ge [sflag:s29], $0x4000  }
0xb7: {  	[sflag:s29] =	ssyncset.done $0x0  }
.Ltmp5:
0xb8: {  	s16 =	sadd.s32 $0x700, s0;
	[sflag:s29] =	ssyncadd.s32 $0xFFFFC000;
	(pc) =	sbr.rel @!p2 .LBB2_10-.Ltmp5, $4  }
0xb9: {  	[spmem:s2] =	stream.indirect.scatter.add.f32 [tilespmem:s12], [sflag:$0x7], $0x80, s16, s15, $0xb8;
	[tilespmem:$0x1AC00] =	vst v63  }
0xba: {  	_ =	swait.ge [sflag:s30], $0x4000  }
0xbb: {  	[sflag:s30] =	ssyncset.done $0x0  }
0xbc: {  	s0 =	sadd.s32 $0x780, s0;
	[sflag:s30] =	ssyncadd.s32 $0xFFFFC000  }
.Ltmp6:
0xbd: {  	(pc) =	sbr.rel .LBB2_12-.Ltmp6, $2  }
0xbe: {  	_ =	sdelay $0x2  }
0xbf: {  	[spmem:s2] =	stream.indirect.scatter.add.f32 [tilespmem:s12], [sflag:$0x8], $0x80, s0, s15, $0xb8;
	[tilespmem:$0x1AC00] =	vst v63  }
.LBB2_6:
0xc0: {  	_ =	swait.ge [sflag:s14], $0x2400  }
0xc1: {  	[sflag:s14] =	ssyncset.done $0x0  }
0xc2: {  	[sflag:s14] =	ssyncadd.s32 $0xFFFFDC00  }
0xc3: {  	s0 =	simm.s32 $0x0;
	[bflag:$0x0] =	sbarrier.arrive $0xFFFF  }
0xc4: {  	[spmem:s2] =	stream.indirect.scatter.add.f32 [tilespmem:s12], [sflag:$0x1], $0x80, s0, s15, $0xb8;
	[tilespmem:$0x1AC00] =	vst v63  }
0xc5: {  	_ = 	snop  }
0xc6: {  	[spmem:s2] =	stream.indirect.scatter.add.f32 [tilespmem:s12], [sflag:$0x2], $0x80, s15, s15, $0xb8;
	[tilespmem:$0x1AC00] =	vst v63  }
0xc7: {  	s16 =	simm.s32 $0x100  }
0xc8: {  	[spmem:s2] =	stream.indirect.scatter.add.f32 [tilespmem:s12], [sflag:$0x3], $0x80, s16, s15, $0xb8;
	[tilespmem:$0x1AC00] =	vst v63  }
0xc9: {  	_ = 	snop  }
0xca: {  	[spmem:s2] =	stream.indirect.scatter.add.f32 [tilespmem:s12], [sflag:$0x4], $0x80, s17, s15, $0xb8;
	[tilespmem:$0x1AC00] =	vst v63  }
0xcb: {  	_ = 	snop  }
0xcc: {  	[spmem:s2] =	stream.indirect.scatter.add.f32 [tilespmem:s12], [sflag:$0x5], $0x80, s18, s15, $0xb8;
	[tilespmem:$0x1AC00] =	vst v63  }
0xcd: {  	_ = 	snop  }
0xce: {  	[spmem:s2] =	stream.indirect.scatter.add.f32 [tilespmem:s12], [sflag:$0x6], $0x80, s19, s15, $0xb8;
	[tilespmem:$0x1AC00] =	vst v63  }
0xcf: {  	_ = 	snop  }
0xd0: {  	[spmem:s2] =	stream.indirect.scatter.add.f32 [tilespmem:s12], [sflag:$0x7], $0x80, s20, s15, $0xb8;
	[tilespmem:$0x1AC00] =	vst v63  }
0xd1: {  	_ = 	snop  }
0xd2: {  	[spmem:s2] =	stream.indirect.scatter.add.f32 [tilespmem:s12], [sflag:$0x8], $0x80, s21, s15, $0xb8;
	[tilespmem:$0x1AC00] =	vst v63  }
0xd3: {  	_ =	swait.ge [sflag:s14], $0x4000  }
0xd4: {  	[sflag:s14] =	ssyncset.done $0x0  }
0xd5: {  	s16 =	simm.s32 $0x400;
	[sflag:s14] =	ssyncadd.s32 $0xFFFFC000  }
0xd6: {  	[spmem:s2] =	stream.indirect.scatter.add.f32 [tilespmem:s12], [sflag:$0x1], $0x80, s16, s15, $0xb8;
	[tilespmem:$0x1AC00] =	vst v63  }
0xd7: {  	_ =	swait.ge [sflag:s22], $0x4000  }
0xd8: {  	[sflag:s22] =	ssyncset.done $0x0  }
0xd9: {  	s16 =	simm.s32 $0x480;
	[sflag:s22] =	ssyncadd.s32 $0xFFFFC000  }
0xda: {  	[spmem:s2] =	stream.indirect.scatter.add.f32 [tilespmem:s12], [sflag:$0x2], $0x80, s16, s15, $0xb8;
	[tilespmem:$0x1AC00] =	vst v63  }
0xdb: {  	_ =	swait.ge [sflag:s23], $0x4000  }
0xdc: {  	[sflag:s23] =	ssyncset.done $0x0  }
0xdd: {  	s16 =	simm.s32 $0x500;
	[sflag:s23] =	ssyncadd.s32 $0xFFFFC000  }
0xde: {  	[spmem:s2] =	stream.indirect.scatter.add.f32 [tilespmem:s12], [sflag:$0x3], $0x80, s16, s15, $0xb8;
	[tilespmem:$0x1AC00] =	vst v63  }
0xdf: {  	_ =	swait.ge [sflag:s25], $0x4000  }
0xe0: {  	[sflag:s25] =	ssyncset.done $0x0  }
0xe1: {  	s16 =	simm.s32 $0x580;
	[sflag:s25] =	ssyncadd.s32 $0xFFFFC000  }
0xe2: {  	[spmem:s2] =	stream.indirect.scatter.add.f32 [tilespmem:s12], [sflag:$0x4], $0x80, s16, s15, $0xb8;
	[tilespmem:$0x1AC00] =	vst v63  }
0xe3: {  	_ =	swait.ge [sflag:s26], $0x4000  }
0xe4: {  	[sflag:s26] =	ssyncset.done $0x0  }
0xe5: {  	s16 =	simm.s32 $0x600;
	[sflag:s26] =	ssyncadd.s32 $0xFFFFC000  }
0xe6: {  	[spmem:s2] =	stream.indirect.scatter.add.f32 [tilespmem:s12], [sflag:$0x5], $0x80, s16, s15, $0xb8;
	[tilespmem:$0x1AC00] =	vst v63  }
0xe7: {  	_ =	swait.ge [sflag:s28], $0x4000  }
0xe8: {  	[sflag:s28] =	ssyncset.done $0x0  }
0xe9: {  	s16 =	simm.s32 $0x680;
	[sflag:s28] =	ssyncadd.s32 $0xFFFFC000  }
0xea: {  	[spmem:s2] =	stream.indirect.scatter.add.f32 [tilespmem:s12], [sflag:$0x6], $0x80, s16, s15, $0xb8;
	[tilespmem:$0x1AC00] =	vst v63  }
0xeb: {  	_ =	swait.ge [sflag:s29], $0x4000  }
0xec: {  	[sflag:s29] =	ssyncset.done $0x0  }
0xed: {  	s16 =	simm.s32 $0x700;
	[sflag:s29] =	ssyncadd.s32 $0xFFFFC000  }
0xee: {  	[spmem:s2] =	stream.indirect.scatter.add.f32 [tilespmem:s12], [sflag:$0x7], $0x80, s16, s15, $0xb8;
	[tilespmem:$0x1AC00] =	vst v63  }
0xef: {  	_ =	swait.ge [sflag:s30], $0x4000  }
0xf0: {  	[sflag:s30] =	ssyncset.done $0x0  }
0xf1: {  	s31 =	simm.s32 $0x1000;
	s0 =	simm.s32 $0x780;
	[sflag:s30] =	ssyncadd.s32 $0xFFFFC000  }
.LBB2_7:
0xf2: {  	[spmem:s2] =	stream.indirect.scatter.add.f32 [tilespmem:s12], [sflag:$0x8], $0x80, s0, s15, $0xb8;
	[tilespmem:$0x1AC00] =	vst v63  }
0xf3: {  	s0 =	smov.u32 s31  }
0xf4: {  	p2 =	sne.s32 s31, $0x7000;
	s31 =	sadd.s32 $0x1000, s31;
	_ =	swait.ge [sflag:s14], $0x4000  }
0xf5: {  	s0 =	sshra.s32 s0, $0x2;
	[sflag:s14] =	ssyncset.done $0x0  }
0xf6: {  	s16 =	sadd.s32 $0x400, s0;
	[sflag:s14] =	ssyncadd.s32 $0xFFFFC000  }
0xf7: {  	[spmem:s2] =	stream.indirect.scatter.add.f32 [tilespmem:s12], [sflag:$0x1], $0x80, s16, s15, $0xb8;
	[tilespmem:$0x1AC00] =	vst v63  }
0xf8: {  	_ =	swait.ge [sflag:s22], $0x4000  }
0xf9: {  	[sflag:s22] =	ssyncset.done $0x0  }
0xfa: {  	s16 =	sadd.s32 $0x480, s0;
	[sflag:s22] =	ssyncadd.s32 $0xFFFFC000  }
0xfb: {  	[spmem:s2] =	stream.indirect.scatter.add.f32 [tilespmem:s12], [sflag:$0x2], $0x80, s16, s15, $0xb8;
	[tilespmem:$0x1AC00] =	vst v63  }
0xfc: {  	_ =	swait.ge [sflag:s23], $0x4000  }
0xfd: {  	[sflag:s23] =	ssyncset.done $0x0  }
0xfe: {  	s16 =	sadd.s32 $0x500, s0;
	[sflag:s23] =	ssyncadd.s32 $0xFFFFC000  }
0xff: {  	[spmem:s2] =	stream.indirect.scatter.add.f32 [tilespmem:s12], [sflag:$0x3], $0x80, s16, s15, $0xb8;
	[tilespmem:$0x1AC00] =	vst v63  }
0x100: {  	_ =	swait.ge [sflag:s25], $0x4000  }
0x101: {  	[sflag:s25] =	ssyncset.done $0x0  }
0x102: {  	s16 =	sadd.s32 $0x580, s0;
	[sflag:s25] =	ssyncadd.s32 $0xFFFFC000  }
0x103: {  	[spmem:s2] =	stream.indirect.scatter.add.f32 [tilespmem:s12], [sflag:$0x4], $0x80, s16, s15, $0xb8;
	[tilespmem:$0x1AC00] =	vst v63  }
0x104: {  	_ =	swait.ge [sflag:s26], $0x4000  }
0x105: {  	[sflag:s26] =	ssyncset.done $0x0  }
0x106: {  	s16 =	sadd.s32 $0x600, s0;
	[sflag:s26] =	ssyncadd.s32 $0xFFFFC000  }
0x107: {  	[spmem:s2] =	stream.indirect.scatter.add.f32 [tilespmem:s12], [sflag:$0x5], $0x80, s16, s15, $0xb8;
	[tilespmem:$0x1AC00] =	vst v63  }
0x108: {  	_ =	swait.ge [sflag:s28], $0x4000  }
0x109: {  	[sflag:s28] =	ssyncset.done $0x0  }
0x10a: {  	s16 =	sadd.s32 $0x680, s0;
	[sflag:s28] =	ssyncadd.s32 $0xFFFFC000  }
0x10b: {  	[spmem:s2] =	stream.indirect.scatter.add.f32 [tilespmem:s12], [sflag:$0x6], $0x80, s16, s15, $0xb8;
	[tilespmem:$0x1AC00] =	vst v63  }
0x10c: {  	_ =	swait.ge [sflag:s29], $0x4000  }
0x10d: {  	[sflag:s29] =	ssyncset.done $0x0  }
.Ltmp7:
0x10e: {  	s16 =	sadd.s32 $0x700, s0;
	[sflag:s29] =	ssyncadd.s32 $0xFFFFC000;
	(pc) =	sbr.rel @p2 .LBB2_7-.Ltmp7, $4  }
0x10f: {  	[spmem:s2] =	stream.indirect.scatter.add.f32 [tilespmem:s12], [sflag:$0x7], $0x80, s16, s15, $0xb8;
	[tilespmem:$0x1AC00] =	vst v63  }
0x110: {  	_ =	swait.ge [sflag:s30], $0x4000  }
0x111: {  	[sflag:s30] =	ssyncset.done $0x0  }
0x112: {  	s0 =	sadd.s32 $0x780, s0;
	[sflag:s30] =	ssyncadd.s32 $0xFFFFC000  }
.Ltmp8:
0x113: {  	_ = 	snop;
	(pc) =	sbr.rel .LBB2_8-.Ltmp8, $1  }
0x114: {  	_ =	sdelay $0x3  }
.LBB2_13:
0x115: {  	_ =	sfence.sel $0x180000  }
0x116: {  	[bflag:$0x0] =	sbarrier.arrive $0xFFFF  }
0x117: {  	_ =	strace $0x90000047  }
0x118: {  	[bflag:$0x2] =	sbarrier.arrive $0xFFFF  }
0x119: {  	p0 =	sne.s32 s1, $0x0;
	s0 =	rddreg [dreg:$0x3]  }
0x11a: {  	s0 =	sadd.s32 @!p0 $0x100000, s0  }
0x11b: {  	[sflag:s0] =	ssyncadd.tile.s32 @!p0 $0x1;
	_ =	shalt  }
.Lfunc_end2:
_tile_overlayer_lowered:
.L_overlay_start_2:
0x11c: {  	(tag) =	ssettag $0x2  }
0x11d: {  	s0 =	rddreg [dreg:$0x0];
	s2 =	stileid.u32  }
0x11e: {  	s1 =	rddreg [dreg:$0x1];
	p0 =	sne.s32 s2, $0x0  }
0x11f: {  	s3 =	rddreg [dreg:$0x2];
	[bflag:$0x3] =	sbarrier.arrive $0xFFFF;
	s2 =	simm.s32 @!p0 $0x1C09  }
0x120: {  	[timem:s3], [sflag:s2] =	dma.local @!p0 [hbm:s0], s1  }
0x121: {  	s0 =	simm.s32 @!p0 $0x9  }
0x122: {  	_ =	swait.ge @!p0 [sflag:s0], s1  }
0x123: {  	s1 =	ssub.s32 @!p0 $0x0, s1;
	[sflag:s0] =	ssyncset.done @!p0 $0x0  }
0x124: {  	[sflag:s0] =	ssyncadd.s32 @!p0 s1  }
0x125: {  	[bflag:$0x3] =	sbarrier.arrive $0xFFFF  }
0x126: {  	_ =	shalt  }

</sc_bundles>
